<compile_context>
chip_gen: v7x
topology: tpu7x:2x2x1
jax: 0.10.2.dev20260603
libtpu: 0.0.44.dev20260713+nightly
codegen_flags: <defaults>
</compile_context>

<pallas_src>
import functools

import jax
import jax.numpy as jnp
from jax import lax
from jax.experimental import pallas as pl
from jax.experimental.pallas import tpu as pltpu
from jax.experimental.pallas import tpu_sc as plsc

TOPK = 16


def _topk_body(q_ref, k_ref, vals_ref, idx_ref, sim_ref, rv_ref, ri_ref,
               bv_ref, bi_ref, *, kb_size, num_blocks, num_keys):
    kb = pl.program_id(0)
    big = jnp.int32(2**31 - 1)

    @pl.when(kb == 0)
    def _init():
        rv_ref[...] = jnp.full(rv_ref.shape, -jnp.inf, jnp.float32)
        ri_ref[...] = jnp.full(ri_ref.shape, big, jnp.int32)

    qn = q_ref[...]
    kn = k_ref[...]
    mm = lax.dot_general(qn, kn, (((1,), (1,)), ((), ())),
                         preferred_element_type=jnp.float32,
                         precision=lax.Precision.DEFAULT)
    gcol = kb * kb_size + lax.broadcasted_iota(jnp.int32, mm.shape, 1)
    mm = jnp.where(gcol < num_keys, mm, -jnp.inf)
    sim_ref[...] = mm

    rmin = rv_ref[:, TOPK - 1:TOPK]
    cnt = jnp.sum((mm > rmin).astype(jnp.int32), axis=1, keepdims=True)
    c = jnp.minimum(jnp.max(cnt), TOPK)

    bv_ref[...] = jnp.full(bv_ref.shape, -jnp.inf, jnp.float32)
    bi_ref[...] = jnp.full(bi_ref.shape, big, jnp.int32)
    lane16 = lax.broadcasted_iota(jnp.int32, (bv_ref.shape[0], TOPK), 1)

    for r in range(TOPK):
        @pl.when(r < c)
        def _round(r=r):
            s = sim_ref[...]
            m = jnp.max(s, axis=1, keepdims=True)
            sel = jnp.min(jnp.where(s == m, gcol, big), axis=1, keepdims=True)
            bv_ref[...] = jnp.where(lane16 == r, m, bv_ref[...])
            bi_ref[...] = jnp.where(lane16 == r, sel, bi_ref[...])

            @pl.when(r + 1 < c)
            def _mask():
                sim_ref[...] = jnp.where(gcol == sel, -jnp.inf, s)

    @pl.when(c > 0)
    def _merge():
        cv = jnp.concatenate([rv_ref[...], bv_ref[...]], axis=1)
        ci = jnp.concatenate([ri_ref[...], bi_ref[...]], axis=1)
        new_vals = []
        new_idx = []
        for _ in range(TOPK):
            m = jnp.max(cv, axis=1, keepdims=True)
            sel = jnp.min(jnp.where(cv == m, ci, big), axis=1, keepdims=True)
            new_vals.append(m)
            new_idx.append(sel)
            cv = jnp.where(ci == sel, -jnp.inf, cv)
        rv_ref[...] = jnp.concatenate(new_vals, axis=1)
        ri_ref[...] = jnp.concatenate(new_idx, axis=1)

    @pl.when(kb == num_blocks - 1)
    def _out():
        vals_ref[...] = rv_ref[...]
        idx_ref[...] = ri_ref[...]


def _topk_pallas(queries, keys_padded, num_keys, kb_size):
    q, d = queries.shape
    nb = (keys_padded.shape[0] + kb_size - 1) // kb_size
    body = functools.partial(_topk_body, kb_size=kb_size, num_blocks=nb,
                             num_keys=num_keys)
    return pl.pallas_call(
        body,
        grid=(nb,),
        in_specs=[
            pl.BlockSpec((q, d), lambda kb: (0, 0)),
            pl.BlockSpec((kb_size, d), lambda kb: (kb, 0)),
        ],
        out_specs=[
            pl.BlockSpec((q, TOPK), lambda kb: (0, 0)),
            pl.BlockSpec((q, TOPK), lambda kb: (0, 0)),
        ],
        out_shape=[
            jax.ShapeDtypeStruct((q, TOPK), jnp.float32),
            jax.ShapeDtypeStruct((q, TOPK), jnp.int32),
        ],
        scratch_shapes=[
            pltpu.VMEM((q, kb_size), jnp.float32),
            pltpu.VMEM((q, TOPK), jnp.float32),
            pltpu.VMEM((q, TOPK), jnp.int32),
            pltpu.VMEM((q, TOPK), jnp.float32),
            pltpu.VMEM((q, TOPK), jnp.int32),
        ],
    )(queries, keys_padded)


def _gather_mean_sc(keys, idx_flat, q, d):
    info = plsc.get_sparse_core_info()
    nw = info.num_cores * info.num_subcores
    nq = q // nw
    mesh = plsc.VectorSubcoreMesh(core_axis_name="c", subcore_axis_name="s")

    batch = 1

    @functools.partial(
        pl.kernel,
        mesh=mesh,
        out_type=jax.ShapeDtypeStruct((q, d), jnp.float32),
        scratch_types=[
            pltpu.VMEM((nq * TOPK,), jnp.int32),
            pltpu.VMEM((batch * TOPK, d), jnp.float32),
            pltpu.VMEM((nq, d), jnp.float32),
            pltpu.SemaphoreType.DMA,
        ],
    )
    def gather_kernel(keys_hbm, idx_hbm, out_hbm, idx_v, rows_v, out_v, sem):
        wid = lax.axis_index("s") * info.num_cores + lax.axis_index("c")
        base = wid * (nq * TOPK)
        pltpu.sync_copy(idx_hbm.at[pl.ds(base, nq * TOPK)], idx_v)

        def body(bi, carry):
            iref = idx_v.at[pl.ds(bi * (batch * TOPK), batch * TOPK)]
            pltpu.async_copy(keys_hbm.at[iref], rows_v, sem).wait()
            for j in range(batch):
                for c in range(d // 16):
                    a = rows_v[j * TOPK, pl.ds(c * 16, 16)]
                    for r in range(1, TOPK):
                        a = a + rows_v[j * TOPK + r, pl.ds(c * 16, 16)]
                    out_v[bi * batch + j, pl.ds(c * 16, 16)] = a * (1.0 / TOPK)
            return carry

        lax.fori_loop(0, nq // batch, body, jnp.int32(0))
        pltpu.sync_copy(out_v, out_hbm.at[pl.ds(wid * nq, nq), :])

    return gather_kernel(keys, idx_flat)


def kernel(queries, keys, k):
    del k
    q, d = queries.shape
    num_keys = keys.shape[0]
    kb_size = 1024
    kp = ((num_keys + kb_size - 1) // kb_size) * kb_size
    qn = queries / jnp.clip(
        jnp.linalg.norm(queries, axis=-1, keepdims=True), 1e-12)
    kn = keys / jnp.clip(jnp.linalg.norm(keys, axis=-1, keepdims=True), 1e-12)
    del kp
    vals, idx = _topk_pallas(qn, kn, num_keys, kb_size)
    proto = _gather_mean_sc(keys, idx.reshape(-1), q, d)
    return vals, idx, proto

# --- scband reference (transcript-rebuilt; emitter-appended) ---
"""Pipeline reference for scband-memory-modular-learner-11493332484199 (READ-ONLY COPY).

The authoritative reference and input builder live on the scoring server;
editing this copy changes nothing except your own understanding.
"""

import jax, jax.numpy as jnp
import numpy as np


def setup_inputs(seed: int = 0) -> dict:
    key = jax.random.key(seed)
    k1, k2 = jax.random.split(key)
    queries = jax.random.normal(k1, (1024, 512), dtype=jnp.float32)
    keys = jax.random.normal(k2, (100000, 512), dtype=jnp.float32)
    return {"queries": queries, "keys": keys, "k": 16}


def reference(queries, keys, k):
    # Core retrieval kernel distilled from MemoryModularLearner._load_prototype:
    # L2-normalize both sides, cosine-similarity via einsum, top-k over the
    # memory bank (largest=True, sorted=True), gather the selected memory
    # embeddings and mean-pool them into a prototype per query.
    qn = queries / jnp.clip(jnp.linalg.norm(queries, axis=-1, keepdims=True), 1e-12)
    kn = keys / jnp.clip(jnp.linalg.norm(keys, axis=-1, keepdims=True), 1e-12)
    sim = jnp.einsum('nd,md->nm', qn, kn)  # [Q, K]
    sim = sim * (k - k + 1)
    topk_vals, topk_idx = jax.lax.top_k(sim, 16)  # [Q, k]
    gathered = jnp.take(keys, topk_idx, axis=0)  # [Q, k, d]
    proto = gathered.mean(axis=1)  # [Q, d]
    return topk_vals, topk_idx, proto

if __name__ == "__main__":
    import jax
    _d = setup_inputs()
    print(jax.jit(kernel)(*tuple(_d.values())))

</pallas_src>

<mosaic_0001>
#map = affine_map<(d0, d1) -> (0, 0)>
#map1 = affine_map<(d0, d1) -> (0)>
module attributes {stable_mosaic.version = 14 : i64} {
  func.func @gather_kernel(%arg0: i32, %arg1: i32, %arg2: memref<100000x512xf32, #tpu.memory_space<hbm>>, %arg3: memref<16384xi32, #tpu.memory_space<hbm>>, %arg4: memref<1024x512xf32, #tpu.memory_space<hbm>>, %arg5: memref<512xi32, #tpu.memory_space<vmem>>, %arg6: memref<16x512xf32, #tpu.memory_space<vmem>>, %arg7: memref<32x512xf32, #tpu.memory_space<vmem>>, %arg8: memref<!tpu.dma_semaphore, #tpu.memory_space<semaphore_mem>>) attributes {dimension_semantics = [#tpu.dimension_semantics<core_parallel>, #tpu.dimension_semantics<subcore_parallel>], iteration_bounds = array<i64: 2, 16>, scalar_prefetch = 0 : i64, scratch_operands = 4 : i64, tpu.core_type = #tpu.core_type<sc_vector_subcore>, window_params = [{transform_indices = #map}, {transform_indices = #map1}, {transform_indices = #map}]} {
    %mul3A = arith.constant 2 : i32
    %mul3A_0 = arith.muli %arg1, %mul3A : i32
    %add3A = arith.addi %mul3A_0, %arg0 : i32
    %mul3A_1 = arith.constant 512 : i32
    %mul3A_2 = arith.muli %add3A, %mul3A_1 : i32
    "tpu.region"() ({
      %run_scoped3A = tpu.sem_alloc : memref<!tpu.dma_semaphore, #tpu.memory_space<semaphore_mem>>
      %dma_start3A = tpu.memref_slice %arg3[%mul3A_2] : memref<16384xi32, #tpu.memory_space<hbm>> -> memref<512xi32, #tpu.memory_space<hbm>>
      %dma_start3A_10 = tpu.memref_slice %arg3[%mul3A_2] : memref<16384xi32, #tpu.memory_space<hbm>> -> memref<512xi32, #tpu.memory_space<hbm>>
      tpu.enqueue_dma source(%dma_start3A_10 : memref<512xi32, #tpu.memory_space<hbm>>) target(%arg5 : memref<512xi32, #tpu.memory_space<vmem>>) target_semaphore(%run_scoped3A : memref<!tpu.dma_semaphore, #tpu.memory_space<semaphore_mem>>)
      %dma_wait3A = tpu.memref_slice %arg3[%mul3A_2] : memref<16384xi32, #tpu.memory_space<hbm>> -> memref<512xi32, #tpu.memory_space<hbm>>
      %dma_wait3A_11 = tpu.memref_slice %arg3[%mul3A_2] : memref<16384xi32, #tpu.memory_space<hbm>> -> memref<512xi32, #tpu.memory_space<hbm>>
      tpu.wait_dma2 semaphore(%run_scoped3A : memref<!tpu.dma_semaphore, #tpu.memory_space<semaphore_mem>>) src(%dma_wait3A_11 : memref<512xi32, #tpu.memory_space<hbm>>) dst(%arg5 : memref<512xi32, #tpu.memory_space<vmem>>)
      tpu.yield
    }) : () -> ()
    %scan3A = arith.constant 0 : i32
    %scan3A_3 = arith.constant 0 : i32
    %scan3A_4 = arith.constant 32 : i32
    %scan3A_5 = arith.addi %scan3A_3, %scan3A_4 : i32
    %scan3A_6 = arith.constant 1 : i32
    scf.for %scan3A_10 = %scan3A_3 to %scan3A_5 step %scan3A_6  : i32 {
      %mul3A_11 = arith.constant 16 : i32
      %mul3A_12 = arith.muli %scan3A_10, %mul3A_11 : i32
      %dma_start3A = tpu.memref_slice %arg5[%mul3A_12] : memref<512xi32, #tpu.memory_space<vmem>> -> memref<16xi32, #tpu.memory_space<vmem>>
      %dma_start3A_13 = arith.constant 0 : i32
      %dma_start3A_14 = arith.constant 0 : i32
      %dma_start3A_15 = tpu.memref_slice %arg2[%dma_start3A_13, %dma_start3A_14] : memref<100000x512xf32, #tpu.memory_space<hbm>> -> memref<100000x512xf32, #tpu.memory_space<hbm>>
      tpu.enqueue_indirect_dma source(%dma_start3A_15 : memref<100000x512xf32, #tpu.memory_space<hbm>>) target(%arg6 : memref<16x512xf32, #tpu.memory_space<vmem>>) offsets(%dma_start3A : memref<16xi32, #tpu.memory_space<vmem>>) semaphore(%arg8 : memref<!tpu.dma_semaphore, #tpu.memory_space<semaphore_mem>>)
      %dma_wait3A = tpu.memref_slice %arg5[%mul3A_12] : memref<512xi32, #tpu.memory_space<vmem>> -> memref<16xi32, #tpu.memory_space<vmem>>
      %dma_wait3A_16 = arith.constant 0 : i32
      %dma_wait3A_17 = arith.constant 0 : i32
      %dma_wait3A_18 = tpu.memref_slice %arg2[%dma_wait3A_16, %dma_wait3A_17] : memref<100000x512xf32, #tpu.memory_space<hbm>> -> memref<100000x512xf32, #tpu.memory_space<hbm>>
      tpu.wait_indirect_dma semaphore(%arg8 : memref<!tpu.dma_semaphore, #tpu.memory_space<semaphore_mem>>) src(%dma_wait3A_18 : memref<100000x512xf32, #tpu.memory_space<hbm>>) dst(%arg6 : memref<16x512xf32, #tpu.memory_space<vmem>>)
      %get3A = arith.constant 0 : i32
      %get3A_19 = arith.index_cast %get3A : i32 to index
      %get3A_20 = arith.constant 0 : index
      %get3A_21 = tpu.vector_load %arg6[%get3A_19, %get3A_20] {strides = array<i32>} : memref<16x512xf32, #tpu.memory_space<vmem>>, vector<1x16xf32>,
      %get3A_22 = vector.shape_cast %get3A_21 : vector<1x16xf32> to vector<16xf32>
      %get3A_23 = arith.constant 1 : i32
      %get3A_24 = arith.index_cast %get3A_23 : i32 to index
      %get3A_25 = arith.constant 0 : index
      %get3A_26 = tpu.vector_load %arg6[%get3A_24, %get3A_25] {strides = array<i32>} : memref<16x512xf32, #tpu.memory_space<vmem>>, vector<1x16xf32>,
      %get3A_27 = vector.shape_cast %get3A_26 : vector<1x16xf32> to vector<16xf32>
      %add3A_28 = arith.addf %get3A_22, %get3A_27 : vector<16xf32>
      %get3A_29 = arith.constant 2 : i32
      %get3A_30 = arith.index_cast %get3A_29 : i32 to index
      %get3A_31 = arith.constant 0 : index
      %get3A_32 = tpu.vector_load %arg6[%get3A_30, %get3A_31] {strides = array<i32>} : memref<16x512xf32, #tpu.memory_space<vmem>>, vector<1x16xf32>,
      %get3A_33 = vector.shape_cast %get3A_32 : vector<1x16xf32> to vector<16xf32>
      %add3A_34 = arith.addf %add3A_28, %get3A_33 : vector<16xf32>
      %get3A_35 = arith.constant 3 : i32
      %get3A_36 = arith.index_cast %get3A_35 : i32 to index
      %get3A_37 = arith.constant 0 : index
      %get3A_38 = tpu.vector_load %arg6[%get3A_36, %get3A_37] {strides = array<i32>} : memref<16x512xf32, #tpu.memory_space<vmem>>, vector<1x16xf32>,
      %get3A_39 = vector.shape_cast %get3A_38 : vector<1x16xf32> to vector<16xf32>
      %add3A_40 = arith.addf %add3A_34, %get3A_39 : vector<16xf32>
      %get3A_41 = arith.constant 4 : i32
      %get3A_42 = arith.index_cast %get3A_41 : i32 to index
      %get3A_43 = arith.constant 0 : index
      %get3A_44 = tpu.vector_load %arg6[%get3A_42, %get3A_43] {strides = array<i32>} : memref<16x512xf32, #tpu.memory_space<vmem>>, vector<1x16xf32>,
      %get3A_45 = vector.shape_cast %get3A_44 : vector<1x16xf32> to vector<16xf32>
      %add3A_46 = arith.addf %add3A_40, %get3A_45 : vector<16xf32>
      %get3A_47 = arith.constant 5 : i32
      %get3A_48 = arith.index_cast %get3A_47 : i32 to index
      %get3A_49 = arith.constant 0 : index
      %get3A_50 = tpu.vector_load %arg6[%get3A_48, %get3A_49] {strides = array<i32>} : memref<16x512xf32, #tpu.memory_space<vmem>>, vector<1x16xf32>,
      %get3A_51 = vector.shape_cast %get3A_50 : vector<1x16xf32> to vector<16xf32>
      %add3A_52 = arith.addf %add3A_46, %get3A_51 : vector<16xf32>
      %get3A_53 = arith.constant 6 : i32
      %get3A_54 = arith.index_cast %get3A_53 : i32 to index
      %get3A_55 = arith.constant 0 : index
      %get3A_56 = tpu.vector_load %arg6[%get3A_54, %get3A_55] {strides = array<i32>} : memref<16x512xf32, #tpu.memory_space<vmem>>, vector<1x16xf32>,
      %get3A_57 = vector.shape_cast %get3A_56 : vector<1x16xf32> to vector<16xf32>
      %add3A_58 = arith.addf %add3A_52, %get3A_57 : vector<16xf32>
      %get3A_59 = arith.constant 7 : i32
      %get3A_60 = arith.index_cast %get3A_59 : i32 to index
      %get3A_61 = arith.constant 0 : index
      %get3A_62 = tpu.vector_load %arg6[%get3A_60, %get3A_61] {strides = array<i32>} : memref<16x512xf32, #tpu.memory_space<vmem>>, vector<1x16xf32>,
      %get3A_63 = vector.shape_cast %get3A_62 : vector<1x16xf32> to vector<16xf32>
      %add3A_64 = arith.addf %add3A_58, %get3A_63 : vector<16xf32>
      %get3A_65 = arith.constant 8 : i32
      %get3A_66 = arith.index_cast %get3A_65 : i32 to index
      %get3A_67 = arith.constant 0 : index
      %get3A_68 = tpu.vector_load %arg6[%get3A_66, %get3A_67] {strides = array<i32>} : memref<16x512xf32, #tpu.memory_space<vmem>>, vector<1x16xf32>,
      %get3A_69 = vector.shape_cast %get3A_68 : vector<1x16xf32> to vector<16xf32>
      %add3A_70 = arith.addf %add3A_64, %get3A_69 : vector<16xf32>
      %get3A_71 = arith.constant 9 : i32
      %get3A_72 = arith.index_cast %get3A_71 : i32 to index
      %get3A_73 = arith.constant 0 : index
      %get3A_74 = tpu.vector_load %arg6[%get3A_72, %get3A_73] {strides = array<i32>} : memref<16x512xf32, #tpu.memory_space<vmem>>, vector<1x16xf32>,
      %get3A_75 = vector.shape_cast %get3A_74 : vector<1x16xf32> to vector<16xf32>
      %add3A_76 = arith.addf %add3A_70, %get3A_75 : vector<16xf32>
      %get3A_77 = arith.constant 10 : i32
      %get3A_78 = arith.index_cast %get3A_77 : i32 to index
      %get3A_79 = arith.constant 0 : index
      %get3A_80 = tpu.vector_load %arg6[%get3A_78, %get3A_79] {strides = array<i32>} : memref<16x512xf32, #tpu.memory_space<vmem>>, vector<1x16xf32>,
      %get3A_81 = vector.shape_cast %get3A_80 : vector<1x16xf32> to vector<16xf32>
      %add3A_82 = arith.addf %add3A_76, %get3A_81 : vector<16xf32>
      %get3A_83 = arith.constant 11 : i32
      %get3A_84 = arith.index_cast %get3A_83 : i32 to index
      %get3A_85 = arith.constant 0 : index
      %get3A_86 = tpu.vector_load %arg6[%get3A_84, %get3A_85] {strides = array<i32>} : memref<16x512xf32, #tpu.memory_space<vmem>>, vector<1x16xf32>,
      %get3A_87 = vector.shape_cast %get3A_86 : vector<1x16xf32> to vector<16xf32>
      %add3A_88 = arith.addf %add3A_82, %get3A_87 : vector<16xf32>
      %get3A_89 = arith.constant 12 : i32
      %get3A_90 = arith.index_cast %get3A_89 : i32 to index
      %get3A_91 = arith.constant 0 : index
      %get3A_92 = tpu.vector_load %arg6[%get3A_90, %get3A_91] {strides = array<i32>} : memref<16x512xf32, #tpu.memory_space<vmem>>, vector<1x16xf32>,
      %get3A_93 = vector.shape_cast %get3A_92 : vector<1x16xf32> to vector<16xf32>
      %add3A_94 = arith.addf %add3A_88, %get3A_93 : vector<16xf32>
      %get3A_95 = arith.constant 13 : i32
      %get3A_96 = arith.index_cast %get3A_95 : i32 to index
      %get3A_97 = arith.constant 0 : index
      %get3A_98 = tpu.vector_load %arg6[%get3A_96, %get3A_97] {strides = array<i32>} : memref<16x512xf32, #tpu.memory_space<vmem>>, vector<1x16xf32>,
      %get3A_99 = vector.shape_cast %get3A_98 : vector<1x16xf32> to vector<16xf32>
      %add3A_100 = arith.addf %add3A_94, %get3A_99 : vector<16xf32>
      %get3A_101 = arith.constant 14 : i32
      %get3A_102 = arith.index_cast %get3A_101 : i32 to index
      %get3A_103 = arith.constant 0 : index
      %get3A_104 = tpu.vector_load %arg6[%get3A_102, %get3A_103] {strides = array<i32>} : memref<16x512xf32, #tpu.memory_space<vmem>>, vector<1x16xf32>,
      %get3A_105 = vector.shape_cast %get3A_104 : vector<1x16xf32> to vector<16xf32>
      %add3A_106 = arith.addf %add3A_100, %get3A_105 : vector<16xf32>
      %get3A_107 = arith.constant 15 : i32
      %get3A_108 = arith.index_cast %get3A_107 : i32 to index
      %get3A_109 = arith.constant 0 : index
      %get3A_110 = tpu.vector_load %arg6[%get3A_108, %get3A_109] {strides = array<i32>} : memref<16x512xf32, #tpu.memory_space<vmem>>, vector<1x16xf32>,
      %get3A_111 = vector.shape_cast %get3A_110 : vector<1x16xf32> to vector<16xf32>
      %add3A_112 = arith.addf %add3A_106, %get3A_111 : vector<16xf32>
      %mul3A_113 = arith.constant 6.250000e-02 : f32
      %mul3A_114 = vector.broadcast %mul3A_113 : f32 to vector<16xf32>
      %mul3A_115 = arith.mulf %add3A_112, %mul3A_114 : vector<16xf32>
      %mul3A_116 = arith.constant 1 : i32
      %mul3A_117 = arith.muli %scan3A_10, %mul3A_116 : i32
      %add3A_118 = arith.constant 0 : i32
      %add3A_119 = arith.addi %mul3A_117, %add3A_118 : i32
      %swap3A = arith.index_cast %add3A_119 : i32 to index
      %swap3A_120 = arith.constant 0 : index
      %swap3A_121 = tpu.vector_load %arg7[%swap3A, %swap3A_120] {strides = array<i32>} : memref<32x512xf32, #tpu.memory_space<vmem>>, vector<1x16xf32>,
      %swap3A_122 = vector.shape_cast %swap3A_121 : vector<1x16xf32> to vector<16xf32>
      %swap3A_123 = vector.shape_cast %mul3A_115 : vector<16xf32> to vector<1x16xf32>
      tpu.vector_store %arg7[%swap3A, %swap3A_120], %swap3A_123 {strides = array<i32>} : memref<32x512xf32, #tpu.memory_space<vmem>>, vector<1x16xf32>,
      %get3A_124 = arith.constant 0 : i32
      %get3A_125 = arith.index_cast %get3A_124 : i32 to index
      %get3A_126 = arith.constant 16 : index
      %get3A_127 = tpu.vector_load %arg6[%get3A_125, %get3A_126] {strides = array<i32>} : memref<16x512xf32, #tpu.memory_space<vmem>>, vector<1x16xf32>,
      %get3A_128 = vector.shape_cast %get3A_127 : vector<1x16xf32> to vector<16xf32>
      %get3A_129 = arith.constant 1 : i32
      %get3A_130 = arith.index_cast %get3A_129 : i32 to index
      %get3A_131 = arith.constant 16 : index
      %get3A_132 = tpu.vector_load %arg6[%get3A_130, %get3A_131] {strides = array<i32>} : memref<16x512xf32, #tpu.memory_space<vmem>>, vector<1x16xf32>,
      %get3A_133 = vector.shape_cast %get3A_132 : vector<1x16xf32> to vector<16xf32>
      %add3A_134 = arith.addf %get3A_128, %get3A_133 : vector<16xf32>
      %get3A_135 = arith.constant 2 : i32
      %get3A_136 = arith.index_cast %get3A_135 : i32 to index
      %get3A_137 = arith.constant 16 : index
      %get3A_138 = tpu.vector_load %arg6[%get3A_136, %get3A_137] {strides = array<i32>} : memref<16x512xf32, #tpu.memory_space<vmem>>, vector<1x16xf32>,
      %get3A_139 = vector.shape_cast %get3A_138 : vector<1x16xf32> to vector<16xf32>
      %add3A_140 = arith.addf %add3A_134, %get3A_139 : vector<16xf32>
      %get3A_141 = arith.constant 3 : i32
      %get3A_142 = arith.index_cast %get3A_141 : i32 to index
      %get3A_143 = arith.constant 16 : index
      %get3A_144 = tpu.vector_load %arg6[%get3A_142, %get3A_143] {strides = array<i32>} : memref<16x512xf32, #tpu.memory_space<vmem>>, vector<1x16xf32>,
      %get3A_145 = vector.shape_cast %get3A_144 : vector<1x16xf32> to vector<16xf32>
      %add3A_146 = arith.addf %add3A_140, %get3A_145 : vector<16xf32>
      %get3A_147 = arith.constant 4 : i32
      %get3A_148 = arith.index_cast %get3A_147 : i32 to index
      %get3A_149 = arith.constant 16 : index
      %get3A_150 = tpu.vector_load %arg6[%get3A_148, %get3A_149] {strides = array<i32>} : memref<16x512xf32, #tpu.memory_space<vmem>>, vector<1x16xf32>,
      %get3A_151 = vector.shape_cast %get3A_150 : vector<1x16xf32> to vector<16xf32>
      %add3A_152 = arith.addf %add3A_146, %get3A_151 : vector<16xf32>
      %get3A_153 = arith.constant 5 : i32
      %get3A_154 = arith.index_cast %get3A_153 : i32 to index
      %get3A_155 = arith.constant 16 : index
      %get3A_156 = tpu.vector_load %arg6[%get3A_154, %get3A_155] {strides = array<i32>} : memref<16x512xf32, #tpu.memory_space<vmem>>, vector<1x16xf32>,
      %get3A_157 = vector.shape_cast %get3A_156 : vector<1x16xf32> to vector<16xf32>
      %add3A_158 = arith.addf %add3A_152, %get3A_157 : vector<16xf32>
      %get3A_159 = arith.constant 6 : i32
      %get3A_160 = arith.index_cast %get3A_159 : i32 to index
      %get3A_161 = arith.constant 16 : index
      %get3A_162 = tpu.vector_load %arg6[%get3A_160, %get3A_161] {strides = array<i32>} : memref<16x512xf32, #tpu.memory_space<vmem>>, vector<1x16xf32>,
      %get3A_163 = vector.shape_cast %get3A_162 : vector<1x16xf32> to vector<16xf32>
      %add3A_164 = arith.addf %add3A_158, %get3A_163 : vector<16xf32>
      %get3A_165 = arith.constant 7 : i32
      %get3A_166 = arith.index_cast %get3A_165 : i32 to index
      %get3A_167 = arith.constant 16 : index
      %get3A_168 = tpu.vector_load %arg6[%get3A_166, %get3A_167] {strides = array<i32>} : memref<16x512xf32, #tpu.memory_space<vmem>>, vector<1x16xf32>,
      %get3A_169 = vector.shape_cast %get3A_168 : vector<1x16xf32> to vector<16xf32>
      %add3A_170 = arith.addf %add3A_164, %get3A_169 : vector<16xf32>
      %get3A_171 = arith.constant 8 : i32
      %get3A_172 = arith.index_cast %get3A_171 : i32 to index
      %get3A_173 = arith.constant 16 : index
      %get3A_174 = tpu.vector_load %arg6[%get3A_172, %get3A_173] {strides = array<i32>} : memref<16x512xf32, #tpu.memory_space<vmem>>, vector<1x16xf32>,
      %get3A_175 = vector.shape_cast %get3A_174 : vector<1x16xf32> to vector<16xf32>
      %add3A_176 = arith.addf %add3A_170, %get3A_175 : vector<16xf32>
      %get3A_177 = arith.constant 9 : i32
      %get3A_178 = arith.index_cast %get3A_177 : i32 to index
      %get3A_179 = arith.constant 16 : index
      %get3A_180 = tpu.vector_load %arg6[%get3A_178, %get3A_179] {strides = array<i32>} : memref<16x512xf32, #tpu.memory_space<vmem>>, vector<1x16xf32>,
      %get3A_181 = vector.shape_cast %get3A_180 : vector<1x16xf32> to vector<16xf32>
      %add3A_182 = arith.addf %add3A_176, %get3A_181 : vector<16xf32>
      %get3A_183 = arith.constant 10 : i32
      %get3A_184 = arith.index_cast %get3A_183 : i32 to index
      %get3A_185 = arith.constant 16 : index
      %get3A_186 = tpu.vector_load %arg6[%get3A_184, %get3A_185] {strides = array<i32>} : memref<16x512xf32, #tpu.memory_space<vmem>>, vector<1x16xf32>,
      %get3A_187 = vector.shape_cast %get3A_186 : vector<1x16xf32> to vector<16xf32>
      %add3A_188 = arith.addf %add3A_182, %get3A_187 : vector<16xf32>
      %get3A_189 = arith.constant 11 : i32
      %get3A_190 = arith.index_cast %get3A_189 : i32 to index
      %get3A_191 = arith.constant 16 : index
      %get3A_192 = tpu.vector_load %arg6[%get3A_190, %get3A_191] {strides = array<i32>} : memref<16x512xf32, #tpu.memory_space<vmem>>, vector<1x16xf32>,
      %get3A_193 = vector.shape_cast %get3A_192 : vector<1x16xf32> to vector<16xf32>
      %add3A_194 = arith.addf %add3A_188, %get3A_193 : vector<16xf32>
      %get3A_195 = arith.constant 12 : i32
      %get3A_196 = arith.index_cast %get3A_195 : i32 to index
      %get3A_197 = arith.constant 16 : index
      %get3A_198 = tpu.vector_load %arg6[%get3A_196, %get3A_197] {strides = array<i32>} : memref<16x512xf32, #tpu.memory_space<vmem>>, vector<1x16xf32>,
      %get3A_199 = vector.shape_cast %get3A_198 : vector<1x16xf32> to vector<16xf32>
      %add3A_200 = arith.addf %add3A_194, %get3A_199 : vector<16xf32>
      %get3A_201 = arith.constant 13 : i32
      %get3A_202 = arith.index_cast %get3A_201 : i32 to index
      %get3A_203 = arith.constant 16 : index
      %get3A_204 = tpu.vector_load %arg6[%get3A_202, %get3A_203] {strides = array<i32>} : memref<16x512xf32, #tpu.memory_space<vmem>>, vector<1x16xf32>,
      %get3A_205 = vector.shape_cast %get3A_204 : vector<1x16xf32> to vector<16xf32>
      %add3A_206 = arith.addf %add3A_200, %get3A_205 : vector<16xf32>
      %get3A_207 = arith.constant 14 : i32
      %get3A_208 = arith.index_cast %get3A_207 : i32 to index
      %get3A_209 = arith.constant 16 : index
      %get3A_210 = tpu.vector_load %arg6[%get3A_208, %get3A_209] {strides = array<i32>} : memref<16x512xf32, #tpu.memory_space<vmem>>, vector<1x16xf32>,
      %get3A_211 = vector.shape_cast %get3A_210 : vector<1x16xf32> to vector<16xf32>
      %add3A_212 = arith.addf %add3A_206, %get3A_211 : vector<16xf32>
      %get3A_213 = arith.constant 15 : i32
      %get3A_214 = arith.index_cast %get3A_213 : i32 to index
      %get3A_215 = arith.constant 16 : index
      %get3A_216 = tpu.vector_load %arg6[%get3A_214, %get3A_215] {strides = array<i32>} : memref<16x512xf32, #tpu.memory_space<vmem>>, vector<1x16xf32>,
      %get3A_217 = vector.shape_cast %get3A_216 : vector<1x16xf32> to vector<16xf32>
      %add3A_218 = arith.addf %add3A_212, %get3A_217 : vector<16xf32>
      %mul3A_219 = arith.constant 6.250000e-02 : f32
      %mul3A_220 = vector.broadcast %mul3A_219 : f32 to vector<16xf32>
      %mul3A_221 = arith.mulf %add3A_218, %mul3A_220 : vector<16xf32>
      %mul3A_222 = arith.constant 1 : i32
      %mul3A_223 = arith.muli %scan3A_10, %mul3A_222 : i32
      %add3A_224 = arith.constant 0 : i32
      %add3A_225 = arith.addi %mul3A_223, %add3A_224 : i32
      %swap3A_226 = arith.index_cast %add3A_225 : i32 to index
      %swap3A_227 = arith.constant 16 : index
      %swap3A_228 = tpu.vector_load %arg7[%swap3A_226, %swap3A_227] {strides = array<i32>} : memref<32x512xf32, #tpu.memory_space<vmem>>, vector<1x16xf32>,
      %swap3A_229 = vector.shape_cast %swap3A_228 : vector<1x16xf32> to vector<16xf32>
      %swap3A_230 = vector.shape_cast %mul3A_221 : vector<16xf32> to vector<1x16xf32>
      tpu.vector_store %arg7[%swap3A_226, %swap3A_227], %swap3A_230 {strides = array<i32>} : memref<32x512xf32, #tpu.memory_space<vmem>>, vector<1x16xf32>,
      %get3A_231 = arith.constant 0 : i32
      %get3A_232 = arith.index_cast %get3A_231 : i32 to index
      %get3A_233 = arith.constant 32 : index
      %get3A_234 = tpu.vector_load %arg6[%get3A_232, %get3A_233] {strides = array<i32>} : memref<16x512xf32, #tpu.memory_space<vmem>>, vector<1x16xf32>,
      %get3A_235 = vector.shape_cast %get3A_234 : vector<1x16xf32> to vector<16xf32>
      %get3A_236 = arith.constant 1 : i32
      %get3A_237 = arith.index_cast %get3A_236 : i32 to index
      %get3A_238 = arith.constant 32 : index
      %get3A_239 = tpu.vector_load %arg6[%get3A_237, %get3A_238] {strides = array<i32>} : memref<16x512xf32, #tpu.memory_space<vmem>>, vector<1x16xf32>,
      %get3A_240 = vector.shape_cast %get3A_239 : vector<1x16xf32> to vector<16xf32>
      %add3A_241 = arith.addf %get3A_235, %get3A_240 : vector<16xf32>
      %get3A_242 = arith.constant 2 : i32
      %get3A_243 = arith.index_cast %get3A_242 : i32 to index
      %get3A_244 = arith.constant 32 : index
      %get3A_245 = tpu.vector_load %arg6[%get3A_243, %get3A_244] {strides = array<i32>} : memref<16x512xf32, #tpu.memory_space<vmem>>, vector<1x16xf32>,
      %get3A_246 = vector.shape_cast %get3A_245 : vector<1x16xf32> to vector<16xf32>
      %add3A_247 = arith.addf %add3A_241, %get3A_246 : vector<16xf32>
      %get3A_248 = arith.constant 3 : i32
      %get3A_249 = arith.index_cast %get3A_248 : i32 to index
      %get3A_250 = arith.constant 32 : index
      %get3A_251 = tpu.vector_load %arg6[%get3A_249, %get3A_250] {strides = array<i32>} : memref<16x512xf32, #tpu.memory_space<vmem>>, vector<1x16xf32>,
      %get3A_252 = vector.shape_cast %get3A_251 : vector<1x16xf32> to vector<16xf32>
      %add3A_253 = arith.addf %add3A_247, %get3A_252 : vector<16xf32>
      %get3A_254 = arith.constant 4 : i32
      %get3A_255 = arith.index_cast %get3A_254 : i32 to index
      %get3A_256 = arith.constant 32 : index
      %get3A_257 = tpu.vector_load %arg6[%get3A_255, %get3A_256] {strides = array<i32>} : memref<16x512xf32, #tpu.memory_space<vmem>>, vector<1x16xf32>,
      %get3A_258 = vector.shape_cast %get3A_257 : vector<1x16xf32> to vector<16xf32>
      %add3A_259 = arith.addf %add3A_253, %get3A_258 : vector<16xf32>
      %get3A_260 = arith.constant 5 : i32
      %get3A_261 = arith.index_cast %get3A_260 : i32 to index
      %get3A_262 = arith.constant 32 : index
      %get3A_263 = tpu.vector_load %arg6[%get3A_261, %get3A_262] {strides = array<i32>} : memref<16x512xf32, #tpu.memory_space<vmem>>, vector<1x16xf32>,
      %get3A_264 = vector.shape_cast %get3A_263 : vector<1x16xf32> to vector<16xf32>
      %add3A_265 = arith.addf %add3A_259, %get3A_264 : vector<16xf32>
      %get3A_266 = arith.constant 6 : i32
      %get3A_267 = arith.index_cast %get3A_266 : i32 to index
      %get3A_268 = arith.constant 32 : index
      %get3A_269 = tpu.vector_load %arg6[%get3A_267, %get3A_268] {strides = array<i32>} : memref<16x512xf32, #tpu.memory_space<vmem>>, vector<1x16xf32>,
      %get3A_270 = vector.shape_cast %get3A_269 : vector<1x16xf32> to vector<16xf32>
      %add3A_271 = arith.addf %add3A_265, %get3A_270 : vector<16xf32>
      %get3A_272 = arith.constant 7 : i32
      %get3A_273 = arith.index_cast %get3A_272 : i32 to index
      %get3A_274 = arith.constant 32 : index
      %get3A_275 = tpu.vector_load %arg6[%get3A_273, %get3A_274] {strides = array<i32>} : memref<16x512xf32, #tpu.memory_space<vmem>>, vector<1x16xf32>,
      %get3A_276 = vector.shape_cast %get3A_275 : vector<1x16xf32> to vector<16xf32>
      %add3A_277 = arith.addf %add3A_271, %get3A_276 : vector<16xf32>
      %get3A_278 = arith.constant 8 : i32
      %get3A_279 = arith.index_cast %get3A_278 : i32 to index
      %get3A_280 = arith.constant 32 : index
      %get3A_281 = tpu.vector_load %arg6[%get3A_279, %get3A_280] {strides = array<i32>} : memref<16x512xf32, #tpu.memory_space<vmem>>, vector<1x16xf32>,
      %get3A_282 = vector.shape_cast %get3A_281 : vector<1x16xf32> to vector<16xf32>
      %add3A_283 = arith.addf %add3A_277, %get3A_282 : vector<16xf32>
      %get3A_284 = arith.constant 9 : i32
      %get3A_285 = arith.index_cast %get3A_284 : i32 to index
      %get3A_286 = arith.constant 32 : index
      %get3A_287 = tpu.vector_load %arg6[%get3A_285, %get3A_286] {strides = array<i32>} : memref<16x512xf32, #tpu.memory_space<vmem>>, vector<1x16xf32>,
      %get3A_288 = vector.shape_cast %get3A_287 : vector<1x16xf32> to vector<16xf32>
      %add3A_289 = arith.addf %add3A_283, %get3A_288 : vector<16xf32>
      %get3A_290 = arith.constant 10 : i32
      %get3A_291 = arith.index_cast %get3A_290 : i32 to index
      %get3A_292 = arith.constant 32 : index
      %get3A_293 = tpu.vector_load %arg6[%get3A_291, %get3A_292] {strides = array<i32>} : memref<16x512xf32, #tpu.memory_space<vmem>>, vector<1x16xf32>,
      %get3A_294 = vector.shape_cast %get3A_293 : vector<1x16xf32> to vector<16xf32>
      %add3A_295 = arith.addf %add3A_289, %get3A_294 : vector<16xf32>
      %get3A_296 = arith.constant 11 : i32
      %get3A_297 = arith.index_cast %get3A_296 : i32 to index
      %get3A_298 = arith.constant 32 : index
      %get3A_299 = tpu.vector_load %arg6[%get3A_297, %get3A_298] {strides = array<i32>} : memref<16x512xf32, #tpu.memory_space<vmem>>, vector<1x16xf32>,
      %get3A_300 = vector.shape_cast %get3A_299 : vector<1x16xf32> to vector<16xf32>
      %add3A_301 = arith.addf %add3A_295, %get3A_300 : vector<16xf32>
      %get3A_302 = arith.constant 12 : i32
      %get3A_303 = arith.index_cast %get3A_302 : i32 to index
      %get3A_304 = arith.constant 32 : index
      %get3A_305 = tpu.vector_load %arg6[%get3A_303, %get3A_304] {strides = array<i32>} : memref<16x512xf32, #tpu.memory_space<vmem>>, vector<1x16xf32>,
      %get3A_306 = vector.shape_cast %get3A_305 : vector<1x16xf32> to vector<16xf32>
      %add3A_307 = arith.addf %add3A_301, %get3A_306 : vector<16xf32>
      %get3A_308 = arith.constant 13 : i32
      %get3A_309 = arith.index_cast %get3A_308 : i32 to index
      %get3A_310 = arith.constant 32 : index
      %get3A_311 = tpu.vector_load %arg6[%get3A_309, %get3A_310] {strides = array<i32>} : memref<16x512xf32, #tpu.memory_space<vmem>>, vector<1x16xf32>,
      %get3A_312 = vector.shape_cast %get3A_311 : vector<1x16xf32> to vector<16xf32>
      %add3A_313 = arith.addf %add3A_307, %get3A_312 : vector<16xf32>
      %get3A_314 = arith.constant 14 : i32
      %get3A_315 = arith.index_cast %get3A_314 : i32 to index
      %get3A_316 = arith.constant 32 : index
      %get3A_317 = tpu.vector_load %arg6[%get3A_315, %get3A_316] {strides = array<i32>} : memref<16x512xf32, #tpu.memory_space<vmem>>, vector<1x16xf32>,
      %get3A_318 = vector.shape_cast %get3A_317 : vector<1x16xf32> to vector<16xf32>
      %add3A_319 = arith.addf %add3A_313, %get3A_318 : vector<16xf32>
      %get3A_320 = arith.constant 15 : i32
      %get3A_321 = arith.index_cast %get3A_320 : i32 to index
      %get3A_322 = arith.constant 32 : index
      %get3A_323 = tpu.vector_load %arg6[%get3A_321, %get3A_322] {strides = array<i32>} : memref<16x512xf32, #tpu.memory_space<vmem>>, vector<1x16xf32>,
      %get3A_324 = vector.shape_cast %get3A_323 : vector<1x16xf32> to vector<16xf32>
      %add3A_325 = arith.addf %add3A_319, %get3A_324 : vector<16xf32>
      %mul3A_326 = arith.constant 6.250000e-02 : f32
      %mul3A_327 = vector.broadcast %mul3A_326 : f32 to vector<16xf32>
      %mul3A_328 = arith.mulf %add3A_325, %mul3A_327 : vector<16xf32>
      %mul3A_329 = arith.constant 1 : i32
      %mul3A_330 = arith.muli %scan3A_10, %mul3A_329 : i32
      %add3A_331 = arith.constant 0 : i32
      %add3A_332 = arith.addi %mul3A_330, %add3A_331 : i32
      %swap3A_333 = arith.index_cast %add3A_332 : i32 to index
      %swap3A_334 = arith.constant 32 : index
      %swap3A_335 = tpu.vector_load %arg7[%swap3A_333, %swap3A_334] {strides = array<i32>} : memref<32x512xf32, #tpu.memory_space<vmem>>, vector<1x16xf32>,
      %swap3A_336 = vector.shape_cast %swap3A_335 : vector<1x16xf32> to vector<16xf32>
      %swap3A_337 = vector.shape_cast %mul3A_328 : vector<16xf32> to vector<1x16xf32>
      tpu.vector_store %arg7[%swap3A_333, %swap3A_334], %swap3A_337 {strides = array<i32>} : memref<32x512xf32, #tpu.memory_space<vmem>>, vector<1x16xf32>,
      %get3A_338 = arith.constant 0 : i32
      %get3A_339 = arith.index_cast %get3A_338 : i32 to index
      %get3A_340 = arith.constant 48 : index
      %get3A_341 = tpu.vector_load %arg6[%get3A_339, %get3A_340] {strides = array<i32>} : memref<16x512xf32, #tpu.memory_space<vmem>>, vector<1x16xf32>,
      %get3A_342 = vector.shape_cast %get3A_341 : vector<1x16xf32> to vector<16xf32>
      %get3A_343 = arith.constant 1 : i32
      %get3A_344 = arith.index_cast %get3A_343 : i32 to index
      %get3A_345 = arith.constant 48 : index
      %get3A_346 = tpu.vector_load %arg6[%get3A_344, %get3A_345] {strides = array<i32>} : memref<16x512xf32, #tpu.memory_space<vmem>>, vector<1x16xf32>,
      %get3A_347 = vector.shape_cast %get3A_346 : vector<1x16xf32> to vector<16xf32>
      %add3A_348 = arith.addf %get3A_342, %get3A_347 : vector<16xf32>
      %get3A_349 = arith.constant 2 : i32
      %get3A_350 = arith.index_cast %get3A_349 : i32 to index
      %get3A_351 = arith.constant 48 : index
      %get3A_352 = tpu.vector_load %arg6[%get3A_350, %get3A_351] {strides = array<i32>} : memref<16x512xf32, #tpu.memory_space<vmem>>, vector<1x16xf32>,
      %get3A_353 = vector.shape_cast %get3A_352 : vector<1x16xf32> to vector<16xf32>
      %add3A_354 = arith.addf %add3A_348, %get3A_353 : vector<16xf32>
      %get3A_355 = arith.constant 3 : i32
      %get3A_356 = arith.index_cast %get3A_355 : i32 to index
      %get3A_357 = arith.constant 48 : index
      %get3A_358 = tpu.vector_load %arg6[%get3A_356, %get3A_357] {strides = array<i32>} : memref<16x512xf32, #tpu.memory_space<vmem>>, vector<1x16xf32>,
      %get3A_359 = vector.shape_cast %get3A_358 : vector<1x16xf32> to vector<16xf32>
      %add3A_360 = arith.addf %add3A_354, %get3A_359 : vector<16xf32>
      %get3A_361 = arith.constant 4 : i32
      %get3A_362 = arith.index_cast %get3A_361 : i32 to index
      %get3A_363 = arith.constant 48 : index
      %get3A_364 = tpu.vector_load %arg6[%get3A_362, %get3A_363] {strides = array<i32>} : memref<16x512xf32, #tpu.memory_space<vmem>>, vector<1x16xf32>,
      %get3A_365 = vector.shape_cast %get3A_364 : vector<1x16xf32> to vector<16xf32>
      %add3A_366 = arith.addf %add3A_360, %get3A_365 : vector<16xf32>
      %get3A_367 = arith.constant 5 : i32
      %get3A_368 = arith.index_cast %get3A_367 : i32 to index
      %get3A_369 = arith.constant 48 : index
      %get3A_370 = tpu.vector_load %arg6[%get3A_368, %get3A_369] {strides = array<i32>} : memref<16x512xf32, #tpu.memory_space<vmem>>, vector<1x16xf32>,
      %get3A_371 = vector.shape_cast %get3A_370 : vector<1x16xf32> to vector<16xf32>
      %add3A_372 = arith.addf %add3A_366, %get3A_371 : vector<16xf32>
      %get3A_373 = arith.constant 6 : i32
      %get3A_374 = arith.index_cast %get3A_373 : i32 to index
      %get3A_375 = arith.constant 48 : index
      %get3A_376 = tpu.vector_load %arg6[%get3A_374, %get3A_375] {strides = array<i32>} : memref<16x512xf32, #tpu.memory_space<vmem>>, vector<1x16xf32>,
      %get3A_377 = vector.shape_cast %get3A_376 : vector<1x16xf32> to vector<16xf32>
      %add3A_378 = arith.addf %add3A_372, %get3A_377 : vector<16xf32>
      %get3A_379 = arith.constant 7 : i32
      %get3A_380 = arith.index_cast %get3A_379 : i32 to index
      %get3A_381 = arith.constant 48 : index
      %get3A_382 = tpu.vector_load %arg6[%get3A_380, %get3A_381] {strides = array<i32>} : memref<16x512xf32, #tpu.memory_space<vmem>>, vector<1x16xf32>,
      %get3A_383 = vector.shape_cast %get3A_382 : vector<1x16xf32> to vector<16xf32>
      %add3A_384 = arith.addf %add3A_378, %get3A_383 : vector<16xf32>
      %get3A_385 = arith.constant 8 : i32
      %get3A_386 = arith.index_cast %get3A_385 : i32 to index
      %get3A_387 = arith.constant 48 : index
      %get3A_388 = tpu.vector_load %arg6[%get3A_386, %get3A_387] {strides = array<i32>} : memref<16x512xf32, #tpu.memory_space<vmem>>, vector<1x16xf32>,
      %get3A_389 = vector.shape_cast %get3A_388 : vector<1x16xf32> to vector<16xf32>
      %add3A_390 = arith.addf %add3A_384, %get3A_389 : vector<16xf32>
      %get3A_391 = arith.constant 9 : i32
      %get3A_392 = arith.index_cast %get3A_391 : i32 to index
      %get3A_393 = arith.constant 48 : index
      %get3A_394 = tpu.vector_load %arg6[%get3A_392, %get3A_393] {strides = array<i32>} : memref<16x512xf32, #tpu.memory_space<vmem>>, vector<1x16xf32>,
      %get3A_395 = vector.shape_cast %get3A_394 : vector<1x16xf32> to vector<16xf32>
      %add3A_396 = arith.addf %add3A_390, %get3A_395 : vector<16xf32>
      %get3A_397 = arith.constant 10 : i32
      %get3A_398 = arith.index_cast %get3A_397 : i32 to index
      %get3A_399 = arith.constant 48 : index
      %get3A_400 = tpu.vector_load %arg6[%get3A_398, %get3A_399] {strides = array<i32>} : memref<16x512xf32, #tpu.memory_space<vmem>>, vector<1x16xf32>,
      %get3A_401 = vector.shape_cast %get3A_400 : vector<1x16xf32> to vector<16xf32>
      %add3A_402 = arith.addf %add3A_396, %get3A_401 : vector<16xf32>
      %get3A_403 = arith.constant 11 : i32
      %get3A_404 = arith.index_cast %get3A_403 : i32 to index
      %get3A_405 = arith.constant 48 : index
      %get3A_406 = tpu.vector_load %arg6[%get3A_404, %get3A_405] {strides = array<i32>} : memref<16x512xf32, #tpu.memory_space<vmem>>, vector<1x16xf32>,
      %get3A_407 = vector.shape_cast %get3A_406 : vector<1x16xf32> to vector<16xf32>
      %add3A_408 = arith.addf %add3A_402, %get3A_407 : vector<16xf32>
      %get3A_409 = arith.constant 12 : i32
      %get3A_410 = arith.index_cast %get3A_409 : i32 to index
      %get3A_411 = arith.constant 48 : index
      %get3A_412 = tpu.vector_load %arg6[%get3A_410, %get3A_411] {strides = array<i32>} : memref<16x512xf32, #tpu.memory_space<vmem>>, vector<1x16xf32>,
      %get3A_413 = vector.shape_cast %get3A_412 : vector<1x16xf32> to vector<16xf32>
      %add3A_414 = arith.addf %add3A_408, %get3A_413 : vector<16xf32>
      %get3A_415 = arith.constant 13 : i32
      %get3A_416 = arith.index_cast %get3A_415 : i32 to index
      %get3A_417 = arith.constant 48 : index
      %get3A_418 = tpu.vector_load %arg6[%get3A_416, %get3A_417] {strides = array<i32>} : memref<16x512xf32, #tpu.memory_space<vmem>>, vector<1x16xf32>,
      %get3A_419 = vector.shape_cast %get3A_418 : vector<1x16xf32> to vector<16xf32>
      %add3A_420 = arith.addf %add3A_414, %get3A_419 : vector<16xf32>
      %get3A_421 = arith.constant 14 : i32
      %get3A_422 = arith.index_cast %get3A_421 : i32 to index
      %get3A_423 = arith.constant 48 : index
      %get3A_424 = tpu.vector_load %arg6[%get3A_422, %get3A_423] {strides = array<i32>} : memref<16x512xf32, #tpu.memory_space<vmem>>, vector<1x16xf32>,
      %get3A_425 = vector.shape_cast %get3A_424 : vector<1x16xf32> to vector<16xf32>
      %add3A_426 = arith.addf %add3A_420, %get3A_425 : vector<16xf32>
      %get3A_427 = arith.constant 15 : i32
      %get3A_428 = arith.index_cast %get3A_427 : i32 to index
      %get3A_429 = arith.constant 48 : index
      %get3A_430 = tpu.vector_load %arg6[%get3A_428, %get3A_429] {strides = array<i32>} : memref<16x512xf32, #tpu.memory_space<vmem>>, vector<1x16xf32>,
      %get3A_431 = vector.shape_cast %get3A_430 : vector<1x16xf32> to vector<16xf32>
      %add3A_432 = arith.addf %add3A_426, %get3A_431 : vector<16xf32>
      %mul3A_433 = arith.constant 6.250000e-02 : f32
      %mul3A_434 = vector.broadcast %mul3A_433 : f32 to vector<16xf32>
      %mul3A_435 = arith.mulf %add3A_432, %mul3A_434 : vector<16xf32>
      %mul3A_436 = arith.constant 1 : i32
      %mul3A_437 = arith.muli %scan3A_10, %mul3A_436 : i32
      %add3A_438 = arith.constant 0 : i32
      %add3A_439 = arith.addi %mul3A_437, %add3A_438 : i32
      %swap3A_440 = arith.index_cast %add3A_439 : i32 to index
      %swap3A_441 = arith.constant 48 : index
      %swap3A_442 = tpu.vector_load %arg7[%swap3A_440, %swap3A_441] {strides = array<i32>} : memref<32x512xf32, #tpu.memory_space<vmem>>, vector<1x16xf32>,
      %swap3A_443 = vector.shape_cast %swap3A_442 : vector<1x16xf32> to vector<16xf32>
      %swap3A_444 = vector.shape_cast %mul3A_435 : vector<16xf32> to vector<1x16xf32>
      tpu.vector_store %arg7[%swap3A_440, %swap3A_441], %swap3A_444 {strides = array<i32>} : memref<32x512xf32, #tpu.memory_space<vmem>>, vector<1x16xf32>,
      %get3A_445 = arith.constant 0 : i32
      %get3A_446 = arith.index_cast %get3A_445 : i32 to index
      %get3A_447 = arith.constant 64 : index
      %get3A_448 = tpu.vector_load %arg6[%get3A_446, %get3A_447] {strides = array<i32>} : memref<16x512xf32, #tpu.memory_space<vmem>>, vector<1x16xf32>,
      %get3A_449 = vector.shape_cast %get3A_448 : vector<1x16xf32> to vector<16xf32>
      %get3A_450 = arith.constant 1 : i32
      %get3A_451 = arith.index_cast %get3A_450 : i32 to index
      %get3A_452 = arith.constant 64 : index
      %get3A_453 = tpu.vector_load %arg6[%get3A_451, %get3A_452] {strides = array<i32>} : memref<16x512xf32, #tpu.memory_space<vmem>>, vector<1x16xf32>,
      %get3A_454 = vector.shape_cast %get3A_453 : vector<1x16xf32> to vector<16xf32>
      %add3A_455 = arith.addf %get3A_449, %get3A_454 : vector<16xf32>
      %get3A_456 = arith.constant 2 : i32
      %get3A_457 = arith.index_cast %get3A_456 : i32 to index
      %get3A_458 = arith.constant 64 : index
      %get3A_459 = tpu.vector_load %arg6[%get3A_457, %get3A_458] {strides = array<i32>} : memref<16x512xf32, #tpu.memory_space<vmem>>, vector<1x16xf32>,
      %get3A_460 = vector.shape_cast %get3A_459 : vector<1x16xf32> to vector<16xf32>
      %add3A_461 = arith.addf %add3A_455, %get3A_460 : vector<16xf32>
      %get3A_462 = arith.constant 3 : i32
      %get3A_463 = arith.index_cast %get3A_462 : i32 to index
      %get3A_464 = arith.constant 64 : index
      %get3A_465 = tpu.vector_load %arg6[%get3A_463, %get3A_464] {strides = array<i32>} : memref<16x512xf32, #tpu.memory_space<vmem>>, vector<1x16xf32>,
      %get3A_466 = vector.shape_cast %get3A_465 : vector<1x16xf32> to vector<16xf32>
      %add3A_467 = arith.addf %add3A_461, %get3A_466 : vector<16xf32>
      %get3A_468 = arith.constant 4 : i32
      %get3A_469 = arith.index_cast %get3A_468 : i32 to index
      %get3A_470 = arith.constant 64 : index
      %get3A_471 = tpu.vector_load %arg6[%get3A_469, %get3A_470] {strides = array<i32>} : memref<16x512xf32, #tpu.memory_space<vmem>>, vector<1x16xf32>,
      %get3A_472 = vector.shape_cast %get3A_471 : vector<1x16xf32> to vector<16xf32>
      %add3A_473 = arith.addf %add3A_467, %get3A_472 : vector<16xf32>
      %get3A_474 = arith.constant 5 : i32
      %get3A_475 = arith.index_cast %get3A_474 : i32 to index
      %get3A_476 = arith.constant 64 : index
      %get3A_477 = tpu.vector_load %arg6[%get3A_475, %get3A_476] {strides = array<i32>} : memref<16x512xf32, #tpu.memory_space<vmem>>, vector<1x16xf32>,
      %get3A_478 = vector.shape_cast %get3A_477 : vector<1x16xf32> to vector<16xf32>
      %add3A_479 = arith.addf %add3A_473, %get3A_478 : vector<16xf32>
      %get3A_480 = arith.constant 6 : i32
      %get3A_481 = arith.index_cast %get3A_480 : i32 to index
      %get3A_482 = arith.constant 64 : index
      %get3A_483 = tpu.vector_load %arg6[%get3A_481, %get3A_482] {strides = array<i32>} : memref<16x512xf32, #tpu.memory_space<vmem>>, vector<1x16xf32>,
      %get3A_484 = vector.shape_cast %get3A_483 : vector<1x16xf32> to vector<16xf32>
      %add3A_485 = arith.addf %add3A_479, %get3A_484 : vector<16xf32>
      %get3A_486 = arith.constant 7 : i32
      %get3A_487 = arith.index_cast %get3A_486 : i32 to index
      %get3A_488 = arith.constant 64 : index
      %get3A_489 = tpu.vector_load %arg6[%get3A_487, %get3A_488] {strides = array<i32>} : memref<16x512xf32, #tpu.memory_space<vmem>>, vector<1x16xf32>,
      %get3A_490 = vector.shape_cast %get3A_489 : vector<1x16xf32> to vector<16xf32>
      %add3A_491 = arith.addf %add3A_485, %get3A_490 : vector<16xf32>
      %get3A_492 = arith.constant 8 : i32
      %get3A_493 = arith.index_cast %get3A_492 : i32 to index
      %get3A_494 = arith.constant 64 : index
      %get3A_495 = tpu.vector_load %arg6[%get3A_493, %get3A_494] {strides = array<i32>} : memref<16x512xf32, #tpu.memory_space<vmem>>, vector<1x16xf32>,
      %get3A_496 = vector.shape_cast %get3A_495 : vector<1x16xf32> to vector<16xf32>
      %add3A_497 = arith.addf %add3A_491, %get3A_496 : vector<16xf32>
      %get3A_498 = arith.constant 9 : i32
      %get3A_499 = arith.index_cast %get3A_498 : i32 to index
      %get3A_500 = arith.constant 64 : index
      %get3A_501 = tpu.vector_load %arg6[%get3A_499, %get3A_500] {strides = array<i32>} : memref<16x512xf32, #tpu.memory_space<vmem>>, vector<1x16xf32>,
      %get3A_502 = vector.shape_cast %get3A_501 : vector<1x16xf32> to vector<16xf32>
      %add3A_503 = arith.addf %add3A_497, %get3A_502 : vector<16xf32>
      %get3A_504 = arith.constant 10 : i32
      %get3A_505 = arith.index_cast %get3A_504 : i32 to index
      %get3A_506 = arith.constant 64 : index
      %get3A_507 = tpu.vector_load %arg6[%get3A_505, %get3A_506] {strides = array<i32>} : memref<16x512xf32, #tpu.memory_space<vmem>>, vector<1x16xf32>,
      %get3A_508 = vector.shape_cast %get3A_507 : vector<1x16xf32> to vector<16xf32>
      %add3A_509 = arith.addf %add3A_503, %get3A_508 : vector<16xf32>
      %get3A_510 = arith.constant 11 : i32
      %get3A_511 = arith.index_cast %get3A_510 : i32 to index
      %get3A_512 = arith.constant 64 : index
      %get3A_513 = tpu.vector_load %arg6[%get3A_511, %get3A_512] {strides = array<i32>} : memref<16x512xf32, #tpu.memory_space<vmem>>, vector<1x16xf32>,
      %get3A_514 = vector.shape_cast %get3A_513 : vector<1x16xf32> to vector<16xf32>
      %add3A_515 = arith.addf %add3A_509, %get3A_514 : vector<16xf32>
      %get3A_516 = arith.constant 12 : i32
      %get3A_517 = arith.index_cast %get3A_516 : i32 to index
      %get3A_518 = arith.constant 64 : index
      %get3A_519 = tpu.vector_load %arg6[%get3A_517, %get3A_518] {strides = array<i32>} : memref<16x512xf32, #tpu.memory_space<vmem>>, vector<1x16xf32>,
      %get3A_520 = vector.shape_cast %get3A_519 : vector<1x16xf32> to vector<16xf32>
      %add3A_521 = arith.addf %add3A_515, %get3A_520 : vector<16xf32>
      %get3A_522 = arith.constant 13 : i32
      %get3A_523 = arith.index_cast %get3A_522 : i32 to index
      %get3A_524 = arith.constant 64 : index
      %get3A_525 = tpu.vector_load %arg6[%get3A_523, %get3A_524] {strides = array<i32>} : memref<16x512xf32, #tpu.memory_space<vmem>>, vector<1x16xf32>,
      %get3A_526 = vector.shape_cast %get3A_525 : vector<1x16xf32> to vector<16xf32>
      %add3A_527 = arith.addf %add3A_521, %get3A_526 : vector<16xf32>
      %get3A_528 = arith.constant 14 : i32
      %get3A_529 = arith.index_cast %get3A_528 : i32 to index
      %get3A_530 = arith.constant 64 : index
      %get3A_531 = tpu.vector_load %arg6[%get3A_529, %get3A_530] {strides = array<i32>} : memref<16x512xf32, #tpu.memory_space<vmem>>, vector<1x16xf32>,
      %get3A_532 = vector.shape_cast %get3A_531 : vector<1x16xf32> to vector<16xf32>
      %add3A_533 = arith.addf %add3A_527, %get3A_532 : vector<16xf32>
      %get3A_534 = arith.constant 15 : i32
      %get3A_535 = arith.index_cast %get3A_534 : i32 to index
      %get3A_536 = arith.constant 64 : index
      %get3A_537 = tpu.vector_load %arg6[%get3A_535, %get3A_536] {strides = array<i32>} : memref<16x512xf32, #tpu.memory_space<vmem>>, vector<1x16xf32>,
      %get3A_538 = vector.shape_cast %get3A_537 : vector<1x16xf32> to vector<16xf32>
      %add3A_539 = arith.addf %add3A_533, %get3A_538 : vector<16xf32>
      %mul3A_540 = arith.constant 6.250000e-02 : f32
      %mul3A_541 = vector.broadcast %mul3A_540 : f32 to vector<16xf32>
      %mul3A_542 = arith.mulf %add3A_539, %mul3A_541 : vector<16xf32>
      %mul3A_543 = arith.constant 1 : i32
      %mul3A_544 = arith.muli %scan3A_10, %mul3A_543 : i32
      %add3A_545 = arith.constant 0 : i32
      %add3A_546 = arith.addi %mul3A_544, %add3A_545 : i32
      %swap3A_547 = arith.index_cast %add3A_546 : i32 to index
      %swap3A_548 = arith.constant 64 : index
      %swap3A_549 = tpu.vector_load %arg7[%swap3A_547, %swap3A_548] {strides = array<i32>} : memref<32x512xf32, #tpu.memory_space<vmem>>, vector<1x16xf32>,
      %swap3A_550 = vector.shape_cast %swap3A_549 : vector<1x16xf32> to vector<16xf32>
      %swap3A_551 = vector.shape_cast %mul3A_542 : vector<16xf32> to vector<1x16xf32>
      tpu.vector_store %arg7[%swap3A_547, %swap3A_548], %swap3A_551 {strides = array<i32>} : memref<32x512xf32, #tpu.memory_space<vmem>>, vector<1x16xf32>,
      %get3A_552 = arith.constant 0 : i32
      %get3A_553 = arith.index_cast %get3A_552 : i32 to index
      %get3A_554 = arith.constant 80 : index
      %get3A_555 = tpu.vector_load %arg6[%get3A_553, %get3A_554] {strides = array<i32>} : memref<16x512xf32, #tpu.memory_space<vmem>>, vector<1x16xf32>,
      %get3A_556 = vector.shape_cast %get3A_555 : vector<1x16xf32> to vector<16xf32>
      %get3A_557 = arith.constant 1 : i32
      %get3A_558 = arith.index_cast %get3A_557 : i32 to index
      %get3A_559 = arith.constant 80 : index
      %get3A_560 = tpu.vector_load %arg6[%get3A_558, %get3A_559] {strides = array<i32>} : memref<16x512xf32, #tpu.memory_space<vmem>>, vector<1x16xf32>,
      %get3A_561 = vector.shape_cast %get3A_560 : vector<1x16xf32> to vector<16xf32>
      %add3A_562 = arith.addf %get3A_556, %get3A_561 : vector<16xf32>
      %get3A_563 = arith.constant 2 : i32
      %get3A_564 = arith.index_cast %get3A_563 : i32 to index
      %get3A_565 = arith.constant 80 : index
      %get3A_566 = tpu.vector_load %arg6[%get3A_564, %get3A_565] {strides = array<i32>} : memref<16x512xf32, #tpu.memory_space<vmem>>, vector<1x16xf32>,
      %get3A_567 = vector.shape_cast %get3A_566 : vector<1x16xf32> to vector<16xf32>
      %add3A_568 = arith.addf %add3A_562, %get3A_567 : vector<16xf32>
      %get3A_569 = arith.constant 3 : i32
      %get3A_570 = arith.index_cast %get3A_569 : i32 to index
      %get3A_571 = arith.constant 80 : index
      %get3A_572 = tpu.vector_load %arg6[%get3A_570, %get3A_571] {strides = array<i32>} : memref<16x512xf32, #tpu.memory_space<vmem>>, vector<1x16xf32>,
      %get3A_573 = vector.shape_cast %get3A_572 : vector<1x16xf32> to vector<16xf32>
      %add3A_574 = arith.addf %add3A_568, %get3A_573 : vector<16xf32>
      %get3A_575 = arith.constant 4 : i32
      %get3A_576 = arith.index_cast %get3A_575 : i32 to index
      %get3A_577 = arith.constant 80 : index
      %get3A_578 = tpu.vector_load %arg6[%get3A_576, %get3A_577] {strides = array<i32>} : memref<16x512xf32, #tpu.memory_space<vmem>>, vector<1x16xf32>,
      %get3A_579 = vector.shape_cast %get3A_578 : vector<1x16xf32> to vector<16xf32>
      %add3A_580 = arith.addf %add3A_574, %get3A_579 : vector<16xf32>
      %get3A_581 = arith.constant 5 : i32
      %get3A_582 = arith.index_cast %get3A_581 : i32 to index
      %get3A_583 = arith.constant 80 : index
      %get3A_584 = tpu.vector_load %arg6[%get3A_582, %get3A_583] {strides = array<i32>} : memref<16x512xf32, #tpu.memory_space<vmem>>, vector<1x16xf32>,
      %get3A_585 = vector.shape_cast %get3A_584 : vector<1x16xf32> to vector<16xf32>
      %add3A_586 = arith.addf %add3A_580, %get3A_585 : vector<16xf32>
      %get3A_587 = arith.constant 6 : i32
      %get3A_588 = arith.index_cast %get3A_587 : i32 to index
      %get3A_589 = arith.constant 80 : index
      %get3A_590 = tpu.vector_load %arg6[%get3A_588, %get3A_589] {strides = array<i32>} : memref<16x512xf32, #tpu.memory_space<vmem>>, vector<1x16xf32>,
      %get3A_591 = vector.shape_cast %get3A_590 : vector<1x16xf32> to vector<16xf32>
      %add3A_592 = arith.addf %add3A_586, %get3A_591 : vector<16xf32>
      %get3A_593 = arith.constant 7 : i32
      %get3A_594 = arith.index_cast %get3A_593 : i32 to index
      %get3A_595 = arith.constant 80 : index
      %get3A_596 = tpu.vector_load %arg6[%get3A_594, %get3A_595] {strides = array<i32>} : memref<16x512xf32, #tpu.memory_space<vmem>>, vector<1x16xf32>,
      %get3A_597 = vector.shape_cast %get3A_596 : vector<1x16xf32> to vector<16xf32>
      %add3A_598 = arith.addf %add3A_592, %get3A_597 : vector<16xf32>
      %get3A_599 = arith.constant 8 : i32
      %get3A_600 = arith.index_cast %get3A_599 : i32 to index
      %get3A_601 = arith.constant 80 : index
      %get3A_602 = tpu.vector_load %arg6[%get3A_600, %get3A_601] {strides = array<i32>} : memref<16x512xf32, #tpu.memory_space<vmem>>, vector<1x16xf32>,
      %get3A_603 = vector.shape_cast %get3A_602 : vector<1x16xf32> to vector<16xf32>
      %add3A_604 = arith.addf %add3A_598, %get3A_603 : vector<16xf32>
      %get3A_605 = arith.constant 9 : i32
      %get3A_606 = arith.index_cast %get3A_605 : i32 to index
      %get3A_607 = arith.constant 80 : index
      %get3A_608 = tpu.vector_load %arg6[%get3A_606, %get3A_607] {strides = array<i32>} : memref<16x512xf32, #tpu.memory_space<vmem>>, vector<1x16xf32>,
      %get3A_609 = vector.shape_cast %get3A_608 : vector<1x16xf32> to vector<16xf32>
      %add3A_610 = arith.addf %add3A_604, %get3A_609 : vector<16xf32>
      %get3A_611 = arith.constant 10 : i32
      %get3A_612 = arith.index_cast %get3A_611 : i32 to index
      %get3A_613 = arith.constant 80 : index
      %get3A_614 = tpu.vector_load %arg6[%get3A_612, %get3A_613] {strides = array<i32>} : memref<16x512xf32, #tpu.memory_space<vmem>>, vector<1x16xf32>,
      %get3A_615 = vector.shape_cast %get3A_614 : vector<1x16xf32> to vector<16xf32>
      %add3A_616 = arith.addf %add3A_610, %get3A_615 : vector<16xf32>
      %get3A_617 = arith.constant 11 : i32
      %get3A_618 = arith.index_cast %get3A_617 : i32 to index
      %get3A_619 = arith.constant 80 : index
      %get3A_620 = tpu.vector_load %arg6[%get3A_618, %get3A_619] {strides = array<i32>} : memref<16x512xf32, #tpu.memory_space<vmem>>, vector<1x16xf32>,
      %get3A_621 = vector.shape_cast %get3A_620 : vector<1x16xf32> to vector<16xf32>
      %add3A_622 = arith.addf %add3A_616, %get3A_621 : vector<16xf32>
      %get3A_623 = arith.constant 12 : i32
      %get3A_624 = arith.index_cast %get3A_623 : i32 to index
      %get3A_625 = arith.constant 80 : index
      %get3A_626 = tpu.vector_load %arg6[%get3A_624, %get3A_625] {strides = array<i32>} : memref<16x512xf32, #tpu.memory_space<vmem>>, vector<1x16xf32>,
      %get3A_627 = vector.shape_cast %get3A_626 : vector<1x16xf32> to vector<16xf32>
      %add3A_628 = arith.addf %add3A_622, %get3A_627 : vector<16xf32>
      %get3A_629 = arith.constant 13 : i32
      %get3A_630 = arith.index_cast %get3A_629 : i32 to index
      %get3A_631 = arith.constant 80 : index
      %get3A_632 = tpu.vector_load %arg6[%get3A_630, %get3A_631] {strides = array<i32>} : memref<16x512xf32, #tpu.memory_space<vmem>>, vector<1x16xf32>,
      %get3A_633 = vector.shape_cast %get3A_632 : vector<1x16xf32> to vector<16xf32>
      %add3A_634 = arith.addf %add3A_628, %get3A_633 : vector<16xf32>
      %get3A_635 = arith.constant 14 : i32
      %get3A_636 = arith.index_cast %get3A_635 : i32 to index
      %get3A_637 = arith.constant 80 : index
      %get3A_638 = tpu.vector_load %arg6[%get3A_636, %get3A_637] {strides = array<i32>} : memref<16x512xf32, #tpu.memory_space<vmem>>, vector<1x16xf32>,
      %get3A_639 = vector.shape_cast %get3A_638 : vector<1x16xf32> to vector<16xf32>
      %add3A_640 = arith.addf %add3A_634, %get3A_639 : vector<16xf32>
      %get3A_641 = arith.constant 15 : i32
      %get3A_642 = arith.index_cast %get3A_641 : i32 to index
      %get3A_643 = arith.constant 80 : index
      %get3A_644 = tpu.vector_load %arg6[%get3A_642, %get3A_643] {strides = array<i32>} : memref<16x512xf32, #tpu.memory_space<vmem>>, vector<1x16xf32>,
      %get3A_645 = vector.shape_cast %get3A_644 : vector<1x16xf32> to vector<16xf32>
      %add3A_646 = arith.addf %add3A_640, %get3A_645 : vector<16xf32>
      %mul3A_647 = arith.constant 6.250000e-02 : f32
      %mul3A_648 = vector.broadcast %mul3A_647 : f32 to vector<16xf32>
      %mul3A_649 = arith.mulf %add3A_646, %mul3A_648 : vector<16xf32>
      %mul3A_650 = arith.constant 1 : i32
      %mul3A_651 = arith.muli %scan3A_10, %mul3A_650 : i32
      %add3A_652 = arith.constant 0 : i32
      %add3A_653 = arith.addi %mul3A_651, %add3A_652 : i32
      %swap3A_654 = arith.index_cast %add3A_653 : i32 to index
      %swap3A_655 = arith.constant 80 : index
      %swap3A_656 = tpu.vector_load %arg7[%swap3A_654, %swap3A_655] {strides = array<i32>} : memref<32x512xf32, #tpu.memory_space<vmem>>, vector<1x16xf32>,
      %swap3A_657 = vector.shape_cast %swap3A_656 : vector<1x16xf32> to vector<16xf32>
      %swap3A_658 = vector.shape_cast %mul3A_649 : vector<16xf32> to vector<1x16xf32>
      tpu.vector_store %arg7[%swap3A_654, %swap3A_655], %swap3A_658 {strides = array<i32>} : memref<32x512xf32, #tpu.memory_space<vmem>>, vector<1x16xf32>,
      %get3A_659 = arith.constant 0 : i32
      %get3A_660 = arith.index_cast %get3A_659 : i32 to index
      %get3A_661 = arith.constant 96 : index
      %get3A_662 = tpu.vector_load %arg6[%get3A_660, %get3A_661] {strides = array<i32>} : memref<16x512xf32, #tpu.memory_space<vmem>>, vector<1x16xf32>,
      %get3A_663 = vector.shape_cast %get3A_662 : vector<1x16xf32> to vector<16xf32>
      %get3A_664 = arith.constant 1 : i32
      %get3A_665 = arith.index_cast %get3A_664 : i32 to index
      %get3A_666 = arith.constant 96 : index
      %get3A_667 = tpu.vector_load %arg6[%get3A_665, %get3A_666] {strides = array<i32>} : memref<16x512xf32, #tpu.memory_space<vmem>>, vector<1x16xf32>,
      %get3A_668 = vector.shape_cast %get3A_667 : vector<1x16xf32> to vector<16xf32>
      %add3A_669 = arith.addf %get3A_663, %get3A_668 : vector<16xf32>
      %get3A_670 = arith.constant 2 : i32
      %get3A_671 = arith.index_cast %get3A_670 : i32 to index
      %get3A_672 = arith.constant 96 : index
      %get3A_673 = tpu.vector_load %arg6[%get3A_671, %get3A_672] {strides = array<i32>} : memref<16x512xf32, #tpu.memory_space<vmem>>, vector<1x16xf32>,
      %get3A_674 = vector.shape_cast %get3A_673 : vector<1x16xf32> to vector<16xf32>
      %add3A_675 = arith.addf %add3A_669, %get3A_674 : vector<16xf32>
      %get3A_676 = arith.constant 3 : i32
      %get3A_677 = arith.index_cast %get3A_676 : i32 to index
      %get3A_678 = arith.constant 96 : index
      %get3A_679 = tpu.vector_load %arg6[%get3A_677, %get3A_678] {strides = array<i32>} : memref<16x512xf32, #tpu.memory_space<vmem>>, vector<1x16xf32>,
      %get3A_680 = vector.shape_cast %get3A_679 : vector<1x16xf32> to vector<16xf32>
      %add3A_681 = arith.addf %add3A_675, %get3A_680 : vector<16xf32>
      %get3A_682 = arith.constant 4 : i32
      %get3A_683 = arith.index_cast %get3A_682 : i32 to index
      %get3A_684 = arith.constant 96 : index
      %get3A_685 = tpu.vector_load %arg6[%get3A_683, %get3A_684] {strides = array<i32>} : memref<16x512xf32, #tpu.memory_space<vmem>>, vector<1x16xf32>,
      %get3A_686 = vector.shape_cast %get3A_685 : vector<1x16xf32> to vector<16xf32>
      %add3A_687 = arith.addf %add3A_681, %get3A_686 : vector<16xf32>
      %get3A_688 = arith.constant 5 : i32
      %get3A_689 = arith.index_cast %get3A_688 : i32 to index
      %get3A_690 = arith.constant 96 : index
      %get3A_691 = tpu.vector_load %arg6[%get3A_689, %get3A_690] {strides = array<i32>} : memref<16x512xf32, #tpu.memory_space<vmem>>, vector<1x16xf32>,
      %get3A_692 = vector.shape_cast %get3A_691 : vector<1x16xf32> to vector<16xf32>
      %add3A_693 = arith.addf %add3A_687, %get3A_692 : vector<16xf32>
      %get3A_694 = arith.constant 6 : i32
      %get3A_695 = arith.index_cast %get3A_694 : i32 to index
      %get3A_696 = arith.constant 96 : index
      %get3A_697 = tpu.vector_load %arg6[%get3A_695, %get3A_696] {strides = array<i32>} : memref<16x512xf32, #tpu.memory_space<vmem>>, vector<1x16xf32>,
      %get3A_698 = vector.shape_cast %get3A_697 : vector<1x16xf32> to vector<16xf32>
      %add3A_699 = arith.addf %add3A_693, %get3A_698 : vector<16xf32>
      %get3A_700 = arith.constant 7 : i32
      %get3A_701 = arith.index_cast %get3A_700 : i32 to index
      %get3A_702 = arith.constant 96 : index
      %get3A_703 = tpu.vector_load %arg6[%get3A_701, %get3A_702] {strides = array<i32>} : memref<16x512xf32, #tpu.memory_space<vmem>>, vector<1x16xf32>,
      %get3A_704 = vector.shape_cast %get3A_703 : vector<1x16xf32> to vector<16xf32>
      %add3A_705 = arith.addf %add3A_699, %get3A_704 : vector<16xf32>
      %get3A_706 = arith.constant 8 : i32
      %get3A_707 = arith.index_cast %get3A_706 : i32 to index
      %get3A_708 = arith.constant 96 : index
      %get3A_709 = tpu.vector_load %arg6[%get3A_707, %get3A_708] {strides = array<i32>} : memref<16x512xf32, #tpu.memory_space<vmem>>, vector<1x16xf32>,
      %get3A_710 = vector.shape_cast %get3A_709 : vector<1x16xf32> to vector<16xf32>
      %add3A_711 = arith.addf %add3A_705, %get3A_710 : vector<16xf32>
      %get3A_712 = arith.constant 9 : i32
      %get3A_713 = arith.index_cast %get3A_712 : i32 to index
      %get3A_714 = arith.constant 96 : index
      %get3A_715 = tpu.vector_load %arg6[%get3A_713, %get3A_714] {strides = array<i32>} : memref<16x512xf32, #tpu.memory_space<vmem>>, vector<1x16xf32>,
      %get3A_716 = vector.shape_cast %get3A_715 : vector<1x16xf32> to vector<16xf32>
      %add3A_717 = arith.addf %add3A_711, %get3A_716 : vector<16xf32>
      %get3A_718 = arith.constant 10 : i32
      %get3A_719 = arith.index_cast %get3A_718 : i32 to index
      %get3A_720 = arith.constant 96 : index
      %get3A_721 = tpu.vector_load %arg6[%get3A_719, %get3A_720] {strides = array<i32>} : memref<16x512xf32, #tpu.memory_space<vmem>>, vector<1x16xf32>,
      %get3A_722 = vector.shape_cast %get3A_721 : vector<1x16xf32> to vector<16xf32>
      %add3A_723 = arith.addf %add3A_717, %get3A_722 : vector<16xf32>
      %get3A_724 = arith.constant 11 : i32
      %get3A_725 = arith.index_cast %get3A_724 : i32 to index
      %get3A_726 = arith.constant 96 : index
      %get3A_727 = tpu.vector_load %arg6[%get3A_725, %get3A_726] {strides = array<i32>} : memref<16x512xf32, #tpu.memory_space<vmem>>, vector<1x16xf32>,
      %get3A_728 = vector.shape_cast %get3A_727 : vector<1x16xf32> to vector<16xf32>
      %add3A_729 = arith.addf %add3A_723, %get3A_728 : vector<16xf32>
      %get3A_730 = arith.constant 12 : i32
      %get3A_731 = arith.index_cast %get3A_730 : i32 to index
      %get3A_732 = arith.constant 96 : index
      %get3A_733 = tpu.vector_load %arg6[%get3A_731, %get3A_732] {strides = array<i32>} : memref<16x512xf32, #tpu.memory_space<vmem>>, vector<1x16xf32>,
      %get3A_734 = vector.shape_cast %get3A_733 : vector<1x16xf32> to vector<16xf32>
      %add3A_735 = arith.addf %add3A_729, %get3A_734 : vector<16xf32>
      %get3A_736 = arith.constant 13 : i32
      %get3A_737 = arith.index_cast %get3A_736 : i32 to index
      %get3A_738 = arith.constant 96 : index
      %get3A_739 = tpu.vector_load %arg6[%get3A_737, %get3A_738] {strides = array<i32>} : memref<16x512xf32, #tpu.memory_space<vmem>>, vector<1x16xf32>,
      %get3A_740 = vector.shape_cast %get3A_739 : vector<1x16xf32> to vector<16xf32>
      %add3A_741 = arith.addf %add3A_735, %get3A_740 : vector<16xf32>
      %get3A_742 = arith.constant 14 : i32
      %get3A_743 = arith.index_cast %get3A_742 : i32 to index
      %get3A_744 = arith.constant 96 : index
      %get3A_745 = tpu.vector_load %arg6[%get3A_743, %get3A_744] {strides = array<i32>} : memref<16x512xf32, #tpu.memory_space<vmem>>, vector<1x16xf32>,
      %get3A_746 = vector.shape_cast %get3A_745 : vector<1x16xf32> to vector<16xf32>
      %add3A_747 = arith.addf %add3A_741, %get3A_746 : vector<16xf32>
      %get3A_748 = arith.constant 15 : i32
      %get3A_749 = arith.index_cast %get3A_748 : i32 to index
      %get3A_750 = arith.constant 96 : index
      %get3A_751 = tpu.vector_load %arg6[%get3A_749, %get3A_750] {strides = array<i32>} : memref<16x512xf32, #tpu.memory_space<vmem>>, vector<1x16xf32>,
      %get3A_752 = vector.shape_cast %get3A_751 : vector<1x16xf32> to vector<16xf32>
      %add3A_753 = arith.addf %add3A_747, %get3A_752 : vector<16xf32>
      %mul3A_754 = arith.constant 6.250000e-02 : f32
      %mul3A_755 = vector.broadcast %mul3A_754 : f32 to vector<16xf32>
      %mul3A_756 = arith.mulf %add3A_753, %mul3A_755 : vector<16xf32>
      %mul3A_757 = arith.constant 1 : i32
      %mul3A_758 = arith.muli %scan3A_10, %mul3A_757 : i32
      %add3A_759 = arith.constant 0 : i32
      %add3A_760 = arith.addi %mul3A_758, %add3A_759 : i32
      %swap3A_761 = arith.index_cast %add3A_760 : i32 to index
      %swap3A_762 = arith.constant 96 : index
      %swap3A_763 = tpu.vector_load %arg7[%swap3A_761, %swap3A_762] {strides = array<i32>} : memref<32x512xf32, #tpu.memory_space<vmem>>, vector<1x16xf32>,
      %swap3A_764 = vector.shape_cast %swap3A_763 : vector<1x16xf32> to vector<16xf32>
      %swap3A_765 = vector.shape_cast %mul3A_756 : vector<16xf32> to vector<1x16xf32>
      tpu.vector_store %arg7[%swap3A_761, %swap3A_762], %swap3A_765 {strides = array<i32>} : memref<32x512xf32, #tpu.memory_space<vmem>>, vector<1x16xf32>,
      %get3A_766 = arith.constant 0 : i32
      %get3A_767 = arith.index_cast %get3A_766 : i32 to index
      %get3A_768 = arith.constant 112 : index
      %get3A_769 = tpu.vector_load %arg6[%get3A_767, %get3A_768] {strides = array<i32>} : memref<16x512xf32, #tpu.memory_space<vmem>>, vector<1x16xf32>,
      %get3A_770 = vector.shape_cast %get3A_769 : vector<1x16xf32> to vector<16xf32>
      %get3A_771 = arith.constant 1 : i32
      %get3A_772 = arith.index_cast %get3A_771 : i32 to index
      %get3A_773 = arith.constant 112 : index
      %get3A_774 = tpu.vector_load %arg6[%get3A_772, %get3A_773] {strides = array<i32>} : memref<16x512xf32, #tpu.memory_space<vmem>>, vector<1x16xf32>,
      %get3A_775 = vector.shape_cast %get3A_774 : vector<1x16xf32> to vector<16xf32>
      %add3A_776 = arith.addf %get3A_770, %get3A_775 : vector<16xf32>
      %get3A_777 = arith.constant 2 : i32
      %get3A_778 = arith.index_cast %get3A_777 : i32 to index
      %get3A_779 = arith.constant 112 : index
      %get3A_780 = tpu.vector_load %arg6[%get3A_778, %get3A_779] {strides = array<i32>} : memref<16x512xf32, #tpu.memory_space<vmem>>, vector<1x16xf32>,
      %get3A_781 = vector.shape_cast %get3A_780 : vector<1x16xf32> to vector<16xf32>
      %add3A_782 = arith.addf %add3A_776, %get3A_781 : vector<16xf32>
      %get3A_783 = arith.constant 3 : i32
      %get3A_784 = arith.index_cast %get3A_783 : i32 to index
      %get3A_785 = arith.constant 112 : index
      %get3A_786 = tpu.vector_load %arg6[%get3A_784, %get3A_785] {strides = array<i32>} : memref<16x512xf32, #tpu.memory_space<vmem>>, vector<1x16xf32>,
      %get3A_787 = vector.shape_cast %get3A_786 : vector<1x16xf32> to vector<16xf32>
      %add3A_788 = arith.addf %add3A_782, %get3A_787 : vector<16xf32>
      %get3A_789 = arith.constant 4 : i32
      %get3A_790 = arith.index_cast %get3A_789 : i32 to index
      %get3A_791 = arith.constant 112 : index
      %get3A_792 = tpu.vector_load %arg6[%get3A_790, %get3A_791] {strides = array<i32>} : memref<16x512xf32, #tpu.memory_space<vmem>>, vector<1x16xf32>,
      %get3A_793 = vector.shape_cast %get3A_792 : vector<1x16xf32> to vector<16xf32>
      %add3A_794 = arith.addf %add3A_788, %get3A_793 : vector<16xf32>
      %get3A_795 = arith.constant 5 : i32
      %get3A_796 = arith.index_cast %get3A_795 : i32 to index
      %get3A_797 = arith.constant 112 : index
      %get3A_798 = tpu.vector_load %arg6[%get3A_796, %get3A_797] {strides = array<i32>} : memref<16x512xf32, #tpu.memory_space<vmem>>, vector<1x16xf32>,
      %get3A_799 = vector.shape_cast %get3A_798 : vector<1x16xf32> to vector<16xf32>
      %add3A_800 = arith.addf %add3A_794, %get3A_799 : vector<16xf32>
      %get3A_801 = arith.constant 6 : i32
      %get3A_802 = arith.index_cast %get3A_801 : i32 to index
      %get3A_803 = arith.constant 112 : index
      %get3A_804 = tpu.vector_load %arg6[%get3A_802, %get3A_803] {strides = array<i32>} : memref<16x512xf32, #tpu.memory_space<vmem>>, vector<1x16xf32>,
      %get3A_805 = vector.shape_cast %get3A_804 : vector<1x16xf32> to vector<16xf32>
      %add3A_806 = arith.addf %add3A_800, %get3A_805 : vector<16xf32>
      %get3A_807 = arith.constant 7 : i32
      %get3A_808 = arith.index_cast %get3A_807 : i32 to index
      %get3A_809 = arith.constant 112 : index
      %get3A_810 = tpu.vector_load %arg6[%get3A_808, %get3A_809] {strides = array<i32>} : memref<16x512xf32, #tpu.memory_space<vmem>>, vector<1x16xf32>,
      %get3A_811 = vector.shape_cast %get3A_810 : vector<1x16xf32> to vector<16xf32>
      %add3A_812 = arith.addf %add3A_806, %get3A_811 : vector<16xf32>
      %get3A_813 = arith.constant 8 : i32
      %get3A_814 = arith.index_cast %get3A_813 : i32 to index
      %get3A_815 = arith.constant 112 : index
      %get3A_816 = tpu.vector_load %arg6[%get3A_814, %get3A_815] {strides = array<i32>} : memref<16x512xf32, #tpu.memory_space<vmem>>, vector<1x16xf32>,
      %get3A_817 = vector.shape_cast %get3A_816 : vector<1x16xf32> to vector<16xf32>
      %add3A_818 = arith.addf %add3A_812, %get3A_817 : vector<16xf32>
      %get3A_819 = arith.constant 9 : i32
      %get3A_820 = arith.index_cast %get3A_819 : i32 to index
      %get3A_821 = arith.constant 112 : index
      %get3A_822 = tpu.vector_load %arg6[%get3A_820, %get3A_821] {strides = array<i32>} : memref<16x512xf32, #tpu.memory_space<vmem>>, vector<1x16xf32>,
      %get3A_823 = vector.shape_cast %get3A_822 : vector<1x16xf32> to vector<16xf32>
      %add3A_824 = arith.addf %add3A_818, %get3A_823 : vector<16xf32>
      %get3A_825 = arith.constant 10 : i32
      %get3A_826 = arith.index_cast %get3A_825 : i32 to index
      %get3A_827 = arith.constant 112 : index
      %get3A_828 = tpu.vector_load %arg6[%get3A_826, %get3A_827] {strides = array<i32>} : memref<16x512xf32, #tpu.memory_space<vmem>>, vector<1x16xf32>,
      %get3A_829 = vector.shape_cast %get3A_828 : vector<1x16xf32> to vector<16xf32>
      %add3A_830 = arith.addf %add3A_824, %get3A_829 : vector<16xf32>
      %get3A_831 = arith.constant 11 : i32
      %get3A_832 = arith.index_cast %get3A_831 : i32 to index
      %get3A_833 = arith.constant 112 : index
      %get3A_834 = tpu.vector_load %arg6[%get3A_832, %get3A_833] {strides = array<i32>} : memref<16x512xf32, #tpu.memory_space<vmem>>, vector<1x16xf32>,
      %get3A_835 = vector.shape_cast %get3A_834 : vector<1x16xf32> to vector<16xf32>
      %add3A_836 = arith.addf %add3A_830, %get3A_835 : vector<16xf32>
      %get3A_837 = arith.constant 12 : i32
      %get3A_838 = arith.index_cast %get3A_837 : i32 to index
      %get3A_839 = arith.constant 112 : index
      %get3A_840 = tpu.vector_load %arg6[%get3A_838, %get3A_839] {strides = array<i32>} : memref<16x512xf32, #tpu.memory_space<vmem>>, vector<1x16xf32>,
      %get3A_841 = vector.shape_cast %get3A_840 : vector<1x16xf32> to vector<16xf32>
      %add3A_842 = arith.addf %add3A_836, %get3A_841 : vector<16xf32>
      %get3A_843 = arith.constant 13 : i32
      %get3A_844 = arith.index_cast %get3A_843 : i32 to index
      %get3A_845 = arith.constant 112 : index
      %get3A_846 = tpu.vector_load %arg6[%get3A_844, %get3A_845] {strides = array<i32>} : memref<16x512xf32, #tpu.memory_space<vmem>>, vector<1x16xf32>,
      %get3A_847 = vector.shape_cast %get3A_846 : vector<1x16xf32> to vector<16xf32>
      %add3A_848 = arith.addf %add3A_842, %get3A_847 : vector<16xf32>
      %get3A_849 = arith.constant 14 : i32
      %get3A_850 = arith.index_cast %get3A_849 : i32 to index
      %get3A_851 = arith.constant 112 : index
      %get3A_852 = tpu.vector_load %arg6[%get3A_850, %get3A_851] {strides = array<i32>} : memref<16x512xf32, #tpu.memory_space<vmem>>, vector<1x16xf32>,
      %get3A_853 = vector.shape_cast %get3A_852 : vector<1x16xf32> to vector<16xf32>
      %add3A_854 = arith.addf %add3A_848, %get3A_853 : vector<16xf32>
      %get3A_855 = arith.constant 15 : i32
      %get3A_856 = arith.index_cast %get3A_855 : i32 to index
      %get3A_857 = arith.constant 112 : index
      %get3A_858 = tpu.vector_load %arg6[%get3A_856, %get3A_857] {strides = array<i32>} : memref<16x512xf32, #tpu.memory_space<vmem>>, vector<1x16xf32>,
      %get3A_859 = vector.shape_cast %get3A_858 : vector<1x16xf32> to vector<16xf32>
      %add3A_860 = arith.addf %add3A_854, %get3A_859 : vector<16xf32>
      %mul3A_861 = arith.constant 6.250000e-02 : f32
      %mul3A_862 = vector.broadcast %mul3A_861 : f32 to vector<16xf32>
      %mul3A_863 = arith.mulf %add3A_860, %mul3A_862 : vector<16xf32>
      %mul3A_864 = arith.constant 1 : i32
      %mul3A_865 = arith.muli %scan3A_10, %mul3A_864 : i32
      %add3A_866 = arith.constant 0 : i32
      %add3A_867 = arith.addi %mul3A_865, %add3A_866 : i32
      %swap3A_868 = arith.index_cast %add3A_867 : i32 to index
      %swap3A_869 = arith.constant 112 : index
      %swap3A_870 = tpu.vector_load %arg7[%swap3A_868, %swap3A_869] {strides = array<i32>} : memref<32x512xf32, #tpu.memory_space<vmem>>, vector<1x16xf32>,
      %swap3A_871 = vector.shape_cast %swap3A_870 : vector<1x16xf32> to vector<16xf32>
      %swap3A_872 = vector.shape_cast %mul3A_863 : vector<16xf32> to vector<1x16xf32>
      tpu.vector_store %arg7[%swap3A_868, %swap3A_869], %swap3A_872 {strides = array<i32>} : memref<32x512xf32, #tpu.memory_space<vmem>>, vector<1x16xf32>,
      %get3A_873 = arith.constant 0 : i32
      %get3A_874 = arith.index_cast %get3A_873 : i32 to index
      %get3A_875 = arith.constant 128 : index
      %get3A_876 = tpu.vector_load %arg6[%get3A_874, %get3A_875] {strides = array<i32>} : memref<16x512xf32, #tpu.memory_space<vmem>>, vector<1x16xf32>,
      %get3A_877 = vector.shape_cast %get3A_876 : vector<1x16xf32> to vector<16xf32>
      %get3A_878 = arith.constant 1 : i32
      %get3A_879 = arith.index_cast %get3A_878 : i32 to index
      %get3A_880 = arith.constant 128 : index
      %get3A_881 = tpu.vector_load %arg6[%get3A_879, %get3A_880] {strides = array<i32>} : memref<16x512xf32, #tpu.memory_space<vmem>>, vector<1x16xf32>,
      %get3A_882 = vector.shape_cast %get3A_881 : vector<1x16xf32> to vector<16xf32>
      %add3A_883 = arith.addf %get3A_877, %get3A_882 : vector<16xf32>
      %get3A_884 = arith.constant 2 : i32
      %get3A_885 = arith.index_cast %get3A_884 : i32 to index
      %get3A_886 = arith.constant 128 : index
      %get3A_887 = tpu.vector_load %arg6[%get3A_885, %get3A_886] {strides = array<i32>} : memref<16x512xf32, #tpu.memory_space<vmem>>, vector<1x16xf32>,
      %get3A_888 = vector.shape_cast %get3A_887 : vector<1x16xf32> to vector<16xf32>
      %add3A_889 = arith.addf %add3A_883, %get3A_888 : vector<16xf32>
      %get3A_890 = arith.constant 3 : i32
      %get3A_891 = arith.index_cast %get3A_890 : i32 to index
      %get3A_892 = arith.constant 128 : index
      %get3A_893 = tpu.vector_load %arg6[%get3A_891, %get3A_892] {strides = array<i32>} : memref<16x512xf32, #tpu.memory_space<vmem>>, vector<1x16xf32>,
      %get3A_894 = vector.shape_cast %get3A_893 : vector<1x16xf32> to vector<16xf32>
      %add3A_895 = arith.addf %add3A_889, %get3A_894 : vector<16xf32>
      %get3A_896 = arith.constant 4 : i32
      %get3A_897 = arith.index_cast %get3A_896 : i32 to index
      %get3A_898 = arith.constant 128 : index
      %get3A_899 = tpu.vector_load %arg6[%get3A_897, %get3A_898] {strides = array<i32>} : memref<16x512xf32, #tpu.memory_space<vmem>>, vector<1x16xf32>,
      %get3A_900 = vector.shape_cast %get3A_899 : vector<1x16xf32> to vector<16xf32>
      %add3A_901 = arith.addf %add3A_895, %get3A_900 : vector<16xf32>
      %get3A_902 = arith.constant 5 : i32
      %get3A_903 = arith.index_cast %get3A_902 : i32 to index
      %get3A_904 = arith.constant 128 : index
      %get3A_905 = tpu.vector_load %arg6[%get3A_903, %get3A_904] {strides = array<i32>} : memref<16x512xf32, #tpu.memory_space<vmem>>, vector<1x16xf32>,
      %get3A_906 = vector.shape_cast %get3A_905 : vector<1x16xf32> to vector<16xf32>
      %add3A_907 = arith.addf %add3A_901, %get3A_906 : vector<16xf32>
      %get3A_908 = arith.constant 6 : i32
      %get3A_909 = arith.index_cast %get3A_908 : i32 to index
      %get3A_910 = arith.constant 128 : index
      %get3A_911 = tpu.vector_load %arg6[%get3A_909, %get3A_910] {strides = array<i32>} : memref<16x512xf32, #tpu.memory_space<vmem>>, vector<1x16xf32>,
      %get3A_912 = vector.shape_cast %get3A_911 : vector<1x16xf32> to vector<16xf32>
      %add3A_913 = arith.addf %add3A_907, %get3A_912 : vector<16xf32>
      %get3A_914 = arith.constant 7 : i32
      %get3A_915 = arith.index_cast %get3A_914 : i32 to index
      %get3A_916 = arith.constant 128 : index
      %get3A_917 = tpu.vector_load %arg6[%get3A_915, %get3A_916] {strides = array<i32>} : memref<16x512xf32, #tpu.memory_space<vmem>>, vector<1x16xf32>,
      %get3A_918 = vector.shape_cast %get3A_917 : vector<1x16xf32> to vector<16xf32>
      %add3A_919 = arith.addf %add3A_913, %get3A_918 : vector<16xf32>
      %get3A_920 = arith.constant 8 : i32
      %get3A_921 = arith.index_cast %get3A_920 : i32 to index
      %get3A_922 = arith.constant 128 : index
      %get3A_923 = tpu.vector_load %arg6[%get3A_921, %get3A_922] {strides = array<i32>} : memref<16x512xf32, #tpu.memory_space<vmem>>, vector<1x16xf32>,
      %get3A_924 = vector.shape_cast %get3A_923 : vector<1x16xf32> to vector<16xf32>
      %add3A_925 = arith.addf %add3A_919, %get3A_924 : vector<16xf32>
      %get3A_926 = arith.constant 9 : i32
      %get3A_927 = arith.index_cast %get3A_926 : i32 to index
      %get3A_928 = arith.constant 128 : index
      %get3A_929 = tpu.vector_load %arg6[%get3A_927, %get3A_928] {strides = array<i32>} : memref<16x512xf32, #tpu.memory_space<vmem>>, vector<1x16xf32>,
      %get3A_930 = vector.shape_cast %get3A_929 : vector<1x16xf32> to vector<16xf32>
      %add3A_931 = arith.addf %add3A_925, %get3A_930 : vector<16xf32>
      %get3A_932 = arith.constant 10 : i32
      %get3A_933 = arith.index_cast %get3A_932 : i32 to index
      %get3A_934 = arith.constant 128 : index
      %get3A_935 = tpu.vector_load %arg6[%get3A_933, %get3A_934] {strides = array<i32>} : memref<16x512xf32, #tpu.memory_space<vmem>>, vector<1x16xf32>,
      %get3A_936 = vector.shape_cast %get3A_935 : vector<1x16xf32> to vector<16xf32>
      %add3A_937 = arith.addf %add3A_931, %get3A_936 : vector<16xf32>
      %get3A_938 = arith.constant 11 : i32
      %get3A_939 = arith.index_cast %get3A_938 : i32 to index
      %get3A_940 = arith.constant 128 : index
      %get3A_941 = tpu.vector_load %arg6[%get3A_939, %get3A_940] {strides = array<i32>} : memref<16x512xf32, #tpu.memory_space<vmem>>, vector<1x16xf32>,
      %get3A_942 = vector.shape_cast %get3A_941 : vector<1x16xf32> to vector<16xf32>
      %add3A_943 = arith.addf %add3A_937, %get3A_942 : vector<16xf32>
      %get3A_944 = arith.constant 12 : i32
      %get3A_945 = arith.index_cast %get3A_944 : i32 to index
      %get3A_946 = arith.constant 128 : index
      %get3A_947 = tpu.vector_load %arg6[%get3A_945, %get3A_946] {strides = array<i32>} : memref<16x512xf32, #tpu.memory_space<vmem>>, vector<1x16xf32>,
      %get3A_948 = vector.shape_cast %get3A_947 : vector<1x16xf32> to vector<16xf32>
      %add3A_949 = arith.addf %add3A_943, %get3A_948 : vector<16xf32>
      %get3A_950 = arith.constant 13 : i32
      %get3A_951 = arith.index_cast %get3A_950 : i32 to index
      %get3A_952 = arith.constant 128 : index
      %get3A_953 = tpu.vector_load %arg6[%get3A_951, %get3A_952] {strides = array<i32>} : memref<16x512xf32, #tpu.memory_space<vmem>>, vector<1x16xf32>,
      %get3A_954 = vector.shape_cast %get3A_953 : vector<1x16xf32> to vector<16xf32>
      %add3A_955 = arith.addf %add3A_949, %get3A_954 : vector<16xf32>
      %get3A_956 = arith.constant 14 : i32
      %get3A_957 = arith.index_cast %get3A_956 : i32 to index
      %get3A_958 = arith.constant 128 : index
      %get3A_959 = tpu.vector_load %arg6[%get3A_957, %get3A_958] {strides = array<i32>} : memref<16x512xf32, #tpu.memory_space<vmem>>, vector<1x16xf32>,
      %get3A_960 = vector.shape_cast %get3A_959 : vector<1x16xf32> to vector<16xf32>
      %add3A_961 = arith.addf %add3A_955, %get3A_960 : vector<16xf32>
      %get3A_962 = arith.constant 15 : i32
      %get3A_963 = arith.index_cast %get3A_962 : i32 to index
      %get3A_964 = arith.constant 128 : index
      %get3A_965 = tpu.vector_load %arg6[%get3A_963, %get3A_964] {strides = array<i32>} : memref<16x512xf32, #tpu.memory_space<vmem>>, vector<1x16xf32>,
      %get3A_966 = vector.shape_cast %get3A_965 : vector<1x16xf32> to vector<16xf32>
      %add3A_967 = arith.addf %add3A_961, %get3A_966 : vector<16xf32>
      %mul3A_968 = arith.constant 6.250000e-02 : f32
      %mul3A_969 = vector.broadcast %mul3A_968 : f32 to vector<16xf32>
      %mul3A_970 = arith.mulf %add3A_967, %mul3A_969 : vector<16xf32>
      %mul3A_971 = arith.constant 1 : i32
      %mul3A_972 = arith.muli %scan3A_10, %mul3A_971 : i32
      %add3A_973 = arith.constant 0 : i32
      %add3A_974 = arith.addi %mul3A_972, %add3A_973 : i32
      %swap3A_975 = arith.index_cast %add3A_974 : i32 to index
      %swap3A_976 = arith.constant 128 : index
      %swap3A_977 = tpu.vector_load %arg7[%swap3A_975, %swap3A_976] {strides = array<i32>} : memref<32x512xf32, #tpu.memory_space<vmem>>, vector<1x16xf32>,
      %swap3A_978 = vector.shape_cast %swap3A_977 : vector<1x16xf32> to vector<16xf32>
      %swap3A_979 = vector.shape_cast %mul3A_970 : vector<16xf32> to vector<1x16xf32>
      tpu.vector_store %arg7[%swap3A_975, %swap3A_976], %swap3A_979 {strides = array<i32>} : memref<32x512xf32, #tpu.memory_space<vmem>>, vector<1x16xf32>,
      %get3A_980 = arith.constant 0 : i32
      %get3A_981 = arith.index_cast %get3A_980 : i32 to index
      %get3A_982 = arith.constant 144 : index
      %get3A_983 = tpu.vector_load %arg6[%get3A_981, %get3A_982] {strides = array<i32>} : memref<16x512xf32, #tpu.memory_space<vmem>>, vector<1x16xf32>,
      %get3A_984 = vector.shape_cast %get3A_983 : vector<1x16xf32> to vector<16xf32>
      %get3A_985 = arith.constant 1 : i32
      %get3A_986 = arith.index_cast %get3A_985 : i32 to index
      %get3A_987 = arith.constant 144 : index
      %get3A_988 = tpu.vector_load %arg6[%get3A_986, %get3A_987] {strides = array<i32>} : memref<16x512xf32, #tpu.memory_space<vmem>>, vector<1x16xf32>,
      %get3A_989 = vector.shape_cast %get3A_988 : vector<1x16xf32> to vector<16xf32>
      %add3A_990 = arith.addf %get3A_984, %get3A_989 : vector<16xf32>
      %get3A_991 = arith.constant 2 : i32
      %get3A_992 = arith.index_cast %get3A_991 : i32 to index
      %get3A_993 = arith.constant 144 : index
      %get3A_994 = tpu.vector_load %arg6[%get3A_992, %get3A_993] {strides = array<i32>} : memref<16x512xf32, #tpu.memory_space<vmem>>, vector<1x16xf32>,
      %get3A_995 = vector.shape_cast %get3A_994 : vector<1x16xf32> to vector<16xf32>
      %add3A_996 = arith.addf %add3A_990, %get3A_995 : vector<16xf32>
      %get3A_997 = arith.constant 3 : i32
      %get3A_998 = arith.index_cast %get3A_997 : i32 to index
      %get3A_999 = arith.constant 144 : index
      %get3A_1000 = tpu.vector_load %arg6[%get3A_998, %get3A_999] {strides = array<i32>} : memref<16x512xf32, #tpu.memory_space<vmem>>, vector<1x16xf32>,
      %get3A_1001 = vector.shape_cast %get3A_1000 : vector<1x16xf32> to vector<16xf32>
      %add3A_1002 = arith.addf %add3A_996, %get3A_1001 : vector<16xf32>
      %get3A_1003 = arith.constant 4 : i32
      %get3A_1004 = arith.index_cast %get3A_1003 : i32 to index
      %get3A_1005 = arith.constant 144 : index
      %get3A_1006 = tpu.vector_load %arg6[%get3A_1004, %get3A_1005] {strides = array<i32>} : memref<16x512xf32, #tpu.memory_space<vmem>>, vector<1x16xf32>,
      %get3A_1007 = vector.shape_cast %get3A_1006 : vector<1x16xf32> to vector<16xf32>
      %add3A_1008 = arith.addf %add3A_1002, %get3A_1007 : vector<16xf32>
      %get3A_1009 = arith.constant 5 : i32
      %get3A_1010 = arith.index_cast %get3A_1009 : i32 to index
      %get3A_1011 = arith.constant 144 : index
      %get3A_1012 = tpu.vector_load %arg6[%get3A_1010, %get3A_1011] {strides = array<i32>} : memref<16x512xf32, #tpu.memory_space<vmem>>, vector<1x16xf32>,
      %get3A_1013 = vector.shape_cast %get3A_1012 : vector<1x16xf32> to vector<16xf32>
      %add3A_1014 = arith.addf %add3A_1008, %get3A_1013 : vector<16xf32>
      %get3A_1015 = arith.constant 6 : i32
      %get3A_1016 = arith.index_cast %get3A_1015 : i32 to index
      %get3A_1017 = arith.constant 144 : index
      %get3A_1018 = tpu.vector_load %arg6[%get3A_1016, %get3A_1017] {strides = array<i32>} : memref<16x512xf32, #tpu.memory_space<vmem>>, vector<1x16xf32>,
      %get3A_1019 = vector.shape_cast %get3A_1018 : vector<1x16xf32> to vector<16xf32>
      %add3A_1020 = arith.addf %add3A_1014, %get3A_1019 : vector<16xf32>
      %get3A_1021 = arith.constant 7 : i32
      %get3A_1022 = arith.index_cast %get3A_1021 : i32 to index
      %get3A_1023 = arith.constant 144 : index
      %get3A_1024 = tpu.vector_load %arg6[%get3A_1022, %get3A_1023] {strides = array<i32>} : memref<16x512xf32, #tpu.memory_space<vmem>>, vector<1x16xf32>,
      %get3A_1025 = vector.shape_cast %get3A_1024 : vector<1x16xf32> to vector<16xf32>
      %add3A_1026 = arith.addf %add3A_1020, %get3A_1025 : vector<16xf32>
      %get3A_1027 = arith.constant 8 : i32
      %get3A_1028 = arith.index_cast %get3A_1027 : i32 to index
      %get3A_1029 = arith.constant 144 : index
      %get3A_1030 = tpu.vector_load %arg6[%get3A_1028, %get3A_1029] {strides = array<i32>} : memref<16x512xf32, #tpu.memory_space<vmem>>, vector<1x16xf32>,
      %get3A_1031 = vector.shape_cast %get3A_1030 : vector<1x16xf32> to vector<16xf32>
      %add3A_1032 = arith.addf %add3A_1026, %get3A_1031 : vector<16xf32>
      %get3A_1033 = arith.constant 9 : i32
      %get3A_1034 = arith.index_cast %get3A_1033 : i32 to index
      %get3A_1035 = arith.constant 144 : index
      %get3A_1036 = tpu.vector_load %arg6[%get3A_1034, %get3A_1035] {strides = array<i32>} : memref<16x512xf32, #tpu.memory_space<vmem>>, vector<1x16xf32>,
      %get3A_1037 = vector.shape_cast %get3A_1036 : vector<1x16xf32> to vector<16xf32>
      %add3A_1038 = arith.addf %add3A_1032, %get3A_1037 : vector<16xf32>
      %get3A_1039 = arith.constant 10 : i32
      %get3A_1040 = arith.index_cast %get3A_1039 : i32 to index
      %get3A_1041 = arith.constant 144 : index
      %get3A_1042 = tpu.vector_load %arg6[%get3A_1040, %get3A_1041] {strides = array<i32>} : memref<16x512xf32, #tpu.memory_space<vmem>>, vector<1x16xf32>,
      %get3A_1043 = vector.shape_cast %get3A_1042 : vector<1x16xf32> to vector<16xf32>
      %add3A_1044 = arith.addf %add3A_1038, %get3A_1043 : vector<16xf32>
      %get3A_1045 = arith.constant 11 : i32
      %get3A_1046 = arith.index_cast %get3A_1045 : i32 to index
      %get3A_1047 = arith.constant 144 : index
      %get3A_1048 = tpu.vector_load %arg6[%get3A_1046, %get3A_1047] {strides = array<i32>} : memref<16x512xf32, #tpu.memory_space<vmem>>, vector<1x16xf32>,
      %get3A_1049 = vector.shape_cast %get3A_1048 : vector<1x16xf32> to vector<16xf32>
      %add3A_1050 = arith.addf %add3A_1044, %get3A_1049 : vector<16xf32>
      %get3A_1051 = arith.constant 12 : i32
      %get3A_1052 = arith.index_cast %get3A_1051 : i32 to index
      %get3A_1053 = arith.constant 144 : index
      %get3A_1054 = tpu.vector_load %arg6[%get3A_1052, %get3A_1053] {strides = array<i32>} : memref<16x512xf32, #tpu.memory_space<vmem>>, vector<1x16xf32>,
      %get3A_1055 = vector.shape_cast %get3A_1054 : vector<1x16xf32> to vector<16xf32>
      %add3A_1056 = arith.addf %add3A_1050, %get3A_1055 : vector<16xf32>
      %get3A_1057 = arith.constant 13 : i32
      %get3A_1058 = arith.index_cast %get3A_1057 : i32 to index
      %get3A_1059 = arith.constant 144 : index
      %get3A_1060 = tpu.vector_load %arg6[%get3A_1058, %get3A_1059] {strides = array<i32>} : memref<16x512xf32, #tpu.memory_space<vmem>>, vector<1x16xf32>,
      %get3A_1061 = vector.shape_cast %get3A_1060 : vector<1x16xf32> to vector<16xf32>
      %add3A_1062 = arith.addf %add3A_1056, %get3A_1061 : vector<16xf32>
      %get3A_1063 = arith.constant 14 : i32
      %get3A_1064 = arith.index_cast %get3A_1063 : i32 to index
      %get3A_1065 = arith.constant 144 : index
      %get3A_1066 = tpu.vector_load %arg6[%get3A_1064, %get3A_1065] {strides = array<i32>} : memref<16x512xf32, #tpu.memory_space<vmem>>, vector<1x16xf32>,
      %get3A_1067 = vector.shape_cast %get3A_1066 : vector<1x16xf32> to vector<16xf32>
      %add3A_1068 = arith.addf %add3A_1062, %get3A_1067 : vector<16xf32>
      %get3A_1069 = arith.constant 15 : i32
      %get3A_1070 = arith.index_cast %get3A_1069 : i32 to index
      %get3A_1071 = arith.constant 144 : index
      %get3A_1072 = tpu.vector_load %arg6[%get3A_1070, %get3A_1071] {strides = array<i32>} : memref<16x512xf32, #tpu.memory_space<vmem>>, vector<1x16xf32>,
      %get3A_1073 = vector.shape_cast %get3A_1072 : vector<1x16xf32> to vector<16xf32>
      %add3A_1074 = arith.addf %add3A_1068, %get3A_1073 : vector<16xf32>
      %mul3A_1075 = arith.constant 6.250000e-02 : f32
      %mul3A_1076 = vector.broadcast %mul3A_1075 : f32 to vector<16xf32>
      %mul3A_1077 = arith.mulf %add3A_1074, %mul3A_1076 : vector<16xf32>
      %mul3A_1078 = arith.constant 1 : i32
      %mul3A_1079 = arith.muli %scan3A_10, %mul3A_1078 : i32
      %add3A_1080 = arith.constant 0 : i32
      %add3A_1081 = arith.addi %mul3A_1079, %add3A_1080 : i32
      %swap3A_1082 = arith.index_cast %add3A_1081 : i32 to index
      %swap3A_1083 = arith.constant 144 : index
      %swap3A_1084 = tpu.vector_load %arg7[%swap3A_1082, %swap3A_1083] {strides = array<i32>} : memref<32x512xf32, #tpu.memory_space<vmem>>, vector<1x16xf32>,
      %swap3A_1085 = vector.shape_cast %swap3A_1084 : vector<1x16xf32> to vector<16xf32>
      %swap3A_1086 = vector.shape_cast %mul3A_1077 : vector<16xf32> to vector<1x16xf32>
      tpu.vector_store %arg7[%swap3A_1082, %swap3A_1083], %swap3A_1086 {strides = array<i32>} : memref<32x512xf32, #tpu.memory_space<vmem>>, vector<1x16xf32>,
      %get3A_1087 = arith.constant 0 : i32
      %get3A_1088 = arith.index_cast %get3A_1087 : i32 to index
      %get3A_1089 = arith.constant 160 : index
      %get3A_1090 = tpu.vector_load %arg6[%get3A_1088, %get3A_1089] {strides = array<i32>} : memref<16x512xf32, #tpu.memory_space<vmem>>, vector<1x16xf32>,
      %get3A_1091 = vector.shape_cast %get3A_1090 : vector<1x16xf32> to vector<16xf32>
      %get3A_1092 = arith.constant 1 : i32
      %get3A_1093 = arith.index_cast %get3A_1092 : i32 to index
      %get3A_1094 = arith.constant 160 : index
      %get3A_1095 = tpu.vector_load %arg6[%get3A_1093, %get3A_1094] {strides = array<i32>} : memref<16x512xf32, #tpu.memory_space<vmem>>, vector<1x16xf32>,
      %get3A_1096 = vector.shape_cast %get3A_1095 : vector<1x16xf32> to vector<16xf32>
      %add3A_1097 = arith.addf %get3A_1091, %get3A_1096 : vector<16xf32>
      %get3A_1098 = arith.constant 2 : i32
      %get3A_1099 = arith.index_cast %get3A_1098 : i32 to index
      %get3A_1100 = arith.constant 160 : index
      %get3A_1101 = tpu.vector_load %arg6[%get3A_1099, %get3A_1100] {strides = array<i32>} : memref<16x512xf32, #tpu.memory_space<vmem>>, vector<1x16xf32>,
      %get3A_1102 = vector.shape_cast %get3A_1101 : vector<1x16xf32> to vector<16xf32>
      %add3A_1103 = arith.addf %add3A_1097, %get3A_1102 : vector<16xf32>
      %get3A_1104 = arith.constant 3 : i32
      %get3A_1105 = arith.index_cast %get3A_1104 : i32 to index
      %get3A_1106 = arith.constant 160 : index
      %get3A_1107 = tpu.vector_load %arg6[%get3A_1105, %get3A_1106] {strides = array<i32>} : memref<16x512xf32, #tpu.memory_space<vmem>>, vector<1x16xf32>,
      %get3A_1108 = vector.shape_cast %get3A_1107 : vector<1x16xf32> to vector<16xf32>
      %add3A_1109 = arith.addf %add3A_1103, %get3A_1108 : vector<16xf32>
      %get3A_1110 = arith.constant 4 : i32
      %get3A_1111 = arith.index_cast %get3A_1110 : i32 to index
      %get3A_1112 = arith.constant 160 : index
      %get3A_1113 = tpu.vector_load %arg6[%get3A_1111, %get3A_1112] {strides = array<i32>} : memref<16x512xf32, #tpu.memory_space<vmem>>, vector<1x16xf32>,
      %get3A_1114 = vector.shape_cast %get3A_1113 : vector<1x16xf32> to vector<16xf32>
      %add3A_1115 = arith.addf %add3A_1109, %get3A_1114 : vector<16xf32>
      %get3A_1116 = arith.constant 5 : i32
      %get3A_1117 = arith.index_cast %get3A_1116 : i32 to index
      %get3A_1118 = arith.constant 160 : index
      %get3A_1119 = tpu.vector_load %arg6[%get3A_1117, %get3A_1118] {strides = array<i32>} : memref<16x512xf32, #tpu.memory_space<vmem>>, vector<1x16xf32>,
      %get3A_1120 = vector.shape_cast %get3A_1119 : vector<1x16xf32> to vector<16xf32>
      %add3A_1121 = arith.addf %add3A_1115, %get3A_1120 : vector<16xf32>
      %get3A_1122 = arith.constant 6 : i32
      %get3A_1123 = arith.index_cast %get3A_1122 : i32 to index
      %get3A_1124 = arith.constant 160 : index
      %get3A_1125 = tpu.vector_load %arg6[%get3A_1123, %get3A_1124] {strides = array<i32>} : memref<16x512xf32, #tpu.memory_space<vmem>>, vector<1x16xf32>,
      %get3A_1126 = vector.shape_cast %get3A_1125 : vector<1x16xf32> to vector<16xf32>
      %add3A_1127 = arith.addf %add3A_1121, %get3A_1126 : vector<16xf32>
      %get3A_1128 = arith.constant 7 : i32
      %get3A_1129 = arith.index_cast %get3A_1128 : i32 to index
      %get3A_1130 = arith.constant 160 : index
      %get3A_1131 = tpu.vector_load %arg6[%get3A_1129, %get3A_1130] {strides = array<i32>} : memref<16x512xf32, #tpu.memory_space<vmem>>, vector<1x16xf32>,
      %get3A_1132 = vector.shape_cast %get3A_1131 : vector<1x16xf32> to vector<16xf32>
      %add3A_1133 = arith.addf %add3A_1127, %get3A_1132 : vector<16xf32>
      %get3A_1134 = arith.constant 8 : i32
      %get3A_1135 = arith.index_cast %get3A_1134 : i32 to index
      %get3A_1136 = arith.constant 160 : index
      %get3A_1137 = tpu.vector_load %arg6[%get3A_1135, %get3A_1136] {strides = array<i32>} : memref<16x512xf32, #tpu.memory_space<vmem>>, vector<1x16xf32>,
      %get3A_1138 = vector.shape_cast %get3A_1137 : vector<1x16xf32> to vector<16xf32>
      %add3A_1139 = arith.addf %add3A_1133, %get3A_1138 : vector<16xf32>
      %get3A_1140 = arith.constant 9 : i32
      %get3A_1141 = arith.index_cast %get3A_1140 : i32 to index
      %get3A_1142 = arith.constant 160 : index
      %get3A_1143 = tpu.vector_load %arg6[%get3A_1141, %get3A_1142] {strides = array<i32>} : memref<16x512xf32, #tpu.memory_space<vmem>>, vector<1x16xf32>,
      %get3A_1144 = vector.shape_cast %get3A_1143 : vector<1x16xf32> to vector<16xf32>
      %add3A_1145 = arith.addf %add3A_1139, %get3A_1144 : vector<16xf32>
      %get3A_1146 = arith.constant 10 : i32
      %get3A_1147 = arith.index_cast %get3A_1146 : i32 to index
      %get3A_1148 = arith.constant 160 : index
      %get3A_1149 = tpu.vector_load %arg6[%get3A_1147, %get3A_1148] {strides = array<i32>} : memref<16x512xf32, #tpu.memory_space<vmem>>, vector<1x16xf32>,
      %get3A_1150 = vector.shape_cast %get3A_1149 : vector<1x16xf32> to vector<16xf32>
      %add3A_1151 = arith.addf %add3A_1145, %get3A_1150 : vector<16xf32>
      %get3A_1152 = arith.constant 11 : i32
      %get3A_1153 = arith.index_cast %get3A_1152 : i32 to index
      %get3A_1154 = arith.constant 160 : index
      %get3A_1155 = tpu.vector_load %arg6[%get3A_1153, %get3A_1154] {strides = array<i32>} : memref<16x512xf32, #tpu.memory_space<vmem>>, vector<1x16xf32>,
      %get3A_1156 = vector.shape_cast %get3A_1155 : vector<1x16xf32> to vector<16xf32>
      %add3A_1157 = arith.addf %add3A_1151, %get3A_1156 : vector<16xf32>
      %get3A_1158 = arith.constant 12 : i32
      %get3A_1159 = arith.index_cast %get3A_1158 : i32 to index
      %get3A_1160 = arith.constant 160 : index
      %get3A_1161 = tpu.vector_load %arg6[%get3A_1159, %get3A_1160] {strides = array<i32>} : memref<16x512xf32, #tpu.memory_space<vmem>>, vector<1x16xf32>,
      %get3A_1162 = vector.shape_cast %get3A_1161 : vector<1x16xf32> to vector<16xf32>
      %add3A_1163 = arith.addf %add3A_1157, %get3A_1162 : vector<16xf32>
      %get3A_1164 = arith.constant 13 : i32
      %get3A_1165 = arith.index_cast %get3A_1164 : i32 to index
      %get3A_1166 = arith.constant 160 : index
      %get3A_1167 = tpu.vector_load %arg6[%get3A_1165, %get3A_1166] {strides = array<i32>} : memref<16x512xf32, #tpu.memory_space<vmem>>, vector<1x16xf32>,
      %get3A_1168 = vector.shape_cast %get3A_1167 : vector<1x16xf32> to vector<16xf32>
      %add3A_1169 = arith.addf %add3A_1163, %get3A_1168 : vector<16xf32>
      %get3A_1170 = arith.constant 14 : i32
      %get3A_1171 = arith.index_cast %get3A_1170 : i32 to index
      %get3A_1172 = arith.constant 160 : index
      %get3A_1173 = tpu.vector_load %arg6[%get3A_1171, %get3A_1172] {strides = array<i32>} : memref<16x512xf32, #tpu.memory_space<vmem>>, vector<1x16xf32>,
      %get3A_1174 = vector.shape_cast %get3A_1173 : vector<1x16xf32> to vector<16xf32>
      %add3A_1175 = arith.addf %add3A_1169, %get3A_1174 : vector<16xf32>
      %get3A_1176 = arith.constant 15 : i32
      %get3A_1177 = arith.index_cast %get3A_1176 : i32 to index
      %get3A_1178 = arith.constant 160 : index
      %get3A_1179 = tpu.vector_load %arg6[%get3A_1177, %get3A_1178] {strides = array<i32>} : memref<16x512xf32, #tpu.memory_space<vmem>>, vector<1x16xf32>,
      %get3A_1180 = vector.shape_cast %get3A_1179 : vector<1x16xf32> to vector<16xf32>
      %add3A_1181 = arith.addf %add3A_1175, %get3A_1180 : vector<16xf32>
      %mul3A_1182 = arith.constant 6.250000e-02 : f32
      %mul3A_1183 = vector.broadcast %mul3A_1182 : f32 to vector<16xf32>
      %mul3A_1184 = arith.mulf %add3A_1181, %mul3A_1183 : vector<16xf32>
      %mul3A_1185 = arith.constant 1 : i32
      %mul3A_1186 = arith.muli %scan3A_10, %mul3A_1185 : i32
      %add3A_1187 = arith.constant 0 : i32
      %add3A_1188 = arith.addi %mul3A_1186, %add3A_1187 : i32
      %swap3A_1189 = arith.index_cast %add3A_1188 : i32 to index
      %swap3A_1190 = arith.constant 160 : index
      %swap3A_1191 = tpu.vector_load %arg7[%swap3A_1189, %swap3A_1190] {strides = array<i32>} : memref<32x512xf32, #tpu.memory_space<vmem>>, vector<1x16xf32>,
      %swap3A_1192 = vector.shape_cast %swap3A_1191 : vector<1x16xf32> to vector<16xf32>
      %swap3A_1193 = vector.shape_cast %mul3A_1184 : vector<16xf32> to vector<1x16xf32>
      tpu.vector_store %arg7[%swap3A_1189, %swap3A_1190], %swap3A_1193 {strides = array<i32>} : memref<32x512xf32, #tpu.memory_space<vmem>>, vector<1x16xf32>,
      %get3A_1194 = arith.constant 0 : i32
      %get3A_1195 = arith.index_cast %get3A_1194 : i32 to index
      %get3A_1196 = arith.constant 176 : index
      %get3A_1197 = tpu.vector_load %arg6[%get3A_1195, %get3A_1196] {strides = array<i32>} : memref<16x512xf32, #tpu.memory_space<vmem>>, vector<1x16xf32>,
      %get3A_1198 = vector.shape_cast %get3A_1197 : vector<1x16xf32> to vector<16xf32>
      %get3A_1199 = arith.constant 1 : i32
      %get3A_1200 = arith.index_cast %get3A_1199 : i32 to index
      %get3A_1201 = arith.constant 176 : index
      %get3A_1202 = tpu.vector_load %arg6[%get3A_1200, %get3A_1201] {strides = array<i32>} : memref<16x512xf32, #tpu.memory_space<vmem>>, vector<1x16xf32>,
      %get3A_1203 = vector.shape_cast %get3A_1202 : vector<1x16xf32> to vector<16xf32>
      %add3A_1204 = arith.addf %get3A_1198, %get3A_1203 : vector<16xf32>
      %get3A_1205 = arith.constant 2 : i32
      %get3A_1206 = arith.index_cast %get3A_1205 : i32 to index
      %get3A_1207 = arith.constant 176 : index
      %get3A_1208 = tpu.vector_load %arg6[%get3A_1206, %get3A_1207] {strides = array<i32>} : memref<16x512xf32, #tpu.memory_space<vmem>>, vector<1x16xf32>,
      %get3A_1209 = vector.shape_cast %get3A_1208 : vector<1x16xf32> to vector<16xf32>
      %add3A_1210 = arith.addf %add3A_1204, %get3A_1209 : vector<16xf32>
      %get3A_1211 = arith.constant 3 : i32
      %get3A_1212 = arith.index_cast %get3A_1211 : i32 to index
      %get3A_1213 = arith.constant 176 : index
      %get3A_1214 = tpu.vector_load %arg6[%get3A_1212, %get3A_1213] {strides = array<i32>} : memref<16x512xf32, #tpu.memory_space<vmem>>, vector<1x16xf32>,
      %get3A_1215 = vector.shape_cast %get3A_1214 : vector<1x16xf32> to vector<16xf32>
      %add3A_1216 = arith.addf %add3A_1210, %get3A_1215 : vector<16xf32>
      %get3A_1217 = arith.constant 4 : i32
      %get3A_1218 = arith.index_cast %get3A_1217 : i32 to index
      %get3A_1219 = arith.constant 176 : index
      %get3A_1220 = tpu.vector_load %arg6[%get3A_1218, %get3A_1219] {strides = array<i32>} : memref<16x512xf32, #tpu.memory_space<vmem>>, vector<1x16xf32>,
      %get3A_1221 = vector.shape_cast %get3A_1220 : vector<1x16xf32> to vector<16xf32>
      %add3A_1222 = arith.addf %add3A_1216, %get3A_1221 : vector<16xf32>
      %get3A_1223 = arith.constant 5 : i32
      %get3A_1224 = arith.index_cast %get3A_1223 : i32 to index
      %get3A_1225 = arith.constant 176 : index
      %get3A_1226 = tpu.vector_load %arg6[%get3A_1224, %get3A_1225] {strides = array<i32>} : memref<16x512xf32, #tpu.memory_space<vmem>>, vector<1x16xf32>,
      %get3A_1227 = vector.shape_cast %get3A_1226 : vector<1x16xf32> to vector<16xf32>
      %add3A_1228 = arith.addf %add3A_1222, %get3A_1227 : vector<16xf32>
      %get3A_1229 = arith.constant 6 : i32
      %get3A_1230 = arith.index_cast %get3A_1229 : i32 to index
      %get3A_1231 = arith.constant 176 : index
      %get3A_1232 = tpu.vector_load %arg6[%get3A_1230, %get3A_1231] {strides = array<i32>} : memref<16x512xf32, #tpu.memory_space<vmem>>, vector<1x16xf32>,
      %get3A_1233 = vector.shape_cast %get3A_1232 : vector<1x16xf32> to vector<16xf32>
      %add3A_1234 = arith.addf %add3A_1228, %get3A_1233 : vector<16xf32>
      %get3A_1235 = arith.constant 7 : i32
      %get3A_1236 = arith.index_cast %get3A_1235 : i32 to index
      %get3A_1237 = arith.constant 176 : index
      %get3A_1238 = tpu.vector_load %arg6[%get3A_1236, %get3A_1237] {strides = array<i32>} : memref<16x512xf32, #tpu.memory_space<vmem>>, vector<1x16xf32>,
      %get3A_1239 = vector.shape_cast %get3A_1238 : vector<1x16xf32> to vector<16xf32>
      %add3A_1240 = arith.addf %add3A_1234, %get3A_1239 : vector<16xf32>
      %get3A_1241 = arith.constant 8 : i32
      %get3A_1242 = arith.index_cast %get3A_1241 : i32 to index
      %get3A_1243 = arith.constant 176 : index
      %get3A_1244 = tpu.vector_load %arg6[%get3A_1242, %get3A_1243] {strides = array<i32>} : memref<16x512xf32, #tpu.memory_space<vmem>>, vector<1x16xf32>,
      %get3A_1245 = vector.shape_cast %get3A_1244 : vector<1x16xf32> to vector<16xf32>
      %add3A_1246 = arith.addf %add3A_1240, %get3A_1245 : vector<16xf32>
      %get3A_1247 = arith.constant 9 : i32
      %get3A_1248 = arith.index_cast %get3A_1247 : i32 to index
      %get3A_1249 = arith.constant 176 : index
      %get3A_1250 = tpu.vector_load %arg6[%get3A_1248, %get3A_1249] {strides = array<i32>} : memref<16x512xf32, #tpu.memory_space<vmem>>, vector<1x16xf32>,
      %get3A_1251 = vector.shape_cast %get3A_1250 : vector<1x16xf32> to vector<16xf32>
      %add3A_1252 = arith.addf %add3A_1246, %get3A_1251 : vector<16xf32>
      %get3A_1253 = arith.constant 10 : i32
      %get3A_1254 = arith.index_cast %get3A_1253 : i32 to index
      %get3A_1255 = arith.constant 176 : index
      %get3A_1256 = tpu.vector_load %arg6[%get3A_1254, %get3A_1255] {strides = array<i32>} : memref<16x512xf32, #tpu.memory_space<vmem>>, vector<1x16xf32>,
      %get3A_1257 = vector.shape_cast %get3A_1256 : vector<1x16xf32> to vector<16xf32>
      %add3A_1258 = arith.addf %add3A_1252, %get3A_1257 : vector<16xf32>
      %get3A_1259 = arith.constant 11 : i32
      %get3A_1260 = arith.index_cast %get3A_1259 : i32 to index
      %get3A_1261 = arith.constant 176 : index
      %get3A_1262 = tpu.vector_load %arg6[%get3A_1260, %get3A_1261] {strides = array<i32>} : memref<16x512xf32, #tpu.memory_space<vmem>>, vector<1x16xf32>,
      %get3A_1263 = vector.shape_cast %get3A_1262 : vector<1x16xf32> to vector<16xf32>
      %add3A_1264 = arith.addf %add3A_1258, %get3A_1263 : vector<16xf32>
      %get3A_1265 = arith.constant 12 : i32
      %get3A_1266 = arith.index_cast %get3A_1265 : i32 to index
      %get3A_1267 = arith.constant 176 : index
      %get3A_1268 = tpu.vector_load %arg6[%get3A_1266, %get3A_1267] {strides = array<i32>} : memref<16x512xf32, #tpu.memory_space<vmem>>, vector<1x16xf32>,
      %get3A_1269 = vector.shape_cast %get3A_1268 : vector<1x16xf32> to vector<16xf32>
      %add3A_1270 = arith.addf %add3A_1264, %get3A_1269 : vector<16xf32>
      %get3A_1271 = arith.constant 13 : i32
      %get3A_1272 = arith.index_cast %get3A_1271 : i32 to index
      %get3A_1273 = arith.constant 176 : index
      %get3A_1274 = tpu.vector_load %arg6[%get3A_1272, %get3A_1273] {strides = array<i32>} : memref<16x512xf32, #tpu.memory_space<vmem>>, vector<1x16xf32>,
      %get3A_1275 = vector.shape_cast %get3A_1274 : vector<1x16xf32> to vector<16xf32>
      %add3A_1276 = arith.addf %add3A_1270, %get3A_1275 : vector<16xf32>
      %get3A_1277 = arith.constant 14 : i32
      %get3A_1278 = arith.index_cast %get3A_1277 : i32 to index
      %get3A_1279 = arith.constant 176 : index
      %get3A_1280 = tpu.vector_load %arg6[%get3A_1278, %get3A_1279] {strides = array<i32>} : memref<16x512xf32, #tpu.memory_space<vmem>>, vector<1x16xf32>,
      %get3A_1281 = vector.shape_cast %get3A_1280 : vector<1x16xf32> to vector<16xf32>
      %add3A_1282 = arith.addf %add3A_1276, %get3A_1281 : vector<16xf32>
      %get3A_1283 = arith.constant 15 : i32
      %get3A_1284 = arith.index_cast %get3A_1283 : i32 to index
      %get3A_1285 = arith.constant 176 : index
      %get3A_1286 = tpu.vector_load %arg6[%get3A_1284, %get3A_1285] {strides = array<i32>} : memref<16x512xf32, #tpu.memory_space<vmem>>, vector<1x16xf32>,
      %get3A_1287 = vector.shape_cast %get3A_1286 : vector<1x16xf32> to vector<16xf32>
      %add3A_1288 = arith.addf %add3A_1282, %get3A_1287 : vector<16xf32>
      %mul3A_1289 = arith.constant 6.250000e-02 : f32
      %mul3A_1290 = vector.broadcast %mul3A_1289 : f32 to vector<16xf32>
      %mul3A_1291 = arith.mulf %add3A_1288, %mul3A_1290 : vector<16xf32>
      %mul3A_1292 = arith.constant 1 : i32
      %mul3A_1293 = arith.muli %scan3A_10, %mul3A_1292 : i32
      %add3A_1294 = arith.constant 0 : i32
      %add3A_1295 = arith.addi %mul3A_1293, %add3A_1294 : i32
      %swap3A_1296 = arith.index_cast %add3A_1295 : i32 to index
      %swap3A_1297 = arith.constant 176 : index
      %swap3A_1298 = tpu.vector_load %arg7[%swap3A_1296, %swap3A_1297] {strides = array<i32>} : memref<32x512xf32, #tpu.memory_space<vmem>>, vector<1x16xf32>,
      %swap3A_1299 = vector.shape_cast %swap3A_1298 : vector<1x16xf32> to vector<16xf32>
      %swap3A_1300 = vector.shape_cast %mul3A_1291 : vector<16xf32> to vector<1x16xf32>
      tpu.vector_store %arg7[%swap3A_1296, %swap3A_1297], %swap3A_1300 {strides = array<i32>} : memref<32x512xf32, #tpu.memory_space<vmem>>, vector<1x16xf32>,
      %get3A_1301 = arith.constant 0 : i32
      %get3A_1302 = arith.index_cast %get3A_1301 : i32 to index
      %get3A_1303 = arith.constant 192 : index
      %get3A_1304 = tpu.vector_load %arg6[%get3A_1302, %get3A_1303] {strides = array<i32>} : memref<16x512xf32, #tpu.memory_space<vmem>>, vector<1x16xf32>,
      %get3A_1305 = vector.shape_cast %get3A_1304 : vector<1x16xf32> to vector<16xf32>
      %get3A_1306 = arith.constant 1 : i32
      %get3A_1307 = arith.index_cast %get3A_1306 : i32 to index
      %get3A_1308 = arith.constant 192 : index
      %get3A_1309 = tpu.vector_load %arg6[%get3A_1307, %get3A_1308] {strides = array<i32>} : memref<16x512xf32, #tpu.memory_space<vmem>>, vector<1x16xf32>,
      %get3A_1310 = vector.shape_cast %get3A_1309 : vector<1x16xf32> to vector<16xf32>
      %add3A_1311 = arith.addf %get3A_1305, %get3A_1310 : vector<16xf32>
      %get3A_1312 = arith.constant 2 : i32
      %get3A_1313 = arith.index_cast %get3A_1312 : i32 to index
      %get3A_1314 = arith.constant 192 : index
      %get3A_1315 = tpu.vector_load %arg6[%get3A_1313, %get3A_1314] {strides = array<i32>} : memref<16x512xf32, #tpu.memory_space<vmem>>, vector<1x16xf32>,
      %get3A_1316 = vector.shape_cast %get3A_1315 : vector<1x16xf32> to vector<16xf32>
      %add3A_1317 = arith.addf %add3A_1311, %get3A_1316 : vector<16xf32>
      %get3A_1318 = arith.constant 3 : i32
      %get3A_1319 = arith.index_cast %get3A_1318 : i32 to index
      %get3A_1320 = arith.constant 192 : index
      %get3A_1321 = tpu.vector_load %arg6[%get3A_1319, %get3A_1320] {strides = array<i32>} : memref<16x512xf32, #tpu.memory_space<vmem>>, vector<1x16xf32>,
      %get3A_1322 = vector.shape_cast %get3A_1321 : vector<1x16xf32> to vector<16xf32>
      %add3A_1323 = arith.addf %add3A_1317, %get3A_1322 : vector<16xf32>
      %get3A_1324 = arith.constant 4 : i32
      %get3A_1325 = arith.index_cast %get3A_1324 : i32 to index
      %get3A_1326 = arith.constant 192 : index
      %get3A_1327 = tpu.vector_load %arg6[%get3A_1325, %get3A_1326] {strides = array<i32>} : memref<16x512xf32, #tpu.memory_space<vmem>>, vector<1x16xf32>,
      %get3A_1328 = vector.shape_cast %get3A_1327 : vector<1x16xf32> to vector<16xf32>
      %add3A_1329 = arith.addf %add3A_1323, %get3A_1328 : vector<16xf32>
      %get3A_1330 = arith.constant 5 : i32
      %get3A_1331 = arith.index_cast %get3A_1330 : i32 to index
      %get3A_1332 = arith.constant 192 : index
      %get3A_1333 = tpu.vector_load %arg6[%get3A_1331, %get3A_1332] {strides = array<i32>} : memref<16x512xf32, #tpu.memory_space<vmem>>, vector<1x16xf32>,
      %get3A_1334 = vector.shape_cast %get3A_1333 : vector<1x16xf32> to vector<16xf32>
      %add3A_1335 = arith.addf %add3A_1329, %get3A_1334 : vector<16xf32>
      %get3A_1336 = arith.constant 6 : i32
      %get3A_1337 = arith.index_cast %get3A_1336 : i32 to index
      %get3A_1338 = arith.constant 192 : index
      %get3A_1339 = tpu.vector_load %arg6[%get3A_1337, %get3A_1338] {strides = array<i32>} : memref<16x512xf32, #tpu.memory_space<vmem>>, vector<1x16xf32>,
      %get3A_1340 = vector.shape_cast %get3A_1339 : vector<1x16xf32> to vector<16xf32>
      %add3A_1341 = arith.addf %add3A_1335, %get3A_1340 : vector<16xf32>
      %get3A_1342 = arith.constant 7 : i32
      %get3A_1343 = arith.index_cast %get3A_1342 : i32 to index
      %get3A_1344 = arith.constant 192 : index
      %get3A_1345 = tpu.vector_load %arg6[%get3A_1343, %get3A_1344] {strides = array<i32>} : memref<16x512xf32, #tpu.memory_space<vmem>>, vector<1x16xf32>,
      %get3A_1346 = vector.shape_cast %get3A_1345 : vector<1x16xf32> to vector<16xf32>
      %add3A_1347 = arith.addf %add3A_1341, %get3A_1346 : vector<16xf32>
      %get3A_1348 = arith.constant 8 : i32
      %get3A_1349 = arith.index_cast %get3A_1348 : i32 to index
      %get3A_1350 = arith.constant 192 : index
      %get3A_1351 = tpu.vector_load %arg6[%get3A_1349, %get3A_1350] {strides = array<i32>} : memref<16x512xf32, #tpu.memory_space<vmem>>, vector<1x16xf32>,
      %get3A_1352 = vector.shape_cast %get3A_1351 : vector<1x16xf32> to vector<16xf32>
      %add3A_1353 = arith.addf %add3A_1347, %get3A_1352 : vector<16xf32>
      %get3A_1354 = arith.constant 9 : i32
      %get3A_1355 = arith.index_cast %get3A_1354 : i32 to index
      %get3A_1356 = arith.constant 192 : index
      %get3A_1357 = tpu.vector_load %arg6[%get3A_1355, %get3A_1356] {strides = array<i32>} : memref<16x512xf32, #tpu.memory_space<vmem>>, vector<1x16xf32>,
      %get3A_1358 = vector.shape_cast %get3A_1357 : vector<1x16xf32> to vector<16xf32>
      %add3A_1359 = arith.addf %add3A_1353, %get3A_1358 : vector<16xf32>
      %get3A_1360 = arith.constant 10 : i32
      %get3A_1361 = arith.index_cast %get3A_1360 : i32 to index
      %get3A_1362 = arith.constant 192 : index
      %get3A_1363 = tpu.vector_load %arg6[%get3A_1361, %get3A_1362] {strides = array<i32>} : memref<16x512xf32, #tpu.memory_space<vmem>>, vector<1x16xf32>,
      %get3A_1364 = vector.shape_cast %get3A_1363 : vector<1x16xf32> to vector<16xf32>
      %add3A_1365 = arith.addf %add3A_1359, %get3A_1364 : vector<16xf32>
      %get3A_1366 = arith.constant 11 : i32
      %get3A_1367 = arith.index_cast %get3A_1366 : i32 to index
      %get3A_1368 = arith.constant 192 : index
      %get3A_1369 = tpu.vector_load %arg6[%get3A_1367, %get3A_1368] {strides = array<i32>} : memref<16x512xf32, #tpu.memory_space<vmem>>, vector<1x16xf32>,
      %get3A_1370 = vector.shape_cast %get3A_1369 : vector<1x16xf32> to vector<16xf32>
      %add3A_1371 = arith.addf %add3A_1365, %get3A_1370 : vector<16xf32>
      %get3A_1372 = arith.constant 12 : i32
      %get3A_1373 = arith.index_cast %get3A_1372 : i32 to index
      %get3A_1374 = arith.constant 192 : index
      %get3A_1375 = tpu.vector_load %arg6[%get3A_1373, %get3A_1374] {strides = array<i32>} : memref<16x512xf32, #tpu.memory_space<vmem>>, vector<1x16xf32>,
      %get3A_1376 = vector.shape_cast %get3A_1375 : vector<1x16xf32> to vector<16xf32>
      %add3A_1377 = arith.addf %add3A_1371, %get3A_1376 : vector<16xf32>
      %get3A_1378 = arith.constant 13 : i32
      %get3A_1379 = arith.index_cast %get3A_1378 : i32 to index
      %get3A_1380 = arith.constant 192 : index
      %get3A_1381 = tpu.vector_load %arg6[%get3A_1379, %get3A_1380] {strides = array<i32>} : memref<16x512xf32, #tpu.memory_space<vmem>>, vector<1x16xf32>,
      %get3A_1382 = vector.shape_cast %get3A_1381 : vector<1x16xf32> to vector<16xf32>
      %add3A_1383 = arith.addf %add3A_1377, %get3A_1382 : vector<16xf32>
      %get3A_1384 = arith.constant 14 : i32
      %get3A_1385 = arith.index_cast %get3A_1384 : i32 to index
      %get3A_1386 = arith.constant 192 : index
      %get3A_1387 = tpu.vector_load %arg6[%get3A_1385, %get3A_1386] {strides = array<i32>} : memref<16x512xf32, #tpu.memory_space<vmem>>, vector<1x16xf32>,
      %get3A_1388 = vector.shape_cast %get3A_1387 : vector<1x16xf32> to vector<16xf32>
      %add3A_1389 = arith.addf %add3A_1383, %get3A_1388 : vector<16xf32>
      %get3A_1390 = arith.constant 15 : i32
      %get3A_1391 = arith.index_cast %get3A_1390 : i32 to index
      %get3A_1392 = arith.constant 192 : index
      %get3A_1393 = tpu.vector_load %arg6[%get3A_1391, %get3A_1392] {strides = array<i32>} : memref<16x512xf32, #tpu.memory_space<vmem>>, vector<1x16xf32>,
      %get3A_1394 = vector.shape_cast %get3A_1393 : vector<1x16xf32> to vector<16xf32>
      %add3A_1395 = arith.addf %add3A_1389, %get3A_1394 : vector<16xf32>
      %mul3A_1396 = arith.constant 6.250000e-02 : f32
      %mul3A_1397 = vector.broadcast %mul3A_1396 : f32 to vector<16xf32>
      %mul3A_1398 = arith.mulf %add3A_1395, %mul3A_1397 : vector<16xf32>
      %mul3A_1399 = arith.constant 1 : i32
      %mul3A_1400 = arith.muli %scan3A_10, %mul3A_1399 : i32
      %add3A_1401 = arith.constant 0 : i32
      %add3A_1402 = arith.addi %mul3A_1400, %add3A_1401 : i32
      %swap3A_1403 = arith.index_cast %add3A_1402 : i32 to index
      %swap3A_1404 = arith.constant 192 : index
      %swap3A_1405 = tpu.vector_load %arg7[%swap3A_1403, %swap3A_1404] {strides = array<i32>} : memref<32x512xf32, #tpu.memory_space<vmem>>, vector<1x16xf32>,
      %swap3A_1406 = vector.shape_cast %swap3A_1405 : vector<1x16xf32> to vector<16xf32>
      %swap3A_1407 = vector.shape_cast %mul3A_1398 : vector<16xf32> to vector<1x16xf32>
      tpu.vector_store %arg7[%swap3A_1403, %swap3A_1404], %swap3A_1407 {strides = array<i32>} : memref<32x512xf32, #tpu.memory_space<vmem>>, vector<1x16xf32>,
      %get3A_1408 = arith.constant 0 : i32
      %get3A_1409 = arith.index_cast %get3A_1408 : i32 to index
      %get3A_1410 = arith.constant 208 : index
      %get3A_1411 = tpu.vector_load %arg6[%get3A_1409, %get3A_1410] {strides = array<i32>} : memref<16x512xf32, #tpu.memory_space<vmem>>, vector<1x16xf32>,
      %get3A_1412 = vector.shape_cast %get3A_1411 : vector<1x16xf32> to vector<16xf32>
      %get3A_1413 = arith.constant 1 : i32
      %get3A_1414 = arith.index_cast %get3A_1413 : i32 to index
      %get3A_1415 = arith.constant 208 : index
      %get3A_1416 = tpu.vector_load %arg6[%get3A_1414, %get3A_1415] {strides = array<i32>} : memref<16x512xf32, #tpu.memory_space<vmem>>, vector<1x16xf32>,
      %get3A_1417 = vector.shape_cast %get3A_1416 : vector<1x16xf32> to vector<16xf32>
      %add3A_1418 = arith.addf %get3A_1412, %get3A_1417 : vector<16xf32>
      %get3A_1419 = arith.constant 2 : i32
      %get3A_1420 = arith.index_cast %get3A_1419 : i32 to index
      %get3A_1421 = arith.constant 208 : index
      %get3A_1422 = tpu.vector_load %arg6[%get3A_1420, %get3A_1421] {strides = array<i32>} : memref<16x512xf32, #tpu.memory_space<vmem>>, vector<1x16xf32>,
      %get3A_1423 = vector.shape_cast %get3A_1422 : vector<1x16xf32> to vector<16xf32>
      %add3A_1424 = arith.addf %add3A_1418, %get3A_1423 : vector<16xf32>
      %get3A_1425 = arith.constant 3 : i32
      %get3A_1426 = arith.index_cast %get3A_1425 : i32 to index
      %get3A_1427 = arith.constant 208 : index
      %get3A_1428 = tpu.vector_load %arg6[%get3A_1426, %get3A_1427] {strides = array<i32>} : memref<16x512xf32, #tpu.memory_space<vmem>>, vector<1x16xf32>,
      %get3A_1429 = vector.shape_cast %get3A_1428 : vector<1x16xf32> to vector<16xf32>
      %add3A_1430 = arith.addf %add3A_1424, %get3A_1429 : vector<16xf32>
      %get3A_1431 = arith.constant 4 : i32
      %get3A_1432 = arith.index_cast %get3A_1431 : i32 to index
      %get3A_1433 = arith.constant 208 : index
      %get3A_1434 = tpu.vector_load %arg6[%get3A_1432, %get3A_1433] {strides = array<i32>} : memref<16x512xf32, #tpu.memory_space<vmem>>, vector<1x16xf32>,
      %get3A_1435 = vector.shape_cast %get3A_1434 : vector<1x16xf32> to vector<16xf32>
      %add3A_1436 = arith.addf %add3A_1430, %get3A_1435 : vector<16xf32>
      %get3A_1437 = arith.constant 5 : i32
      %get3A_1438 = arith.index_cast %get3A_1437 : i32 to index
      %get3A_1439 = arith.constant 208 : index
      %get3A_1440 = tpu.vector_load %arg6[%get3A_1438, %get3A_1439] {strides = array<i32>} : memref<16x512xf32, #tpu.memory_space<vmem>>, vector<1x16xf32>,
      %get3A_1441 = vector.shape_cast %get3A_1440 : vector<1x16xf32> to vector<16xf32>
      %add3A_1442 = arith.addf %add3A_1436, %get3A_1441 : vector<16xf32>
      %get3A_1443 = arith.constant 6 : i32
      %get3A_1444 = arith.index_cast %get3A_1443 : i32 to index
      %get3A_1445 = arith.constant 208 : index
      %get3A_1446 = tpu.vector_load %arg6[%get3A_1444, %get3A_1445] {strides = array<i32>} : memref<16x512xf32, #tpu.memory_space<vmem>>, vector<1x16xf32>,
      %get3A_1447 = vector.shape_cast %get3A_1446 : vector<1x16xf32> to vector<16xf32>
      %add3A_1448 = arith.addf %add3A_1442, %get3A_1447 : vector<16xf32>
      %get3A_1449 = arith.constant 7 : i32
      %get3A_1450 = arith.index_cast %get3A_1449 : i32 to index
      %get3A_1451 = arith.constant 208 : index
      %get3A_1452 = tpu.vector_load %arg6[%get3A_1450, %get3A_1451] {strides = array<i32>} : memref<16x512xf32, #tpu.memory_space<vmem>>, vector<1x16xf32>,
      %get3A_1453 = vector.shape_cast %get3A_1452 : vector<1x16xf32> to vector<16xf32>
      %add3A_1454 = arith.addf %add3A_1448, %get3A_1453 : vector<16xf32>
      %get3A_1455 = arith.constant 8 : i32
      %get3A_1456 = arith.index_cast %get3A_1455 : i32 to index
      %get3A_1457 = arith.constant 208 : index
      %get3A_1458 = tpu.vector_load %arg6[%get3A_1456, %get3A_1457] {strides = array<i32>} : memref<16x512xf32, #tpu.memory_space<vmem>>, vector<1x16xf32>,
      %get3A_1459 = vector.shape_cast %get3A_1458 : vector<1x16xf32> to vector<16xf32>
      %add3A_1460 = arith.addf %add3A_1454, %get3A_1459 : vector<16xf32>
      %get3A_1461 = arith.constant 9 : i32
      %get3A_1462 = arith.index_cast %get3A_1461 : i32 to index
      %get3A_1463 = arith.constant 208 : index
      %get3A_1464 = tpu.vector_load %arg6[%get3A_1462, %get3A_1463] {strides = array<i32>} : memref<16x512xf32, #tpu.memory_space<vmem>>, vector<1x16xf32>,
      %get3A_1465 = vector.shape_cast %get3A_1464 : vector<1x16xf32> to vector<16xf32>
      %add3A_1466 = arith.addf %add3A_1460, %get3A_1465 : vector<16xf32>
      %get3A_1467 = arith.constant 10 : i32
      %get3A_1468 = arith.index_cast %get3A_1467 : i32 to index
      %get3A_1469 = arith.constant 208 : index
      %get3A_1470 = tpu.vector_load %arg6[%get3A_1468, %get3A_1469] {strides = array<i32>} : memref<16x512xf32, #tpu.memory_space<vmem>>, vector<1x16xf32>,
      %get3A_1471 = vector.shape_cast %get3A_1470 : vector<1x16xf32> to vector<16xf32>
      %add3A_1472 = arith.addf %add3A_1466, %get3A_1471 : vector<16xf32>
      %get3A_1473 = arith.constant 11 : i32
      %get3A_1474 = arith.index_cast %get3A_1473 : i32 to index
      %get3A_1475 = arith.constant 208 : index
      %get3A_1476 = tpu.vector_load %arg6[%get3A_1474, %get3A_1475] {strides = array<i32>} : memref<16x512xf32, #tpu.memory_space<vmem>>, vector<1x16xf32>,
      %get3A_1477 = vector.shape_cast %get3A_1476 : vector<1x16xf32> to vector<16xf32>
      %add3A_1478 = arith.addf %add3A_1472, %get3A_1477 : vector<16xf32>
      %get3A_1479 = arith.constant 12 : i32
      %get3A_1480 = arith.index_cast %get3A_1479 : i32 to index
      %get3A_1481 = arith.constant 208 : index
      %get3A_1482 = tpu.vector_load %arg6[%get3A_1480, %get3A_1481] {strides = array<i32>} : memref<16x512xf32, #tpu.memory_space<vmem>>, vector<1x16xf32>,
      %get3A_1483 = vector.shape_cast %get3A_1482 : vector<1x16xf32> to vector<16xf32>
      %add3A_1484 = arith.addf %add3A_1478, %get3A_1483 : vector<16xf32>
      %get3A_1485 = arith.constant 13 : i32
      %get3A_1486 = arith.index_cast %get3A_1485 : i32 to index
      %get3A_1487 = arith.constant 208 : index
      %get3A_1488 = tpu.vector_load %arg6[%get3A_1486, %get3A_1487] {strides = array<i32>} : memref<16x512xf32, #tpu.memory_space<vmem>>, vector<1x16xf32>,
      %get3A_1489 = vector.shape_cast %get3A_1488 : vector<1x16xf32> to vector<16xf32>
      %add3A_1490 = arith.addf %add3A_1484, %get3A_1489 : vector<16xf32>
      %get3A_1491 = arith.constant 14 : i32
      %get3A_1492 = arith.index_cast %get3A_1491 : i32 to index
      %get3A_1493 = arith.constant 208 : index
      %get3A_1494 = tpu.vector_load %arg6[%get3A_1492, %get3A_1493] {strides = array<i32>} : memref<16x512xf32, #tpu.memory_space<vmem>>, vector<1x16xf32>,
      %get3A_1495 = vector.shape_cast %get3A_1494 : vector<1x16xf32> to vector<16xf32>
      %add3A_1496 = arith.addf %add3A_1490, %get3A_1495 : vector<16xf32>
      %get3A_1497 = arith.constant 15 : i32
      %get3A_1498 = arith.index_cast %get3A_1497 : i32 to index
      %get3A_1499 = arith.constant 208 : index
      %get3A_1500 = tpu.vector_load %arg6[%get3A_1498, %get3A_1499] {strides = array<i32>} : memref<16x512xf32, #tpu.memory_space<vmem>>, vector<1x16xf32>,
      %get3A_1501 = vector.shape_cast %get3A_1500 : vector<1x16xf32> to vector<16xf32>
      %add3A_1502 = arith.addf %add3A_1496, %get3A_1501 : vector<16xf32>
      %mul3A_1503 = arith.constant 6.250000e-02 : f32
      %mul3A_1504 = vector.broadcast %mul3A_1503 : f32 to vector<16xf32>
      %mul3A_1505 = arith.mulf %add3A_1502, %mul3A_1504 : vector<16xf32>
      %mul3A_1506 = arith.constant 1 : i32
      %mul3A_1507 = arith.muli %scan3A_10, %mul3A_1506 : i32
      %add3A_1508 = arith.constant 0 : i32
      %add3A_1509 = arith.addi %mul3A_1507, %add3A_1508 : i32
      %swap3A_1510 = arith.index_cast %add3A_1509 : i32 to index
      %swap3A_1511 = arith.constant 208 : index
      %swap3A_1512 = tpu.vector_load %arg7[%swap3A_1510, %swap3A_1511] {strides = array<i32>} : memref<32x512xf32, #tpu.memory_space<vmem>>, vector<1x16xf32>,
      %swap3A_1513 = vector.shape_cast %swap3A_1512 : vector<1x16xf32> to vector<16xf32>
      %swap3A_1514 = vector.shape_cast %mul3A_1505 : vector<16xf32> to vector<1x16xf32>
      tpu.vector_store %arg7[%swap3A_1510, %swap3A_1511], %swap3A_1514 {strides = array<i32>} : memref<32x512xf32, #tpu.memory_space<vmem>>, vector<1x16xf32>,
      %get3A_1515 = arith.constant 0 : i32
      %get3A_1516 = arith.index_cast %get3A_1515 : i32 to index
      %get3A_1517 = arith.constant 224 : index
      %get3A_1518 = tpu.vector_load %arg6[%get3A_1516, %get3A_1517] {strides = array<i32>} : memref<16x512xf32, #tpu.memory_space<vmem>>, vector<1x16xf32>,
      %get3A_1519 = vector.shape_cast %get3A_1518 : vector<1x16xf32> to vector<16xf32>
      %get3A_1520 = arith.constant 1 : i32
      %get3A_1521 = arith.index_cast %get3A_1520 : i32 to index
      %get3A_1522 = arith.constant 224 : index
      %get3A_1523 = tpu.vector_load %arg6[%get3A_1521, %get3A_1522] {strides = array<i32>} : memref<16x512xf32, #tpu.memory_space<vmem>>, vector<1x16xf32>,
      %get3A_1524 = vector.shape_cast %get3A_1523 : vector<1x16xf32> to vector<16xf32>
      %add3A_1525 = arith.addf %get3A_1519, %get3A_1524 : vector<16xf32>
      %get3A_1526 = arith.constant 2 : i32
      %get3A_1527 = arith.index_cast %get3A_1526 : i32 to index
      %get3A_1528 = arith.constant 224 : index
      %get3A_1529 = tpu.vector_load %arg6[%get3A_1527, %get3A_1528] {strides = array<i32>} : memref<16x512xf32, #tpu.memory_space<vmem>>, vector<1x16xf32>,
      %get3A_1530 = vector.shape_cast %get3A_1529 : vector<1x16xf32> to vector<16xf32>
      %add3A_1531 = arith.addf %add3A_1525, %get3A_1530 : vector<16xf32>
      %get3A_1532 = arith.constant 3 : i32
      %get3A_1533 = arith.index_cast %get3A_1532 : i32 to index
      %get3A_1534 = arith.constant 224 : index
      %get3A_1535 = tpu.vector_load %arg6[%get3A_1533, %get3A_1534] {strides = array<i32>} : memref<16x512xf32, #tpu.memory_space<vmem>>, vector<1x16xf32>,
      %get3A_1536 = vector.shape_cast %get3A_1535 : vector<1x16xf32> to vector<16xf32>
      %add3A_1537 = arith.addf %add3A_1531, %get3A_1536 : vector<16xf32>
      %get3A_1538 = arith.constant 4 : i32
      %get3A_1539 = arith.index_cast %get3A_1538 : i32 to index
      %get3A_1540 = arith.constant 224 : index
      %get3A_1541 = tpu.vector_load %arg6[%get3A_1539, %get3A_1540] {strides = array<i32>} : memref<16x512xf32, #tpu.memory_space<vmem>>, vector<1x16xf32>,
      %get3A_1542 = vector.shape_cast %get3A_1541 : vector<1x16xf32> to vector<16xf32>
      %add3A_1543 = arith.addf %add3A_1537, %get3A_1542 : vector<16xf32>
      %get3A_1544 = arith.constant 5 : i32
      %get3A_1545 = arith.index_cast %get3A_1544 : i32 to index
      %get3A_1546 = arith.constant 224 : index
      %get3A_1547 = tpu.vector_load %arg6[%get3A_1545, %get3A_1546] {strides = array<i32>} : memref<16x512xf32, #tpu.memory_space<vmem>>, vector<1x16xf32>,
      %get3A_1548 = vector.shape_cast %get3A_1547 : vector<1x16xf32> to vector<16xf32>
      %add3A_1549 = arith.addf %add3A_1543, %get3A_1548 : vector<16xf32>
      %get3A_1550 = arith.constant 6 : i32
      %get3A_1551 = arith.index_cast %get3A_1550 : i32 to index
      %get3A_1552 = arith.constant 224 : index
      %get3A_1553 = tpu.vector_load %arg6[%get3A_1551, %get3A_1552] {strides = array<i32>} : memref<16x512xf32, #tpu.memory_space<vmem>>, vector<1x16xf32>,
      %get3A_1554 = vector.shape_cast %get3A_1553 : vector<1x16xf32> to vector<16xf32>
      %add3A_1555 = arith.addf %add3A_1549, %get3A_1554 : vector<16xf32>
      %get3A_1556 = arith.constant 7 : i32
      %get3A_1557 = arith.index_cast %get3A_1556 : i32 to index
      %get3A_1558 = arith.constant 224 : index
      %get3A_1559 = tpu.vector_load %arg6[%get3A_1557, %get3A_1558] {strides = array<i32>} : memref<16x512xf32, #tpu.memory_space<vmem>>, vector<1x16xf32>,
      %get3A_1560 = vector.shape_cast %get3A_1559 : vector<1x16xf32> to vector<16xf32>
      %add3A_1561 = arith.addf %add3A_1555, %get3A_1560 : vector<16xf32>
      %get3A_1562 = arith.constant 8 : i32
      %get3A_1563 = arith.index_cast %get3A_1562 : i32 to index
      %get3A_1564 = arith.constant 224 : index
      %get3A_1565 = tpu.vector_load %arg6[%get3A_1563, %get3A_1564] {strides = array<i32>} : memref<16x512xf32, #tpu.memory_space<vmem>>, vector<1x16xf32>,
      %get3A_1566 = vector.shape_cast %get3A_1565 : vector<1x16xf32> to vector<16xf32>
      %add3A_1567 = arith.addf %add3A_1561, %get3A_1566 : vector<16xf32>
      %get3A_1568 = arith.constant 9 : i32
      %get3A_1569 = arith.index_cast %get3A_1568 : i32 to index
      %get3A_1570 = arith.constant 224 : index
      %get3A_1571 = tpu.vector_load %arg6[%get3A_1569, %get3A_1570] {strides = array<i32>} : memref<16x512xf32, #tpu.memory_space<vmem>>, vector<1x16xf32>,
      %get3A_1572 = vector.shape_cast %get3A_1571 : vector<1x16xf32> to vector<16xf32>
      %add3A_1573 = arith.addf %add3A_1567, %get3A_1572 : vector<16xf32>
      %get3A_1574 = arith.constant 10 : i32
      %get3A_1575 = arith.index_cast %get3A_1574 : i32 to index
      %get3A_1576 = arith.constant 224 : index
      %get3A_1577 = tpu.vector_load %arg6[%get3A_1575, %get3A_1576] {strides = array<i32>} : memref<16x512xf32, #tpu.memory_space<vmem>>, vector<1x16xf32>,
      %get3A_1578 = vector.shape_cast %get3A_1577 : vector<1x16xf32> to vector<16xf32>
      %add3A_1579 = arith.addf %add3A_1573, %get3A_1578 : vector<16xf32>
      %get3A_1580 = arith.constant 11 : i32
      %get3A_1581 = arith.index_cast %get3A_1580 : i32 to index
      %get3A_1582 = arith.constant 224 : index
      %get3A_1583 = tpu.vector_load %arg6[%get3A_1581, %get3A_1582] {strides = array<i32>} : memref<16x512xf32, #tpu.memory_space<vmem>>, vector<1x16xf32>,
      %get3A_1584 = vector.shape_cast %get3A_1583 : vector<1x16xf32> to vector<16xf32>
      %add3A_1585 = arith.addf %add3A_1579, %get3A_1584 : vector<16xf32>
      %get3A_1586 = arith.constant 12 : i32
      %get3A_1587 = arith.index_cast %get3A_1586 : i32 to index
      %get3A_1588 = arith.constant 224 : index
      %get3A_1589 = tpu.vector_load %arg6[%get3A_1587, %get3A_1588] {strides = array<i32>} : memref<16x512xf32, #tpu.memory_space<vmem>>, vector<1x16xf32>,
      %get3A_1590 = vector.shape_cast %get3A_1589 : vector<1x16xf32> to vector<16xf32>
      %add3A_1591 = arith.addf %add3A_1585, %get3A_1590 : vector<16xf32>
      %get3A_1592 = arith.constant 13 : i32
      %get3A_1593 = arith.index_cast %get3A_1592 : i32 to index
      %get3A_1594 = arith.constant 224 : index
      %get3A_1595 = tpu.vector_load %arg6[%get3A_1593, %get3A_1594] {strides = array<i32>} : memref<16x512xf32, #tpu.memory_space<vmem>>, vector<1x16xf32>,
      %get3A_1596 = vector.shape_cast %get3A_1595 : vector<1x16xf32> to vector<16xf32>
      %add3A_1597 = arith.addf %add3A_1591, %get3A_1596 : vector<16xf32>
      %get3A_1598 = arith.constant 14 : i32
      %get3A_1599 = arith.index_cast %get3A_1598 : i32 to index
      %get3A_1600 = arith.constant 224 : index
      %get3A_1601 = tpu.vector_load %arg6[%get3A_1599, %get3A_1600] {strides = array<i32>} : memref<16x512xf32, #tpu.memory_space<vmem>>, vector<1x16xf32>,
      %get3A_1602 = vector.shape_cast %get3A_1601 : vector<1x16xf32> to vector<16xf32>
      %add3A_1603 = arith.addf %add3A_1597, %get3A_1602 : vector<16xf32>
      %get3A_1604 = arith.constant 15 : i32
      %get3A_1605 = arith.index_cast %get3A_1604 : i32 to index
      %get3A_1606 = arith.constant 224 : index
      %get3A_1607 = tpu.vector_load %arg6[%get3A_1605, %get3A_1606] {strides = array<i32>} : memref<16x512xf32, #tpu.memory_space<vmem>>, vector<1x16xf32>,
      %get3A_1608 = vector.shape_cast %get3A_1607 : vector<1x16xf32> to vector<16xf32>
      %add3A_1609 = arith.addf %add3A_1603, %get3A_1608 : vector<16xf32>
      %mul3A_1610 = arith.constant 6.250000e-02 : f32
      %mul3A_1611 = vector.broadcast %mul3A_1610 : f32 to vector<16xf32>
      %mul3A_1612 = arith.mulf %add3A_1609, %mul3A_1611 : vector<16xf32>
      %mul3A_1613 = arith.constant 1 : i32
      %mul3A_1614 = arith.muli %scan3A_10, %mul3A_1613 : i32
      %add3A_1615 = arith.constant 0 : i32
      %add3A_1616 = arith.addi %mul3A_1614, %add3A_1615 : i32
      %swap3A_1617 = arith.index_cast %add3A_1616 : i32 to index
      %swap3A_1618 = arith.constant 224 : index
      %swap3A_1619 = tpu.vector_load %arg7[%swap3A_1617, %swap3A_1618] {strides = array<i32>} : memref<32x512xf32, #tpu.memory_space<vmem>>, vector<1x16xf32>,
      %swap3A_1620 = vector.shape_cast %swap3A_1619 : vector<1x16xf32> to vector<16xf32>
      %swap3A_1621 = vector.shape_cast %mul3A_1612 : vector<16xf32> to vector<1x16xf32>
      tpu.vector_store %arg7[%swap3A_1617, %swap3A_1618], %swap3A_1621 {strides = array<i32>} : memref<32x512xf32, #tpu.memory_space<vmem>>, vector<1x16xf32>,
      %get3A_1622 = arith.constant 0 : i32
      %get3A_1623 = arith.index_cast %get3A_1622 : i32 to index
      %get3A_1624 = arith.constant 240 : index
      %get3A_1625 = tpu.vector_load %arg6[%get3A_1623, %get3A_1624] {strides = array<i32>} : memref<16x512xf32, #tpu.memory_space<vmem>>, vector<1x16xf32>,
      %get3A_1626 = vector.shape_cast %get3A_1625 : vector<1x16xf32> to vector<16xf32>
      %get3A_1627 = arith.constant 1 : i32
      %get3A_1628 = arith.index_cast %get3A_1627 : i32 to index
      %get3A_1629 = arith.constant 240 : index
      %get3A_1630 = tpu.vector_load %arg6[%get3A_1628, %get3A_1629] {strides = array<i32>} : memref<16x512xf32, #tpu.memory_space<vmem>>, vector<1x16xf32>,
      %get3A_1631 = vector.shape_cast %get3A_1630 : vector<1x16xf32> to vector<16xf32>
      %add3A_1632 = arith.addf %get3A_1626, %get3A_1631 : vector<16xf32>
      %get3A_1633 = arith.constant 2 : i32
      %get3A_1634 = arith.index_cast %get3A_1633 : i32 to index
      %get3A_1635 = arith.constant 240 : index
      %get3A_1636 = tpu.vector_load %arg6[%get3A_1634, %get3A_1635] {strides = array<i32>} : memref<16x512xf32, #tpu.memory_space<vmem>>, vector<1x16xf32>,
      %get3A_1637 = vector.shape_cast %get3A_1636 : vector<1x16xf32> to vector<16xf32>
      %add3A_1638 = arith.addf %add3A_1632, %get3A_1637 : vector<16xf32>
      %get3A_1639 = arith.constant 3 : i32
      %get3A_1640 = arith.index_cast %get3A_1639 : i32 to index
      %get3A_1641 = arith.constant 240 : index
      %get3A_1642 = tpu.vector_load %arg6[%get3A_1640, %get3A_1641] {strides = array<i32>} : memref<16x512xf32, #tpu.memory_space<vmem>>, vector<1x16xf32>,
      %get3A_1643 = vector.shape_cast %get3A_1642 : vector<1x16xf32> to vector<16xf32>
      %add3A_1644 = arith.addf %add3A_1638, %get3A_1643 : vector<16xf32>
      %get3A_1645 = arith.constant 4 : i32
      %get3A_1646 = arith.index_cast %get3A_1645 : i32 to index
      %get3A_1647 = arith.constant 240 : index
      %get3A_1648 = tpu.vector_load %arg6[%get3A_1646, %get3A_1647] {strides = array<i32>} : memref<16x512xf32, #tpu.memory_space<vmem>>, vector<1x16xf32>,
      %get3A_1649 = vector.shape_cast %get3A_1648 : vector<1x16xf32> to vector<16xf32>
      %add3A_1650 = arith.addf %add3A_1644, %get3A_1649 : vector<16xf32>
      %get3A_1651 = arith.constant 5 : i32
      %get3A_1652 = arith.index_cast %get3A_1651 : i32 to index
      %get3A_1653 = arith.constant 240 : index
      %get3A_1654 = tpu.vector_load %arg6[%get3A_1652, %get3A_1653] {strides = array<i32>} : memref<16x512xf32, #tpu.memory_space<vmem>>, vector<1x16xf32>,
      %get3A_1655 = vector.shape_cast %get3A_1654 : vector<1x16xf32> to vector<16xf32>
      %add3A_1656 = arith.addf %add3A_1650, %get3A_1655 : vector<16xf32>
      %get3A_1657 = arith.constant 6 : i32
      %get3A_1658 = arith.index_cast %get3A_1657 : i32 to index
      %get3A_1659 = arith.constant 240 : index
      %get3A_1660 = tpu.vector_load %arg6[%get3A_1658, %get3A_1659] {strides = array<i32>} : memref<16x512xf32, #tpu.memory_space<vmem>>, vector<1x16xf32>,
      %get3A_1661 = vector.shape_cast %get3A_1660 : vector<1x16xf32> to vector<16xf32>
      %add3A_1662 = arith.addf %add3A_1656, %get3A_1661 : vector<16xf32>
      %get3A_1663 = arith.constant 7 : i32
      %get3A_1664 = arith.index_cast %get3A_1663 : i32 to index
      %get3A_1665 = arith.constant 240 : index
      %get3A_1666 = tpu.vector_load %arg6[%get3A_1664, %get3A_1665] {strides = array<i32>} : memref<16x512xf32, #tpu.memory_space<vmem>>, vector<1x16xf32>,
      %get3A_1667 = vector.shape_cast %get3A_1666 : vector<1x16xf32> to vector<16xf32>
      %add3A_1668 = arith.addf %add3A_1662, %get3A_1667 : vector<16xf32>
      %get3A_1669 = arith.constant 8 : i32
      %get3A_1670 = arith.index_cast %get3A_1669 : i32 to index
      %get3A_1671 = arith.constant 240 : index
      %get3A_1672 = tpu.vector_load %arg6[%get3A_1670, %get3A_1671] {strides = array<i32>} : memref<16x512xf32, #tpu.memory_space<vmem>>, vector<1x16xf32>,
      %get3A_1673 = vector.shape_cast %get3A_1672 : vector<1x16xf32> to vector<16xf32>
      %add3A_1674 = arith.addf %add3A_1668, %get3A_1673 : vector<16xf32>
      %get3A_1675 = arith.constant 9 : i32
      %get3A_1676 = arith.index_cast %get3A_1675 : i32 to index
      %get3A_1677 = arith.constant 240 : index
      %get3A_1678 = tpu.vector_load %arg6[%get3A_1676, %get3A_1677] {strides = array<i32>} : memref<16x512xf32, #tpu.memory_space<vmem>>, vector<1x16xf32>,
      %get3A_1679 = vector.shape_cast %get3A_1678 : vector<1x16xf32> to vector<16xf32>
      %add3A_1680 = arith.addf %add3A_1674, %get3A_1679 : vector<16xf32>
      %get3A_1681 = arith.constant 10 : i32
      %get3A_1682 = arith.index_cast %get3A_1681 : i32 to index
      %get3A_1683 = arith.constant 240 : index
      %get3A_1684 = tpu.vector_load %arg6[%get3A_1682, %get3A_1683] {strides = array<i32>} : memref<16x512xf32, #tpu.memory_space<vmem>>, vector<1x16xf32>,
      %get3A_1685 = vector.shape_cast %get3A_1684 : vector<1x16xf32> to vector<16xf32>
      %add3A_1686 = arith.addf %add3A_1680, %get3A_1685 : vector<16xf32>
      %get3A_1687 = arith.constant 11 : i32
      %get3A_1688 = arith.index_cast %get3A_1687 : i32 to index
      %get3A_1689 = arith.constant 240 : index
      %get3A_1690 = tpu.vector_load %arg6[%get3A_1688, %get3A_1689] {strides = array<i32>} : memref<16x512xf32, #tpu.memory_space<vmem>>, vector<1x16xf32>,
      %get3A_1691 = vector.shape_cast %get3A_1690 : vector<1x16xf32> to vector<16xf32>
      %add3A_1692 = arith.addf %add3A_1686, %get3A_1691 : vector<16xf32>
      %get3A_1693 = arith.constant 12 : i32
      %get3A_1694 = arith.index_cast %get3A_1693 : i32 to index
      %get3A_1695 = arith.constant 240 : index
      %get3A_1696 = tpu.vector_load %arg6[%get3A_1694, %get3A_1695] {strides = array<i32>} : memref<16x512xf32, #tpu.memory_space<vmem>>, vector<1x16xf32>,
      %get3A_1697 = vector.shape_cast %get3A_1696 : vector<1x16xf32> to vector<16xf32>
      %add3A_1698 = arith.addf %add3A_1692, %get3A_1697 : vector<16xf32>
      %get3A_1699 = arith.constant 13 : i32
      %get3A_1700 = arith.index_cast %get3A_1699 : i32 to index
      %get3A_1701 = arith.constant 240 : index
      %get3A_1702 = tpu.vector_load %arg6[%get3A_1700, %get3A_1701] {strides = array<i32>} : memref<16x512xf32, #tpu.memory_space<vmem>>, vector<1x16xf32>,
      %get3A_1703 = vector.shape_cast %get3A_1702 : vector<1x16xf32> to vector<16xf32>
      %add3A_1704 = arith.addf %add3A_1698, %get3A_1703 : vector<16xf32>
      %get3A_1705 = arith.constant 14 : i32
      %get3A_1706 = arith.index_cast %get3A_1705 : i32 to index
      %get3A_1707 = arith.constant 240 : index
      %get3A_1708 = tpu.vector_load %arg6[%get3A_1706, %get3A_1707] {strides = array<i32>} : memref<16x512xf32, #tpu.memory_space<vmem>>, vector<1x16xf32>,
      %get3A_1709 = vector.shape_cast %get3A_1708 : vector<1x16xf32> to vector<16xf32>
      %add3A_1710 = arith.addf %add3A_1704, %get3A_1709 : vector<16xf32>
      %get3A_1711 = arith.constant 15 : i32
      %get3A_1712 = arith.index_cast %get3A_1711 : i32 to index
      %get3A_1713 = arith.constant 240 : index
      %get3A_1714 = tpu.vector_load %arg6[%get3A_1712, %get3A_1713] {strides = array<i32>} : memref<16x512xf32, #tpu.memory_space<vmem>>, vector<1x16xf32>,
      %get3A_1715 = vector.shape_cast %get3A_1714 : vector<1x16xf32> to vector<16xf32>
      %add3A_1716 = arith.addf %add3A_1710, %get3A_1715 : vector<16xf32>
      %mul3A_1717 = arith.constant 6.250000e-02 : f32
      %mul3A_1718 = vector.broadcast %mul3A_1717 : f32 to vector<16xf32>
      %mul3A_1719 = arith.mulf %add3A_1716, %mul3A_1718 : vector<16xf32>
      %mul3A_1720 = arith.constant 1 : i32
      %mul3A_1721 = arith.muli %scan3A_10, %mul3A_1720 : i32
      %add3A_1722 = arith.constant 0 : i32
      %add3A_1723 = arith.addi %mul3A_1721, %add3A_1722 : i32
      %swap3A_1724 = arith.index_cast %add3A_1723 : i32 to index
      %swap3A_1725 = arith.constant 240 : index
      %swap3A_1726 = tpu.vector_load %arg7[%swap3A_1724, %swap3A_1725] {strides = array<i32>} : memref<32x512xf32, #tpu.memory_space<vmem>>, vector<1x16xf32>,
      %swap3A_1727 = vector.shape_cast %swap3A_1726 : vector<1x16xf32> to vector<16xf32>
      %swap3A_1728 = vector.shape_cast %mul3A_1719 : vector<16xf32> to vector<1x16xf32>
      tpu.vector_store %arg7[%swap3A_1724, %swap3A_1725], %swap3A_1728 {strides = array<i32>} : memref<32x512xf32, #tpu.memory_space<vmem>>, vector<1x16xf32>,
      %get3A_1729 = arith.constant 0 : i32
      %get3A_1730 = arith.index_cast %get3A_1729 : i32 to index
      %get3A_1731 = arith.constant 256 : index
      %get3A_1732 = tpu.vector_load %arg6[%get3A_1730, %get3A_1731] {strides = array<i32>} : memref<16x512xf32, #tpu.memory_space<vmem>>, vector<1x16xf32>,
      %get3A_1733 = vector.shape_cast %get3A_1732 : vector<1x16xf32> to vector<16xf32>
      %get3A_1734 = arith.constant 1 : i32
      %get3A_1735 = arith.index_cast %get3A_1734 : i32 to index
      %get3A_1736 = arith.constant 256 : index
      %get3A_1737 = tpu.vector_load %arg6[%get3A_1735, %get3A_1736] {strides = array<i32>} : memref<16x512xf32, #tpu.memory_space<vmem>>, vector<1x16xf32>,
      %get3A_1738 = vector.shape_cast %get3A_1737 : vector<1x16xf32> to vector<16xf32>
      %add3A_1739 = arith.addf %get3A_1733, %get3A_1738 : vector<16xf32>
      %get3A_1740 = arith.constant 2 : i32
      %get3A_1741 = arith.index_cast %get3A_1740 : i32 to index
      %get3A_1742 = arith.constant 256 : index
      %get3A_1743 = tpu.vector_load %arg6[%get3A_1741, %get3A_1742] {strides = array<i32>} : memref<16x512xf32, #tpu.memory_space<vmem>>, vector<1x16xf32>,
      %get3A_1744 = vector.shape_cast %get3A_1743 : vector<1x16xf32> to vector<16xf32>
      %add3A_1745 = arith.addf %add3A_1739, %get3A_1744 : vector<16xf32>
      %get3A_1746 = arith.constant 3 : i32
      %get3A_1747 = arith.index_cast %get3A_1746 : i32 to index
      %get3A_1748 = arith.constant 256 : index
      %get3A_1749 = tpu.vector_load %arg6[%get3A_1747, %get3A_1748] {strides = array<i32>} : memref<16x512xf32, #tpu.memory_space<vmem>>, vector<1x16xf32>,
      %get3A_1750 = vector.shape_cast %get3A_1749 : vector<1x16xf32> to vector<16xf32>
      %add3A_1751 = arith.addf %add3A_1745, %get3A_1750 : vector<16xf32>
      %get3A_1752 = arith.constant 4 : i32
      %get3A_1753 = arith.index_cast %get3A_1752 : i32 to index
      %get3A_1754 = arith.constant 256 : index
      %get3A_1755 = tpu.vector_load %arg6[%get3A_1753, %get3A_1754] {strides = array<i32>} : memref<16x512xf32, #tpu.memory_space<vmem>>, vector<1x16xf32>,
      %get3A_1756 = vector.shape_cast %get3A_1755 : vector<1x16xf32> to vector<16xf32>
      %add3A_1757 = arith.addf %add3A_1751, %get3A_1756 : vector<16xf32>
      %get3A_1758 = arith.constant 5 : i32
      %get3A_1759 = arith.index_cast %get3A_1758 : i32 to index
      %get3A_1760 = arith.constant 256 : index
      %get3A_1761 = tpu.vector_load %arg6[%get3A_1759, %get3A_1760] {strides = array<i32>} : memref<16x512xf32, #tpu.memory_space<vmem>>, vector<1x16xf32>,
      %get3A_1762 = vector.shape_cast %get3A_1761 : vector<1x16xf32> to vector<16xf32>
      %add3A_1763 = arith.addf %add3A_1757, %get3A_1762 : vector<16xf32>
      %get3A_1764 = arith.constant 6 : i32
      %get3A_1765 = arith.index_cast %get3A_1764 : i32 to index
      %get3A_1766 = arith.constant 256 : index
      %get3A_1767 = tpu.vector_load %arg6[%get3A_1765, %get3A_1766] {strides = array<i32>} : memref<16x512xf32, #tpu.memory_space<vmem>>, vector<1x16xf32>,
      %get3A_1768 = vector.shape_cast %get3A_1767 : vector<1x16xf32> to vector<16xf32>
      %add3A_1769 = arith.addf %add3A_1763, %get3A_1768 : vector<16xf32>
      %get3A_1770 = arith.constant 7 : i32
      %get3A_1771 = arith.index_cast %get3A_1770 : i32 to index
      %get3A_1772 = arith.constant 256 : index
      %get3A_1773 = tpu.vector_load %arg6[%get3A_1771, %get3A_1772] {strides = array<i32>} : memref<16x512xf32, #tpu.memory_space<vmem>>, vector<1x16xf32>,
      %get3A_1774 = vector.shape_cast %get3A_1773 : vector<1x16xf32> to vector<16xf32>
      %add3A_1775 = arith.addf %add3A_1769, %get3A_1774 : vector<16xf32>
      %get3A_1776 = arith.constant 8 : i32
      %get3A_1777 = arith.index_cast %get3A_1776 : i32 to index
      %get3A_1778 = arith.constant 256 : index
      %get3A_1779 = tpu.vector_load %arg6[%get3A_1777, %get3A_1778] {strides = array<i32>} : memref<16x512xf32, #tpu.memory_space<vmem>>, vector<1x16xf32>,
      %get3A_1780 = vector.shape_cast %get3A_1779 : vector<1x16xf32> to vector<16xf32>
      %add3A_1781 = arith.addf %add3A_1775, %get3A_1780 : vector<16xf32>
      %get3A_1782 = arith.constant 9 : i32
      %get3A_1783 = arith.index_cast %get3A_1782 : i32 to index
      %get3A_1784 = arith.constant 256 : index
      %get3A_1785 = tpu.vector_load %arg6[%get3A_1783, %get3A_1784] {strides = array<i32>} : memref<16x512xf32, #tpu.memory_space<vmem>>, vector<1x16xf32>,
      %get3A_1786 = vector.shape_cast %get3A_1785 : vector<1x16xf32> to vector<16xf32>
      %add3A_1787 = arith.addf %add3A_1781, %get3A_1786 : vector<16xf32>
      %get3A_1788 = arith.constant 10 : i32
      %get3A_1789 = arith.index_cast %get3A_1788 : i32 to index
      %get3A_1790 = arith.constant 256 : index
      %get3A_1791 = tpu.vector_load %arg6[%get3A_1789, %get3A_1790] {strides = array<i32>} : memref<16x512xf32, #tpu.memory_space<vmem>>, vector<1x16xf32>,
      %get3A_1792 = vector.shape_cast %get3A_1791 : vector<1x16xf32> to vector<16xf32>
      %add3A_1793 = arith.addf %add3A_1787, %get3A_1792 : vector<16xf32>
      %get3A_1794 = arith.constant 11 : i32
      %get3A_1795 = arith.index_cast %get3A_1794 : i32 to index
      %get3A_1796 = arith.constant 256 : index
      %get3A_1797 = tpu.vector_load %arg6[%get3A_1795, %get3A_1796] {strides = array<i32>} : memref<16x512xf32, #tpu.memory_space<vmem>>, vector<1x16xf32>,
      %get3A_1798 = vector.shape_cast %get3A_1797 : vector<1x16xf32> to vector<16xf32>
      %add3A_1799 = arith.addf %add3A_1793, %get3A_1798 : vector<16xf32>
      %get3A_1800 = arith.constant 12 : i32
      %get3A_1801 = arith.index_cast %get3A_1800 : i32 to index
      %get3A_1802 = arith.constant 256 : index
      %get3A_1803 = tpu.vector_load %arg6[%get3A_1801, %get3A_1802] {strides = array<i32>} : memref<16x512xf32, #tpu.memory_space<vmem>>, vector<1x16xf32>,
      %get3A_1804 = vector.shape_cast %get3A_1803 : vector<1x16xf32> to vector<16xf32>
      %add3A_1805 = arith.addf %add3A_1799, %get3A_1804 : vector<16xf32>
      %get3A_1806 = arith.constant 13 : i32
      %get3A_1807 = arith.index_cast %get3A_1806 : i32 to index
      %get3A_1808 = arith.constant 256 : index
      %get3A_1809 = tpu.vector_load %arg6[%get3A_1807, %get3A_1808] {strides = array<i32>} : memref<16x512xf32, #tpu.memory_space<vmem>>, vector<1x16xf32>,
      %get3A_1810 = vector.shape_cast %get3A_1809 : vector<1x16xf32> to vector<16xf32>
      %add3A_1811 = arith.addf %add3A_1805, %get3A_1810 : vector<16xf32>
      %get3A_1812 = arith.constant 14 : i32
      %get3A_1813 = arith.index_cast %get3A_1812 : i32 to index
      %get3A_1814 = arith.constant 256 : index
      %get3A_1815 = tpu.vector_load %arg6[%get3A_1813, %get3A_1814] {strides = array<i32>} : memref<16x512xf32, #tpu.memory_space<vmem>>, vector<1x16xf32>,
      %get3A_1816 = vector.shape_cast %get3A_1815 : vector<1x16xf32> to vector<16xf32>
      %add3A_1817 = arith.addf %add3A_1811, %get3A_1816 : vector<16xf32>
      %get3A_1818 = arith.constant 15 : i32
      %get3A_1819 = arith.index_cast %get3A_1818 : i32 to index
      %get3A_1820 = arith.constant 256 : index
      %get3A_1821 = tpu.vector_load %arg6[%get3A_1819, %get3A_1820] {strides = array<i32>} : memref<16x512xf32, #tpu.memory_space<vmem>>, vector<1x16xf32>,
      %get3A_1822 = vector.shape_cast %get3A_1821 : vector<1x16xf32> to vector<16xf32>
      %add3A_1823 = arith.addf %add3A_1817, %get3A_1822 : vector<16xf32>
      %mul3A_1824 = arith.constant 6.250000e-02 : f32
      %mul3A_1825 = vector.broadcast %mul3A_1824 : f32 to vector<16xf32>
      %mul3A_1826 = arith.mulf %add3A_1823, %mul3A_1825 : vector<16xf32>
      %mul3A_1827 = arith.constant 1 : i32
      %mul3A_1828 = arith.muli %scan3A_10, %mul3A_1827 : i32
      %add3A_1829 = arith.constant 0 : i32
      %add3A_1830 = arith.addi %mul3A_1828, %add3A_1829 : i32
      %swap3A_1831 = arith.index_cast %add3A_1830 : i32 to index
      %swap3A_1832 = arith.constant 256 : index
      %swap3A_1833 = tpu.vector_load %arg7[%swap3A_1831, %swap3A_1832] {strides = array<i32>} : memref<32x512xf32, #tpu.memory_space<vmem>>, vector<1x16xf32>,
      %swap3A_1834 = vector.shape_cast %swap3A_1833 : vector<1x16xf32> to vector<16xf32>
      %swap3A_1835 = vector.shape_cast %mul3A_1826 : vector<16xf32> to vector<1x16xf32>
      tpu.vector_store %arg7[%swap3A_1831, %swap3A_1832], %swap3A_1835 {strides = array<i32>} : memref<32x512xf32, #tpu.memory_space<vmem>>, vector<1x16xf32>,
      %get3A_1836 = arith.constant 0 : i32
      %get3A_1837 = arith.index_cast %get3A_1836 : i32 to index
      %get3A_1838 = arith.constant 272 : index
      %get3A_1839 = tpu.vector_load %arg6[%get3A_1837, %get3A_1838] {strides = array<i32>} : memref<16x512xf32, #tpu.memory_space<vmem>>, vector<1x16xf32>,
      %get3A_1840 = vector.shape_cast %get3A_1839 : vector<1x16xf32> to vector<16xf32>
      %get3A_1841 = arith.constant 1 : i32
      %get3A_1842 = arith.index_cast %get3A_1841 : i32 to index
      %get3A_1843 = arith.constant 272 : index
      %get3A_1844 = tpu.vector_load %arg6[%get3A_1842, %get3A_1843] {strides = array<i32>} : memref<16x512xf32, #tpu.memory_space<vmem>>, vector<1x16xf32>,
      %get3A_1845 = vector.shape_cast %get3A_1844 : vector<1x16xf32> to vector<16xf32>
      %add3A_1846 = arith.addf %get3A_1840, %get3A_1845 : vector<16xf32>
      %get3A_1847 = arith.constant 2 : i32
      %get3A_1848 = arith.index_cast %get3A_1847 : i32 to index
      %get3A_1849 = arith.constant 272 : index
      %get3A_1850 = tpu.vector_load %arg6[%get3A_1848, %get3A_1849] {strides = array<i32>} : memref<16x512xf32, #tpu.memory_space<vmem>>, vector<1x16xf32>,
      %get3A_1851 = vector.shape_cast %get3A_1850 : vector<1x16xf32> to vector<16xf32>
      %add3A_1852 = arith.addf %add3A_1846, %get3A_1851 : vector<16xf32>
      %get3A_1853 = arith.constant 3 : i32
      %get3A_1854 = arith.index_cast %get3A_1853 : i32 to index
      %get3A_1855 = arith.constant 272 : index
      %get3A_1856 = tpu.vector_load %arg6[%get3A_1854, %get3A_1855] {strides = array<i32>} : memref<16x512xf32, #tpu.memory_space<vmem>>, vector<1x16xf32>,
      %get3A_1857 = vector.shape_cast %get3A_1856 : vector<1x16xf32> to vector<16xf32>
      %add3A_1858 = arith.addf %add3A_1852, %get3A_1857 : vector<16xf32>
      %get3A_1859 = arith.constant 4 : i32
      %get3A_1860 = arith.index_cast %get3A_1859 : i32 to index
      %get3A_1861 = arith.constant 272 : index
      %get3A_1862 = tpu.vector_load %arg6[%get3A_1860, %get3A_1861] {strides = array<i32>} : memref<16x512xf32, #tpu.memory_space<vmem>>, vector<1x16xf32>,
      %get3A_1863 = vector.shape_cast %get3A_1862 : vector<1x16xf32> to vector<16xf32>
      %add3A_1864 = arith.addf %add3A_1858, %get3A_1863 : vector<16xf32>
      %get3A_1865 = arith.constant 5 : i32
      %get3A_1866 = arith.index_cast %get3A_1865 : i32 to index
      %get3A_1867 = arith.constant 272 : index
      %get3A_1868 = tpu.vector_load %arg6[%get3A_1866, %get3A_1867] {strides = array<i32>} : memref<16x512xf32, #tpu.memory_space<vmem>>, vector<1x16xf32>,
      %get3A_1869 = vector.shape_cast %get3A_1868 : vector<1x16xf32> to vector<16xf32>
      %add3A_1870 = arith.addf %add3A_1864, %get3A_1869 : vector<16xf32>
      %get3A_1871 = arith.constant 6 : i32
      %get3A_1872 = arith.index_cast %get3A_1871 : i32 to index
      %get3A_1873 = arith.constant 272 : index
      %get3A_1874 = tpu.vector_load %arg6[%get3A_1872, %get3A_1873] {strides = array<i32>} : memref<16x512xf32, #tpu.memory_space<vmem>>, vector<1x16xf32>,
      %get3A_1875 = vector.shape_cast %get3A_1874 : vector<1x16xf32> to vector<16xf32>
      %add3A_1876 = arith.addf %add3A_1870, %get3A_1875 : vector<16xf32>
      %get3A_1877 = arith.constant 7 : i32
      %get3A_1878 = arith.index_cast %get3A_1877 : i32 to index
      %get3A_1879 = arith.constant 272 : index
      %get3A_1880 = tpu.vector_load %arg6[%get3A_1878, %get3A_1879] {strides = array<i32>} : memref<16x512xf32, #tpu.memory_space<vmem>>, vector<1x16xf32>,
      %get3A_1881 = vector.shape_cast %get3A_1880 : vector<1x16xf32> to vector<16xf32>
      %add3A_1882 = arith.addf %add3A_1876, %get3A_1881 : vector<16xf32>
      %get3A_1883 = arith.constant 8 : i32
      %get3A_1884 = arith.index_cast %get3A_1883 : i32 to index
      %get3A_1885 = arith.constant 272 : index
      %get3A_1886 = tpu.vector_load %arg6[%get3A_1884, %get3A_1885] {strides = array<i32>} : memref<16x512xf32, #tpu.memory_space<vmem>>, vector<1x16xf32>,
      %get3A_1887 = vector.shape_cast %get3A_1886 : vector<1x16xf32> to vector<16xf32>
      %add3A_1888 = arith.addf %add3A_1882, %get3A_1887 : vector<16xf32>
      %get3A_1889 = arith.constant 9 : i32
      %get3A_1890 = arith.index_cast %get3A_1889 : i32 to index
      %get3A_1891 = arith.constant 272 : index
      %get3A_1892 = tpu.vector_load %arg6[%get3A_1890, %get3A_1891] {strides = array<i32>} : memref<16x512xf32, #tpu.memory_space<vmem>>, vector<1x16xf32>,
      %get3A_1893 = vector.shape_cast %get3A_1892 : vector<1x16xf32> to vector<16xf32>
      %add3A_1894 = arith.addf %add3A_1888, %get3A_1893 : vector<16xf32>
      %get3A_1895 = arith.constant 10 : i32
      %get3A_1896 = arith.index_cast %get3A_1895 : i32 to index
      %get3A_1897 = arith.constant 272 : index
      %get3A_1898 = tpu.vector_load %arg6[%get3A_1896, %get3A_1897] {strides = array<i32>} : memref<16x512xf32, #tpu.memory_space<vmem>>, vector<1x16xf32>,
      %get3A_1899 = vector.shape_cast %get3A_1898 : vector<1x16xf32> to vector<16xf32>
      %add3A_1900 = arith.addf %add3A_1894, %get3A_1899 : vector<16xf32>
      %get3A_1901 = arith.constant 11 : i32
      %get3A_1902 = arith.index_cast %get3A_1901 : i32 to index
      %get3A_1903 = arith.constant 272 : index
      %get3A_1904 = tpu.vector_load %arg6[%get3A_1902, %get3A_1903] {strides = array<i32>} : memref<16x512xf32, #tpu.memory_space<vmem>>, vector<1x16xf32>,
      %get3A_1905 = vector.shape_cast %get3A_1904 : vector<1x16xf32> to vector<16xf32>
      %add3A_1906 = arith.addf %add3A_1900, %get3A_1905 : vector<16xf32>
      %get3A_1907 = arith.constant 12 : i32
      %get3A_1908 = arith.index_cast %get3A_1907 : i32 to index
      %get3A_1909 = arith.constant 272 : index
      %get3A_1910 = tpu.vector_load %arg6[%get3A_1908, %get3A_1909] {strides = array<i32>} : memref<16x512xf32, #tpu.memory_space<vmem>>, vector<1x16xf32>,
      %get3A_1911 = vector.shape_cast %get3A_1910 : vector<1x16xf32> to vector<16xf32>
      %add3A_1912 = arith.addf %add3A_1906, %get3A_1911 : vector<16xf32>
      %get3A_1913 = arith.constant 13 : i32
      %get3A_1914 = arith.index_cast %get3A_1913 : i32 to index
      %get3A_1915 = arith.constant 272 : index
      %get3A_1916 = tpu.vector_load %arg6[%get3A_1914, %get3A_1915] {strides = array<i32>} : memref<16x512xf32, #tpu.memory_space<vmem>>, vector<1x16xf32>,
      %get3A_1917 = vector.shape_cast %get3A_1916 : vector<1x16xf32> to vector<16xf32>
      %add3A_1918 = arith.addf %add3A_1912, %get3A_1917 : vector<16xf32>
      %get3A_1919 = arith.constant 14 : i32
      %get3A_1920 = arith.index_cast %get3A_1919 : i32 to index
      %get3A_1921 = arith.constant 272 : index
      %get3A_1922 = tpu.vector_load %arg6[%get3A_1920, %get3A_1921] {strides = array<i32>} : memref<16x512xf32, #tpu.memory_space<vmem>>, vector<1x16xf32>,
      %get3A_1923 = vector.shape_cast %get3A_1922 : vector<1x16xf32> to vector<16xf32>
      %add3A_1924 = arith.addf %add3A_1918, %get3A_1923 : vector<16xf32>
      %get3A_1925 = arith.constant 15 : i32
      %get3A_1926 = arith.index_cast %get3A_1925 : i32 to index
      %get3A_1927 = arith.constant 272 : index
      %get3A_1928 = tpu.vector_load %arg6[%get3A_1926, %get3A_1927] {strides = array<i32>} : memref<16x512xf32, #tpu.memory_space<vmem>>, vector<1x16xf32>,
      %get3A_1929 = vector.shape_cast %get3A_1928 : vector<1x16xf32> to vector<16xf32>
      %add3A_1930 = arith.addf %add3A_1924, %get3A_1929 : vector<16xf32>
      %mul3A_1931 = arith.constant 6.250000e-02 : f32
      %mul3A_1932 = vector.broadcast %mul3A_1931 : f32 to vector<16xf32>
      %mul3A_1933 = arith.mulf %add3A_1930, %mul3A_1932 : vector<16xf32>
      %mul3A_1934 = arith.constant 1 : i32
      %mul3A_1935 = arith.muli %scan3A_10, %mul3A_1934 : i32
      %add3A_1936 = arith.constant 0 : i32
      %add3A_1937 = arith.addi %mul3A_1935, %add3A_1936 : i32
      %swap3A_1938 = arith.index_cast %add3A_1937 : i32 to index
      %swap3A_1939 = arith.constant 272 : index
      %swap3A_1940 = tpu.vector_load %arg7[%swap3A_1938, %swap3A_1939] {strides = array<i32>} : memref<32x512xf32, #tpu.memory_space<vmem>>, vector<1x16xf32>,
      %swap3A_1941 = vector.shape_cast %swap3A_1940 : vector<1x16xf32> to vector<16xf32>
      %swap3A_1942 = vector.shape_cast %mul3A_1933 : vector<16xf32> to vector<1x16xf32>
      tpu.vector_store %arg7[%swap3A_1938, %swap3A_1939], %swap3A_1942 {strides = array<i32>} : memref<32x512xf32, #tpu.memory_space<vmem>>, vector<1x16xf32>,
      %get3A_1943 = arith.constant 0 : i32
      %get3A_1944 = arith.index_cast %get3A_1943 : i32 to index
      %get3A_1945 = arith.constant 288 : index
      %get3A_1946 = tpu.vector_load %arg6[%get3A_1944, %get3A_1945] {strides = array<i32>} : memref<16x512xf32, #tpu.memory_space<vmem>>, vector<1x16xf32>,
      %get3A_1947 = vector.shape_cast %get3A_1946 : vector<1x16xf32> to vector<16xf32>
      %get3A_1948 = arith.constant 1 : i32
      %get3A_1949 = arith.index_cast %get3A_1948 : i32 to index
      %get3A_1950 = arith.constant 288 : index
      %get3A_1951 = tpu.vector_load %arg6[%get3A_1949, %get3A_1950] {strides = array<i32>} : memref<16x512xf32, #tpu.memory_space<vmem>>, vector<1x16xf32>,
      %get3A_1952 = vector.shape_cast %get3A_1951 : vector<1x16xf32> to vector<16xf32>
      %add3A_1953 = arith.addf %get3A_1947, %get3A_1952 : vector<16xf32>
      %get3A_1954 = arith.constant 2 : i32
      %get3A_1955 = arith.index_cast %get3A_1954 : i32 to index
      %get3A_1956 = arith.constant 288 : index
      %get3A_1957 = tpu.vector_load %arg6[%get3A_1955, %get3A_1956] {strides = array<i32>} : memref<16x512xf32, #tpu.memory_space<vmem>>, vector<1x16xf32>,
      %get3A_1958 = vector.shape_cast %get3A_1957 : vector<1x16xf32> to vector<16xf32>
      %add3A_1959 = arith.addf %add3A_1953, %get3A_1958 : vector<16xf32>
      %get3A_1960 = arith.constant 3 : i32
      %get3A_1961 = arith.index_cast %get3A_1960 : i32 to index
      %get3A_1962 = arith.constant 288 : index
      %get3A_1963 = tpu.vector_load %arg6[%get3A_1961, %get3A_1962] {strides = array<i32>} : memref<16x512xf32, #tpu.memory_space<vmem>>, vector<1x16xf32>,
      %get3A_1964 = vector.shape_cast %get3A_1963 : vector<1x16xf32> to vector<16xf32>
      %add3A_1965 = arith.addf %add3A_1959, %get3A_1964 : vector<16xf32>
      %get3A_1966 = arith.constant 4 : i32
      %get3A_1967 = arith.index_cast %get3A_1966 : i32 to index
      %get3A_1968 = arith.constant 288 : index
      %get3A_1969 = tpu.vector_load %arg6[%get3A_1967, %get3A_1968] {strides = array<i32>} : memref<16x512xf32, #tpu.memory_space<vmem>>, vector<1x16xf32>,
      %get3A_1970 = vector.shape_cast %get3A_1969 : vector<1x16xf32> to vector<16xf32>
      %add3A_1971 = arith.addf %add3A_1965, %get3A_1970 : vector<16xf32>
      %get3A_1972 = arith.constant 5 : i32
      %get3A_1973 = arith.index_cast %get3A_1972 : i32 to index
      %get3A_1974 = arith.constant 288 : index
      %get3A_1975 = tpu.vector_load %arg6[%get3A_1973, %get3A_1974] {strides = array<i32>} : memref<16x512xf32, #tpu.memory_space<vmem>>, vector<1x16xf32>,
      %get3A_1976 = vector.shape_cast %get3A_1975 : vector<1x16xf32> to vector<16xf32>
      %add3A_1977 = arith.addf %add3A_1971, %get3A_1976 : vector<16xf32>
      %get3A_1978 = arith.constant 6 : i32
      %get3A_1979 = arith.index_cast %get3A_1978 : i32 to index
      %get3A_1980 = arith.constant 288 : index
      %get3A_1981 = tpu.vector_load %arg6[%get3A_1979, %get3A_1980] {strides = array<i32>} : memref<16x512xf32, #tpu.memory_space<vmem>>, vector<1x16xf32>,
      %get3A_1982 = vector.shape_cast %get3A_1981 : vector<1x16xf32> to vector<16xf32>
      %add3A_1983 = arith.addf %add3A_1977, %get3A_1982 : vector<16xf32>
      %get3A_1984 = arith.constant 7 : i32
      %get3A_1985 = arith.index_cast %get3A_1984 : i32 to index
      %get3A_1986 = arith.constant 288 : index
      %get3A_1987 = tpu.vector_load %arg6[%get3A_1985, %get3A_1986] {strides = array<i32>} : memref<16x512xf32, #tpu.memory_space<vmem>>, vector<1x16xf32>,
      %get3A_1988 = vector.shape_cast %get3A_1987 : vector<1x16xf32> to vector<16xf32>
      %add3A_1989 = arith.addf %add3A_1983, %get3A_1988 : vector<16xf32>
      %get3A_1990 = arith.constant 8 : i32
      %get3A_1991 = arith.index_cast %get3A_1990 : i32 to index
      %get3A_1992 = arith.constant 288 : index
      %get3A_1993 = tpu.vector_load %arg6[%get3A_1991, %get3A_1992] {strides = array<i32>} : memref<16x512xf32, #tpu.memory_space<vmem>>, vector<1x16xf32>,
      %get3A_1994 = vector.shape_cast %get3A_1993 : vector<1x16xf32> to vector<16xf32>
      %add3A_1995 = arith.addf %add3A_1989, %get3A_1994 : vector<16xf32>
      %get3A_1996 = arith.constant 9 : i32
      %get3A_1997 = arith.index_cast %get3A_1996 : i32 to index
      %get3A_1998 = arith.constant 288 : index
      %get3A_1999 = tpu.vector_load %arg6[%get3A_1997, %get3A_1998] {strides = array<i32>} : memref<16x512xf32, #tpu.memory_space<vmem>>, vector<1x16xf32>,
      %get3A_2000 = vector.shape_cast %get3A_1999 : vector<1x16xf32> to vector<16xf32>
      %add3A_2001 = arith.addf %add3A_1995, %get3A_2000 : vector<16xf32>
      %get3A_2002 = arith.constant 10 : i32
      %get3A_2003 = arith.index_cast %get3A_2002 : i32 to index
      %get3A_2004 = arith.constant 288 : index
      %get3A_2005 = tpu.vector_load %arg6[%get3A_2003, %get3A_2004] {strides = array<i32>} : memref<16x512xf32, #tpu.memory_space<vmem>>, vector<1x16xf32>,
      %get3A_2006 = vector.shape_cast %get3A_2005 : vector<1x16xf32> to vector<16xf32>
      %add3A_2007 = arith.addf %add3A_2001, %get3A_2006 : vector<16xf32>
      %get3A_2008 = arith.constant 11 : i32
      %get3A_2009 = arith.index_cast %get3A_2008 : i32 to index
      %get3A_2010 = arith.constant 288 : index
      %get3A_2011 = tpu.vector_load %arg6[%get3A_2009, %get3A_2010] {strides = array<i32>} : memref<16x512xf32, #tpu.memory_space<vmem>>, vector<1x16xf32>,
      %get3A_2012 = vector.shape_cast %get3A_2011 : vector<1x16xf32> to vector<16xf32>
      %add3A_2013 = arith.addf %add3A_2007, %get3A_2012 : vector<16xf32>
      %get3A_2014 = arith.constant 12 : i32
      %get3A_2015 = arith.index_cast %get3A_2014 : i32 to index
      %get3A_2016 = arith.constant 288 : index
      %get3A_2017 = tpu.vector_load %arg6[%get3A_2015, %get3A_2016] {strides = array<i32>} : memref<16x512xf32, #tpu.memory_space<vmem>>, vector<1x16xf32>,
      %get3A_2018 = vector.shape_cast %get3A_2017 : vector<1x16xf32> to vector<16xf32>
      %add3A_2019 = arith.addf %add3A_2013, %get3A_2018 : vector<16xf32>
      %get3A_2020 = arith.constant 13 : i32
      %get3A_2021 = arith.index_cast %get3A_2020 : i32 to index
      %get3A_2022 = arith.constant 288 : index
      %get3A_2023 = tpu.vector_load %arg6[%get3A_2021, %get3A_2022] {strides = array<i32>} : memref<16x512xf32, #tpu.memory_space<vmem>>, vector<1x16xf32>,
      %get3A_2024 = vector.shape_cast %get3A_2023 : vector<1x16xf32> to vector<16xf32>
      %add3A_2025 = arith.addf %add3A_2019, %get3A_2024 : vector<16xf32>
      %get3A_2026 = arith.constant 14 : i32
      %get3A_2027 = arith.index_cast %get3A_2026 : i32 to index
      %get3A_2028 = arith.constant 288 : index
      %get3A_2029 = tpu.vector_load %arg6[%get3A_2027, %get3A_2028] {strides = array<i32>} : memref<16x512xf32, #tpu.memory_space<vmem>>, vector<1x16xf32>,
      %get3A_2030 = vector.shape_cast %get3A_2029 : vector<1x16xf32> to vector<16xf32>
      %add3A_2031 = arith.addf %add3A_2025, %get3A_2030 : vector<16xf32>
      %get3A_2032 = arith.constant 15 : i32
      %get3A_2033 = arith.index_cast %get3A_2032 : i32 to index
      %get3A_2034 = arith.constant 288 : index
      %get3A_2035 = tpu.vector_load %arg6[%get3A_2033, %get3A_2034] {strides = array<i32>} : memref<16x512xf32, #tpu.memory_space<vmem>>, vector<1x16xf32>,
      %get3A_2036 = vector.shape_cast %get3A_2035 : vector<1x16xf32> to vector<16xf32>
      %add3A_2037 = arith.addf %add3A_2031, %get3A_2036 : vector<16xf32>
      %mul3A_2038 = arith.constant 6.250000e-02 : f32
      %mul3A_2039 = vector.broadcast %mul3A_2038 : f32 to vector<16xf32>
      %mul3A_2040 = arith.mulf %add3A_2037, %mul3A_2039 : vector<16xf32>
      %mul3A_2041 = arith.constant 1 : i32
      %mul3A_2042 = arith.muli %scan3A_10, %mul3A_2041 : i32
      %add3A_2043 = arith.constant 0 : i32
      %add3A_2044 = arith.addi %mul3A_2042, %add3A_2043 : i32
      %swap3A_2045 = arith.index_cast %add3A_2044 : i32 to index
      %swap3A_2046 = arith.constant 288 : index
      %swap3A_2047 = tpu.vector_load %arg7[%swap3A_2045, %swap3A_2046] {strides = array<i32>} : memref<32x512xf32, #tpu.memory_space<vmem>>, vector<1x16xf32>,
      %swap3A_2048 = vector.shape_cast %swap3A_2047 : vector<1x16xf32> to vector<16xf32>
      %swap3A_2049 = vector.shape_cast %mul3A_2040 : vector<16xf32> to vector<1x16xf32>
      tpu.vector_store %arg7[%swap3A_2045, %swap3A_2046], %swap3A_2049 {strides = array<i32>} : memref<32x512xf32, #tpu.memory_space<vmem>>, vector<1x16xf32>,
      %get3A_2050 = arith.constant 0 : i32
      %get3A_2051 = arith.index_cast %get3A_2050 : i32 to index
      %get3A_2052 = arith.constant 304 : index
      %get3A_2053 = tpu.vector_load %arg6[%get3A_2051, %get3A_2052] {strides = array<i32>} : memref<16x512xf32, #tpu.memory_space<vmem>>, vector<1x16xf32>,
      %get3A_2054 = vector.shape_cast %get3A_2053 : vector<1x16xf32> to vector<16xf32>
      %get3A_2055 = arith.constant 1 : i32
      %get3A_2056 = arith.index_cast %get3A_2055 : i32 to index
      %get3A_2057 = arith.constant 304 : index
      %get3A_2058 = tpu.vector_load %arg6[%get3A_2056, %get3A_2057] {strides = array<i32>} : memref<16x512xf32, #tpu.memory_space<vmem>>, vector<1x16xf32>,
      %get3A_2059 = vector.shape_cast %get3A_2058 : vector<1x16xf32> to vector<16xf32>
      %add3A_2060 = arith.addf %get3A_2054, %get3A_2059 : vector<16xf32>
      %get3A_2061 = arith.constant 2 : i32
      %get3A_2062 = arith.index_cast %get3A_2061 : i32 to index
      %get3A_2063 = arith.constant 304 : index
      %get3A_2064 = tpu.vector_load %arg6[%get3A_2062, %get3A_2063] {strides = array<i32>} : memref<16x512xf32, #tpu.memory_space<vmem>>, vector<1x16xf32>,
      %get3A_2065 = vector.shape_cast %get3A_2064 : vector<1x16xf32> to vector<16xf32>
      %add3A_2066 = arith.addf %add3A_2060, %get3A_2065 : vector<16xf32>
      %get3A_2067 = arith.constant 3 : i32
      %get3A_2068 = arith.index_cast %get3A_2067 : i32 to index
      %get3A_2069 = arith.constant 304 : index
      %get3A_2070 = tpu.vector_load %arg6[%get3A_2068, %get3A_2069] {strides = array<i32>} : memref<16x512xf32, #tpu.memory_space<vmem>>, vector<1x16xf32>,
      %get3A_2071 = vector.shape_cast %get3A_2070 : vector<1x16xf32> to vector<16xf32>
      %add3A_2072 = arith.addf %add3A_2066, %get3A_2071 : vector<16xf32>
      %get3A_2073 = arith.constant 4 : i32
      %get3A_2074 = arith.index_cast %get3A_2073 : i32 to index
      %get3A_2075 = arith.constant 304 : index
      %get3A_2076 = tpu.vector_load %arg6[%get3A_2074, %get3A_2075] {strides = array<i32>} : memref<16x512xf32, #tpu.memory_space<vmem>>, vector<1x16xf32>,
      %get3A_2077 = vector.shape_cast %get3A_2076 : vector<1x16xf32> to vector<16xf32>
      %add3A_2078 = arith.addf %add3A_2072, %get3A_2077 : vector<16xf32>
      %get3A_2079 = arith.constant 5 : i32
      %get3A_2080 = arith.index_cast %get3A_2079 : i32 to index
      %get3A_2081 = arith.constant 304 : index
      %get3A_2082 = tpu.vector_load %arg6[%get3A_2080, %get3A_2081] {strides = array<i32>} : memref<16x512xf32, #tpu.memory_space<vmem>>, vector<1x16xf32>,
      %get3A_2083 = vector.shape_cast %get3A_2082 : vector<1x16xf32> to vector<16xf32>
      %add3A_2084 = arith.addf %add3A_2078, %get3A_2083 : vector<16xf32>
      %get3A_2085 = arith.constant 6 : i32
      %get3A_2086 = arith.index_cast %get3A_2085 : i32 to index
      %get3A_2087 = arith.constant 304 : index
      %get3A_2088 = tpu.vector_load %arg6[%get3A_2086, %get3A_2087] {strides = array<i32>} : memref<16x512xf32, #tpu.memory_space<vmem>>, vector<1x16xf32>,
      %get3A_2089 = vector.shape_cast %get3A_2088 : vector<1x16xf32> to vector<16xf32>
      %add3A_2090 = arith.addf %add3A_2084, %get3A_2089 : vector<16xf32>
      %get3A_2091 = arith.constant 7 : i32
      %get3A_2092 = arith.index_cast %get3A_2091 : i32 to index
      %get3A_2093 = arith.constant 304 : index
      %get3A_2094 = tpu.vector_load %arg6[%get3A_2092, %get3A_2093] {strides = array<i32>} : memref<16x512xf32, #tpu.memory_space<vmem>>, vector<1x16xf32>,
      %get3A_2095 = vector.shape_cast %get3A_2094 : vector<1x16xf32> to vector<16xf32>
      %add3A_2096 = arith.addf %add3A_2090, %get3A_2095 : vector<16xf32>
      %get3A_2097 = arith.constant 8 : i32
      %get3A_2098 = arith.index_cast %get3A_2097 : i32 to index
      %get3A_2099 = arith.constant 304 : index
      %get3A_2100 = tpu.vector_load %arg6[%get3A_2098, %get3A_2099] {strides = array<i32>} : memref<16x512xf32, #tpu.memory_space<vmem>>, vector<1x16xf32>,
      %get3A_2101 = vector.shape_cast %get3A_2100 : vector<1x16xf32> to vector<16xf32>
      %add3A_2102 = arith.addf %add3A_2096, %get3A_2101 : vector<16xf32>
      %get3A_2103 = arith.constant 9 : i32
      %get3A_2104 = arith.index_cast %get3A_2103 : i32 to index
      %get3A_2105 = arith.constant 304 : index
      %get3A_2106 = tpu.vector_load %arg6[%get3A_2104, %get3A_2105] {strides = array<i32>} : memref<16x512xf32, #tpu.memory_space<vmem>>, vector<1x16xf32>,
      %get3A_2107 = vector.shape_cast %get3A_2106 : vector<1x16xf32> to vector<16xf32>
      %add3A_2108 = arith.addf %add3A_2102, %get3A_2107 : vector<16xf32>
      %get3A_2109 = arith.constant 10 : i32
      %get3A_2110 = arith.index_cast %get3A_2109 : i32 to index
      %get3A_2111 = arith.constant 304 : index
      %get3A_2112 = tpu.vector_load %arg6[%get3A_2110, %get3A_2111] {strides = array<i32>} : memref<16x512xf32, #tpu.memory_space<vmem>>, vector<1x16xf32>,
      %get3A_2113 = vector.shape_cast %get3A_2112 : vector<1x16xf32> to vector<16xf32>
      %add3A_2114 = arith.addf %add3A_2108, %get3A_2113 : vector<16xf32>
      %get3A_2115 = arith.constant 11 : i32
      %get3A_2116 = arith.index_cast %get3A_2115 : i32 to index
      %get3A_2117 = arith.constant 304 : index
      %get3A_2118 = tpu.vector_load %arg6[%get3A_2116, %get3A_2117] {strides = array<i32>} : memref<16x512xf32, #tpu.memory_space<vmem>>, vector<1x16xf32>,
      %get3A_2119 = vector.shape_cast %get3A_2118 : vector<1x16xf32> to vector<16xf32>
      %add3A_2120 = arith.addf %add3A_2114, %get3A_2119 : vector<16xf32>
      %get3A_2121 = arith.constant 12 : i32
      %get3A_2122 = arith.index_cast %get3A_2121 : i32 to index
      %get3A_2123 = arith.constant 304 : index
      %get3A_2124 = tpu.vector_load %arg6[%get3A_2122, %get3A_2123] {strides = array<i32>} : memref<16x512xf32, #tpu.memory_space<vmem>>, vector<1x16xf32>,
      %get3A_2125 = vector.shape_cast %get3A_2124 : vector<1x16xf32> to vector<16xf32>
      %add3A_2126 = arith.addf %add3A_2120, %get3A_2125 : vector<16xf32>
      %get3A_2127 = arith.constant 13 : i32
      %get3A_2128 = arith.index_cast %get3A_2127 : i32 to index
      %get3A_2129 = arith.constant 304 : index
      %get3A_2130 = tpu.vector_load %arg6[%get3A_2128, %get3A_2129] {strides = array<i32>} : memref<16x512xf32, #tpu.memory_space<vmem>>, vector<1x16xf32>,
      %get3A_2131 = vector.shape_cast %get3A_2130 : vector<1x16xf32> to vector<16xf32>
      %add3A_2132 = arith.addf %add3A_2126, %get3A_2131 : vector<16xf32>
      %get3A_2133 = arith.constant 14 : i32
      %get3A_2134 = arith.index_cast %get3A_2133 : i32 to index
      %get3A_2135 = arith.constant 304 : index
      %get3A_2136 = tpu.vector_load %arg6[%get3A_2134, %get3A_2135] {strides = array<i32>} : memref<16x512xf32, #tpu.memory_space<vmem>>, vector<1x16xf32>,
      %get3A_2137 = vector.shape_cast %get3A_2136 : vector<1x16xf32> to vector<16xf32>
      %add3A_2138 = arith.addf %add3A_2132, %get3A_2137 : vector<16xf32>
      %get3A_2139 = arith.constant 15 : i32
      %get3A_2140 = arith.index_cast %get3A_2139 : i32 to index
      %get3A_2141 = arith.constant 304 : index
      %get3A_2142 = tpu.vector_load %arg6[%get3A_2140, %get3A_2141] {strides = array<i32>} : memref<16x512xf32, #tpu.memory_space<vmem>>, vector<1x16xf32>,
      %get3A_2143 = vector.shape_cast %get3A_2142 : vector<1x16xf32> to vector<16xf32>
      %add3A_2144 = arith.addf %add3A_2138, %get3A_2143 : vector<16xf32>
      %mul3A_2145 = arith.constant 6.250000e-02 : f32
      %mul3A_2146 = vector.broadcast %mul3A_2145 : f32 to vector<16xf32>
      %mul3A_2147 = arith.mulf %add3A_2144, %mul3A_2146 : vector<16xf32>
      %mul3A_2148 = arith.constant 1 : i32
      %mul3A_2149 = arith.muli %scan3A_10, %mul3A_2148 : i32
      %add3A_2150 = arith.constant 0 : i32
      %add3A_2151 = arith.addi %mul3A_2149, %add3A_2150 : i32
      %swap3A_2152 = arith.index_cast %add3A_2151 : i32 to index
      %swap3A_2153 = arith.constant 304 : index
      %swap3A_2154 = tpu.vector_load %arg7[%swap3A_2152, %swap3A_2153] {strides = array<i32>} : memref<32x512xf32, #tpu.memory_space<vmem>>, vector<1x16xf32>,
      %swap3A_2155 = vector.shape_cast %swap3A_2154 : vector<1x16xf32> to vector<16xf32>
      %swap3A_2156 = vector.shape_cast %mul3A_2147 : vector<16xf32> to vector<1x16xf32>
      tpu.vector_store %arg7[%swap3A_2152, %swap3A_2153], %swap3A_2156 {strides = array<i32>} : memref<32x512xf32, #tpu.memory_space<vmem>>, vector<1x16xf32>,
      %get3A_2157 = arith.constant 0 : i32
      %get3A_2158 = arith.index_cast %get3A_2157 : i32 to index
      %get3A_2159 = arith.constant 320 : index
      %get3A_2160 = tpu.vector_load %arg6[%get3A_2158, %get3A_2159] {strides = array<i32>} : memref<16x512xf32, #tpu.memory_space<vmem>>, vector<1x16xf32>,
      %get3A_2161 = vector.shape_cast %get3A_2160 : vector<1x16xf32> to vector<16xf32>
      %get3A_2162 = arith.constant 1 : i32
      %get3A_2163 = arith.index_cast %get3A_2162 : i32 to index
      %get3A_2164 = arith.constant 320 : index
      %get3A_2165 = tpu.vector_load %arg6[%get3A_2163, %get3A_2164] {strides = array<i32>} : memref<16x512xf32, #tpu.memory_space<vmem>>, vector<1x16xf32>,
      %get3A_2166 = vector.shape_cast %get3A_2165 : vector<1x16xf32> to vector<16xf32>
      %add3A_2167 = arith.addf %get3A_2161, %get3A_2166 : vector<16xf32>
      %get3A_2168 = arith.constant 2 : i32
      %get3A_2169 = arith.index_cast %get3A_2168 : i32 to index
      %get3A_2170 = arith.constant 320 : index
      %get3A_2171 = tpu.vector_load %arg6[%get3A_2169, %get3A_2170] {strides = array<i32>} : memref<16x512xf32, #tpu.memory_space<vmem>>, vector<1x16xf32>,
      %get3A_2172 = vector.shape_cast %get3A_2171 : vector<1x16xf32> to vector<16xf32>
      %add3A_2173 = arith.addf %add3A_2167, %get3A_2172 : vector<16xf32>
      %get3A_2174 = arith.constant 3 : i32
      %get3A_2175 = arith.index_cast %get3A_2174 : i32 to index
      %get3A_2176 = arith.constant 320 : index
      %get3A_2177 = tpu.vector_load %arg6[%get3A_2175, %get3A_2176] {strides = array<i32>} : memref<16x512xf32, #tpu.memory_space<vmem>>, vector<1x16xf32>,
      %get3A_2178 = vector.shape_cast %get3A_2177 : vector<1x16xf32> to vector<16xf32>
      %add3A_2179 = arith.addf %add3A_2173, %get3A_2178 : vector<16xf32>
      %get3A_2180 = arith.constant 4 : i32
      %get3A_2181 = arith.index_cast %get3A_2180 : i32 to index
      %get3A_2182 = arith.constant 320 : index
      %get3A_2183 = tpu.vector_load %arg6[%get3A_2181, %get3A_2182] {strides = array<i32>} : memref<16x512xf32, #tpu.memory_space<vmem>>, vector<1x16xf32>,
      %get3A_2184 = vector.shape_cast %get3A_2183 : vector<1x16xf32> to vector<16xf32>
      %add3A_2185 = arith.addf %add3A_2179, %get3A_2184 : vector<16xf32>
      %get3A_2186 = arith.constant 5 : i32
      %get3A_2187 = arith.index_cast %get3A_2186 : i32 to index
      %get3A_2188 = arith.constant 320 : index
      %get3A_2189 = tpu.vector_load %arg6[%get3A_2187, %get3A_2188] {strides = array<i32>} : memref<16x512xf32, #tpu.memory_space<vmem>>, vector<1x16xf32>,
      %get3A_2190 = vector.shape_cast %get3A_2189 : vector<1x16xf32> to vector<16xf32>
      %add3A_2191 = arith.addf %add3A_2185, %get3A_2190 : vector<16xf32>
      %get3A_2192 = arith.constant 6 : i32
      %get3A_2193 = arith.index_cast %get3A_2192 : i32 to index
      %get3A_2194 = arith.constant 320 : index
      %get3A_2195 = tpu.vector_load %arg6[%get3A_2193, %get3A_2194] {strides = array<i32>} : memref<16x512xf32, #tpu.memory_space<vmem>>, vector<1x16xf32>,
      %get3A_2196 = vector.shape_cast %get3A_2195 : vector<1x16xf32> to vector<16xf32>
      %add3A_2197 = arith.addf %add3A_2191, %get3A_2196 : vector<16xf32>
      %get3A_2198 = arith.constant 7 : i32
      %get3A_2199 = arith.index_cast %get3A_2198 : i32 to index
      %get3A_2200 = arith.constant 320 : index
      %get3A_2201 = tpu.vector_load %arg6[%get3A_2199, %get3A_2200] {strides = array<i32>} : memref<16x512xf32, #tpu.memory_space<vmem>>, vector<1x16xf32>,
      %get3A_2202 = vector.shape_cast %get3A_2201 : vector<1x16xf32> to vector<16xf32>
      %add3A_2203 = arith.addf %add3A_2197, %get3A_2202 : vector<16xf32>
      %get3A_2204 = arith.constant 8 : i32
      %get3A_2205 = arith.index_cast %get3A_2204 : i32 to index
      %get3A_2206 = arith.constant 320 : index
      %get3A_2207 = tpu.vector_load %arg6[%get3A_2205, %get3A_2206] {strides = array<i32>} : memref<16x512xf32, #tpu.memory_space<vmem>>, vector<1x16xf32>,
      %get3A_2208 = vector.shape_cast %get3A_2207 : vector<1x16xf32> to vector<16xf32>
      %add3A_2209 = arith.addf %add3A_2203, %get3A_2208 : vector<16xf32>
      %get3A_2210 = arith.constant 9 : i32
      %get3A_2211 = arith.index_cast %get3A_2210 : i32 to index
      %get3A_2212 = arith.constant 320 : index
      %get3A_2213 = tpu.vector_load %arg6[%get3A_2211, %get3A_2212] {strides = array<i32>} : memref<16x512xf32, #tpu.memory_space<vmem>>, vector<1x16xf32>,
      %get3A_2214 = vector.shape_cast %get3A_2213 : vector<1x16xf32> to vector<16xf32>
      %add3A_2215 = arith.addf %add3A_2209, %get3A_2214 : vector<16xf32>
      %get3A_2216 = arith.constant 10 : i32
      %get3A_2217 = arith.index_cast %get3A_2216 : i32 to index
      %get3A_2218 = arith.constant 320 : index
      %get3A_2219 = tpu.vector_load %arg6[%get3A_2217, %get3A_2218] {strides = array<i32>} : memref<16x512xf32, #tpu.memory_space<vmem>>, vector<1x16xf32>,
      %get3A_2220 = vector.shape_cast %get3A_2219 : vector<1x16xf32> to vector<16xf32>
      %add3A_2221 = arith.addf %add3A_2215, %get3A_2220 : vector<16xf32>
      %get3A_2222 = arith.constant 11 : i32
      %get3A_2223 = arith.index_cast %get3A_2222 : i32 to index
      %get3A_2224 = arith.constant 320 : index
      %get3A_2225 = tpu.vector_load %arg6[%get3A_2223, %get3A_2224] {strides = array<i32>} : memref<16x512xf32, #tpu.memory_space<vmem>>, vector<1x16xf32>,
      %get3A_2226 = vector.shape_cast %get3A_2225 : vector<1x16xf32> to vector<16xf32>
      %add3A_2227 = arith.addf %add3A_2221, %get3A_2226 : vector<16xf32>
      %get3A_2228 = arith.constant 12 : i32
      %get3A_2229 = arith.index_cast %get3A_2228 : i32 to index
      %get3A_2230 = arith.constant 320 : index
      %get3A_2231 = tpu.vector_load %arg6[%get3A_2229, %get3A_2230] {strides = array<i32>} : memref<16x512xf32, #tpu.memory_space<vmem>>, vector<1x16xf32>,
      %get3A_2232 = vector.shape_cast %get3A_2231 : vector<1x16xf32> to vector<16xf32>
      %add3A_2233 = arith.addf %add3A_2227, %get3A_2232 : vector<16xf32>
      %get3A_2234 = arith.constant 13 : i32
      %get3A_2235 = arith.index_cast %get3A_2234 : i32 to index
      %get3A_2236 = arith.constant 320 : index
      %get3A_2237 = tpu.vector_load %arg6[%get3A_2235, %get3A_2236] {strides = array<i32>} : memref<16x512xf32, #tpu.memory_space<vmem>>, vector<1x16xf32>,
      %get3A_2238 = vector.shape_cast %get3A_2237 : vector<1x16xf32> to vector<16xf32>
      %add3A_2239 = arith.addf %add3A_2233, %get3A_2238 : vector<16xf32>
      %get3A_2240 = arith.constant 14 : i32
      %get3A_2241 = arith.index_cast %get3A_2240 : i32 to index
      %get3A_2242 = arith.constant 320 : index
      %get3A_2243 = tpu.vector_load %arg6[%get3A_2241, %get3A_2242] {strides = array<i32>} : memref<16x512xf32, #tpu.memory_space<vmem>>, vector<1x16xf32>,
      %get3A_2244 = vector.shape_cast %get3A_2243 : vector<1x16xf32> to vector<16xf32>
      %add3A_2245 = arith.addf %add3A_2239, %get3A_2244 : vector<16xf32>
      %get3A_2246 = arith.constant 15 : i32
      %get3A_2247 = arith.index_cast %get3A_2246 : i32 to index
      %get3A_2248 = arith.constant 320 : index
      %get3A_2249 = tpu.vector_load %arg6[%get3A_2247, %get3A_2248] {strides = array<i32>} : memref<16x512xf32, #tpu.memory_space<vmem>>, vector<1x16xf32>,
      %get3A_2250 = vector.shape_cast %get3A_2249 : vector<1x16xf32> to vector<16xf32>
      %add3A_2251 = arith.addf %add3A_2245, %get3A_2250 : vector<16xf32>
      %mul3A_2252 = arith.constant 6.250000e-02 : f32
      %mul3A_2253 = vector.broadcast %mul3A_2252 : f32 to vector<16xf32>
      %mul3A_2254 = arith.mulf %add3A_2251, %mul3A_2253 : vector<16xf32>
      %mul3A_2255 = arith.constant 1 : i32
      %mul3A_2256 = arith.muli %scan3A_10, %mul3A_2255 : i32
      %add3A_2257 = arith.constant 0 : i32
      %add3A_2258 = arith.addi %mul3A_2256, %add3A_2257 : i32
      %swap3A_2259 = arith.index_cast %add3A_2258 : i32 to index
      %swap3A_2260 = arith.constant 320 : index
      %swap3A_2261 = tpu.vector_load %arg7[%swap3A_2259, %swap3A_2260] {strides = array<i32>} : memref<32x512xf32, #tpu.memory_space<vmem>>, vector<1x16xf32>,
      %swap3A_2262 = vector.shape_cast %swap3A_2261 : vector<1x16xf32> to vector<16xf32>
      %swap3A_2263 = vector.shape_cast %mul3A_2254 : vector<16xf32> to vector<1x16xf32>
      tpu.vector_store %arg7[%swap3A_2259, %swap3A_2260], %swap3A_2263 {strides = array<i32>} : memref<32x512xf32, #tpu.memory_space<vmem>>, vector<1x16xf32>,
      %get3A_2264 = arith.constant 0 : i32
      %get3A_2265 = arith.index_cast %get3A_2264 : i32 to index
      %get3A_2266 = arith.constant 336 : index
      %get3A_2267 = tpu.vector_load %arg6[%get3A_2265, %get3A_2266] {strides = array<i32>} : memref<16x512xf32, #tpu.memory_space<vmem>>, vector<1x16xf32>,
      %get3A_2268 = vector.shape_cast %get3A_2267 : vector<1x16xf32> to vector<16xf32>
      %get3A_2269 = arith.constant 1 : i32
      %get3A_2270 = arith.index_cast %get3A_2269 : i32 to index
      %get3A_2271 = arith.constant 336 : index
      %get3A_2272 = tpu.vector_load %arg6[%get3A_2270, %get3A_2271] {strides = array<i32>} : memref<16x512xf32, #tpu.memory_space<vmem>>, vector<1x16xf32>,
      %get3A_2273 = vector.shape_cast %get3A_2272 : vector<1x16xf32> to vector<16xf32>
      %add3A_2274 = arith.addf %get3A_2268, %get3A_2273 : vector<16xf32>
      %get3A_2275 = arith.constant 2 : i32
      %get3A_2276 = arith.index_cast %get3A_2275 : i32 to index
      %get3A_2277 = arith.constant 336 : index
      %get3A_2278 = tpu.vector_load %arg6[%get3A_2276, %get3A_2277] {strides = array<i32>} : memref<16x512xf32, #tpu.memory_space<vmem>>, vector<1x16xf32>,
      %get3A_2279 = vector.shape_cast %get3A_2278 : vector<1x16xf32> to vector<16xf32>
      %add3A_2280 = arith.addf %add3A_2274, %get3A_2279 : vector<16xf32>
      %get3A_2281 = arith.constant 3 : i32
      %get3A_2282 = arith.index_cast %get3A_2281 : i32 to index
      %get3A_2283 = arith.constant 336 : index
      %get3A_2284 = tpu.vector_load %arg6[%get3A_2282, %get3A_2283] {strides = array<i32>} : memref<16x512xf32, #tpu.memory_space<vmem>>, vector<1x16xf32>,
      %get3A_2285 = vector.shape_cast %get3A_2284 : vector<1x16xf32> to vector<16xf32>
      %add3A_2286 = arith.addf %add3A_2280, %get3A_2285 : vector<16xf32>
      %get3A_2287 = arith.constant 4 : i32
      %get3A_2288 = arith.index_cast %get3A_2287 : i32 to index
      %get3A_2289 = arith.constant 336 : index
      %get3A_2290 = tpu.vector_load %arg6[%get3A_2288, %get3A_2289] {strides = array<i32>} : memref<16x512xf32, #tpu.memory_space<vmem>>, vector<1x16xf32>,
      %get3A_2291 = vector.shape_cast %get3A_2290 : vector<1x16xf32> to vector<16xf32>
      %add3A_2292 = arith.addf %add3A_2286, %get3A_2291 : vector<16xf32>
      %get3A_2293 = arith.constant 5 : i32
      %get3A_2294 = arith.index_cast %get3A_2293 : i32 to index
      %get3A_2295 = arith.constant 336 : index
      %get3A_2296 = tpu.vector_load %arg6[%get3A_2294, %get3A_2295] {strides = array<i32>} : memref<16x512xf32, #tpu.memory_space<vmem>>, vector<1x16xf32>,
      %get3A_2297 = vector.shape_cast %get3A_2296 : vector<1x16xf32> to vector<16xf32>
      %add3A_2298 = arith.addf %add3A_2292, %get3A_2297 : vector<16xf32>
      %get3A_2299 = arith.constant 6 : i32
      %get3A_2300 = arith.index_cast %get3A_2299 : i32 to index
      %get3A_2301 = arith.constant 336 : index
      %get3A_2302 = tpu.vector_load %arg6[%get3A_2300, %get3A_2301] {strides = array<i32>} : memref<16x512xf32, #tpu.memory_space<vmem>>, vector<1x16xf32>,
      %get3A_2303 = vector.shape_cast %get3A_2302 : vector<1x16xf32> to vector<16xf32>
      %add3A_2304 = arith.addf %add3A_2298, %get3A_2303 : vector<16xf32>
      %get3A_2305 = arith.constant 7 : i32
      %get3A_2306 = arith.index_cast %get3A_2305 : i32 to index
      %get3A_2307 = arith.constant 336 : index
      %get3A_2308 = tpu.vector_load %arg6[%get3A_2306, %get3A_2307] {strides = array<i32>} : memref<16x512xf32, #tpu.memory_space<vmem>>, vector<1x16xf32>,
      %get3A_2309 = vector.shape_cast %get3A_2308 : vector<1x16xf32> to vector<16xf32>
      %add3A_2310 = arith.addf %add3A_2304, %get3A_2309 : vector<16xf32>
      %get3A_2311 = arith.constant 8 : i32
      %get3A_2312 = arith.index_cast %get3A_2311 : i32 to index
      %get3A_2313 = arith.constant 336 : index
      %get3A_2314 = tpu.vector_load %arg6[%get3A_2312, %get3A_2313] {strides = array<i32>} : memref<16x512xf32, #tpu.memory_space<vmem>>, vector<1x16xf32>,
      %get3A_2315 = vector.shape_cast %get3A_2314 : vector<1x16xf32> to vector<16xf32>
      %add3A_2316 = arith.addf %add3A_2310, %get3A_2315 : vector<16xf32>
      %get3A_2317 = arith.constant 9 : i32
      %get3A_2318 = arith.index_cast %get3A_2317 : i32 to index
      %get3A_2319 = arith.constant 336 : index
      %get3A_2320 = tpu.vector_load %arg6[%get3A_2318, %get3A_2319] {strides = array<i32>} : memref<16x512xf32, #tpu.memory_space<vmem>>, vector<1x16xf32>,
      %get3A_2321 = vector.shape_cast %get3A_2320 : vector<1x16xf32> to vector<16xf32>
      %add3A_2322 = arith.addf %add3A_2316, %get3A_2321 : vector<16xf32>
      %get3A_2323 = arith.constant 10 : i32
      %get3A_2324 = arith.index_cast %get3A_2323 : i32 to index
      %get3A_2325 = arith.constant 336 : index
      %get3A_2326 = tpu.vector_load %arg6[%get3A_2324, %get3A_2325] {strides = array<i32>} : memref<16x512xf32, #tpu.memory_space<vmem>>, vector<1x16xf32>,
      %get3A_2327 = vector.shape_cast %get3A_2326 : vector<1x16xf32> to vector<16xf32>
      %add3A_2328 = arith.addf %add3A_2322, %get3A_2327 : vector<16xf32>
      %get3A_2329 = arith.constant 11 : i32
      %get3A_2330 = arith.index_cast %get3A_2329 : i32 to index
      %get3A_2331 = arith.constant 336 : index
      %get3A_2332 = tpu.vector_load %arg6[%get3A_2330, %get3A_2331] {strides = array<i32>} : memref<16x512xf32, #tpu.memory_space<vmem>>, vector<1x16xf32>,
      %get3A_2333 = vector.shape_cast %get3A_2332 : vector<1x16xf32> to vector<16xf32>
      %add3A_2334 = arith.addf %add3A_2328, %get3A_2333 : vector<16xf32>
      %get3A_2335 = arith.constant 12 : i32
      %get3A_2336 = arith.index_cast %get3A_2335 : i32 to index
      %get3A_2337 = arith.constant 336 : index
      %get3A_2338 = tpu.vector_load %arg6[%get3A_2336, %get3A_2337] {strides = array<i32>} : memref<16x512xf32, #tpu.memory_space<vmem>>, vector<1x16xf32>,
      %get3A_2339 = vector.shape_cast %get3A_2338 : vector<1x16xf32> to vector<16xf32>
      %add3A_2340 = arith.addf %add3A_2334, %get3A_2339 : vector<16xf32>
      %get3A_2341 = arith.constant 13 : i32
      %get3A_2342 = arith.index_cast %get3A_2341 : i32 to index
      %get3A_2343 = arith.constant 336 : index
      %get3A_2344 = tpu.vector_load %arg6[%get3A_2342, %get3A_2343] {strides = array<i32>} : memref<16x512xf32, #tpu.memory_space<vmem>>, vector<1x16xf32>,
      %get3A_2345 = vector.shape_cast %get3A_2344 : vector<1x16xf32> to vector<16xf32>
      %add3A_2346 = arith.addf %add3A_2340, %get3A_2345 : vector<16xf32>
      %get3A_2347 = arith.constant 14 : i32
      %get3A_2348 = arith.index_cast %get3A_2347 : i32 to index
      %get3A_2349 = arith.constant 336 : index
      %get3A_2350 = tpu.vector_load %arg6[%get3A_2348, %get3A_2349] {strides = array<i32>} : memref<16x512xf32, #tpu.memory_space<vmem>>, vector<1x16xf32>,
      %get3A_2351 = vector.shape_cast %get3A_2350 : vector<1x16xf32> to vector<16xf32>
      %add3A_2352 = arith.addf %add3A_2346, %get3A_2351 : vector<16xf32>
      %get3A_2353 = arith.constant 15 : i32
      %get3A_2354 = arith.index_cast %get3A_2353 : i32 to index
      %get3A_2355 = arith.constant 336 : index
      %get3A_2356 = tpu.vector_load %arg6[%get3A_2354, %get3A_2355] {strides = array<i32>} : memref<16x512xf32, #tpu.memory_space<vmem>>, vector<1x16xf32>,
      %get3A_2357 = vector.shape_cast %get3A_2356 : vector<1x16xf32> to vector<16xf32>
      %add3A_2358 = arith.addf %add3A_2352, %get3A_2357 : vector<16xf32>
      %mul3A_2359 = arith.constant 6.250000e-02 : f32
      %mul3A_2360 = vector.broadcast %mul3A_2359 : f32 to vector<16xf32>
      %mul3A_2361 = arith.mulf %add3A_2358, %mul3A_2360 : vector<16xf32>
      %mul3A_2362 = arith.constant 1 : i32
      %mul3A_2363 = arith.muli %scan3A_10, %mul3A_2362 : i32
      %add3A_2364 = arith.constant 0 : i32
      %add3A_2365 = arith.addi %mul3A_2363, %add3A_2364 : i32
      %swap3A_2366 = arith.index_cast %add3A_2365 : i32 to index
      %swap3A_2367 = arith.constant 336 : index
      %swap3A_2368 = tpu.vector_load %arg7[%swap3A_2366, %swap3A_2367] {strides = array<i32>} : memref<32x512xf32, #tpu.memory_space<vmem>>, vector<1x16xf32>,
      %swap3A_2369 = vector.shape_cast %swap3A_2368 : vector<1x16xf32> to vector<16xf32>
      %swap3A_2370 = vector.shape_cast %mul3A_2361 : vector<16xf32> to vector<1x16xf32>
      tpu.vector_store %arg7[%swap3A_2366, %swap3A_2367], %swap3A_2370 {strides = array<i32>} : memref<32x512xf32, #tpu.memory_space<vmem>>, vector<1x16xf32>,
      %get3A_2371 = arith.constant 0 : i32
      %get3A_2372 = arith.index_cast %get3A_2371 : i32 to index
      %get3A_2373 = arith.constant 352 : index
      %get3A_2374 = tpu.vector_load %arg6[%get3A_2372, %get3A_2373] {strides = array<i32>} : memref<16x512xf32, #tpu.memory_space<vmem>>, vector<1x16xf32>,
      %get3A_2375 = vector.shape_cast %get3A_2374 : vector<1x16xf32> to vector<16xf32>
      %get3A_2376 = arith.constant 1 : i32
      %get3A_2377 = arith.index_cast %get3A_2376 : i32 to index
      %get3A_2378 = arith.constant 352 : index
      %get3A_2379 = tpu.vector_load %arg6[%get3A_2377, %get3A_2378] {strides = array<i32>} : memref<16x512xf32, #tpu.memory_space<vmem>>, vector<1x16xf32>,
      %get3A_2380 = vector.shape_cast %get3A_2379 : vector<1x16xf32> to vector<16xf32>
      %add3A_2381 = arith.addf %get3A_2375, %get3A_2380 : vector<16xf32>
      %get3A_2382 = arith.constant 2 : i32
      %get3A_2383 = arith.index_cast %get3A_2382 : i32 to index
      %get3A_2384 = arith.constant 352 : index
      %get3A_2385 = tpu.vector_load %arg6[%get3A_2383, %get3A_2384] {strides = array<i32>} : memref<16x512xf32, #tpu.memory_space<vmem>>, vector<1x16xf32>,
      %get3A_2386 = vector.shape_cast %get3A_2385 : vector<1x16xf32> to vector<16xf32>
      %add3A_2387 = arith.addf %add3A_2381, %get3A_2386 : vector<16xf32>
      %get3A_2388 = arith.constant 3 : i32
      %get3A_2389 = arith.index_cast %get3A_2388 : i32 to index
      %get3A_2390 = arith.constant 352 : index
      %get3A_2391 = tpu.vector_load %arg6[%get3A_2389, %get3A_2390] {strides = array<i32>} : memref<16x512xf32, #tpu.memory_space<vmem>>, vector<1x16xf32>,
      %get3A_2392 = vector.shape_cast %get3A_2391 : vector<1x16xf32> to vector<16xf32>
      %add3A_2393 = arith.addf %add3A_2387, %get3A_2392 : vector<16xf32>
      %get3A_2394 = arith.constant 4 : i32
      %get3A_2395 = arith.index_cast %get3A_2394 : i32 to index
      %get3A_2396 = arith.constant 352 : index
      %get3A_2397 = tpu.vector_load %arg6[%get3A_2395, %get3A_2396] {strides = array<i32>} : memref<16x512xf32, #tpu.memory_space<vmem>>, vector<1x16xf32>,
      %get3A_2398 = vector.shape_cast %get3A_2397 : vector<1x16xf32> to vector<16xf32>
      %add3A_2399 = arith.addf %add3A_2393, %get3A_2398 : vector<16xf32>
      %get3A_2400 = arith.constant 5 : i32
      %get3A_2401 = arith.index_cast %get3A_2400 : i32 to index
      %get3A_2402 = arith.constant 352 : index
      %get3A_2403 = tpu.vector_load %arg6[%get3A_2401, %get3A_2402] {strides = array<i32>} : memref<16x512xf32, #tpu.memory_space<vmem>>, vector<1x16xf32>,
      %get3A_2404 = vector.shape_cast %get3A_2403 : vector<1x16xf32> to vector<16xf32>
      %add3A_2405 = arith.addf %add3A_2399, %get3A_2404 : vector<16xf32>
      %get3A_2406 = arith.constant 6 : i32
      %get3A_2407 = arith.index_cast %get3A_2406 : i32 to index
      %get3A_2408 = arith.constant 352 : index
      %get3A_2409 = tpu.vector_load %arg6[%get3A_2407, %get3A_2408] {strides = array<i32>} : memref<16x512xf32, #tpu.memory_space<vmem>>, vector<1x16xf32>,
      %get3A_2410 = vector.shape_cast %get3A_2409 : vector<1x16xf32> to vector<16xf32>
      %add3A_2411 = arith.addf %add3A_2405, %get3A_2410 : vector<16xf32>
      %get3A_2412 = arith.constant 7 : i32
      %get3A_2413 = arith.index_cast %get3A_2412 : i32 to index
      %get3A_2414 = arith.constant 352 : index
      %get3A_2415 = tpu.vector_load %arg6[%get3A_2413, %get3A_2414] {strides = array<i32>} : memref<16x512xf32, #tpu.memory_space<vmem>>, vector<1x16xf32>,
      %get3A_2416 = vector.shape_cast %get3A_2415 : vector<1x16xf32> to vector<16xf32>
      %add3A_2417 = arith.addf %add3A_2411, %get3A_2416 : vector<16xf32>
      %get3A_2418 = arith.constant 8 : i32
      %get3A_2419 = arith.index_cast %get3A_2418 : i32 to index
      %get3A_2420 = arith.constant 352 : index
      %get3A_2421 = tpu.vector_load %arg6[%get3A_2419, %get3A_2420] {strides = array<i32>} : memref<16x512xf32, #tpu.memory_space<vmem>>, vector<1x16xf32>,
      %get3A_2422 = vector.shape_cast %get3A_2421 : vector<1x16xf32> to vector<16xf32>
      %add3A_2423 = arith.addf %add3A_2417, %get3A_2422 : vector<16xf32>
      %get3A_2424 = arith.constant 9 : i32
      %get3A_2425 = arith.index_cast %get3A_2424 : i32 to index
      %get3A_2426 = arith.constant 352 : index
      %get3A_2427 = tpu.vector_load %arg6[%get3A_2425, %get3A_2426] {strides = array<i32>} : memref<16x512xf32, #tpu.memory_space<vmem>>, vector<1x16xf32>,
      %get3A_2428 = vector.shape_cast %get3A_2427 : vector<1x16xf32> to vector<16xf32>
      %add3A_2429 = arith.addf %add3A_2423, %get3A_2428 : vector<16xf32>
      %get3A_2430 = arith.constant 10 : i32
      %get3A_2431 = arith.index_cast %get3A_2430 : i32 to index
      %get3A_2432 = arith.constant 352 : index
      %get3A_2433 = tpu.vector_load %arg6[%get3A_2431, %get3A_2432] {strides = array<i32>} : memref<16x512xf32, #tpu.memory_space<vmem>>, vector<1x16xf32>,
      %get3A_2434 = vector.shape_cast %get3A_2433 : vector<1x16xf32> to vector<16xf32>
      %add3A_2435 = arith.addf %add3A_2429, %get3A_2434 : vector<16xf32>
      %get3A_2436 = arith.constant 11 : i32
      %get3A_2437 = arith.index_cast %get3A_2436 : i32 to index
      %get3A_2438 = arith.constant 352 : index
      %get3A_2439 = tpu.vector_load %arg6[%get3A_2437, %get3A_2438] {strides = array<i32>} : memref<16x512xf32, #tpu.memory_space<vmem>>, vector<1x16xf32>,
      %get3A_2440 = vector.shape_cast %get3A_2439 : vector<1x16xf32> to vector<16xf32>
      %add3A_2441 = arith.addf %add3A_2435, %get3A_2440 : vector<16xf32>
      %get3A_2442 = arith.constant 12 : i32
      %get3A_2443 = arith.index_cast %get3A_2442 : i32 to index
      %get3A_2444 = arith.constant 352 : index
      %get3A_2445 = tpu.vector_load %arg6[%get3A_2443, %get3A_2444] {strides = array<i32>} : memref<16x512xf32, #tpu.memory_space<vmem>>, vector<1x16xf32>,
      %get3A_2446 = vector.shape_cast %get3A_2445 : vector<1x16xf32> to vector<16xf32>
      %add3A_2447 = arith.addf %add3A_2441, %get3A_2446 : vector<16xf32>
      %get3A_2448 = arith.constant 13 : i32
      %get3A_2449 = arith.index_cast %get3A_2448 : i32 to index
      %get3A_2450 = arith.constant 352 : index
      %get3A_2451 = tpu.vector_load %arg6[%get3A_2449, %get3A_2450] {strides = array<i32>} : memref<16x512xf32, #tpu.memory_space<vmem>>, vector<1x16xf32>,
      %get3A_2452 = vector.shape_cast %get3A_2451 : vector<1x16xf32> to vector<16xf32>
      %add3A_2453 = arith.addf %add3A_2447, %get3A_2452 : vector<16xf32>
      %get3A_2454 = arith.constant 14 : i32
      %get3A_2455 = arith.index_cast %get3A_2454 : i32 to index
      %get3A_2456 = arith.constant 352 : index
      %get3A_2457 = tpu.vector_load %arg6[%get3A_2455, %get3A_2456] {strides = array<i32>} : memref<16x512xf32, #tpu.memory_space<vmem>>, vector<1x16xf32>,
      %get3A_2458 = vector.shape_cast %get3A_2457 : vector<1x16xf32> to vector<16xf32>
      %add3A_2459 = arith.addf %add3A_2453, %get3A_2458 : vector<16xf32>
      %get3A_2460 = arith.constant 15 : i32
      %get3A_2461 = arith.index_cast %get3A_2460 : i32 to index
      %get3A_2462 = arith.constant 352 : index
      %get3A_2463 = tpu.vector_load %arg6[%get3A_2461, %get3A_2462] {strides = array<i32>} : memref<16x512xf32, #tpu.memory_space<vmem>>, vector<1x16xf32>,
      %get3A_2464 = vector.shape_cast %get3A_2463 : vector<1x16xf32> to vector<16xf32>
      %add3A_2465 = arith.addf %add3A_2459, %get3A_2464 : vector<16xf32>
      %mul3A_2466 = arith.constant 6.250000e-02 : f32
      %mul3A_2467 = vector.broadcast %mul3A_2466 : f32 to vector<16xf32>
      %mul3A_2468 = arith.mulf %add3A_2465, %mul3A_2467 : vector<16xf32>
      %mul3A_2469 = arith.constant 1 : i32
      %mul3A_2470 = arith.muli %scan3A_10, %mul3A_2469 : i32
      %add3A_2471 = arith.constant 0 : i32
      %add3A_2472 = arith.addi %mul3A_2470, %add3A_2471 : i32
      %swap3A_2473 = arith.index_cast %add3A_2472 : i32 to index
      %swap3A_2474 = arith.constant 352 : index
      %swap3A_2475 = tpu.vector_load %arg7[%swap3A_2473, %swap3A_2474] {strides = array<i32>} : memref<32x512xf32, #tpu.memory_space<vmem>>, vector<1x16xf32>,
      %swap3A_2476 = vector.shape_cast %swap3A_2475 : vector<1x16xf32> to vector<16xf32>
      %swap3A_2477 = vector.shape_cast %mul3A_2468 : vector<16xf32> to vector<1x16xf32>
      tpu.vector_store %arg7[%swap3A_2473, %swap3A_2474], %swap3A_2477 {strides = array<i32>} : memref<32x512xf32, #tpu.memory_space<vmem>>, vector<1x16xf32>,
      %get3A_2478 = arith.constant 0 : i32
      %get3A_2479 = arith.index_cast %get3A_2478 : i32 to index
      %get3A_2480 = arith.constant 368 : index
      %get3A_2481 = tpu.vector_load %arg6[%get3A_2479, %get3A_2480] {strides = array<i32>} : memref<16x512xf32, #tpu.memory_space<vmem>>, vector<1x16xf32>,
      %get3A_2482 = vector.shape_cast %get3A_2481 : vector<1x16xf32> to vector<16xf32>
      %get3A_2483 = arith.constant 1 : i32
      %get3A_2484 = arith.index_cast %get3A_2483 : i32 to index
      %get3A_2485 = arith.constant 368 : index
      %get3A_2486 = tpu.vector_load %arg6[%get3A_2484, %get3A_2485] {strides = array<i32>} : memref<16x512xf32, #tpu.memory_space<vmem>>, vector<1x16xf32>,
      %get3A_2487 = vector.shape_cast %get3A_2486 : vector<1x16xf32> to vector<16xf32>
      %add3A_2488 = arith.addf %get3A_2482, %get3A_2487 : vector<16xf32>
      %get3A_2489 = arith.constant 2 : i32
      %get3A_2490 = arith.index_cast %get3A_2489 : i32 to index
      %get3A_2491 = arith.constant 368 : index
      %get3A_2492 = tpu.vector_load %arg6[%get3A_2490, %get3A_2491] {strides = array<i32>} : memref<16x512xf32, #tpu.memory_space<vmem>>, vector<1x16xf32>,
      %get3A_2493 = vector.shape_cast %get3A_2492 : vector<1x16xf32> to vector<16xf32>
      %add3A_2494 = arith.addf %add3A_2488, %get3A_2493 : vector<16xf32>
      %get3A_2495 = arith.constant 3 : i32
      %get3A_2496 = arith.index_cast %get3A_2495 : i32 to index
      %get3A_2497 = arith.constant 368 : index
      %get3A_2498 = tpu.vector_load %arg6[%get3A_2496, %get3A_2497] {strides = array<i32>} : memref<16x512xf32, #tpu.memory_space<vmem>>, vector<1x16xf32>,
      %get3A_2499 = vector.shape_cast %get3A_2498 : vector<1x16xf32> to vector<16xf32>
      %add3A_2500 = arith.addf %add3A_2494, %get3A_2499 : vector<16xf32>
      %get3A_2501 = arith.constant 4 : i32
      %get3A_2502 = arith.index_cast %get3A_2501 : i32 to index
      %get3A_2503 = arith.constant 368 : index
      %get3A_2504 = tpu.vector_load %arg6[%get3A_2502, %get3A_2503] {strides = array<i32>} : memref<16x512xf32, #tpu.memory_space<vmem>>, vector<1x16xf32>,
      %get3A_2505 = vector.shape_cast %get3A_2504 : vector<1x16xf32> to vector<16xf32>
      %add3A_2506 = arith.addf %add3A_2500, %get3A_2505 : vector<16xf32>
      %get3A_2507 = arith.constant 5 : i32
      %get3A_2508 = arith.index_cast %get3A_2507 : i32 to index
      %get3A_2509 = arith.constant 368 : index
      %get3A_2510 = tpu.vector_load %arg6[%get3A_2508, %get3A_2509] {strides = array<i32>} : memref<16x512xf32, #tpu.memory_space<vmem>>, vector<1x16xf32>,
      %get3A_2511 = vector.shape_cast %get3A_2510 : vector<1x16xf32> to vector<16xf32>
      %add3A_2512 = arith.addf %add3A_2506, %get3A_2511 : vector<16xf32>
      %get3A_2513 = arith.constant 6 : i32
      %get3A_2514 = arith.index_cast %get3A_2513 : i32 to index
      %get3A_2515 = arith.constant 368 : index
      %get3A_2516 = tpu.vector_load %arg6[%get3A_2514, %get3A_2515] {strides = array<i32>} : memref<16x512xf32, #tpu.memory_space<vmem>>, vector<1x16xf32>,
      %get3A_2517 = vector.shape_cast %get3A_2516 : vector<1x16xf32> to vector<16xf32>
      %add3A_2518 = arith.addf %add3A_2512, %get3A_2517 : vector<16xf32>
      %get3A_2519 = arith.constant 7 : i32
      %get3A_2520 = arith.index_cast %get3A_2519 : i32 to index
      %get3A_2521 = arith.constant 368 : index
      %get3A_2522 = tpu.vector_load %arg6[%get3A_2520, %get3A_2521] {strides = array<i32>} : memref<16x512xf32, #tpu.memory_space<vmem>>, vector<1x16xf32>,
      %get3A_2523 = vector.shape_cast %get3A_2522 : vector<1x16xf32> to vector<16xf32>
      %add3A_2524 = arith.addf %add3A_2518, %get3A_2523 : vector<16xf32>
      %get3A_2525 = arith.constant 8 : i32
      %get3A_2526 = arith.index_cast %get3A_2525 : i32 to index
      %get3A_2527 = arith.constant 368 : index
      %get3A_2528 = tpu.vector_load %arg6[%get3A_2526, %get3A_2527] {strides = array<i32>} : memref<16x512xf32, #tpu.memory_space<vmem>>, vector<1x16xf32>,
      %get3A_2529 = vector.shape_cast %get3A_2528 : vector<1x16xf32> to vector<16xf32>
      %add3A_2530 = arith.addf %add3A_2524, %get3A_2529 : vector<16xf32>
      %get3A_2531 = arith.constant 9 : i32
      %get3A_2532 = arith.index_cast %get3A_2531 : i32 to index
      %get3A_2533 = arith.constant 368 : index
      %get3A_2534 = tpu.vector_load %arg6[%get3A_2532, %get3A_2533] {strides = array<i32>} : memref<16x512xf32, #tpu.memory_space<vmem>>, vector<1x16xf32>,
      %get3A_2535 = vector.shape_cast %get3A_2534 : vector<1x16xf32> to vector<16xf32>
      %add3A_2536 = arith.addf %add3A_2530, %get3A_2535 : vector<16xf32>
      %get3A_2537 = arith.constant 10 : i32
      %get3A_2538 = arith.index_cast %get3A_2537 : i32 to index
      %get3A_2539 = arith.constant 368 : index
      %get3A_2540 = tpu.vector_load %arg6[%get3A_2538, %get3A_2539] {strides = array<i32>} : memref<16x512xf32, #tpu.memory_space<vmem>>, vector<1x16xf32>,
      %get3A_2541 = vector.shape_cast %get3A_2540 : vector<1x16xf32> to vector<16xf32>
      %add3A_2542 = arith.addf %add3A_2536, %get3A_2541 : vector<16xf32>
      %get3A_2543 = arith.constant 11 : i32
      %get3A_2544 = arith.index_cast %get3A_2543 : i32 to index
      %get3A_2545 = arith.constant 368 : index
      %get3A_2546 = tpu.vector_load %arg6[%get3A_2544, %get3A_2545] {strides = array<i32>} : memref<16x512xf32, #tpu.memory_space<vmem>>, vector<1x16xf32>,
      %get3A_2547 = vector.shape_cast %get3A_2546 : vector<1x16xf32> to vector<16xf32>
      %add3A_2548 = arith.addf %add3A_2542, %get3A_2547 : vector<16xf32>
      %get3A_2549 = arith.constant 12 : i32
      %get3A_2550 = arith.index_cast %get3A_2549 : i32 to index
      %get3A_2551 = arith.constant 368 : index
      %get3A_2552 = tpu.vector_load %arg6[%get3A_2550, %get3A_2551] {strides = array<i32>} : memref<16x512xf32, #tpu.memory_space<vmem>>, vector<1x16xf32>,
      %get3A_2553 = vector.shape_cast %get3A_2552 : vector<1x16xf32> to vector<16xf32>
      %add3A_2554 = arith.addf %add3A_2548, %get3A_2553 : vector<16xf32>
      %get3A_2555 = arith.constant 13 : i32
      %get3A_2556 = arith.index_cast %get3A_2555 : i32 to index
      %get3A_2557 = arith.constant 368 : index
      %get3A_2558 = tpu.vector_load %arg6[%get3A_2556, %get3A_2557] {strides = array<i32>} : memref<16x512xf32, #tpu.memory_space<vmem>>, vector<1x16xf32>,
      %get3A_2559 = vector.shape_cast %get3A_2558 : vector<1x16xf32> to vector<16xf32>
      %add3A_2560 = arith.addf %add3A_2554, %get3A_2559 : vector<16xf32>
      %get3A_2561 = arith.constant 14 : i32
      %get3A_2562 = arith.index_cast %get3A_2561 : i32 to index
      %get3A_2563 = arith.constant 368 : index
      %get3A_2564 = tpu.vector_load %arg6[%get3A_2562, %get3A_2563] {strides = array<i32>} : memref<16x512xf32, #tpu.memory_space<vmem>>, vector<1x16xf32>,
      %get3A_2565 = vector.shape_cast %get3A_2564 : vector<1x16xf32> to vector<16xf32>
      %add3A_2566 = arith.addf %add3A_2560, %get3A_2565 : vector<16xf32>
      %get3A_2567 = arith.constant 15 : i32
      %get3A_2568 = arith.index_cast %get3A_2567 : i32 to index
      %get3A_2569 = arith.constant 368 : index
      %get3A_2570 = tpu.vector_load %arg6[%get3A_2568, %get3A_2569] {strides = array<i32>} : memref<16x512xf32, #tpu.memory_space<vmem>>, vector<1x16xf32>,
      %get3A_2571 = vector.shape_cast %get3A_2570 : vector<1x16xf32> to vector<16xf32>
      %add3A_2572 = arith.addf %add3A_2566, %get3A_2571 : vector<16xf32>
      %mul3A_2573 = arith.constant 6.250000e-02 : f32
      %mul3A_2574 = vector.broadcast %mul3A_2573 : f32 to vector<16xf32>
      %mul3A_2575 = arith.mulf %add3A_2572, %mul3A_2574 : vector<16xf32>
      %mul3A_2576 = arith.constant 1 : i32
      %mul3A_2577 = arith.muli %scan3A_10, %mul3A_2576 : i32
      %add3A_2578 = arith.constant 0 : i32
      %add3A_2579 = arith.addi %mul3A_2577, %add3A_2578 : i32
      %swap3A_2580 = arith.index_cast %add3A_2579 : i32 to index
      %swap3A_2581 = arith.constant 368 : index
      %swap3A_2582 = tpu.vector_load %arg7[%swap3A_2580, %swap3A_2581] {strides = array<i32>} : memref<32x512xf32, #tpu.memory_space<vmem>>, vector<1x16xf32>,
      %swap3A_2583 = vector.shape_cast %swap3A_2582 : vector<1x16xf32> to vector<16xf32>
      %swap3A_2584 = vector.shape_cast %mul3A_2575 : vector<16xf32> to vector<1x16xf32>
      tpu.vector_store %arg7[%swap3A_2580, %swap3A_2581], %swap3A_2584 {strides = array<i32>} : memref<32x512xf32, #tpu.memory_space<vmem>>, vector<1x16xf32>,
      %get3A_2585 = arith.constant 0 : i32
      %get3A_2586 = arith.index_cast %get3A_2585 : i32 to index
      %get3A_2587 = arith.constant 384 : index
      %get3A_2588 = tpu.vector_load %arg6[%get3A_2586, %get3A_2587] {strides = array<i32>} : memref<16x512xf32, #tpu.memory_space<vmem>>, vector<1x16xf32>,
      %get3A_2589 = vector.shape_cast %get3A_2588 : vector<1x16xf32> to vector<16xf32>
      %get3A_2590 = arith.constant 1 : i32
      %get3A_2591 = arith.index_cast %get3A_2590 : i32 to index
      %get3A_2592 = arith.constant 384 : index
      %get3A_2593 = tpu.vector_load %arg6[%get3A_2591, %get3A_2592] {strides = array<i32>} : memref<16x512xf32, #tpu.memory_space<vmem>>, vector<1x16xf32>,
      %get3A_2594 = vector.shape_cast %get3A_2593 : vector<1x16xf32> to vector<16xf32>
      %add3A_2595 = arith.addf %get3A_2589, %get3A_2594 : vector<16xf32>
      %get3A_2596 = arith.constant 2 : i32
      %get3A_2597 = arith.index_cast %get3A_2596 : i32 to index
      %get3A_2598 = arith.constant 384 : index
      %get3A_2599 = tpu.vector_load %arg6[%get3A_2597, %get3A_2598] {strides = array<i32>} : memref<16x512xf32, #tpu.memory_space<vmem>>, vector<1x16xf32>,
      %get3A_2600 = vector.shape_cast %get3A_2599 : vector<1x16xf32> to vector<16xf32>
      %add3A_2601 = arith.addf %add3A_2595, %get3A_2600 : vector<16xf32>
      %get3A_2602 = arith.constant 3 : i32
      %get3A_2603 = arith.index_cast %get3A_2602 : i32 to index
      %get3A_2604 = arith.constant 384 : index
      %get3A_2605 = tpu.vector_load %arg6[%get3A_2603, %get3A_2604] {strides = array<i32>} : memref<16x512xf32, #tpu.memory_space<vmem>>, vector<1x16xf32>,
      %get3A_2606 = vector.shape_cast %get3A_2605 : vector<1x16xf32> to vector<16xf32>
      %add3A_2607 = arith.addf %add3A_2601, %get3A_2606 : vector<16xf32>
      %get3A_2608 = arith.constant 4 : i32
      %get3A_2609 = arith.index_cast %get3A_2608 : i32 to index
      %get3A_2610 = arith.constant 384 : index
      %get3A_2611 = tpu.vector_load %arg6[%get3A_2609, %get3A_2610] {strides = array<i32>} : memref<16x512xf32, #tpu.memory_space<vmem>>, vector<1x16xf32>,
      %get3A_2612 = vector.shape_cast %get3A_2611 : vector<1x16xf32> to vector<16xf32>
      %add3A_2613 = arith.addf %add3A_2607, %get3A_2612 : vector<16xf32>
      %get3A_2614 = arith.constant 5 : i32
      %get3A_2615 = arith.index_cast %get3A_2614 : i32 to index
      %get3A_2616 = arith.constant 384 : index
      %get3A_2617 = tpu.vector_load %arg6[%get3A_2615, %get3A_2616] {strides = array<i32>} : memref<16x512xf32, #tpu.memory_space<vmem>>, vector<1x16xf32>,
      %get3A_2618 = vector.shape_cast %get3A_2617 : vector<1x16xf32> to vector<16xf32>
      %add3A_2619 = arith.addf %add3A_2613, %get3A_2618 : vector<16xf32>
      %get3A_2620 = arith.constant 6 : i32
      %get3A_2621 = arith.index_cast %get3A_2620 : i32 to index
      %get3A_2622 = arith.constant 384 : index
      %get3A_2623 = tpu.vector_load %arg6[%get3A_2621, %get3A_2622] {strides = array<i32>} : memref<16x512xf32, #tpu.memory_space<vmem>>, vector<1x16xf32>,
      %get3A_2624 = vector.shape_cast %get3A_2623 : vector<1x16xf32> to vector<16xf32>
      %add3A_2625 = arith.addf %add3A_2619, %get3A_2624 : vector<16xf32>
      %get3A_2626 = arith.constant 7 : i32
      %get3A_2627 = arith.index_cast %get3A_2626 : i32 to index
      %get3A_2628 = arith.constant 384 : index
      %get3A_2629 = tpu.vector_load %arg6[%get3A_2627, %get3A_2628] {strides = array<i32>} : memref<16x512xf32, #tpu.memory_space<vmem>>, vector<1x16xf32>,
      %get3A_2630 = vector.shape_cast %get3A_2629 : vector<1x16xf32> to vector<16xf32>
      %add3A_2631 = arith.addf %add3A_2625, %get3A_2630 : vector<16xf32>
      %get3A_2632 = arith.constant 8 : i32
      %get3A_2633 = arith.index_cast %get3A_2632 : i32 to index
      %get3A_2634 = arith.constant 384 : index
      %get3A_2635 = tpu.vector_load %arg6[%get3A_2633, %get3A_2634] {strides = array<i32>} : memref<16x512xf32, #tpu.memory_space<vmem>>, vector<1x16xf32>,
      %get3A_2636 = vector.shape_cast %get3A_2635 : vector<1x16xf32> to vector<16xf32>
      %add3A_2637 = arith.addf %add3A_2631, %get3A_2636 : vector<16xf32>
      %get3A_2638 = arith.constant 9 : i32
      %get3A_2639 = arith.index_cast %get3A_2638 : i32 to index
      %get3A_2640 = arith.constant 384 : index
      %get3A_2641 = tpu.vector_load %arg6[%get3A_2639, %get3A_2640] {strides = array<i32>} : memref<16x512xf32, #tpu.memory_space<vmem>>, vector<1x16xf32>,
      %get3A_2642 = vector.shape_cast %get3A_2641 : vector<1x16xf32> to vector<16xf32>
      %add3A_2643 = arith.addf %add3A_2637, %get3A_2642 : vector<16xf32>
      %get3A_2644 = arith.constant 10 : i32
      %get3A_2645 = arith.index_cast %get3A_2644 : i32 to index
      %get3A_2646 = arith.constant 384 : index
      %get3A_2647 = tpu.vector_load %arg6[%get3A_2645, %get3A_2646] {strides = array<i32>} : memref<16x512xf32, #tpu.memory_space<vmem>>, vector<1x16xf32>,
      %get3A_2648 = vector.shape_cast %get3A_2647 : vector<1x16xf32> to vector<16xf32>
      %add3A_2649 = arith.addf %add3A_2643, %get3A_2648 : vector<16xf32>
      %get3A_2650 = arith.constant 11 : i32
      %get3A_2651 = arith.index_cast %get3A_2650 : i32 to index
      %get3A_2652 = arith.constant 384 : index
      %get3A_2653 = tpu.vector_load %arg6[%get3A_2651, %get3A_2652] {strides = array<i32>} : memref<16x512xf32, #tpu.memory_space<vmem>>, vector<1x16xf32>,
      %get3A_2654 = vector.shape_cast %get3A_2653 : vector<1x16xf32> to vector<16xf32>
      %add3A_2655 = arith.addf %add3A_2649, %get3A_2654 : vector<16xf32>
      %get3A_2656 = arith.constant 12 : i32
      %get3A_2657 = arith.index_cast %get3A_2656 : i32 to index
      %get3A_2658 = arith.constant 384 : index
      %get3A_2659 = tpu.vector_load %arg6[%get3A_2657, %get3A_2658] {strides = array<i32>} : memref<16x512xf32, #tpu.memory_space<vmem>>, vector<1x16xf32>,
      %get3A_2660 = vector.shape_cast %get3A_2659 : vector<1x16xf32> to vector<16xf32>
      %add3A_2661 = arith.addf %add3A_2655, %get3A_2660 : vector<16xf32>
      %get3A_2662 = arith.constant 13 : i32
      %get3A_2663 = arith.index_cast %get3A_2662 : i32 to index
      %get3A_2664 = arith.constant 384 : index
      %get3A_2665 = tpu.vector_load %arg6[%get3A_2663, %get3A_2664] {strides = array<i32>} : memref<16x512xf32, #tpu.memory_space<vmem>>, vector<1x16xf32>,
      %get3A_2666 = vector.shape_cast %get3A_2665 : vector<1x16xf32> to vector<16xf32>
      %add3A_2667 = arith.addf %add3A_2661, %get3A_2666 : vector<16xf32>
      %get3A_2668 = arith.constant 14 : i32
      %get3A_2669 = arith.index_cast %get3A_2668 : i32 to index
      %get3A_2670 = arith.constant 384 : index
      %get3A_2671 = tpu.vector_load %arg6[%get3A_2669, %get3A_2670] {strides = array<i32>} : memref<16x512xf32, #tpu.memory_space<vmem>>, vector<1x16xf32>,
      %get3A_2672 = vector.shape_cast %get3A_2671 : vector<1x16xf32> to vector<16xf32>
      %add3A_2673 = arith.addf %add3A_2667, %get3A_2672 : vector<16xf32>
      %get3A_2674 = arith.constant 15 : i32
      %get3A_2675 = arith.index_cast %get3A_2674 : i32 to index
      %get3A_2676 = arith.constant 384 : index
      %get3A_2677 = tpu.vector_load %arg6[%get3A_2675, %get3A_2676] {strides = array<i32>} : memref<16x512xf32, #tpu.memory_space<vmem>>, vector<1x16xf32>,
      %get3A_2678 = vector.shape_cast %get3A_2677 : vector<1x16xf32> to vector<16xf32>
      %add3A_2679 = arith.addf %add3A_2673, %get3A_2678 : vector<16xf32>
      %mul3A_2680 = arith.constant 6.250000e-02 : f32
      %mul3A_2681 = vector.broadcast %mul3A_2680 : f32 to vector<16xf32>
      %mul3A_2682 = arith.mulf %add3A_2679, %mul3A_2681 : vector<16xf32>
      %mul3A_2683 = arith.constant 1 : i32
      %mul3A_2684 = arith.muli %scan3A_10, %mul3A_2683 : i32
      %add3A_2685 = arith.constant 0 : i32
      %add3A_2686 = arith.addi %mul3A_2684, %add3A_2685 : i32
      %swap3A_2687 = arith.index_cast %add3A_2686 : i32 to index
      %swap3A_2688 = arith.constant 384 : index
      %swap3A_2689 = tpu.vector_load %arg7[%swap3A_2687, %swap3A_2688] {strides = array<i32>} : memref<32x512xf32, #tpu.memory_space<vmem>>, vector<1x16xf32>,
      %swap3A_2690 = vector.shape_cast %swap3A_2689 : vector<1x16xf32> to vector<16xf32>
      %swap3A_2691 = vector.shape_cast %mul3A_2682 : vector<16xf32> to vector<1x16xf32>
      tpu.vector_store %arg7[%swap3A_2687, %swap3A_2688], %swap3A_2691 {strides = array<i32>} : memref<32x512xf32, #tpu.memory_space<vmem>>, vector<1x16xf32>,
      %get3A_2692 = arith.constant 0 : i32
      %get3A_2693 = arith.index_cast %get3A_2692 : i32 to index
      %get3A_2694 = arith.constant 400 : index
      %get3A_2695 = tpu.vector_load %arg6[%get3A_2693, %get3A_2694] {strides = array<i32>} : memref<16x512xf32, #tpu.memory_space<vmem>>, vector<1x16xf32>,
      %get3A_2696 = vector.shape_cast %get3A_2695 : vector<1x16xf32> to vector<16xf32>
      %get3A_2697 = arith.constant 1 : i32
      %get3A_2698 = arith.index_cast %get3A_2697 : i32 to index
      %get3A_2699 = arith.constant 400 : index
      %get3A_2700 = tpu.vector_load %arg6[%get3A_2698, %get3A_2699] {strides = array<i32>} : memref<16x512xf32, #tpu.memory_space<vmem>>, vector<1x16xf32>,
      %get3A_2701 = vector.shape_cast %get3A_2700 : vector<1x16xf32> to vector<16xf32>
      %add3A_2702 = arith.addf %get3A_2696, %get3A_2701 : vector<16xf32>
      %get3A_2703 = arith.constant 2 : i32
      %get3A_2704 = arith.index_cast %get3A_2703 : i32 to index
      %get3A_2705 = arith.constant 400 : index
      %get3A_2706 = tpu.vector_load %arg6[%get3A_2704, %get3A_2705] {strides = array<i32>} : memref<16x512xf32, #tpu.memory_space<vmem>>, vector<1x16xf32>,
      %get3A_2707 = vector.shape_cast %get3A_2706 : vector<1x16xf32> to vector<16xf32>
      %add3A_2708 = arith.addf %add3A_2702, %get3A_2707 : vector<16xf32>
      %get3A_2709 = arith.constant 3 : i32
      %get3A_2710 = arith.index_cast %get3A_2709 : i32 to index
      %get3A_2711 = arith.constant 400 : index
      %get3A_2712 = tpu.vector_load %arg6[%get3A_2710, %get3A_2711] {strides = array<i32>} : memref<16x512xf32, #tpu.memory_space<vmem>>, vector<1x16xf32>,
      %get3A_2713 = vector.shape_cast %get3A_2712 : vector<1x16xf32> to vector<16xf32>
      %add3A_2714 = arith.addf %add3A_2708, %get3A_2713 : vector<16xf32>
      %get3A_2715 = arith.constant 4 : i32
      %get3A_2716 = arith.index_cast %get3A_2715 : i32 to index
      %get3A_2717 = arith.constant 400 : index
      %get3A_2718 = tpu.vector_load %arg6[%get3A_2716, %get3A_2717] {strides = array<i32>} : memref<16x512xf32, #tpu.memory_space<vmem>>, vector<1x16xf32>,
      %get3A_2719 = vector.shape_cast %get3A_2718 : vector<1x16xf32> to vector<16xf32>
      %add3A_2720 = arith.addf %add3A_2714, %get3A_2719 : vector<16xf32>
      %get3A_2721 = arith.constant 5 : i32
      %get3A_2722 = arith.index_cast %get3A_2721 : i32 to index
      %get3A_2723 = arith.constant 400 : index
      %get3A_2724 = tpu.vector_load %arg6[%get3A_2722, %get3A_2723] {strides = array<i32>} : memref<16x512xf32, #tpu.memory_space<vmem>>, vector<1x16xf32>,
      %get3A_2725 = vector.shape_cast %get3A_2724 : vector<1x16xf32> to vector<16xf32>
      %add3A_2726 = arith.addf %add3A_2720, %get3A_2725 : vector<16xf32>
      %get3A_2727 = arith.constant 6 : i32
      %get3A_2728 = arith.index_cast %get3A_2727 : i32 to index
      %get3A_2729 = arith.constant 400 : index
      %get3A_2730 = tpu.vector_load %arg6[%get3A_2728, %get3A_2729] {strides = array<i32>} : memref<16x512xf32, #tpu.memory_space<vmem>>, vector<1x16xf32>,
      %get3A_2731 = vector.shape_cast %get3A_2730 : vector<1x16xf32> to vector<16xf32>
      %add3A_2732 = arith.addf %add3A_2726, %get3A_2731 : vector<16xf32>
      %get3A_2733 = arith.constant 7 : i32
      %get3A_2734 = arith.index_cast %get3A_2733 : i32 to index
      %get3A_2735 = arith.constant 400 : index
      %get3A_2736 = tpu.vector_load %arg6[%get3A_2734, %get3A_2735] {strides = array<i32>} : memref<16x512xf32, #tpu.memory_space<vmem>>, vector<1x16xf32>,
      %get3A_2737 = vector.shape_cast %get3A_2736 : vector<1x16xf32> to vector<16xf32>
      %add3A_2738 = arith.addf %add3A_2732, %get3A_2737 : vector<16xf32>
      %get3A_2739 = arith.constant 8 : i32
      %get3A_2740 = arith.index_cast %get3A_2739 : i32 to index
      %get3A_2741 = arith.constant 400 : index
      %get3A_2742 = tpu.vector_load %arg6[%get3A_2740, %get3A_2741] {strides = array<i32>} : memref<16x512xf32, #tpu.memory_space<vmem>>, vector<1x16xf32>,
      %get3A_2743 = vector.shape_cast %get3A_2742 : vector<1x16xf32> to vector<16xf32>
      %add3A_2744 = arith.addf %add3A_2738, %get3A_2743 : vector<16xf32>
      %get3A_2745 = arith.constant 9 : i32
      %get3A_2746 = arith.index_cast %get3A_2745 : i32 to index
      %get3A_2747 = arith.constant 400 : index
      %get3A_2748 = tpu.vector_load %arg6[%get3A_2746, %get3A_2747] {strides = array<i32>} : memref<16x512xf32, #tpu.memory_space<vmem>>, vector<1x16xf32>,
      %get3A_2749 = vector.shape_cast %get3A_2748 : vector<1x16xf32> to vector<16xf32>
      %add3A_2750 = arith.addf %add3A_2744, %get3A_2749 : vector<16xf32>
      %get3A_2751 = arith.constant 10 : i32
      %get3A_2752 = arith.index_cast %get3A_2751 : i32 to index
      %get3A_2753 = arith.constant 400 : index
      %get3A_2754 = tpu.vector_load %arg6[%get3A_2752, %get3A_2753] {strides = array<i32>} : memref<16x512xf32, #tpu.memory_space<vmem>>, vector<1x16xf32>,
      %get3A_2755 = vector.shape_cast %get3A_2754 : vector<1x16xf32> to vector<16xf32>
      %add3A_2756 = arith.addf %add3A_2750, %get3A_2755 : vector<16xf32>
      %get3A_2757 = arith.constant 11 : i32
      %get3A_2758 = arith.index_cast %get3A_2757 : i32 to index
      %get3A_2759 = arith.constant 400 : index
      %get3A_2760 = tpu.vector_load %arg6[%get3A_2758, %get3A_2759] {strides = array<i32>} : memref<16x512xf32, #tpu.memory_space<vmem>>, vector<1x16xf32>,
      %get3A_2761 = vector.shape_cast %get3A_2760 : vector<1x16xf32> to vector<16xf32>
      %add3A_2762 = arith.addf %add3A_2756, %get3A_2761 : vector<16xf32>
      %get3A_2763 = arith.constant 12 : i32
      %get3A_2764 = arith.index_cast %get3A_2763 : i32 to index
      %get3A_2765 = arith.constant 400 : index
      %get3A_2766 = tpu.vector_load %arg6[%get3A_2764, %get3A_2765] {strides = array<i32>} : memref<16x512xf32, #tpu.memory_space<vmem>>, vector<1x16xf32>,
      %get3A_2767 = vector.shape_cast %get3A_2766 : vector<1x16xf32> to vector<16xf32>
      %add3A_2768 = arith.addf %add3A_2762, %get3A_2767 : vector<16xf32>
      %get3A_2769 = arith.constant 13 : i32
      %get3A_2770 = arith.index_cast %get3A_2769 : i32 to index
      %get3A_2771 = arith.constant 400 : index
      %get3A_2772 = tpu.vector_load %arg6[%get3A_2770, %get3A_2771] {strides = array<i32>} : memref<16x512xf32, #tpu.memory_space<vmem>>, vector<1x16xf32>,
      %get3A_2773 = vector.shape_cast %get3A_2772 : vector<1x16xf32> to vector<16xf32>
      %add3A_2774 = arith.addf %add3A_2768, %get3A_2773 : vector<16xf32>
      %get3A_2775 = arith.constant 14 : i32
      %get3A_2776 = arith.index_cast %get3A_2775 : i32 to index
      %get3A_2777 = arith.constant 400 : index
      %get3A_2778 = tpu.vector_load %arg6[%get3A_2776, %get3A_2777] {strides = array<i32>} : memref<16x512xf32, #tpu.memory_space<vmem>>, vector<1x16xf32>,
      %get3A_2779 = vector.shape_cast %get3A_2778 : vector<1x16xf32> to vector<16xf32>
      %add3A_2780 = arith.addf %add3A_2774, %get3A_2779 : vector<16xf32>
      %get3A_2781 = arith.constant 15 : i32
      %get3A_2782 = arith.index_cast %get3A_2781 : i32 to index
      %get3A_2783 = arith.constant 400 : index
      %get3A_2784 = tpu.vector_load %arg6[%get3A_2782, %get3A_2783] {strides = array<i32>} : memref<16x512xf32, #tpu.memory_space<vmem>>, vector<1x16xf32>,
      %get3A_2785 = vector.shape_cast %get3A_2784 : vector<1x16xf32> to vector<16xf32>
      %add3A_2786 = arith.addf %add3A_2780, %get3A_2785 : vector<16xf32>
      %mul3A_2787 = arith.constant 6.250000e-02 : f32
      %mul3A_2788 = vector.broadcast %mul3A_2787 : f32 to vector<16xf32>
      %mul3A_2789 = arith.mulf %add3A_2786, %mul3A_2788 : vector<16xf32>
      %mul3A_2790 = arith.constant 1 : i32
      %mul3A_2791 = arith.muli %scan3A_10, %mul3A_2790 : i32
      %add3A_2792 = arith.constant 0 : i32
      %add3A_2793 = arith.addi %mul3A_2791, %add3A_2792 : i32
      %swap3A_2794 = arith.index_cast %add3A_2793 : i32 to index
      %swap3A_2795 = arith.constant 400 : index
      %swap3A_2796 = tpu.vector_load %arg7[%swap3A_2794, %swap3A_2795] {strides = array<i32>} : memref<32x512xf32, #tpu.memory_space<vmem>>, vector<1x16xf32>,
      %swap3A_2797 = vector.shape_cast %swap3A_2796 : vector<1x16xf32> to vector<16xf32>
      %swap3A_2798 = vector.shape_cast %mul3A_2789 : vector<16xf32> to vector<1x16xf32>
      tpu.vector_store %arg7[%swap3A_2794, %swap3A_2795], %swap3A_2798 {strides = array<i32>} : memref<32x512xf32, #tpu.memory_space<vmem>>, vector<1x16xf32>,
      %get3A_2799 = arith.constant 0 : i32
      %get3A_2800 = arith.index_cast %get3A_2799 : i32 to index
      %get3A_2801 = arith.constant 416 : index
      %get3A_2802 = tpu.vector_load %arg6[%get3A_2800, %get3A_2801] {strides = array<i32>} : memref<16x512xf32, #tpu.memory_space<vmem>>, vector<1x16xf32>,
      %get3A_2803 = vector.shape_cast %get3A_2802 : vector<1x16xf32> to vector<16xf32>
      %get3A_2804 = arith.constant 1 : i32
      %get3A_2805 = arith.index_cast %get3A_2804 : i32 to index
      %get3A_2806 = arith.constant 416 : index
      %get3A_2807 = tpu.vector_load %arg6[%get3A_2805, %get3A_2806] {strides = array<i32>} : memref<16x512xf32, #tpu.memory_space<vmem>>, vector<1x16xf32>,
      %get3A_2808 = vector.shape_cast %get3A_2807 : vector<1x16xf32> to vector<16xf32>
      %add3A_2809 = arith.addf %get3A_2803, %get3A_2808 : vector<16xf32>
      %get3A_2810 = arith.constant 2 : i32
      %get3A_2811 = arith.index_cast %get3A_2810 : i32 to index
      %get3A_2812 = arith.constant 416 : index
      %get3A_2813 = tpu.vector_load %arg6[%get3A_2811, %get3A_2812] {strides = array<i32>} : memref<16x512xf32, #tpu.memory_space<vmem>>, vector<1x16xf32>,
      %get3A_2814 = vector.shape_cast %get3A_2813 : vector<1x16xf32> to vector<16xf32>
      %add3A_2815 = arith.addf %add3A_2809, %get3A_2814 : vector<16xf32>
      %get3A_2816 = arith.constant 3 : i32
      %get3A_2817 = arith.index_cast %get3A_2816 : i32 to index
      %get3A_2818 = arith.constant 416 : index
      %get3A_2819 = tpu.vector_load %arg6[%get3A_2817, %get3A_2818] {strides = array<i32>} : memref<16x512xf32, #tpu.memory_space<vmem>>, vector<1x16xf32>,
      %get3A_2820 = vector.shape_cast %get3A_2819 : vector<1x16xf32> to vector<16xf32>
      %add3A_2821 = arith.addf %add3A_2815, %get3A_2820 : vector<16xf32>
      %get3A_2822 = arith.constant 4 : i32
      %get3A_2823 = arith.index_cast %get3A_2822 : i32 to index
      %get3A_2824 = arith.constant 416 : index
      %get3A_2825 = tpu.vector_load %arg6[%get3A_2823, %get3A_2824] {strides = array<i32>} : memref<16x512xf32, #tpu.memory_space<vmem>>, vector<1x16xf32>,
      %get3A_2826 = vector.shape_cast %get3A_2825 : vector<1x16xf32> to vector<16xf32>
      %add3A_2827 = arith.addf %add3A_2821, %get3A_2826 : vector<16xf32>
      %get3A_2828 = arith.constant 5 : i32
      %get3A_2829 = arith.index_cast %get3A_2828 : i32 to index
      %get3A_2830 = arith.constant 416 : index
      %get3A_2831 = tpu.vector_load %arg6[%get3A_2829, %get3A_2830] {strides = array<i32>} : memref<16x512xf32, #tpu.memory_space<vmem>>, vector<1x16xf32>,
      %get3A_2832 = vector.shape_cast %get3A_2831 : vector<1x16xf32> to vector<16xf32>
      %add3A_2833 = arith.addf %add3A_2827, %get3A_2832 : vector<16xf32>
      %get3A_2834 = arith.constant 6 : i32
      %get3A_2835 = arith.index_cast %get3A_2834 : i32 to index
      %get3A_2836 = arith.constant 416 : index
      %get3A_2837 = tpu.vector_load %arg6[%get3A_2835, %get3A_2836] {strides = array<i32>} : memref<16x512xf32, #tpu.memory_space<vmem>>, vector<1x16xf32>,
      %get3A_2838 = vector.shape_cast %get3A_2837 : vector<1x16xf32> to vector<16xf32>
      %add3A_2839 = arith.addf %add3A_2833, %get3A_2838 : vector<16xf32>
      %get3A_2840 = arith.constant 7 : i32
      %get3A_2841 = arith.index_cast %get3A_2840 : i32 to index
      %get3A_2842 = arith.constant 416 : index
      %get3A_2843 = tpu.vector_load %arg6[%get3A_2841, %get3A_2842] {strides = array<i32>} : memref<16x512xf32, #tpu.memory_space<vmem>>, vector<1x16xf32>,
      %get3A_2844 = vector.shape_cast %get3A_2843 : vector<1x16xf32> to vector<16xf32>
      %add3A_2845 = arith.addf %add3A_2839, %get3A_2844 : vector<16xf32>
      %get3A_2846 = arith.constant 8 : i32
      %get3A_2847 = arith.index_cast %get3A_2846 : i32 to index
      %get3A_2848 = arith.constant 416 : index
      %get3A_2849 = tpu.vector_load %arg6[%get3A_2847, %get3A_2848] {strides = array<i32>} : memref<16x512xf32, #tpu.memory_space<vmem>>, vector<1x16xf32>,
      %get3A_2850 = vector.shape_cast %get3A_2849 : vector<1x16xf32> to vector<16xf32>
      %add3A_2851 = arith.addf %add3A_2845, %get3A_2850 : vector<16xf32>
      %get3A_2852 = arith.constant 9 : i32
      %get3A_2853 = arith.index_cast %get3A_2852 : i32 to index
      %get3A_2854 = arith.constant 416 : index
      %get3A_2855 = tpu.vector_load %arg6[%get3A_2853, %get3A_2854] {strides = array<i32>} : memref<16x512xf32, #tpu.memory_space<vmem>>, vector<1x16xf32>,
      %get3A_2856 = vector.shape_cast %get3A_2855 : vector<1x16xf32> to vector<16xf32>
      %add3A_2857 = arith.addf %add3A_2851, %get3A_2856 : vector<16xf32>
      %get3A_2858 = arith.constant 10 : i32
      %get3A_2859 = arith.index_cast %get3A_2858 : i32 to index
      %get3A_2860 = arith.constant 416 : index
      %get3A_2861 = tpu.vector_load %arg6[%get3A_2859, %get3A_2860] {strides = array<i32>} : memref<16x512xf32, #tpu.memory_space<vmem>>, vector<1x16xf32>,
      %get3A_2862 = vector.shape_cast %get3A_2861 : vector<1x16xf32> to vector<16xf32>
      %add3A_2863 = arith.addf %add3A_2857, %get3A_2862 : vector<16xf32>
      %get3A_2864 = arith.constant 11 : i32
      %get3A_2865 = arith.index_cast %get3A_2864 : i32 to index
      %get3A_2866 = arith.constant 416 : index
      %get3A_2867 = tpu.vector_load %arg6[%get3A_2865, %get3A_2866] {strides = array<i32>} : memref<16x512xf32, #tpu.memory_space<vmem>>, vector<1x16xf32>,
      %get3A_2868 = vector.shape_cast %get3A_2867 : vector<1x16xf32> to vector<16xf32>
      %add3A_2869 = arith.addf %add3A_2863, %get3A_2868 : vector<16xf32>
      %get3A_2870 = arith.constant 12 : i32
      %get3A_2871 = arith.index_cast %get3A_2870 : i32 to index
      %get3A_2872 = arith.constant 416 : index
      %get3A_2873 = tpu.vector_load %arg6[%get3A_2871, %get3A_2872] {strides = array<i32>} : memref<16x512xf32, #tpu.memory_space<vmem>>, vector<1x16xf32>,
      %get3A_2874 = vector.shape_cast %get3A_2873 : vector<1x16xf32> to vector<16xf32>
      %add3A_2875 = arith.addf %add3A_2869, %get3A_2874 : vector<16xf32>
      %get3A_2876 = arith.constant 13 : i32
      %get3A_2877 = arith.index_cast %get3A_2876 : i32 to index
      %get3A_2878 = arith.constant 416 : index
      %get3A_2879 = tpu.vector_load %arg6[%get3A_2877, %get3A_2878] {strides = array<i32>} : memref<16x512xf32, #tpu.memory_space<vmem>>, vector<1x16xf32>,
      %get3A_2880 = vector.shape_cast %get3A_2879 : vector<1x16xf32> to vector<16xf32>
      %add3A_2881 = arith.addf %add3A_2875, %get3A_2880 : vector<16xf32>
      %get3A_2882 = arith.constant 14 : i32
      %get3A_2883 = arith.index_cast %get3A_2882 : i32 to index
      %get3A_2884 = arith.constant 416 : index
      %get3A_2885 = tpu.vector_load %arg6[%get3A_2883, %get3A_2884] {strides = array<i32>} : memref<16x512xf32, #tpu.memory_space<vmem>>, vector<1x16xf32>,
      %get3A_2886 = vector.shape_cast %get3A_2885 : vector<1x16xf32> to vector<16xf32>
      %add3A_2887 = arith.addf %add3A_2881, %get3A_2886 : vector<16xf32>
      %get3A_2888 = arith.constant 15 : i32
      %get3A_2889 = arith.index_cast %get3A_2888 : i32 to index
      %get3A_2890 = arith.constant 416 : index
      %get3A_2891 = tpu.vector_load %arg6[%get3A_2889, %get3A_2890] {strides = array<i32>} : memref<16x512xf32, #tpu.memory_space<vmem>>, vector<1x16xf32>,
      %get3A_2892 = vector.shape_cast %get3A_2891 : vector<1x16xf32> to vector<16xf32>
      %add3A_2893 = arith.addf %add3A_2887, %get3A_2892 : vector<16xf32>
      %mul3A_2894 = arith.constant 6.250000e-02 : f32
      %mul3A_2895 = vector.broadcast %mul3A_2894 : f32 to vector<16xf32>
      %mul3A_2896 = arith.mulf %add3A_2893, %mul3A_2895 : vector<16xf32>
      %mul3A_2897 = arith.constant 1 : i32
      %mul3A_2898 = arith.muli %scan3A_10, %mul3A_2897 : i32
      %add3A_2899 = arith.constant 0 : i32
      %add3A_2900 = arith.addi %mul3A_2898, %add3A_2899 : i32
      %swap3A_2901 = arith.index_cast %add3A_2900 : i32 to index
      %swap3A_2902 = arith.constant 416 : index
      %swap3A_2903 = tpu.vector_load %arg7[%swap3A_2901, %swap3A_2902] {strides = array<i32>} : memref<32x512xf32, #tpu.memory_space<vmem>>, vector<1x16xf32>,
      %swap3A_2904 = vector.shape_cast %swap3A_2903 : vector<1x16xf32> to vector<16xf32>
      %swap3A_2905 = vector.shape_cast %mul3A_2896 : vector<16xf32> to vector<1x16xf32>
      tpu.vector_store %arg7[%swap3A_2901, %swap3A_2902], %swap3A_2905 {strides = array<i32>} : memref<32x512xf32, #tpu.memory_space<vmem>>, vector<1x16xf32>,
      %get3A_2906 = arith.constant 0 : i32
      %get3A_2907 = arith.index_cast %get3A_2906 : i32 to index
      %get3A_2908 = arith.constant 432 : index
      %get3A_2909 = tpu.vector_load %arg6[%get3A_2907, %get3A_2908] {strides = array<i32>} : memref<16x512xf32, #tpu.memory_space<vmem>>, vector<1x16xf32>,
      %get3A_2910 = vector.shape_cast %get3A_2909 : vector<1x16xf32> to vector<16xf32>
      %get3A_2911 = arith.constant 1 : i32
      %get3A_2912 = arith.index_cast %get3A_2911 : i32 to index
      %get3A_2913 = arith.constant 432 : index
      %get3A_2914 = tpu.vector_load %arg6[%get3A_2912, %get3A_2913] {strides = array<i32>} : memref<16x512xf32, #tpu.memory_space<vmem>>, vector<1x16xf32>,
      %get3A_2915 = vector.shape_cast %get3A_2914 : vector<1x16xf32> to vector<16xf32>
      %add3A_2916 = arith.addf %get3A_2910, %get3A_2915 : vector<16xf32>
      %get3A_2917 = arith.constant 2 : i32
      %get3A_2918 = arith.index_cast %get3A_2917 : i32 to index
      %get3A_2919 = arith.constant 432 : index
      %get3A_2920 = tpu.vector_load %arg6[%get3A_2918, %get3A_2919] {strides = array<i32>} : memref<16x512xf32, #tpu.memory_space<vmem>>, vector<1x16xf32>,
      %get3A_2921 = vector.shape_cast %get3A_2920 : vector<1x16xf32> to vector<16xf32>
      %add3A_2922 = arith.addf %add3A_2916, %get3A_2921 : vector<16xf32>
      %get3A_2923 = arith.constant 3 : i32
      %get3A_2924 = arith.index_cast %get3A_2923 : i32 to index
      %get3A_2925 = arith.constant 432 : index
      %get3A_2926 = tpu.vector_load %arg6[%get3A_2924, %get3A_2925] {strides = array<i32>} : memref<16x512xf32, #tpu.memory_space<vmem>>, vector<1x16xf32>,
      %get3A_2927 = vector.shape_cast %get3A_2926 : vector<1x16xf32> to vector<16xf32>
      %add3A_2928 = arith.addf %add3A_2922, %get3A_2927 : vector<16xf32>
      %get3A_2929 = arith.constant 4 : i32
      %get3A_2930 = arith.index_cast %get3A_2929 : i32 to index
      %get3A_2931 = arith.constant 432 : index
      %get3A_2932 = tpu.vector_load %arg6[%get3A_2930, %get3A_2931] {strides = array<i32>} : memref<16x512xf32, #tpu.memory_space<vmem>>, vector<1x16xf32>,
      %get3A_2933 = vector.shape_cast %get3A_2932 : vector<1x16xf32> to vector<16xf32>
      %add3A_2934 = arith.addf %add3A_2928, %get3A_2933 : vector<16xf32>
      %get3A_2935 = arith.constant 5 : i32
      %get3A_2936 = arith.index_cast %get3A_2935 : i32 to index
      %get3A_2937 = arith.constant 432 : index
      %get3A_2938 = tpu.vector_load %arg6[%get3A_2936, %get3A_2937] {strides = array<i32>} : memref<16x512xf32, #tpu.memory_space<vmem>>, vector<1x16xf32>,
      %get3A_2939 = vector.shape_cast %get3A_2938 : vector<1x16xf32> to vector<16xf32>
      %add3A_2940 = arith.addf %add3A_2934, %get3A_2939 : vector<16xf32>
      %get3A_2941 = arith.constant 6 : i32
      %get3A_2942 = arith.index_cast %get3A_2941 : i32 to index
      %get3A_2943 = arith.constant 432 : index
      %get3A_2944 = tpu.vector_load %arg6[%get3A_2942, %get3A_2943] {strides = array<i32>} : memref<16x512xf32, #tpu.memory_space<vmem>>, vector<1x16xf32>,
      %get3A_2945 = vector.shape_cast %get3A_2944 : vector<1x16xf32> to vector<16xf32>
      %add3A_2946 = arith.addf %add3A_2940, %get3A_2945 : vector<16xf32>
      %get3A_2947 = arith.constant 7 : i32
      %get3A_2948 = arith.index_cast %get3A_2947 : i32 to index
      %get3A_2949 = arith.constant 432 : index
      %get3A_2950 = tpu.vector_load %arg6[%get3A_2948, %get3A_2949] {strides = array<i32>} : memref<16x512xf32, #tpu.memory_space<vmem>>, vector<1x16xf32>,
      %get3A_2951 = vector.shape_cast %get3A_2950 : vector<1x16xf32> to vector<16xf32>
      %add3A_2952 = arith.addf %add3A_2946, %get3A_2951 : vector<16xf32>
      %get3A_2953 = arith.constant 8 : i32
      %get3A_2954 = arith.index_cast %get3A_2953 : i32 to index
      %get3A_2955 = arith.constant 432 : index
      %get3A_2956 = tpu.vector_load %arg6[%get3A_2954, %get3A_2955] {strides = array<i32>} : memref<16x512xf32, #tpu.memory_space<vmem>>, vector<1x16xf32>,
      %get3A_2957 = vector.shape_cast %get3A_2956 : vector<1x16xf32> to vector<16xf32>
      %add3A_2958 = arith.addf %add3A_2952, %get3A_2957 : vector<16xf32>
      %get3A_2959 = arith.constant 9 : i32
      %get3A_2960 = arith.index_cast %get3A_2959 : i32 to index
      %get3A_2961 = arith.constant 432 : index
      %get3A_2962 = tpu.vector_load %arg6[%get3A_2960, %get3A_2961] {strides = array<i32>} : memref<16x512xf32, #tpu.memory_space<vmem>>, vector<1x16xf32>,
      %get3A_2963 = vector.shape_cast %get3A_2962 : vector<1x16xf32> to vector<16xf32>
      %add3A_2964 = arith.addf %add3A_2958, %get3A_2963 : vector<16xf32>
      %get3A_2965 = arith.constant 10 : i32
      %get3A_2966 = arith.index_cast %get3A_2965 : i32 to index
      %get3A_2967 = arith.constant 432 : index
      %get3A_2968 = tpu.vector_load %arg6[%get3A_2966, %get3A_2967] {strides = array<i32>} : memref<16x512xf32, #tpu.memory_space<vmem>>, vector<1x16xf32>,
      %get3A_2969 = vector.shape_cast %get3A_2968 : vector<1x16xf32> to vector<16xf32>
      %add3A_2970 = arith.addf %add3A_2964, %get3A_2969 : vector<16xf32>
      %get3A_2971 = arith.constant 11 : i32
      %get3A_2972 = arith.index_cast %get3A_2971 : i32 to index
      %get3A_2973 = arith.constant 432 : index
      %get3A_2974 = tpu.vector_load %arg6[%get3A_2972, %get3A_2973] {strides = array<i32>} : memref<16x512xf32, #tpu.memory_space<vmem>>, vector<1x16xf32>,
      %get3A_2975 = vector.shape_cast %get3A_2974 : vector<1x16xf32> to vector<16xf32>
      %add3A_2976 = arith.addf %add3A_2970, %get3A_2975 : vector<16xf32>
      %get3A_2977 = arith.constant 12 : i32
      %get3A_2978 = arith.index_cast %get3A_2977 : i32 to index
      %get3A_2979 = arith.constant 432 : index
      %get3A_2980 = tpu.vector_load %arg6[%get3A_2978, %get3A_2979] {strides = array<i32>} : memref<16x512xf32, #tpu.memory_space<vmem>>, vector<1x16xf32>,
      %get3A_2981 = vector.shape_cast %get3A_2980 : vector<1x16xf32> to vector<16xf32>
      %add3A_2982 = arith.addf %add3A_2976, %get3A_2981 : vector<16xf32>
      %get3A_2983 = arith.constant 13 : i32
      %get3A_2984 = arith.index_cast %get3A_2983 : i32 to index
      %get3A_2985 = arith.constant 432 : index
      %get3A_2986 = tpu.vector_load %arg6[%get3A_2984, %get3A_2985] {strides = array<i32>} : memref<16x512xf32, #tpu.memory_space<vmem>>, vector<1x16xf32>,
      %get3A_2987 = vector.shape_cast %get3A_2986 : vector<1x16xf32> to vector<16xf32>
      %add3A_2988 = arith.addf %add3A_2982, %get3A_2987 : vector<16xf32>
      %get3A_2989 = arith.constant 14 : i32
      %get3A_2990 = arith.index_cast %get3A_2989 : i32 to index
      %get3A_2991 = arith.constant 432 : index
      %get3A_2992 = tpu.vector_load %arg6[%get3A_2990, %get3A_2991] {strides = array<i32>} : memref<16x512xf32, #tpu.memory_space<vmem>>, vector<1x16xf32>,
      %get3A_2993 = vector.shape_cast %get3A_2992 : vector<1x16xf32> to vector<16xf32>
      %add3A_2994 = arith.addf %add3A_2988, %get3A_2993 : vector<16xf32>
      %get3A_2995 = arith.constant 15 : i32
      %get3A_2996 = arith.index_cast %get3A_2995 : i32 to index
      %get3A_2997 = arith.constant 432 : index
      %get3A_2998 = tpu.vector_load %arg6[%get3A_2996, %get3A_2997] {strides = array<i32>} : memref<16x512xf32, #tpu.memory_space<vmem>>, vector<1x16xf32>,
      %get3A_2999 = vector.shape_cast %get3A_2998 : vector<1x16xf32> to vector<16xf32>
      %add3A_3000 = arith.addf %add3A_2994, %get3A_2999 : vector<16xf32>
      %mul3A_3001 = arith.constant 6.250000e-02 : f32
      %mul3A_3002 = vector.broadcast %mul3A_3001 : f32 to vector<16xf32>
      %mul3A_3003 = arith.mulf %add3A_3000, %mul3A_3002 : vector<16xf32>
      %mul3A_3004 = arith.constant 1 : i32
      %mul3A_3005 = arith.muli %scan3A_10, %mul3A_3004 : i32
      %add3A_3006 = arith.constant 0 : i32
      %add3A_3007 = arith.addi %mul3A_3005, %add3A_3006 : i32
      %swap3A_3008 = arith.index_cast %add3A_3007 : i32 to index
      %swap3A_3009 = arith.constant 432 : index
      %swap3A_3010 = tpu.vector_load %arg7[%swap3A_3008, %swap3A_3009] {strides = array<i32>} : memref<32x512xf32, #tpu.memory_space<vmem>>, vector<1x16xf32>,
      %swap3A_3011 = vector.shape_cast %swap3A_3010 : vector<1x16xf32> to vector<16xf32>
      %swap3A_3012 = vector.shape_cast %mul3A_3003 : vector<16xf32> to vector<1x16xf32>
      tpu.vector_store %arg7[%swap3A_3008, %swap3A_3009], %swap3A_3012 {strides = array<i32>} : memref<32x512xf32, #tpu.memory_space<vmem>>, vector<1x16xf32>,
      %get3A_3013 = arith.constant 0 : i32
      %get3A_3014 = arith.index_cast %get3A_3013 : i32 to index
      %get3A_3015 = arith.constant 448 : index
      %get3A_3016 = tpu.vector_load %arg6[%get3A_3014, %get3A_3015] {strides = array<i32>} : memref<16x512xf32, #tpu.memory_space<vmem>>, vector<1x16xf32>,
      %get3A_3017 = vector.shape_cast %get3A_3016 : vector<1x16xf32> to vector<16xf32>
      %get3A_3018 = arith.constant 1 : i32
      %get3A_3019 = arith.index_cast %get3A_3018 : i32 to index
      %get3A_3020 = arith.constant 448 : index
      %get3A_3021 = tpu.vector_load %arg6[%get3A_3019, %get3A_3020] {strides = array<i32>} : memref<16x512xf32, #tpu.memory_space<vmem>>, vector<1x16xf32>,
      %get3A_3022 = vector.shape_cast %get3A_3021 : vector<1x16xf32> to vector<16xf32>
      %add3A_3023 = arith.addf %get3A_3017, %get3A_3022 : vector<16xf32>
      %get3A_3024 = arith.constant 2 : i32
      %get3A_3025 = arith.index_cast %get3A_3024 : i32 to index
      %get3A_3026 = arith.constant 448 : index
      %get3A_3027 = tpu.vector_load %arg6[%get3A_3025, %get3A_3026] {strides = array<i32>} : memref<16x512xf32, #tpu.memory_space<vmem>>, vector<1x16xf32>,
      %get3A_3028 = vector.shape_cast %get3A_3027 : vector<1x16xf32> to vector<16xf32>
      %add3A_3029 = arith.addf %add3A_3023, %get3A_3028 : vector<16xf32>
      %get3A_3030 = arith.constant 3 : i32
      %get3A_3031 = arith.index_cast %get3A_3030 : i32 to index
      %get3A_3032 = arith.constant 448 : index
      %get3A_3033 = tpu.vector_load %arg6[%get3A_3031, %get3A_3032] {strides = array<i32>} : memref<16x512xf32, #tpu.memory_space<vmem>>, vector<1x16xf32>,
      %get3A_3034 = vector.shape_cast %get3A_3033 : vector<1x16xf32> to vector<16xf32>
      %add3A_3035 = arith.addf %add3A_3029, %get3A_3034 : vector<16xf32>
      %get3A_3036 = arith.constant 4 : i32
      %get3A_3037 = arith.index_cast %get3A_3036 : i32 to index
      %get3A_3038 = arith.constant 448 : index
      %get3A_3039 = tpu.vector_load %arg6[%get3A_3037, %get3A_3038] {strides = array<i32>} : memref<16x512xf32, #tpu.memory_space<vmem>>, vector<1x16xf32>,
      %get3A_3040 = vector.shape_cast %get3A_3039 : vector<1x16xf32> to vector<16xf32>
      %add3A_3041 = arith.addf %add3A_3035, %get3A_3040 : vector<16xf32>
      %get3A_3042 = arith.constant 5 : i32
      %get3A_3043 = arith.index_cast %get3A_3042 : i32 to index
      %get3A_3044 = arith.constant 448 : index
      %get3A_3045 = tpu.vector_load %arg6[%get3A_3043, %get3A_3044] {strides = array<i32>} : memref<16x512xf32, #tpu.memory_space<vmem>>, vector<1x16xf32>,
      %get3A_3046 = vector.shape_cast %get3A_3045 : vector<1x16xf32> to vector<16xf32>
      %add3A_3047 = arith.addf %add3A_3041, %get3A_3046 : vector<16xf32>
      %get3A_3048 = arith.constant 6 : i32
      %get3A_3049 = arith.index_cast %get3A_3048 : i32 to index
      %get3A_3050 = arith.constant 448 : index
      %get3A_3051 = tpu.vector_load %arg6[%get3A_3049, %get3A_3050] {strides = array<i32>} : memref<16x512xf32, #tpu.memory_space<vmem>>, vector<1x16xf32>,
      %get3A_3052 = vector.shape_cast %get3A_3051 : vector<1x16xf32> to vector<16xf32>
      %add3A_3053 = arith.addf %add3A_3047, %get3A_3052 : vector<16xf32>
      %get3A_3054 = arith.constant 7 : i32
      %get3A_3055 = arith.index_cast %get3A_3054 : i32 to index
      %get3A_3056 = arith.constant 448 : index
      %get3A_3057 = tpu.vector_load %arg6[%get3A_3055, %get3A_3056] {strides = array<i32>} : memref<16x512xf32, #tpu.memory_space<vmem>>, vector<1x16xf32>,
      %get3A_3058 = vector.shape_cast %get3A_3057 : vector<1x16xf32> to vector<16xf32>
      %add3A_3059 = arith.addf %add3A_3053, %get3A_3058 : vector<16xf32>
      %get3A_3060 = arith.constant 8 : i32
      %get3A_3061 = arith.index_cast %get3A_3060 : i32 to index
      %get3A_3062 = arith.constant 448 : index
      %get3A_3063 = tpu.vector_load %arg6[%get3A_3061, %get3A_3062] {strides = array<i32>} : memref<16x512xf32, #tpu.memory_space<vmem>>, vector<1x16xf32>,
      %get3A_3064 = vector.shape_cast %get3A_3063 : vector<1x16xf32> to vector<16xf32>
      %add3A_3065 = arith.addf %add3A_3059, %get3A_3064 : vector<16xf32>
      %get3A_3066 = arith.constant 9 : i32
      %get3A_3067 = arith.index_cast %get3A_3066 : i32 to index
      %get3A_3068 = arith.constant 448 : index
      %get3A_3069 = tpu.vector_load %arg6[%get3A_3067, %get3A_3068] {strides = array<i32>} : memref<16x512xf32, #tpu.memory_space<vmem>>, vector<1x16xf32>,
      %get3A_3070 = vector.shape_cast %get3A_3069 : vector<1x16xf32> to vector<16xf32>
      %add3A_3071 = arith.addf %add3A_3065, %get3A_3070 : vector<16xf32>
      %get3A_3072 = arith.constant 10 : i32
      %get3A_3073 = arith.index_cast %get3A_3072 : i32 to index
      %get3A_3074 = arith.constant 448 : index
      %get3A_3075 = tpu.vector_load %arg6[%get3A_3073, %get3A_3074] {strides = array<i32>} : memref<16x512xf32, #tpu.memory_space<vmem>>, vector<1x16xf32>,
      %get3A_3076 = vector.shape_cast %get3A_3075 : vector<1x16xf32> to vector<16xf32>
      %add3A_3077 = arith.addf %add3A_3071, %get3A_3076 : vector<16xf32>
      %get3A_3078 = arith.constant 11 : i32
      %get3A_3079 = arith.index_cast %get3A_3078 : i32 to index
      %get3A_3080 = arith.constant 448 : index
      %get3A_3081 = tpu.vector_load %arg6[%get3A_3079, %get3A_3080] {strides = array<i32>} : memref<16x512xf32, #tpu.memory_space<vmem>>, vector<1x16xf32>,
      %get3A_3082 = vector.shape_cast %get3A_3081 : vector<1x16xf32> to vector<16xf32>
      %add3A_3083 = arith.addf %add3A_3077, %get3A_3082 : vector<16xf32>
      %get3A_3084 = arith.constant 12 : i32
      %get3A_3085 = arith.index_cast %get3A_3084 : i32 to index
      %get3A_3086 = arith.constant 448 : index
      %get3A_3087 = tpu.vector_load %arg6[%get3A_3085, %get3A_3086] {strides = array<i32>} : memref<16x512xf32, #tpu.memory_space<vmem>>, vector<1x16xf32>,
      %get3A_3088 = vector.shape_cast %get3A_3087 : vector<1x16xf32> to vector<16xf32>
      %add3A_3089 = arith.addf %add3A_3083, %get3A_3088 : vector<16xf32>
      %get3A_3090 = arith.constant 13 : i32
      %get3A_3091 = arith.index_cast %get3A_3090 : i32 to index
      %get3A_3092 = arith.constant 448 : index
      %get3A_3093 = tpu.vector_load %arg6[%get3A_3091, %get3A_3092] {strides = array<i32>} : memref<16x512xf32, #tpu.memory_space<vmem>>, vector<1x16xf32>,
      %get3A_3094 = vector.shape_cast %get3A_3093 : vector<1x16xf32> to vector<16xf32>
      %add3A_3095 = arith.addf %add3A_3089, %get3A_3094 : vector<16xf32>
      %get3A_3096 = arith.constant 14 : i32
      %get3A_3097 = arith.index_cast %get3A_3096 : i32 to index
      %get3A_3098 = arith.constant 448 : index
      %get3A_3099 = tpu.vector_load %arg6[%get3A_3097, %get3A_3098] {strides = array<i32>} : memref<16x512xf32, #tpu.memory_space<vmem>>, vector<1x16xf32>,
      %get3A_3100 = vector.shape_cast %get3A_3099 : vector<1x16xf32> to vector<16xf32>
      %add3A_3101 = arith.addf %add3A_3095, %get3A_3100 : vector<16xf32>
      %get3A_3102 = arith.constant 15 : i32
      %get3A_3103 = arith.index_cast %get3A_3102 : i32 to index
      %get3A_3104 = arith.constant 448 : index
      %get3A_3105 = tpu.vector_load %arg6[%get3A_3103, %get3A_3104] {strides = array<i32>} : memref<16x512xf32, #tpu.memory_space<vmem>>, vector<1x16xf32>,
      %get3A_3106 = vector.shape_cast %get3A_3105 : vector<1x16xf32> to vector<16xf32>
      %add3A_3107 = arith.addf %add3A_3101, %get3A_3106 : vector<16xf32>
      %mul3A_3108 = arith.constant 6.250000e-02 : f32
      %mul3A_3109 = vector.broadcast %mul3A_3108 : f32 to vector<16xf32>
      %mul3A_3110 = arith.mulf %add3A_3107, %mul3A_3109 : vector<16xf32>
      %mul3A_3111 = arith.constant 1 : i32
      %mul3A_3112 = arith.muli %scan3A_10, %mul3A_3111 : i32
      %add3A_3113 = arith.constant 0 : i32
      %add3A_3114 = arith.addi %mul3A_3112, %add3A_3113 : i32
      %swap3A_3115 = arith.index_cast %add3A_3114 : i32 to index
      %swap3A_3116 = arith.constant 448 : index
      %swap3A_3117 = tpu.vector_load %arg7[%swap3A_3115, %swap3A_3116] {strides = array<i32>} : memref<32x512xf32, #tpu.memory_space<vmem>>, vector<1x16xf32>,
      %swap3A_3118 = vector.shape_cast %swap3A_3117 : vector<1x16xf32> to vector<16xf32>
      %swap3A_3119 = vector.shape_cast %mul3A_3110 : vector<16xf32> to vector<1x16xf32>
      tpu.vector_store %arg7[%swap3A_3115, %swap3A_3116], %swap3A_3119 {strides = array<i32>} : memref<32x512xf32, #tpu.memory_space<vmem>>, vector<1x16xf32>,
      %get3A_3120 = arith.constant 0 : i32
      %get3A_3121 = arith.index_cast %get3A_3120 : i32 to index
      %get3A_3122 = arith.constant 464 : index
      %get3A_3123 = tpu.vector_load %arg6[%get3A_3121, %get3A_3122] {strides = array<i32>} : memref<16x512xf32, #tpu.memory_space<vmem>>, vector<1x16xf32>,
      %get3A_3124 = vector.shape_cast %get3A_3123 : vector<1x16xf32> to vector<16xf32>
      %get3A_3125 = arith.constant 1 : i32
      %get3A_3126 = arith.index_cast %get3A_3125 : i32 to index
      %get3A_3127 = arith.constant 464 : index
      %get3A_3128 = tpu.vector_load %arg6[%get3A_3126, %get3A_3127] {strides = array<i32>} : memref<16x512xf32, #tpu.memory_space<vmem>>, vector<1x16xf32>,
      %get3A_3129 = vector.shape_cast %get3A_3128 : vector<1x16xf32> to vector<16xf32>
      %add3A_3130 = arith.addf %get3A_3124, %get3A_3129 : vector<16xf32>
      %get3A_3131 = arith.constant 2 : i32
      %get3A_3132 = arith.index_cast %get3A_3131 : i32 to index
      %get3A_3133 = arith.constant 464 : index
      %get3A_3134 = tpu.vector_load %arg6[%get3A_3132, %get3A_3133] {strides = array<i32>} : memref<16x512xf32, #tpu.memory_space<vmem>>, vector<1x16xf32>,
      %get3A_3135 = vector.shape_cast %get3A_3134 : vector<1x16xf32> to vector<16xf32>
      %add3A_3136 = arith.addf %add3A_3130, %get3A_3135 : vector<16xf32>
      %get3A_3137 = arith.constant 3 : i32
      %get3A_3138 = arith.index_cast %get3A_3137 : i32 to index
      %get3A_3139 = arith.constant 464 : index
      %get3A_3140 = tpu.vector_load %arg6[%get3A_3138, %get3A_3139] {strides = array<i32>} : memref<16x512xf32, #tpu.memory_space<vmem>>, vector<1x16xf32>,
      %get3A_3141 = vector.shape_cast %get3A_3140 : vector<1x16xf32> to vector<16xf32>
      %add3A_3142 = arith.addf %add3A_3136, %get3A_3141 : vector<16xf32>
      %get3A_3143 = arith.constant 4 : i32
      %get3A_3144 = arith.index_cast %get3A_3143 : i32 to index
      %get3A_3145 = arith.constant 464 : index
      %get3A_3146 = tpu.vector_load %arg6[%get3A_3144, %get3A_3145] {strides = array<i32>} : memref<16x512xf32, #tpu.memory_space<vmem>>, vector<1x16xf32>,
      %get3A_3147 = vector.shape_cast %get3A_3146 : vector<1x16xf32> to vector<16xf32>
      %add3A_3148 = arith.addf %add3A_3142, %get3A_3147 : vector<16xf32>
      %get3A_3149 = arith.constant 5 : i32
      %get3A_3150 = arith.index_cast %get3A_3149 : i32 to index
      %get3A_3151 = arith.constant 464 : index
      %get3A_3152 = tpu.vector_load %arg6[%get3A_3150, %get3A_3151] {strides = array<i32>} : memref<16x512xf32, #tpu.memory_space<vmem>>, vector<1x16xf32>,
      %get3A_3153 = vector.shape_cast %get3A_3152 : vector<1x16xf32> to vector<16xf32>
      %add3A_3154 = arith.addf %add3A_3148, %get3A_3153 : vector<16xf32>
      %get3A_3155 = arith.constant 6 : i32
      %get3A_3156 = arith.index_cast %get3A_3155 : i32 to index
      %get3A_3157 = arith.constant 464 : index
      %get3A_3158 = tpu.vector_load %arg6[%get3A_3156, %get3A_3157] {strides = array<i32>} : memref<16x512xf32, #tpu.memory_space<vmem>>, vector<1x16xf32>,
      %get3A_3159 = vector.shape_cast %get3A_3158 : vector<1x16xf32> to vector<16xf32>
      %add3A_3160 = arith.addf %add3A_3154, %get3A_3159 : vector<16xf32>
      %get3A_3161 = arith.constant 7 : i32
      %get3A_3162 = arith.index_cast %get3A_3161 : i32 to index
      %get3A_3163 = arith.constant 464 : index
      %get3A_3164 = tpu.vector_load %arg6[%get3A_3162, %get3A_3163] {strides = array<i32>} : memref<16x512xf32, #tpu.memory_space<vmem>>, vector<1x16xf32>,
      %get3A_3165 = vector.shape_cast %get3A_3164 : vector<1x16xf32> to vector<16xf32>
      %add3A_3166 = arith.addf %add3A_3160, %get3A_3165 : vector<16xf32>
      %get3A_3167 = arith.constant 8 : i32
      %get3A_3168 = arith.index_cast %get3A_3167 : i32 to index
      %get3A_3169 = arith.constant 464 : index
      %get3A_3170 = tpu.vector_load %arg6[%get3A_3168, %get3A_3169] {strides = array<i32>} : memref<16x512xf32, #tpu.memory_space<vmem>>, vector<1x16xf32>,
      %get3A_3171 = vector.shape_cast %get3A_3170 : vector<1x16xf32> to vector<16xf32>
      %add3A_3172 = arith.addf %add3A_3166, %get3A_3171 : vector<16xf32>
      %get3A_3173 = arith.constant 9 : i32
      %get3A_3174 = arith.index_cast %get3A_3173 : i32 to index
      %get3A_3175 = arith.constant 464 : index
      %get3A_3176 = tpu.vector_load %arg6[%get3A_3174, %get3A_3175] {strides = array<i32>} : memref<16x512xf32, #tpu.memory_space<vmem>>, vector<1x16xf32>,
      %get3A_3177 = vector.shape_cast %get3A_3176 : vector<1x16xf32> to vector<16xf32>
      %add3A_3178 = arith.addf %add3A_3172, %get3A_3177 : vector<16xf32>
      %get3A_3179 = arith.constant 10 : i32
      %get3A_3180 = arith.index_cast %get3A_3179 : i32 to index
      %get3A_3181 = arith.constant 464 : index
      %get3A_3182 = tpu.vector_load %arg6[%get3A_3180, %get3A_3181] {strides = array<i32>} : memref<16x512xf32, #tpu.memory_space<vmem>>, vector<1x16xf32>,
      %get3A_3183 = vector.shape_cast %get3A_3182 : vector<1x16xf32> to vector<16xf32>
      %add3A_3184 = arith.addf %add3A_3178, %get3A_3183 : vector<16xf32>
      %get3A_3185 = arith.constant 11 : i32
      %get3A_3186 = arith.index_cast %get3A_3185 : i32 to index
      %get3A_3187 = arith.constant 464 : index
      %get3A_3188 = tpu.vector_load %arg6[%get3A_3186, %get3A_3187] {strides = array<i32>} : memref<16x512xf32, #tpu.memory_space<vmem>>, vector<1x16xf32>,
      %get3A_3189 = vector.shape_cast %get3A_3188 : vector<1x16xf32> to vector<16xf32>
      %add3A_3190 = arith.addf %add3A_3184, %get3A_3189 : vector<16xf32>
      %get3A_3191 = arith.constant 12 : i32
      %get3A_3192 = arith.index_cast %get3A_3191 : i32 to index
      %get3A_3193 = arith.constant 464 : index
      %get3A_3194 = tpu.vector_load %arg6[%get3A_3192, %get3A_3193] {strides = array<i32>} : memref<16x512xf32, #tpu.memory_space<vmem>>, vector<1x16xf32>,
      %get3A_3195 = vector.shape_cast %get3A_3194 : vector<1x16xf32> to vector<16xf32>
      %add3A_3196 = arith.addf %add3A_3190, %get3A_3195 : vector<16xf32>
      %get3A_3197 = arith.constant 13 : i32
      %get3A_3198 = arith.index_cast %get3A_3197 : i32 to index
      %get3A_3199 = arith.constant 464 : index
      %get3A_3200 = tpu.vector_load %arg6[%get3A_3198, %get3A_3199] {strides = array<i32>} : memref<16x512xf32, #tpu.memory_space<vmem>>, vector<1x16xf32>,
      %get3A_3201 = vector.shape_cast %get3A_3200 : vector<1x16xf32> to vector<16xf32>
      %add3A_3202 = arith.addf %add3A_3196, %get3A_3201 : vector<16xf32>
      %get3A_3203 = arith.constant 14 : i32
      %get3A_3204 = arith.index_cast %get3A_3203 : i32 to index
      %get3A_3205 = arith.constant 464 : index
      %get3A_3206 = tpu.vector_load %arg6[%get3A_3204, %get3A_3205] {strides = array<i32>} : memref<16x512xf32, #tpu.memory_space<vmem>>, vector<1x16xf32>,
      %get3A_3207 = vector.shape_cast %get3A_3206 : vector<1x16xf32> to vector<16xf32>
      %add3A_3208 = arith.addf %add3A_3202, %get3A_3207 : vector<16xf32>
      %get3A_3209 = arith.constant 15 : i32
      %get3A_3210 = arith.index_cast %get3A_3209 : i32 to index
      %get3A_3211 = arith.constant 464 : index
      %get3A_3212 = tpu.vector_load %arg6[%get3A_3210, %get3A_3211] {strides = array<i32>} : memref<16x512xf32, #tpu.memory_space<vmem>>, vector<1x16xf32>,
      %get3A_3213 = vector.shape_cast %get3A_3212 : vector<1x16xf32> to vector<16xf32>
      %add3A_3214 = arith.addf %add3A_3208, %get3A_3213 : vector<16xf32>
      %mul3A_3215 = arith.constant 6.250000e-02 : f32
      %mul3A_3216 = vector.broadcast %mul3A_3215 : f32 to vector<16xf32>
      %mul3A_3217 = arith.mulf %add3A_3214, %mul3A_3216 : vector<16xf32>
      %mul3A_3218 = arith.constant 1 : i32
      %mul3A_3219 = arith.muli %scan3A_10, %mul3A_3218 : i32
      %add3A_3220 = arith.constant 0 : i32
      %add3A_3221 = arith.addi %mul3A_3219, %add3A_3220 : i32
      %swap3A_3222 = arith.index_cast %add3A_3221 : i32 to index
      %swap3A_3223 = arith.constant 464 : index
      %swap3A_3224 = tpu.vector_load %arg7[%swap3A_3222, %swap3A_3223] {strides = array<i32>} : memref<32x512xf32, #tpu.memory_space<vmem>>, vector<1x16xf32>,
      %swap3A_3225 = vector.shape_cast %swap3A_3224 : vector<1x16xf32> to vector<16xf32>
      %swap3A_3226 = vector.shape_cast %mul3A_3217 : vector<16xf32> to vector<1x16xf32>
      tpu.vector_store %arg7[%swap3A_3222, %swap3A_3223], %swap3A_3226 {strides = array<i32>} : memref<32x512xf32, #tpu.memory_space<vmem>>, vector<1x16xf32>,
      %get3A_3227 = arith.constant 0 : i32
      %get3A_3228 = arith.index_cast %get3A_3227 : i32 to index
      %get3A_3229 = arith.constant 480 : index
      %get3A_3230 = tpu.vector_load %arg6[%get3A_3228, %get3A_3229] {strides = array<i32>} : memref<16x512xf32, #tpu.memory_space<vmem>>, vector<1x16xf32>,
      %get3A_3231 = vector.shape_cast %get3A_3230 : vector<1x16xf32> to vector<16xf32>
      %get3A_3232 = arith.constant 1 : i32
      %get3A_3233 = arith.index_cast %get3A_3232 : i32 to index
      %get3A_3234 = arith.constant 480 : index
      %get3A_3235 = tpu.vector_load %arg6[%get3A_3233, %get3A_3234] {strides = array<i32>} : memref<16x512xf32, #tpu.memory_space<vmem>>, vector<1x16xf32>,
      %get3A_3236 = vector.shape_cast %get3A_3235 : vector<1x16xf32> to vector<16xf32>
      %add3A_3237 = arith.addf %get3A_3231, %get3A_3236 : vector<16xf32>
      %get3A_3238 = arith.constant 2 : i32
      %get3A_3239 = arith.index_cast %get3A_3238 : i32 to index
      %get3A_3240 = arith.constant 480 : index
      %get3A_3241 = tpu.vector_load %arg6[%get3A_3239, %get3A_3240] {strides = array<i32>} : memref<16x512xf32, #tpu.memory_space<vmem>>, vector<1x16xf32>,
      %get3A_3242 = vector.shape_cast %get3A_3241 : vector<1x16xf32> to vector<16xf32>
      %add3A_3243 = arith.addf %add3A_3237, %get3A_3242 : vector<16xf32>
      %get3A_3244 = arith.constant 3 : i32
      %get3A_3245 = arith.index_cast %get3A_3244 : i32 to index
      %get3A_3246 = arith.constant 480 : index
      %get3A_3247 = tpu.vector_load %arg6[%get3A_3245, %get3A_3246] {strides = array<i32>} : memref<16x512xf32, #tpu.memory_space<vmem>>, vector<1x16xf32>,
      %get3A_3248 = vector.shape_cast %get3A_3247 : vector<1x16xf32> to vector<16xf32>
      %add3A_3249 = arith.addf %add3A_3243, %get3A_3248 : vector<16xf32>
      %get3A_3250 = arith.constant 4 : i32
      %get3A_3251 = arith.index_cast %get3A_3250 : i32 to index
      %get3A_3252 = arith.constant 480 : index
      %get3A_3253 = tpu.vector_load %arg6[%get3A_3251, %get3A_3252] {strides = array<i32>} : memref<16x512xf32, #tpu.memory_space<vmem>>, vector<1x16xf32>,
      %get3A_3254 = vector.shape_cast %get3A_3253 : vector<1x16xf32> to vector<16xf32>
      %add3A_3255 = arith.addf %add3A_3249, %get3A_3254 : vector<16xf32>
      %get3A_3256 = arith.constant 5 : i32
      %get3A_3257 = arith.index_cast %get3A_3256 : i32 to index
      %get3A_3258 = arith.constant 480 : index
      %get3A_3259 = tpu.vector_load %arg6[%get3A_3257, %get3A_3258] {strides = array<i32>} : memref<16x512xf32, #tpu.memory_space<vmem>>, vector<1x16xf32>,
      %get3A_3260 = vector.shape_cast %get3A_3259 : vector<1x16xf32> to vector<16xf32>
      %add3A_3261 = arith.addf %add3A_3255, %get3A_3260 : vector<16xf32>
      %get3A_3262 = arith.constant 6 : i32
      %get3A_3263 = arith.index_cast %get3A_3262 : i32 to index
      %get3A_3264 = arith.constant 480 : index
      %get3A_3265 = tpu.vector_load %arg6[%get3A_3263, %get3A_3264] {strides = array<i32>} : memref<16x512xf32, #tpu.memory_space<vmem>>, vector<1x16xf32>,
      %get3A_3266 = vector.shape_cast %get3A_3265 : vector<1x16xf32> to vector<16xf32>
      %add3A_3267 = arith.addf %add3A_3261, %get3A_3266 : vector<16xf32>
      %get3A_3268 = arith.constant 7 : i32
      %get3A_3269 = arith.index_cast %get3A_3268 : i32 to index
      %get3A_3270 = arith.constant 480 : index
      %get3A_3271 = tpu.vector_load %arg6[%get3A_3269, %get3A_3270] {strides = array<i32>} : memref<16x512xf32, #tpu.memory_space<vmem>>, vector<1x16xf32>,
      %get3A_3272 = vector.shape_cast %get3A_3271 : vector<1x16xf32> to vector<16xf32>
      %add3A_3273 = arith.addf %add3A_3267, %get3A_3272 : vector<16xf32>
      %get3A_3274 = arith.constant 8 : i32
      %get3A_3275 = arith.index_cast %get3A_3274 : i32 to index
      %get3A_3276 = arith.constant 480 : index
      %get3A_3277 = tpu.vector_load %arg6[%get3A_3275, %get3A_3276] {strides = array<i32>} : memref<16x512xf32, #tpu.memory_space<vmem>>, vector<1x16xf32>,
      %get3A_3278 = vector.shape_cast %get3A_3277 : vector<1x16xf32> to vector<16xf32>
      %add3A_3279 = arith.addf %add3A_3273, %get3A_3278 : vector<16xf32>
      %get3A_3280 = arith.constant 9 : i32
      %get3A_3281 = arith.index_cast %get3A_3280 : i32 to index
      %get3A_3282 = arith.constant 480 : index
      %get3A_3283 = tpu.vector_load %arg6[%get3A_3281, %get3A_3282] {strides = array<i32>} : memref<16x512xf32, #tpu.memory_space<vmem>>, vector<1x16xf32>,
      %get3A_3284 = vector.shape_cast %get3A_3283 : vector<1x16xf32> to vector<16xf32>
      %add3A_3285 = arith.addf %add3A_3279, %get3A_3284 : vector<16xf32>
      %get3A_3286 = arith.constant 10 : i32
      %get3A_3287 = arith.index_cast %get3A_3286 : i32 to index
      %get3A_3288 = arith.constant 480 : index
      %get3A_3289 = tpu.vector_load %arg6[%get3A_3287, %get3A_3288] {strides = array<i32>} : memref<16x512xf32, #tpu.memory_space<vmem>>, vector<1x16xf32>,
      %get3A_3290 = vector.shape_cast %get3A_3289 : vector<1x16xf32> to vector<16xf32>
      %add3A_3291 = arith.addf %add3A_3285, %get3A_3290 : vector<16xf32>
      %get3A_3292 = arith.constant 11 : i32
      %get3A_3293 = arith.index_cast %get3A_3292 : i32 to index
      %get3A_3294 = arith.constant 480 : index
      %get3A_3295 = tpu.vector_load %arg6[%get3A_3293, %get3A_3294] {strides = array<i32>} : memref<16x512xf32, #tpu.memory_space<vmem>>, vector<1x16xf32>,
      %get3A_3296 = vector.shape_cast %get3A_3295 : vector<1x16xf32> to vector<16xf32>
      %add3A_3297 = arith.addf %add3A_3291, %get3A_3296 : vector<16xf32>
      %get3A_3298 = arith.constant 12 : i32
      %get3A_3299 = arith.index_cast %get3A_3298 : i32 to index
      %get3A_3300 = arith.constant 480 : index
      %get3A_3301 = tpu.vector_load %arg6[%get3A_3299, %get3A_3300] {strides = array<i32>} : memref<16x512xf32, #tpu.memory_space<vmem>>, vector<1x16xf32>,
      %get3A_3302 = vector.shape_cast %get3A_3301 : vector<1x16xf32> to vector<16xf32>
      %add3A_3303 = arith.addf %add3A_3297, %get3A_3302 : vector<16xf32>
      %get3A_3304 = arith.constant 13 : i32
      %get3A_3305 = arith.index_cast %get3A_3304 : i32 to index
      %get3A_3306 = arith.constant 480 : index
      %get3A_3307 = tpu.vector_load %arg6[%get3A_3305, %get3A_3306] {strides = array<i32>} : memref<16x512xf32, #tpu.memory_space<vmem>>, vector<1x16xf32>,
      %get3A_3308 = vector.shape_cast %get3A_3307 : vector<1x16xf32> to vector<16xf32>
      %add3A_3309 = arith.addf %add3A_3303, %get3A_3308 : vector<16xf32>
      %get3A_3310 = arith.constant 14 : i32
      %get3A_3311 = arith.index_cast %get3A_3310 : i32 to index
      %get3A_3312 = arith.constant 480 : index
      %get3A_3313 = tpu.vector_load %arg6[%get3A_3311, %get3A_3312] {strides = array<i32>} : memref<16x512xf32, #tpu.memory_space<vmem>>, vector<1x16xf32>,
      %get3A_3314 = vector.shape_cast %get3A_3313 : vector<1x16xf32> to vector<16xf32>
      %add3A_3315 = arith.addf %add3A_3309, %get3A_3314 : vector<16xf32>
      %get3A_3316 = arith.constant 15 : i32
      %get3A_3317 = arith.index_cast %get3A_3316 : i32 to index
      %get3A_3318 = arith.constant 480 : index
      %get3A_3319 = tpu.vector_load %arg6[%get3A_3317, %get3A_3318] {strides = array<i32>} : memref<16x512xf32, #tpu.memory_space<vmem>>, vector<1x16xf32>,
      %get3A_3320 = vector.shape_cast %get3A_3319 : vector<1x16xf32> to vector<16xf32>
      %add3A_3321 = arith.addf %add3A_3315, %get3A_3320 : vector<16xf32>
      %mul3A_3322 = arith.constant 6.250000e-02 : f32
      %mul3A_3323 = vector.broadcast %mul3A_3322 : f32 to vector<16xf32>
      %mul3A_3324 = arith.mulf %add3A_3321, %mul3A_3323 : vector<16xf32>
      %mul3A_3325 = arith.constant 1 : i32
      %mul3A_3326 = arith.muli %scan3A_10, %mul3A_3325 : i32
      %add3A_3327 = arith.constant 0 : i32
      %add3A_3328 = arith.addi %mul3A_3326, %add3A_3327 : i32
      %swap3A_3329 = arith.index_cast %add3A_3328 : i32 to index
      %swap3A_3330 = arith.constant 480 : index
      %swap3A_3331 = tpu.vector_load %arg7[%swap3A_3329, %swap3A_3330] {strides = array<i32>} : memref<32x512xf32, #tpu.memory_space<vmem>>, vector<1x16xf32>,
      %swap3A_3332 = vector.shape_cast %swap3A_3331 : vector<1x16xf32> to vector<16xf32>
      %swap3A_3333 = vector.shape_cast %mul3A_3324 : vector<16xf32> to vector<1x16xf32>
      tpu.vector_store %arg7[%swap3A_3329, %swap3A_3330], %swap3A_3333 {strides = array<i32>} : memref<32x512xf32, #tpu.memory_space<vmem>>, vector<1x16xf32>,
      %get3A_3334 = arith.constant 0 : i32
      %get3A_3335 = arith.index_cast %get3A_3334 : i32 to index
      %get3A_3336 = arith.constant 496 : index
      %get3A_3337 = tpu.vector_load %arg6[%get3A_3335, %get3A_3336] {strides = array<i32>} : memref<16x512xf32, #tpu.memory_space<vmem>>, vector<1x16xf32>,
      %get3A_3338 = vector.shape_cast %get3A_3337 : vector<1x16xf32> to vector<16xf32>
      %get3A_3339 = arith.constant 1 : i32
      %get3A_3340 = arith.index_cast %get3A_3339 : i32 to index
      %get3A_3341 = arith.constant 496 : index
      %get3A_3342 = tpu.vector_load %arg6[%get3A_3340, %get3A_3341] {strides = array<i32>} : memref<16x512xf32, #tpu.memory_space<vmem>>, vector<1x16xf32>,
      %get3A_3343 = vector.shape_cast %get3A_3342 : vector<1x16xf32> to vector<16xf32>
      %add3A_3344 = arith.addf %get3A_3338, %get3A_3343 : vector<16xf32>
      %get3A_3345 = arith.constant 2 : i32
      %get3A_3346 = arith.index_cast %get3A_3345 : i32 to index
      %get3A_3347 = arith.constant 496 : index
      %get3A_3348 = tpu.vector_load %arg6[%get3A_3346, %get3A_3347] {strides = array<i32>} : memref<16x512xf32, #tpu.memory_space<vmem>>, vector<1x16xf32>,
      %get3A_3349 = vector.shape_cast %get3A_3348 : vector<1x16xf32> to vector<16xf32>
      %add3A_3350 = arith.addf %add3A_3344, %get3A_3349 : vector<16xf32>
      %get3A_3351 = arith.constant 3 : i32
      %get3A_3352 = arith.index_cast %get3A_3351 : i32 to index
      %get3A_3353 = arith.constant 496 : index
      %get3A_3354 = tpu.vector_load %arg6[%get3A_3352, %get3A_3353] {strides = array<i32>} : memref<16x512xf32, #tpu.memory_space<vmem>>, vector<1x16xf32>,
      %get3A_3355 = vector.shape_cast %get3A_3354 : vector<1x16xf32> to vector<16xf32>
      %add3A_3356 = arith.addf %add3A_3350, %get3A_3355 : vector<16xf32>
      %get3A_3357 = arith.constant 4 : i32
      %get3A_3358 = arith.index_cast %get3A_3357 : i32 to index
      %get3A_3359 = arith.constant 496 : index
      %get3A_3360 = tpu.vector_load %arg6[%get3A_3358, %get3A_3359] {strides = array<i32>} : memref<16x512xf32, #tpu.memory_space<vmem>>, vector<1x16xf32>,
      %get3A_3361 = vector.shape_cast %get3A_3360 : vector<1x16xf32> to vector<16xf32>
      %add3A_3362 = arith.addf %add3A_3356, %get3A_3361 : vector<16xf32>
      %get3A_3363 = arith.constant 5 : i32
      %get3A_3364 = arith.index_cast %get3A_3363 : i32 to index
      %get3A_3365 = arith.constant 496 : index
      %get3A_3366 = tpu.vector_load %arg6[%get3A_3364, %get3A_3365] {strides = array<i32>} : memref<16x512xf32, #tpu.memory_space<vmem>>, vector<1x16xf32>,
      %get3A_3367 = vector.shape_cast %get3A_3366 : vector<1x16xf32> to vector<16xf32>
      %add3A_3368 = arith.addf %add3A_3362, %get3A_3367 : vector<16xf32>
      %get3A_3369 = arith.constant 6 : i32
      %get3A_3370 = arith.index_cast %get3A_3369 : i32 to index
      %get3A_3371 = arith.constant 496 : index
      %get3A_3372 = tpu.vector_load %arg6[%get3A_3370, %get3A_3371] {strides = array<i32>} : memref<16x512xf32, #tpu.memory_space<vmem>>, vector<1x16xf32>,
      %get3A_3373 = vector.shape_cast %get3A_3372 : vector<1x16xf32> to vector<16xf32>
      %add3A_3374 = arith.addf %add3A_3368, %get3A_3373 : vector<16xf32>
      %get3A_3375 = arith.constant 7 : i32
      %get3A_3376 = arith.index_cast %get3A_3375 : i32 to index
      %get3A_3377 = arith.constant 496 : index
      %get3A_3378 = tpu.vector_load %arg6[%get3A_3376, %get3A_3377] {strides = array<i32>} : memref<16x512xf32, #tpu.memory_space<vmem>>, vector<1x16xf32>,
      %get3A_3379 = vector.shape_cast %get3A_3378 : vector<1x16xf32> to vector<16xf32>
      %add3A_3380 = arith.addf %add3A_3374, %get3A_3379 : vector<16xf32>
      %get3A_3381 = arith.constant 8 : i32
      %get3A_3382 = arith.index_cast %get3A_3381 : i32 to index
      %get3A_3383 = arith.constant 496 : index
      %get3A_3384 = tpu.vector_load %arg6[%get3A_3382, %get3A_3383] {strides = array<i32>} : memref<16x512xf32, #tpu.memory_space<vmem>>, vector<1x16xf32>,
      %get3A_3385 = vector.shape_cast %get3A_3384 : vector<1x16xf32> to vector<16xf32>
      %add3A_3386 = arith.addf %add3A_3380, %get3A_3385 : vector<16xf32>
      %get3A_3387 = arith.constant 9 : i32
      %get3A_3388 = arith.index_cast %get3A_3387 : i32 to index
      %get3A_3389 = arith.constant 496 : index
      %get3A_3390 = tpu.vector_load %arg6[%get3A_3388, %get3A_3389] {strides = array<i32>} : memref<16x512xf32, #tpu.memory_space<vmem>>, vector<1x16xf32>,
      %get3A_3391 = vector.shape_cast %get3A_3390 : vector<1x16xf32> to vector<16xf32>
      %add3A_3392 = arith.addf %add3A_3386, %get3A_3391 : vector<16xf32>
      %get3A_3393 = arith.constant 10 : i32
      %get3A_3394 = arith.index_cast %get3A_3393 : i32 to index
      %get3A_3395 = arith.constant 496 : index
      %get3A_3396 = tpu.vector_load %arg6[%get3A_3394, %get3A_3395] {strides = array<i32>} : memref<16x512xf32, #tpu.memory_space<vmem>>, vector<1x16xf32>,
      %get3A_3397 = vector.shape_cast %get3A_3396 : vector<1x16xf32> to vector<16xf32>
      %add3A_3398 = arith.addf %add3A_3392, %get3A_3397 : vector<16xf32>
      %get3A_3399 = arith.constant 11 : i32
      %get3A_3400 = arith.index_cast %get3A_3399 : i32 to index
      %get3A_3401 = arith.constant 496 : index
      %get3A_3402 = tpu.vector_load %arg6[%get3A_3400, %get3A_3401] {strides = array<i32>} : memref<16x512xf32, #tpu.memory_space<vmem>>, vector<1x16xf32>,
      %get3A_3403 = vector.shape_cast %get3A_3402 : vector<1x16xf32> to vector<16xf32>
      %add3A_3404 = arith.addf %add3A_3398, %get3A_3403 : vector<16xf32>
      %get3A_3405 = arith.constant 12 : i32
      %get3A_3406 = arith.index_cast %get3A_3405 : i32 to index
      %get3A_3407 = arith.constant 496 : index
      %get3A_3408 = tpu.vector_load %arg6[%get3A_3406, %get3A_3407] {strides = array<i32>} : memref<16x512xf32, #tpu.memory_space<vmem>>, vector<1x16xf32>,
      %get3A_3409 = vector.shape_cast %get3A_3408 : vector<1x16xf32> to vector<16xf32>
      %add3A_3410 = arith.addf %add3A_3404, %get3A_3409 : vector<16xf32>
      %get3A_3411 = arith.constant 13 : i32
      %get3A_3412 = arith.index_cast %get3A_3411 : i32 to index
      %get3A_3413 = arith.constant 496 : index
      %get3A_3414 = tpu.vector_load %arg6[%get3A_3412, %get3A_3413] {strides = array<i32>} : memref<16x512xf32, #tpu.memory_space<vmem>>, vector<1x16xf32>,
      %get3A_3415 = vector.shape_cast %get3A_3414 : vector<1x16xf32> to vector<16xf32>
      %add3A_3416 = arith.addf %add3A_3410, %get3A_3415 : vector<16xf32>
      %get3A_3417 = arith.constant 14 : i32
      %get3A_3418 = arith.index_cast %get3A_3417 : i32 to index
      %get3A_3419 = arith.constant 496 : index
      %get3A_3420 = tpu.vector_load %arg6[%get3A_3418, %get3A_3419] {strides = array<i32>} : memref<16x512xf32, #tpu.memory_space<vmem>>, vector<1x16xf32>,
      %get3A_3421 = vector.shape_cast %get3A_3420 : vector<1x16xf32> to vector<16xf32>
      %add3A_3422 = arith.addf %add3A_3416, %get3A_3421 : vector<16xf32>
      %get3A_3423 = arith.constant 15 : i32
      %get3A_3424 = arith.index_cast %get3A_3423 : i32 to index
      %get3A_3425 = arith.constant 496 : index
      %get3A_3426 = tpu.vector_load %arg6[%get3A_3424, %get3A_3425] {strides = array<i32>} : memref<16x512xf32, #tpu.memory_space<vmem>>, vector<1x16xf32>,
      %get3A_3427 = vector.shape_cast %get3A_3426 : vector<1x16xf32> to vector<16xf32>
      %add3A_3428 = arith.addf %add3A_3422, %get3A_3427 : vector<16xf32>
      %mul3A_3429 = arith.constant 6.250000e-02 : f32
      %mul3A_3430 = vector.broadcast %mul3A_3429 : f32 to vector<16xf32>
      %mul3A_3431 = arith.mulf %add3A_3428, %mul3A_3430 : vector<16xf32>
      %mul3A_3432 = arith.constant 1 : i32
      %mul3A_3433 = arith.muli %scan3A_10, %mul3A_3432 : i32
      %add3A_3434 = arith.constant 0 : i32
      %add3A_3435 = arith.addi %mul3A_3433, %add3A_3434 : i32
      %swap3A_3436 = arith.index_cast %add3A_3435 : i32 to index
      %swap3A_3437 = arith.constant 496 : index
      %swap3A_3438 = tpu.vector_load %arg7[%swap3A_3436, %swap3A_3437] {strides = array<i32>} : memref<32x512xf32, #tpu.memory_space<vmem>>, vector<1x16xf32>,
      %swap3A_3439 = vector.shape_cast %swap3A_3438 : vector<1x16xf32> to vector<16xf32>
      %swap3A_3440 = vector.shape_cast %mul3A_3431 : vector<16xf32> to vector<1x16xf32>
      tpu.vector_store %arg7[%swap3A_3436, %swap3A_3437], %swap3A_3440 {strides = array<i32>} : memref<32x512xf32, #tpu.memory_space<vmem>>, vector<1x16xf32>,
    }
    %scan3A_7 = arith.constant 32 : i32
    %mul3A_8 = arith.constant 32 : i32
    %mul3A_9 = arith.muli %add3A, %mul3A_8 : i32
    "tpu.region"() ({
      %run_scoped3A = tpu.sem_alloc : memref<!tpu.dma_semaphore, #tpu.memory_space<semaphore_mem>>
      %dma_start3A = arith.constant 0 : i32
      %dma_start3A_10 = tpu.memref_slice %arg4[%mul3A_9, %dma_start3A] : memref<1024x512xf32, #tpu.memory_space<hbm>> -> memref<32x512xf32, #tpu.memory_space<hbm>>
      %dma_start3A_11 = arith.constant 0 : i32
      %dma_start3A_12 = tpu.memref_slice %arg4[%mul3A_9, %dma_start3A_11] : memref<1024x512xf32, #tpu.memory_space<hbm>> -> memref<32x512xf32, #tpu.memory_space<hbm>>
      tpu.enqueue_dma source(%arg7 : memref<32x512xf32, #tpu.memory_space<vmem>>) target(%dma_start3A_12 : memref<32x512xf32, #tpu.memory_space<hbm>>) target_semaphore(%run_scoped3A : memref<!tpu.dma_semaphore, #tpu.memory_space<semaphore_mem>>)
      %dma_wait3A = arith.constant 0 : i32
      %dma_wait3A_13 = tpu.memref_slice %arg4[%mul3A_9, %dma_wait3A] : memref<1024x512xf32, #tpu.memory_space<hbm>> -> memref<32x512xf32, #tpu.memory_space<hbm>>
      %dma_wait3A_14 = arith.constant 0 : i32
      %dma_wait3A_15 = tpu.memref_slice %arg4[%mul3A_9, %dma_wait3A_14] : memref<1024x512xf32, #tpu.memory_space<hbm>> -> memref<32x512xf32, #tpu.memory_space<hbm>>
      tpu.wait_dma2 semaphore(%run_scoped3A : memref<!tpu.dma_semaphore, #tpu.memory_space<semaphore_mem>>) src(%arg7 : memref<32x512xf32, #tpu.memory_space<vmem>>) dst(%dma_wait3A_15 : memref<32x512xf32, #tpu.memory_space<hbm>>)
      tpu.yield
    }) : () -> ()
    return
  }
}

module attributes {stable_mosaic.version = 14 : i64} {
  func.func @_topk_body(%arg0: i32, %arg1: memref<1024x512xf32, #tpu.memory_space<vmem>>, %arg2: memref<1024x512xf32, #tpu.memory_space<vmem>>, %arg3: memref<1024x16xf32, #tpu.memory_space<vmem>>, %arg4: memref<1024x16xi32, #tpu.memory_space<vmem>>, %arg5: memref<1024x1024xf32, #tpu.memory_space<vmem>>, %arg6: memref<1024x16xf32, #tpu.memory_space<vmem>>, %arg7: memref<1024x16xi32, #tpu.memory_space<vmem>>, %arg8: memref<1024x16xf32, #tpu.memory_space<vmem>>, %arg9: memref<1024x16xi32, #tpu.memory_space<vmem>>) attributes {dimension_semantics = [#tpu.dimension_semantics<arbitrary>], iteration_bounds = array<i64: 98>, scalar_prefetch = 0 : i64, scratch_operands = 5 : i64, tpu.core_type = #tpu.core_type<tc>, window_params = [{pipeline_mode = #tpu.pipeline_mode<synchronous>, transform_indices = @transform_0, window_bounds = array<i64: 1024, 512>}, {transform_indices = @transform_1, window_bounds = array<i64: 1024, 512>}, {pipeline_mode = #tpu.pipeline_mode<synchronous>, transform_indices = @transform_2, window_bounds = array<i64: 1024, 16>}, {pipeline_mode = #tpu.pipeline_mode<synchronous>, transform_indices = @transform_3, window_bounds = array<i64: 1024, 16>}]} {
    %eq3A = arith.constant 0 : i32
    %eq3A_0 = arith.cmpi eq, %arg0, %eq3A : i32
    %convert_element_type3A = arith.extui %eq3A_0 : i1 to i32
    %cond3A = arith.constant 2147483647 : i32
    %cond3A_1 = arith.constant 0 : i32
    %cond3A_2 = arith.cmpi ne, %convert_element_type3A, %cond3A_1 : i32
    scf.if %cond3A_2 {
      %broadcast_in_dim3A_145 = arith.constant 0xFF800000 : f32
      %broadcast_in_dim3A_146 = vector.broadcast %broadcast_in_dim3A_145 : f32 to vector<1024x16xf32>
      %swap3A_147 = arith.constant 0 : index
      %swap3A_148 = arith.constant 0 : index
      %swap3A_149 = vector.load %arg6[%swap3A_147, %swap3A_148] : memref<1024x16xf32, #tpu.memory_space<vmem>>, vector<1024x16xf32>
      tpu.vector_store %arg6[%swap3A_147, %swap3A_148], %broadcast_in_dim3A_146 {strides = array<i32>} : memref<1024x16xf32, #tpu.memory_space<vmem>>, vector<1024x16xf32>,
      %broadcast_in_dim3A_150 = vector.broadcast %cond3A : i32 to vector<1024x16xi32>
      %swap3A_151 = arith.constant 0 : index
      %swap3A_152 = arith.constant 0 : index
      %swap3A_153 = vector.load %arg7[%swap3A_151, %swap3A_152] : memref<1024x16xi32, #tpu.memory_space<vmem>>, vector<1024x16xi32>
      tpu.vector_store %arg7[%swap3A_151, %swap3A_152], %broadcast_in_dim3A_150 {strides = array<i32>} : memref<1024x16xi32, #tpu.memory_space<vmem>>, vector<1024x16xi32>,
    } else {
    }
    %get3A = arith.constant 0 : index
    %get3A_3 = arith.constant 0 : index
    %get3A_4 = vector.load %arg1[%get3A, %get3A_3] : memref<1024x512xf32, #tpu.memory_space<vmem>>, vector<1024x512xf32>
    %get3A_5 = arith.constant 0 : index
    %get3A_6 = arith.constant 0 : index
    %get3A_7 = vector.load %arg2[%get3A_5, %get3A_6] : memref<1024x512xf32, #tpu.memory_space<vmem>>, vector<1024x512xf32>
    %dot_general3A = arith.constant dense<0.000000e+00> : vector<1024x1024xf32>
    %dot_general3A_8 = tpu.matmul %get3A_4, %get3A_7, %dot_general3A {dimension_numbers = #tpu.dot_dimension_numbers<[1], [1], [0], [0], [0, 0, 1, 0], [], []>, transpose_lhs_hint = false} : vector<1024x512xf32>, vector<1024x512xf32>, vector<1024x1024xf32> -> vector<1024x1024xf32>
    %mul3A = arith.constant 1024 : i32
    %mul3A_9 = arith.muli %arg0, %mul3A : i32
    %iota3A = tpu.iota {dimensions = array<i32: 1>} : vector<1024x1024xi32>
    %add3A = vector.broadcast %mul3A_9 : i32 to vector<1024x1024xi32>
    %add3A_10 = arith.addi %add3A, %iota3A : vector<1024x1024xi32>
    %lt3A = arith.constant 100000 : i32
    %lt3A_11 = vector.broadcast %lt3A : i32 to vector<1024x1024xi32>
    %lt3A_12 = arith.cmpi slt, %add3A_10, %lt3A_11 : vector<1024x1024xi32>
    %jit3A = arith.constant 0xFF800000 : f32
    %broadcast_in_dim3A = vector.broadcast %jit3A : f32 to vector<1024x1024xf32>
    %select_n3A = arith.select %lt3A_12, %dot_general3A_8, %broadcast_in_dim3A : vector<1024x1024xi1>, vector<1024x1024xf32>
    %swap3A = arith.constant 0 : index
    %swap3A_13 = arith.constant 0 : index
    %swap3A_14 = vector.load %arg5[%swap3A, %swap3A_13] : memref<1024x1024xf32, #tpu.memory_space<vmem>>, vector<1024x1024xf32>
    tpu.vector_store %arg5[%swap3A, %swap3A_13], %select_n3A {strides = array<i32>} : memref<1024x1024xf32, #tpu.memory_space<vmem>>, vector<1024x1024xf32>,
    %get3A_15 = arith.constant 0 : index
    %get3A_16 = arith.constant 15 : index
    %get3A_17 = vector.load %arg6[%get3A_15, %get3A_16] : memref<1024x16xf32, #tpu.memory_space<vmem>>, vector<1024x1xf32>
    %gt3A = vector.broadcast %get3A_17 : vector<1024x1xf32> to vector<1024x1024xf32>
    %gt3A_18 = arith.cmpf ogt, %select_n3A, %gt3A : vector<1024x1024xf32>
    %convert_element_type3A_19 = arith.extui %gt3A_18 : vector<1024x1024xi1> to vector<1024x1024xi32>
    %reduce_sum3A = arith.constant dense<0> : vector<1024xi32>
    %reduce_sum3A_20 = vector.multi_reduction <add>, %convert_element_type3A_19, %reduce_sum3A [1] : vector<1024x1024xi32> to vector<1024xi32>
    %broadcast_in_dim3A_21 = vector.shape_cast %reduce_sum3A_20 : vector<1024xi32> to vector<1024x1xi32>
    %reduce_max3A = vector.shape_cast %broadcast_in_dim3A_21 : vector<1024x1xi32> to vector<1x1024x1xi32>
    %reduce_max3A_22 = arith.constant dense<-2147483648> : vector<1xi32>
    %reduce_max3A_23 = vector.multi_reduction <maxsi>, %reduce_max3A, %reduce_max3A_22 [1, 2] : vector<1x1024x1xi32> to vector<1xi32>
    %reduce_max3A_24 = vector.shape_cast %reduce_max3A_23 : vector<1xi32> to vector<1x1x1xi32>
    %reduce_max3A_25 = vector.extract %reduce_max3A_24[0, 0, 0] : i32 from vector<1x1x1xi32>
    %min3A = arith.constant 16 : i32
    %min3A_26 = arith.minsi %reduce_max3A_25, %min3A : i32
    %broadcast_in_dim3A_27 = arith.constant 0xFF800000 : f32
    %broadcast_in_dim3A_28 = vector.broadcast %broadcast_in_dim3A_27 : f32 to vector<1024x16xf32>
    %swap3A_29 = arith.constant 0 : index
    %swap3A_30 = arith.constant 0 : index
    %swap3A_31 = vector.load %arg8[%swap3A_29, %swap3A_30] : memref<1024x16xf32, #tpu.memory_space<vmem>>, vector<1024x16xf32>
    tpu.vector_store %arg8[%swap3A_29, %swap3A_30], %broadcast_in_dim3A_28 {strides = array<i32>} : memref<1024x16xf32, #tpu.memory_space<vmem>>, vector<1024x16xf32>,
    %broadcast_in_dim3A_32 = arith.constant 2147483647 : i32
    %broadcast_in_dim3A_33 = vector.broadcast %broadcast_in_dim3A_32 : i32 to vector<1024x16xi32>
    %swap3A_34 = arith.constant 0 : index
    %swap3A_35 = arith.constant 0 : index
    %swap3A_36 = vector.load %arg9[%swap3A_34, %swap3A_35] : memref<1024x16xi32, #tpu.memory_space<vmem>>, vector<1024x16xi32>
    tpu.vector_store %arg9[%swap3A_34, %swap3A_35], %broadcast_in_dim3A_33 {strides = array<i32>} : memref<1024x16xi32, #tpu.memory_space<vmem>>, vector<1024x16xi32>,
    %iota3A_37 = tpu.iota {dimensions = array<i32: 1>} : vector<1024x16xi32>
    %gt3A_38 = arith.constant 0 : i32
    %gt3A_39 = arith.cmpi sgt, %min3A_26, %gt3A_38 : i32
    %convert_element_type3A_40 = arith.extui %gt3A_39 : i1 to i32
    %cond3A_41 = arith.constant 2147483647 : i32
    %cond3A_42 = arith.constant 0 : i32
    %cond3A_43 = arith.cmpi ne, %convert_element_type3A_40, %cond3A_42 : i32
    scf.if %cond3A_43 {
      %get3A_145 = arith.constant 0 : index
      %get3A_146 = arith.constant 0 : index
      %get3A_147 = vector.load %arg5[%get3A_145, %get3A_146] : memref<1024x1024xf32, #tpu.memory_space<vmem>>, vector<1024x1024xf32>
      %reduce_max3A_148 = arith.constant dense<0xFF800000> : vector<1024xf32>
      %reduce_max3A_149 = vector.multi_reduction <maximumf>, %get3A_147, %reduce_max3A_148 [1] : vector<1024x1024xf32> to vector<1024xf32>
      %broadcast_in_dim3A_150 = vector.shape_cast %reduce_max3A_149 : vector<1024xf32> to vector<1024x1xf32>
      %eq3A_151 = vector.broadcast %broadcast_in_dim3A_150 : vector<1024x1xf32> to vector<1024x1024xf32>
      %eq3A_152 = arith.cmpf oeq, %get3A_147, %eq3A_151 : vector<1024x1024xf32>
      %broadcast_in_dim3A_153 = vector.broadcast %cond3A_41 : i32 to vector<1024x1024xi32>
      %select_n3A_154 = arith.select %eq3A_152, %add3A_10, %broadcast_in_dim3A_153 : vector<1024x1024xi1>, vector<1024x1024xi32>
      %reduce_min3A = arith.constant dense<2147483647> : vector<1024xi32>
      %reduce_min3A_155 = vector.multi_reduction <minsi>, %select_n3A_154, %reduce_min3A [1] : vector<1024x1024xi32> to vector<1024xi32>
      %broadcast_in_dim3A_156 = vector.shape_cast %reduce_min3A_155 : vector<1024xi32> to vector<1024x1xi32>
      %eq3A_157 = arith.constant 0 : i32
      %eq3A_158 = vector.broadcast %eq3A_157 : i32 to vector<1024x16xi32>
      %eq3A_159 = arith.cmpi eq, %iota3A_37, %eq3A_158 : vector<1024x16xi32>
      %get3A_160 = arith.constant 0 : index
      %get3A_161 = arith.constant 0 : index
      %get3A_162 = vector.load %arg8[%get3A_160, %get3A_161] : memref<1024x16xf32, #tpu.memory_space<vmem>>, vector<1024x16xf32>
      %broadcast_in_dim3A_163 = vector.shape_cast %broadcast_in_dim3A_150 : vector<1024x1xf32> to vector<1024x1xf32>
      %broadcast_in_dim3A_164 = vector.broadcast %broadcast_in_dim3A_163 : vector<1024x1xf32> to vector<1024x16xf32>
      %select_n3A_165 = arith.select %eq3A_159, %broadcast_in_dim3A_164, %get3A_162 : vector<1024x16xi1>, vector<1024x16xf32>
      %swap3A_166 = arith.constant 0 : index
      %swap3A_167 = arith.constant 0 : index
      %swap3A_168 = vector.load %arg8[%swap3A_166, %swap3A_167] : memref<1024x16xf32, #tpu.memory_space<vmem>>, vector<1024x16xf32>
      tpu.vector_store %arg8[%swap3A_166, %swap3A_167], %select_n3A_165 {strides = array<i32>} : memref<1024x16xf32, #tpu.memory_space<vmem>>, vector<1024x16xf32>,
      %eq3A_169 = arith.constant 0 : i32
      %eq3A_170 = vector.broadcast %eq3A_169 : i32 to vector<1024x16xi32>
      %eq3A_171 = arith.cmpi eq, %iota3A_37, %eq3A_170 : vector<1024x16xi32>
      %get3A_172 = arith.constant 0 : index
      %get3A_173 = arith.constant 0 : index
      %get3A_174 = vector.load %arg9[%get3A_172, %get3A_173] : memref<1024x16xi32, #tpu.memory_space<vmem>>, vector<1024x16xi32>
      %broadcast_in_dim3A_175 = vector.shape_cast %broadcast_in_dim3A_156 : vector<1024x1xi32> to vector<1024x1xi32>
      %broadcast_in_dim3A_176 = vector.broadcast %broadcast_in_dim3A_175 : vector<1024x1xi32> to vector<1024x16xi32>
      %select_n3A_177 = arith.select %eq3A_171, %broadcast_in_dim3A_176, %get3A_174 : vector<1024x16xi1>, vector<1024x16xi32>
      %swap3A_178 = arith.constant 0 : index
      %swap3A_179 = arith.constant 0 : index
      %swap3A_180 = vector.load %arg9[%swap3A_178, %swap3A_179] : memref<1024x16xi32, #tpu.memory_space<vmem>>, vector<1024x16xi32>
      tpu.vector_store %arg9[%swap3A_178, %swap3A_179], %select_n3A_177 {strides = array<i32>} : memref<1024x16xi32, #tpu.memory_space<vmem>>, vector<1024x16xi32>,
      %gt3A_181 = arith.constant 1 : i32
      %gt3A_182 = arith.cmpi sgt, %min3A_26, %gt3A_181 : i32
      %convert_element_type3A_183 = arith.extui %gt3A_182 : i1 to i32
      %cond3A_184 = arith.constant 0 : i32
      %cond3A_185 = arith.cmpi ne, %convert_element_type3A_183, %cond3A_184 : i32
      scf.if %cond3A_185 {
        %eq3A_186 = vector.broadcast %broadcast_in_dim3A_156 : vector<1024x1xi32> to vector<1024x1024xi32>
        %eq3A_187 = arith.cmpi eq, %add3A_10, %eq3A_186 : vector<1024x1024xi32>
        %jit3A_188 = arith.constant 0xFF800000 : f32
        %broadcast_in_dim3A_189 = vector.broadcast %jit3A_188 : f32 to vector<1024x1024xf32>
        %select_n3A_190 = arith.select %eq3A_187, %broadcast_in_dim3A_189, %get3A_147 : vector<1024x1024xi1>, vector<1024x1024xf32>
        %swap3A_191 = arith.constant 0 : index
        %swap3A_192 = arith.constant 0 : index
        %swap3A_193 = vector.load %arg5[%swap3A_191, %swap3A_192] : memref<1024x1024xf32, #tpu.memory_space<vmem>>, vector<1024x1024xf32>
        tpu.vector_store %arg5[%swap3A_191, %swap3A_192], %select_n3A_190 {strides = array<i32>} : memref<1024x1024xf32, #tpu.memory_space<vmem>>, vector<1024x1024xf32>,
      } else {
      }
    } else {
    }
    %gt3A_44 = arith.constant 1 : i32
    %gt3A_45 = arith.cmpi sgt, %min3A_26, %gt3A_44 : i32
    %convert_element_type3A_46 = arith.extui %gt3A_45 : i1 to i32
    %cond3A_47 = arith.constant 2147483647 : i32
    %cond3A_48 = arith.constant 0 : i32
    %cond3A_49 = arith.cmpi ne, %convert_element_type3A_46, %cond3A_48 : i32
    scf.if %cond3A_49 {
      %get3A_145 = arith.constant 0 : index
      %get3A_146 = arith.constant 0 : index
      %get3A_147 = vector.load %arg5[%get3A_145, %get3A_146] : memref<1024x1024xf32, #tpu.memory_space<vmem>>, vector<1024x1024xf32>
      %reduce_max3A_148 = arith.constant dense<0xFF800000> : vector<1024xf32>
      %reduce_max3A_149 = vector.multi_reduction <maximumf>, %get3A_147, %reduce_max3A_148 [1] : vector<1024x1024xf32> to vector<1024xf32>
      %broadcast_in_dim3A_150 = vector.shape_cast %reduce_max3A_149 : vector<1024xf32> to vector<1024x1xf32>
      %eq3A_151 = vector.broadcast %broadcast_in_dim3A_150 : vector<1024x1xf32> to vector<1024x1024xf32>
      %eq3A_152 = arith.cmpf oeq, %get3A_147, %eq3A_151 : vector<1024x1024xf32>
      %broadcast_in_dim3A_153 = vector.broadcast %cond3A_47 : i32 to vector<1024x1024xi32>
      %select_n3A_154 = arith.select %eq3A_152, %add3A_10, %broadcast_in_dim3A_153 : vector<1024x1024xi1>, vector<1024x1024xi32>
      %reduce_min3A = arith.constant dense<2147483647> : vector<1024xi32>
      %reduce_min3A_155 = vector.multi_reduction <minsi>, %select_n3A_154, %reduce_min3A [1] : vector<1024x1024xi32> to vector<1024xi32>
      %broadcast_in_dim3A_156 = vector.shape_cast %reduce_min3A_155 : vector<1024xi32> to vector<1024x1xi32>
      %eq3A_157 = arith.constant 1 : i32
      %eq3A_158 = vector.broadcast %eq3A_157 : i32 to vector<1024x16xi32>
      %eq3A_159 = arith.cmpi eq, %iota3A_37, %eq3A_158 : vector<1024x16xi32>
      %get3A_160 = arith.constant 0 : index
      %get3A_161 = arith.constant 0 : index
      %get3A_162 = vector.load %arg8[%get3A_160, %get3A_161] : memref<1024x16xf32, #tpu.memory_space<vmem>>, vector<1024x16xf32>
      %broadcast_in_dim3A_163 = vector.shape_cast %broadcast_in_dim3A_150 : vector<1024x1xf32> to vector<1024x1xf32>
      %broadcast_in_dim3A_164 = vector.broadcast %broadcast_in_dim3A_163 : vector<1024x1xf32> to vector<1024x16xf32>
      %select_n3A_165 = arith.select %eq3A_159, %broadcast_in_dim3A_164, %get3A_162 : vector<1024x16xi1>, vector<1024x16xf32>
      %swap3A_166 = arith.constant 0 : index
      %swap3A_167 = arith.constant 0 : index
      %swap3A_168 = vector.load %arg8[%swap3A_166, %swap3A_167] : memref<1024x16xf32, #tpu.memory_space<vmem>>, vector<1024x16xf32>
      tpu.vector_store %arg8[%swap3A_166, %swap3A_167], %select_n3A_165 {strides = array<i32>} : memref<1024x16xf32, #tpu.memory_space<vmem>>, vector<1024x16xf32>,
      %eq3A_169 = arith.constant 1 : i32
      %eq3A_170 = vector.broadcast %eq3A_169 : i32 to vector<1024x16xi32>
      %eq3A_171 = arith.cmpi eq, %iota3A_37, %eq3A_170 : vector<1024x16xi32>
      %get3A_172 = arith.constant 0 : index
      %get3A_173 = arith.constant 0 : index
      %get3A_174 = vector.load %arg9[%get3A_172, %get3A_173] : memref<1024x16xi32, #tpu.memory_space<vmem>>, vector<1024x16xi32>
      %broadcast_in_dim3A_175 = vector.shape_cast %broadcast_in_dim3A_156 : vector<1024x1xi32> to vector<1024x1xi32>
      %broadcast_in_dim3A_176 = vector.broadcast %broadcast_in_dim3A_175 : vector<1024x1xi32> to vector<1024x16xi32>
      %select_n3A_177 = arith.select %eq3A_171, %broadcast_in_dim3A_176, %get3A_174 : vector<1024x16xi1>, vector<1024x16xi32>
      %swap3A_178 = arith.constant 0 : index
      %swap3A_179 = arith.constant 0 : index
      %swap3A_180 = vector.load %arg9[%swap3A_178, %swap3A_179] : memref<1024x16xi32, #tpu.memory_space<vmem>>, vector<1024x16xi32>
      tpu.vector_store %arg9[%swap3A_178, %swap3A_179], %select_n3A_177 {strides = array<i32>} : memref<1024x16xi32, #tpu.memory_space<vmem>>, vector<1024x16xi32>,
      %gt3A_181 = arith.constant 2 : i32
      %gt3A_182 = arith.cmpi sgt, %min3A_26, %gt3A_181 : i32
      %convert_element_type3A_183 = arith.extui %gt3A_182 : i1 to i32
      %cond3A_184 = arith.constant 0 : i32
      %cond3A_185 = arith.cmpi ne, %convert_element_type3A_183, %cond3A_184 : i32
      scf.if %cond3A_185 {
        %eq3A_186 = vector.broadcast %broadcast_in_dim3A_156 : vector<1024x1xi32> to vector<1024x1024xi32>
        %eq3A_187 = arith.cmpi eq, %add3A_10, %eq3A_186 : vector<1024x1024xi32>
        %jit3A_188 = arith.constant 0xFF800000 : f32
        %broadcast_in_dim3A_189 = vector.broadcast %jit3A_188 : f32 to vector<1024x1024xf32>
        %select_n3A_190 = arith.select %eq3A_187, %broadcast_in_dim3A_189, %get3A_147 : vector<1024x1024xi1>, vector<1024x1024xf32>
        %swap3A_191 = arith.constant 0 : index
        %swap3A_192 = arith.constant 0 : index
        %swap3A_193 = vector.load %arg5[%swap3A_191, %swap3A_192] : memref<1024x1024xf32, #tpu.memory_space<vmem>>, vector<1024x1024xf32>
        tpu.vector_store %arg5[%swap3A_191, %swap3A_192], %select_n3A_190 {strides = array<i32>} : memref<1024x1024xf32, #tpu.memory_space<vmem>>, vector<1024x1024xf32>,
      } else {
      }
    } else {
    }
    %gt3A_50 = arith.constant 2 : i32
    %gt3A_51 = arith.cmpi sgt, %min3A_26, %gt3A_50 : i32
    %convert_element_type3A_52 = arith.extui %gt3A_51 : i1 to i32
    %cond3A_53 = arith.constant 2147483647 : i32
    %cond3A_54 = arith.constant 0 : i32
    %cond3A_55 = arith.cmpi ne, %convert_element_type3A_52, %cond3A_54 : i32
    scf.if %cond3A_55 {
      %get3A_145 = arith.constant 0 : index
      %get3A_146 = arith.constant 0 : index
      %get3A_147 = vector.load %arg5[%get3A_145, %get3A_146] : memref<1024x1024xf32, #tpu.memory_space<vmem>>, vector<1024x1024xf32>
      %reduce_max3A_148 = arith.constant dense<0xFF800000> : vector<1024xf32>
      %reduce_max3A_149 = vector.multi_reduction <maximumf>, %get3A_147, %reduce_max3A_148 [1] : vector<1024x1024xf32> to vector<1024xf32>
      %broadcast_in_dim3A_150 = vector.shape_cast %reduce_max3A_149 : vector<1024xf32> to vector<1024x1xf32>
      %eq3A_151 = vector.broadcast %broadcast_in_dim3A_150 : vector<1024x1xf32> to vector<1024x1024xf32>
      %eq3A_152 = arith.cmpf oeq, %get3A_147, %eq3A_151 : vector<1024x1024xf32>
      %broadcast_in_dim3A_153 = vector.broadcast %cond3A_53 : i32 to vector<1024x1024xi32>
      %select_n3A_154 = arith.select %eq3A_152, %add3A_10, %broadcast_in_dim3A_153 : vector<1024x1024xi1>, vector<1024x1024xi32>
      %reduce_min3A = arith.constant dense<2147483647> : vector<1024xi32>
      %reduce_min3A_155 = vector.multi_reduction <minsi>, %select_n3A_154, %reduce_min3A [1] : vector<1024x1024xi32> to vector<1024xi32>
      %broadcast_in_dim3A_156 = vector.shape_cast %reduce_min3A_155 : vector<1024xi32> to vector<1024x1xi32>
      %eq3A_157 = arith.constant 2 : i32
      %eq3A_158 = vector.broadcast %eq3A_157 : i32 to vector<1024x16xi32>
      %eq3A_159 = arith.cmpi eq, %iota3A_37, %eq3A_158 : vector<1024x16xi32>
      %get3A_160 = arith.constant 0 : index
      %get3A_161 = arith.constant 0 : index
      %get3A_162 = vector.load %arg8[%get3A_160, %get3A_161] : memref<1024x16xf32, #tpu.memory_space<vmem>>, vector<1024x16xf32>
      %broadcast_in_dim3A_163 = vector.shape_cast %broadcast_in_dim3A_150 : vector<1024x1xf32> to vector<1024x1xf32>
      %broadcast_in_dim3A_164 = vector.broadcast %broadcast_in_dim3A_163 : vector<1024x1xf32> to vector<1024x16xf32>
      %select_n3A_165 = arith.select %eq3A_159, %broadcast_in_dim3A_164, %get3A_162 : vector<1024x16xi1>, vector<1024x16xf32>
      %swap3A_166 = arith.constant 0 : index
      %swap3A_167 = arith.constant 0 : index
      %swap3A_168 = vector.load %arg8[%swap3A_166, %swap3A_167] : memref<1024x16xf32, #tpu.memory_space<vmem>>, vector<1024x16xf32>
      tpu.vector_store %arg8[%swap3A_166, %swap3A_167], %select_n3A_165 {strides = array<i32>} : memref<1024x16xf32, #tpu.memory_space<vmem>>, vector<1024x16xf32>,
      %eq3A_169 = arith.constant 2 : i32
      %eq3A_170 = vector.broadcast %eq3A_169 : i32 to vector<1024x16xi32>
      %eq3A_171 = arith.cmpi eq, %iota3A_37, %eq3A_170 : vector<1024x16xi32>
      %get3A_172 = arith.constant 0 : index
      %get3A_173 = arith.constant 0 : index
      %get3A_174 = vector.load %arg9[%get3A_172, %get3A_173] : memref<1024x16xi32, #tpu.memory_space<vmem>>, vector<1024x16xi32>
      %broadcast_in_dim3A_175 = vector.shape_cast %broadcast_in_dim3A_156 : vector<1024x1xi32> to vector<1024x1xi32>
      %broadcast_in_dim3A_176 = vector.broadcast %broadcast_in_dim3A_175 : vector<1024x1xi32> to vector<1024x16xi32>
      %select_n3A_177 = arith.select %eq3A_171, %broadcast_in_dim3A_176, %get3A_174 : vector<1024x16xi1>, vector<1024x16xi32>
      %swap3A_178 = arith.constant 0 : index
      %swap3A_179 = arith.constant 0 : index
      %swap3A_180 = vector.load %arg9[%swap3A_178, %swap3A_179] : memref<1024x16xi32, #tpu.memory_space<vmem>>, vector<1024x16xi32>
      tpu.vector_store %arg9[%swap3A_178, %swap3A_179], %select_n3A_177 {strides = array<i32>} : memref<1024x16xi32, #tpu.memory_space<vmem>>, vector<1024x16xi32>,
      %gt3A_181 = arith.constant 3 : i32
      %gt3A_182 = arith.cmpi sgt, %min3A_26, %gt3A_181 : i32
      %convert_element_type3A_183 = arith.extui %gt3A_182 : i1 to i32
      %cond3A_184 = arith.constant 0 : i32
      %cond3A_185 = arith.cmpi ne, %convert_element_type3A_183, %cond3A_184 : i32
      scf.if %cond3A_185 {
        %eq3A_186 = vector.broadcast %broadcast_in_dim3A_156 : vector<1024x1xi32> to vector<1024x1024xi32>
        %eq3A_187 = arith.cmpi eq, %add3A_10, %eq3A_186 : vector<1024x1024xi32>
        %jit3A_188 = arith.constant 0xFF800000 : f32
        %broadcast_in_dim3A_189 = vector.broadcast %jit3A_188 : f32 to vector<1024x1024xf32>
        %select_n3A_190 = arith.select %eq3A_187, %broadcast_in_dim3A_189, %get3A_147 : vector<1024x1024xi1>, vector<1024x1024xf32>
        %swap3A_191 = arith.constant 0 : index
        %swap3A_192 = arith.constant 0 : index
        %swap3A_193 = vector.load %arg5[%swap3A_191, %swap3A_192] : memref<1024x1024xf32, #tpu.memory_space<vmem>>, vector<1024x1024xf32>
        tpu.vector_store %arg5[%swap3A_191, %swap3A_192], %select_n3A_190 {strides = array<i32>} : memref<1024x1024xf32, #tpu.memory_space<vmem>>, vector<1024x1024xf32>,
      } else {
      }
    } else {
    }
    %gt3A_56 = arith.constant 3 : i32
    %gt3A_57 = arith.cmpi sgt, %min3A_26, %gt3A_56 : i32
    %convert_element_type3A_58 = arith.extui %gt3A_57 : i1 to i32
    %cond3A_59 = arith.constant 2147483647 : i32
    %cond3A_60 = arith.constant 0 : i32
    %cond3A_61 = arith.cmpi ne, %convert_element_type3A_58, %cond3A_60 : i32
    scf.if %cond3A_61 {
      %get3A_145 = arith.constant 0 : index
      %get3A_146 = arith.constant 0 : index
      %get3A_147 = vector.load %arg5[%get3A_145, %get3A_146] : memref<1024x1024xf32, #tpu.memory_space<vmem>>, vector<1024x1024xf32>
      %reduce_max3A_148 = arith.constant dense<0xFF800000> : vector<1024xf32>
      %reduce_max3A_149 = vector.multi_reduction <maximumf>, %get3A_147, %reduce_max3A_148 [1] : vector<1024x1024xf32> to vector<1024xf32>
      %broadcast_in_dim3A_150 = vector.shape_cast %reduce_max3A_149 : vector<1024xf32> to vector<1024x1xf32>
      %eq3A_151 = vector.broadcast %broadcast_in_dim3A_150 : vector<1024x1xf32> to vector<1024x1024xf32>
      %eq3A_152 = arith.cmpf oeq, %get3A_147, %eq3A_151 : vector<1024x1024xf32>
      %broadcast_in_dim3A_153 = vector.broadcast %cond3A_59 : i32 to vector<1024x1024xi32>
      %select_n3A_154 = arith.select %eq3A_152, %add3A_10, %broadcast_in_dim3A_153 : vector<1024x1024xi1>, vector<1024x1024xi32>
      %reduce_min3A = arith.constant dense<2147483647> : vector<1024xi32>
      %reduce_min3A_155 = vector.multi_reduction <minsi>, %select_n3A_154, %reduce_min3A [1] : vector<1024x1024xi32> to vector<1024xi32>
      %broadcast_in_dim3A_156 = vector.shape_cast %reduce_min3A_155 : vector<1024xi32> to vector<1024x1xi32>
      %eq3A_157 = arith.constant 3 : i32
      %eq3A_158 = vector.broadcast %eq3A_157 : i32 to vector<1024x16xi32>
      %eq3A_159 = arith.cmpi eq, %iota3A_37, %eq3A_158 : vector<1024x16xi32>
      %get3A_160 = arith.constant 0 : index
      %get3A_161 = arith.constant 0 : index
      %get3A_162 = vector.load %arg8[%get3A_160, %get3A_161] : memref<1024x16xf32, #tpu.memory_space<vmem>>, vector<1024x16xf32>
      %broadcast_in_dim3A_163 = vector.shape_cast %broadcast_in_dim3A_150 : vector<1024x1xf32> to vector<1024x1xf32>
      %broadcast_in_dim3A_164 = vector.broadcast %broadcast_in_dim3A_163 : vector<1024x1xf32> to vector<1024x16xf32>
      %select_n3A_165 = arith.select %eq3A_159, %broadcast_in_dim3A_164, %get3A_162 : vector<1024x16xi1>, vector<1024x16xf32>
      %swap3A_166 = arith.constant 0 : index
      %swap3A_167 = arith.constant 0 : index
      %swap3A_168 = vector.load %arg8[%swap3A_166, %swap3A_167] : memref<1024x16xf32, #tpu.memory_space<vmem>>, vector<1024x16xf32>
      tpu.vector_store %arg8[%swap3A_166, %swap3A_167], %select_n3A_165 {strides = array<i32>} : memref<1024x16xf32, #tpu.memory_space<vmem>>, vector<1024x16xf32>,
      %eq3A_169 = arith.constant 3 : i32
      %eq3A_170 = vector.broadcast %eq3A_169 : i32 to vector<1024x16xi32>
      %eq3A_171 = arith.cmpi eq, %iota3A_37, %eq3A_170 : vector<1024x16xi32>
      %get3A_172 = arith.constant 0 : index
      %get3A_173 = arith.constant 0 : index
      %get3A_174 = vector.load %arg9[%get3A_172, %get3A_173] : memref<1024x16xi32, #tpu.memory_space<vmem>>, vector<1024x16xi32>
      %broadcast_in_dim3A_175 = vector.shape_cast %broadcast_in_dim3A_156 : vector<1024x1xi32> to vector<1024x1xi32>
      %broadcast_in_dim3A_176 = vector.broadcast %broadcast_in_dim3A_175 : vector<1024x1xi32> to vector<1024x16xi32>
      %select_n3A_177 = arith.select %eq3A_171, %broadcast_in_dim3A_176, %get3A_174 : vector<1024x16xi1>, vector<1024x16xi32>
      %swap3A_178 = arith.constant 0 : index
      %swap3A_179 = arith.constant 0 : index
      %swap3A_180 = vector.load %arg9[%swap3A_178, %swap3A_179] : memref<1024x16xi32, #tpu.memory_space<vmem>>, vector<1024x16xi32>
      tpu.vector_store %arg9[%swap3A_178, %swap3A_179], %select_n3A_177 {strides = array<i32>} : memref<1024x16xi32, #tpu.memory_space<vmem>>, vector<1024x16xi32>,
      %gt3A_181 = arith.constant 4 : i32
      %gt3A_182 = arith.cmpi sgt, %min3A_26, %gt3A_181 : i32
      %convert_element_type3A_183 = arith.extui %gt3A_182 : i1 to i32
      %cond3A_184 = arith.constant 0 : i32
      %cond3A_185 = arith.cmpi ne, %convert_element_type3A_183, %cond3A_184 : i32
      scf.if %cond3A_185 {
        %eq3A_186 = vector.broadcast %broadcast_in_dim3A_156 : vector<1024x1xi32> to vector<1024x1024xi32>
        %eq3A_187 = arith.cmpi eq, %add3A_10, %eq3A_186 : vector<1024x1024xi32>
        %jit3A_188 = arith.constant 0xFF800000 : f32
        %broadcast_in_dim3A_189 = vector.broadcast %jit3A_188 : f32 to vector<1024x1024xf32>
        %select_n3A_190 = arith.select %eq3A_187, %broadcast_in_dim3A_189, %get3A_147 : vector<1024x1024xi1>, vector<1024x1024xf32>
        %swap3A_191 = arith.constant 0 : index
        %swap3A_192 = arith.constant 0 : index
        %swap3A_193 = vector.load %arg5[%swap3A_191, %swap3A_192] : memref<1024x1024xf32, #tpu.memory_space<vmem>>, vector<1024x1024xf32>
        tpu.vector_store %arg5[%swap3A_191, %swap3A_192], %select_n3A_190 {strides = array<i32>} : memref<1024x1024xf32, #tpu.memory_space<vmem>>, vector<1024x1024xf32>,
      } else {
      }
    } else {
    }
    %gt3A_62 = arith.constant 4 : i32
    %gt3A_63 = arith.cmpi sgt, %min3A_26, %gt3A_62 : i32
    %convert_element_type3A_64 = arith.extui %gt3A_63 : i1 to i32
    %cond3A_65 = arith.constant 2147483647 : i32
    %cond3A_66 = arith.constant 0 : i32
    %cond3A_67 = arith.cmpi ne, %convert_element_type3A_64, %cond3A_66 : i32
    scf.if %cond3A_67 {
      %get3A_145 = arith.constant 0 : index
      %get3A_146 = arith.constant 0 : index
      %get3A_147 = vector.load %arg5[%get3A_145, %get3A_146] : memref<1024x1024xf32, #tpu.memory_space<vmem>>, vector<1024x1024xf32>
      %reduce_max3A_148 = arith.constant dense<0xFF800000> : vector<1024xf32>
      %reduce_max3A_149 = vector.multi_reduction <maximumf>, %get3A_147, %reduce_max3A_148 [1] : vector<1024x1024xf32> to vector<1024xf32>
      %broadcast_in_dim3A_150 = vector.shape_cast %reduce_max3A_149 : vector<1024xf32> to vector<1024x1xf32>
      %eq3A_151 = vector.broadcast %broadcast_in_dim3A_150 : vector<1024x1xf32> to vector<1024x1024xf32>
      %eq3A_152 = arith.cmpf oeq, %get3A_147, %eq3A_151 : vector<1024x1024xf32>
      %broadcast_in_dim3A_153 = vector.broadcast %cond3A_65 : i32 to vector<1024x1024xi32>
      %select_n3A_154 = arith.select %eq3A_152, %add3A_10, %broadcast_in_dim3A_153 : vector<1024x1024xi1>, vector<1024x1024xi32>
      %reduce_min3A = arith.constant dense<2147483647> : vector<1024xi32>
      %reduce_min3A_155 = vector.multi_reduction <minsi>, %select_n3A_154, %reduce_min3A [1] : vector<1024x1024xi32> to vector<1024xi32>
      %broadcast_in_dim3A_156 = vector.shape_cast %reduce_min3A_155 : vector<1024xi32> to vector<1024x1xi32>
      %eq3A_157 = arith.constant 4 : i32
      %eq3A_158 = vector.broadcast %eq3A_157 : i32 to vector<1024x16xi32>
      %eq3A_159 = arith.cmpi eq, %iota3A_37, %eq3A_158 : vector<1024x16xi32>
      %get3A_160 = arith.constant 0 : index
      %get3A_161 = arith.constant 0 : index
      %get3A_162 = vector.load %arg8[%get3A_160, %get3A_161] : memref<1024x16xf32, #tpu.memory_space<vmem>>, vector<1024x16xf32>
      %broadcast_in_dim3A_163 = vector.shape_cast %broadcast_in_dim3A_150 : vector<1024x1xf32> to vector<1024x1xf32>
      %broadcast_in_dim3A_164 = vector.broadcast %broadcast_in_dim3A_163 : vector<1024x1xf32> to vector<1024x16xf32>
      %select_n3A_165 = arith.select %eq3A_159, %broadcast_in_dim3A_164, %get3A_162 : vector<1024x16xi1>, vector<1024x16xf32>
      %swap3A_166 = arith.constant 0 : index
      %swap3A_167 = arith.constant 0 : index
      %swap3A_168 = vector.load %arg8[%swap3A_166, %swap3A_167] : memref<1024x16xf32, #tpu.memory_space<vmem>>, vector<1024x16xf32>
      tpu.vector_store %arg8[%swap3A_166, %swap3A_167], %select_n3A_165 {strides = array<i32>} : memref<1024x16xf32, #tpu.memory_space<vmem>>, vector<1024x16xf32>,
      %eq3A_169 = arith.constant 4 : i32
      %eq3A_170 = vector.broadcast %eq3A_169 : i32 to vector<1024x16xi32>
      %eq3A_171 = arith.cmpi eq, %iota3A_37, %eq3A_170 : vector<1024x16xi32>
      %get3A_172 = arith.constant 0 : index
      %get3A_173 = arith.constant 0 : index
      %get3A_174 = vector.load %arg9[%get3A_172, %get3A_173] : memref<1024x16xi32, #tpu.memory_space<vmem>>, vector<1024x16xi32>
      %broadcast_in_dim3A_175 = vector.shape_cast %broadcast_in_dim3A_156 : vector<1024x1xi32> to vector<1024x1xi32>
      %broadcast_in_dim3A_176 = vector.broadcast %broadcast_in_dim3A_175 : vector<1024x1xi32> to vector<1024x16xi32>
      %select_n3A_177 = arith.select %eq3A_171, %broadcast_in_dim3A_176, %get3A_174 : vector<1024x16xi1>, vector<1024x16xi32>
      %swap3A_178 = arith.constant 0 : index
      %swap3A_179 = arith.constant 0 : index
      %swap3A_180 = vector.load %arg9[%swap3A_178, %swap3A_179] : memref<1024x16xi32, #tpu.memory_space<vmem>>, vector<1024x16xi32>
      tpu.vector_store %arg9[%swap3A_178, %swap3A_179], %select_n3A_177 {strides = array<i32>} : memref<1024x16xi32, #tpu.memory_space<vmem>>, vector<1024x16xi32>,
      %gt3A_181 = arith.constant 5 : i32
      %gt3A_182 = arith.cmpi sgt, %min3A_26, %gt3A_181 : i32
      %convert_element_type3A_183 = arith.extui %gt3A_182 : i1 to i32
      %cond3A_184 = arith.constant 0 : i32
      %cond3A_185 = arith.cmpi ne, %convert_element_type3A_183, %cond3A_184 : i32
      scf.if %cond3A_185 {
        %eq3A_186 = vector.broadcast %broadcast_in_dim3A_156 : vector<1024x1xi32> to vector<1024x1024xi32>
        %eq3A_187 = arith.cmpi eq, %add3A_10, %eq3A_186 : vector<1024x1024xi32>
        %jit3A_188 = arith.constant 0xFF800000 : f32
        %broadcast_in_dim3A_189 = vector.broadcast %jit3A_188 : f32 to vector<1024x1024xf32>
        %select_n3A_190 = arith.select %eq3A_187, %broadcast_in_dim3A_189, %get3A_147 : vector<1024x1024xi1>, vector<1024x1024xf32>
        %swap3A_191 = arith.constant 0 : index
        %swap3A_192 = arith.constant 0 : index
        %swap3A_193 = vector.load %arg5[%swap3A_191, %swap3A_192] : memref<1024x1024xf32, #tpu.memory_space<vmem>>, vector<1024x1024xf32>
        tpu.vector_store %arg5[%swap3A_191, %swap3A_192], %select_n3A_190 {strides = array<i32>} : memref<1024x1024xf32, #tpu.memory_space<vmem>>, vector<1024x1024xf32>,
      } else {
      }
    } else {
    }
    %gt3A_68 = arith.constant 5 : i32
    %gt3A_69 = arith.cmpi sgt, %min3A_26, %gt3A_68 : i32
    %convert_element_type3A_70 = arith.extui %gt3A_69 : i1 to i32
    %cond3A_71 = arith.constant 2147483647 : i32
    %cond3A_72 = arith.constant 0 : i32
    %cond3A_73 = arith.cmpi ne, %convert_element_type3A_70, %cond3A_72 : i32
    scf.if %cond3A_73 {
      %get3A_145 = arith.constant 0 : index
      %get3A_146 = arith.constant 0 : index
      %get3A_147 = vector.load %arg5[%get3A_145, %get3A_146] : memref<1024x1024xf32, #tpu.memory_space<vmem>>, vector<1024x1024xf32>
      %reduce_max3A_148 = arith.constant dense<0xFF800000> : vector<1024xf32>
      %reduce_max3A_149 = vector.multi_reduction <maximumf>, %get3A_147, %reduce_max3A_148 [1] : vector<1024x1024xf32> to vector<1024xf32>
      %broadcast_in_dim3A_150 = vector.shape_cast %reduce_max3A_149 : vector<1024xf32> to vector<1024x1xf32>
      %eq3A_151 = vector.broadcast %broadcast_in_dim3A_150 : vector<1024x1xf32> to vector<1024x1024xf32>
      %eq3A_152 = arith.cmpf oeq, %get3A_147, %eq3A_151 : vector<1024x1024xf32>
      %broadcast_in_dim3A_153 = vector.broadcast %cond3A_71 : i32 to vector<1024x1024xi32>
      %select_n3A_154 = arith.select %eq3A_152, %add3A_10, %broadcast_in_dim3A_153 : vector<1024x1024xi1>, vector<1024x1024xi32>
      %reduce_min3A = arith.constant dense<2147483647> : vector<1024xi32>
      %reduce_min3A_155 = vector.multi_reduction <minsi>, %select_n3A_154, %reduce_min3A [1] : vector<1024x1024xi32> to vector<1024xi32>
      %broadcast_in_dim3A_156 = vector.shape_cast %reduce_min3A_155 : vector<1024xi32> to vector<1024x1xi32>
      %eq3A_157 = arith.constant 5 : i32
      %eq3A_158 = vector.broadcast %eq3A_157 : i32 to vector<1024x16xi32>
      %eq3A_159 = arith.cmpi eq, %iota3A_37, %eq3A_158 : vector<1024x16xi32>
      %get3A_160 = arith.constant 0 : index
      %get3A_161 = arith.constant 0 : index
      %get3A_162 = vector.load %arg8[%get3A_160, %get3A_161] : memref<1024x16xf32, #tpu.memory_space<vmem>>, vector<1024x16xf32>
      %broadcast_in_dim3A_163 = vector.shape_cast %broadcast_in_dim3A_150 : vector<1024x1xf32> to vector<1024x1xf32>
      %broadcast_in_dim3A_164 = vector.broadcast %broadcast_in_dim3A_163 : vector<1024x1xf32> to vector<1024x16xf32>
      %select_n3A_165 = arith.select %eq3A_159, %broadcast_in_dim3A_164, %get3A_162 : vector<1024x16xi1>, vector<1024x16xf32>
      %swap3A_166 = arith.constant 0 : index
      %swap3A_167 = arith.constant 0 : index
      %swap3A_168 = vector.load %arg8[%swap3A_166, %swap3A_167] : memref<1024x16xf32, #tpu.memory_space<vmem>>, vector<1024x16xf32>
      tpu.vector_store %arg8[%swap3A_166, %swap3A_167], %select_n3A_165 {strides = array<i32>} : memref<1024x16xf32, #tpu.memory_space<vmem>>, vector<1024x16xf32>,
      %eq3A_169 = arith.constant 5 : i32
      %eq3A_170 = vector.broadcast %eq3A_169 : i32 to vector<1024x16xi32>
      %eq3A_171 = arith.cmpi eq, %iota3A_37, %eq3A_170 : vector<1024x16xi32>
      %get3A_172 = arith.constant 0 : index
      %get3A_173 = arith.constant 0 : index
      %get3A_174 = vector.load %arg9[%get3A_172, %get3A_173] : memref<1024x16xi32, #tpu.memory_space<vmem>>, vector<1024x16xi32>
      %broadcast_in_dim3A_175 = vector.shape_cast %broadcast_in_dim3A_156 : vector<1024x1xi32> to vector<1024x1xi32>
      %broadcast_in_dim3A_176 = vector.broadcast %broadcast_in_dim3A_175 : vector<1024x1xi32> to vector<1024x16xi32>
      %select_n3A_177 = arith.select %eq3A_171, %broadcast_in_dim3A_176, %get3A_174 : vector<1024x16xi1>, vector<1024x16xi32>
      %swap3A_178 = arith.constant 0 : index
      %swap3A_179 = arith.constant 0 : index
      %swap3A_180 = vector.load %arg9[%swap3A_178, %swap3A_179] : memref<1024x16xi32, #tpu.memory_space<vmem>>, vector<1024x16xi32>
      tpu.vector_store %arg9[%swap3A_178, %swap3A_179], %select_n3A_177 {strides = array<i32>} : memref<1024x16xi32, #tpu.memory_space<vmem>>, vector<1024x16xi32>,
      %gt3A_181 = arith.constant 6 : i32
      %gt3A_182 = arith.cmpi sgt, %min3A_26, %gt3A_181 : i32
      %convert_element_type3A_183 = arith.extui %gt3A_182 : i1 to i32
      %cond3A_184 = arith.constant 0 : i32
      %cond3A_185 = arith.cmpi ne, %convert_element_type3A_183, %cond3A_184 : i32
      scf.if %cond3A_185 {
        %eq3A_186 = vector.broadcast %broadcast_in_dim3A_156 : vector<1024x1xi32> to vector<1024x1024xi32>
        %eq3A_187 = arith.cmpi eq, %add3A_10, %eq3A_186 : vector<1024x1024xi32>
        %jit3A_188 = arith.constant 0xFF800000 : f32
        %broadcast_in_dim3A_189 = vector.broadcast %jit3A_188 : f32 to vector<1024x1024xf32>
        %select_n3A_190 = arith.select %eq3A_187, %broadcast_in_dim3A_189, %get3A_147 : vector<1024x1024xi1>, vector<1024x1024xf32>
        %swap3A_191 = arith.constant 0 : index
        %swap3A_192 = arith.constant 0 : index
        %swap3A_193 = vector.load %arg5[%swap3A_191, %swap3A_192] : memref<1024x1024xf32, #tpu.memory_space<vmem>>, vector<1024x1024xf32>
        tpu.vector_store %arg5[%swap3A_191, %swap3A_192], %select_n3A_190 {strides = array<i32>} : memref<1024x1024xf32, #tpu.memory_space<vmem>>, vector<1024x1024xf32>,
      } else {
      }
    } else {
    }
    %gt3A_74 = arith.constant 6 : i32
    %gt3A_75 = arith.cmpi sgt, %min3A_26, %gt3A_74 : i32
    %convert_element_type3A_76 = arith.extui %gt3A_75 : i1 to i32
    %cond3A_77 = arith.constant 2147483647 : i32
    %cond3A_78 = arith.constant 0 : i32
    %cond3A_79 = arith.cmpi ne, %convert_element_type3A_76, %cond3A_78 : i32
    scf.if %cond3A_79 {
      %get3A_145 = arith.constant 0 : index
      %get3A_146 = arith.constant 0 : index
      %get3A_147 = vector.load %arg5[%get3A_145, %get3A_146] : memref<1024x1024xf32, #tpu.memory_space<vmem>>, vector<1024x1024xf32>
      %reduce_max3A_148 = arith.constant dense<0xFF800000> : vector<1024xf32>
      %reduce_max3A_149 = vector.multi_reduction <maximumf>, %get3A_147, %reduce_max3A_148 [1] : vector<1024x1024xf32> to vector<1024xf32>
      %broadcast_in_dim3A_150 = vector.shape_cast %reduce_max3A_149 : vector<1024xf32> to vector<1024x1xf32>
      %eq3A_151 = vector.broadcast %broadcast_in_dim3A_150 : vector<1024x1xf32> to vector<1024x1024xf32>
      %eq3A_152 = arith.cmpf oeq, %get3A_147, %eq3A_151 : vector<1024x1024xf32>
      %broadcast_in_dim3A_153 = vector.broadcast %cond3A_77 : i32 to vector<1024x1024xi32>
      %select_n3A_154 = arith.select %eq3A_152, %add3A_10, %broadcast_in_dim3A_153 : vector<1024x1024xi1>, vector<1024x1024xi32>
      %reduce_min3A = arith.constant dense<2147483647> : vector<1024xi32>
      %reduce_min3A_155 = vector.multi_reduction <minsi>, %select_n3A_154, %reduce_min3A [1] : vector<1024x1024xi32> to vector<1024xi32>
      %broadcast_in_dim3A_156 = vector.shape_cast %reduce_min3A_155 : vector<1024xi32> to vector<1024x1xi32>
      %eq3A_157 = arith.constant 6 : i32
      %eq3A_158 = vector.broadcast %eq3A_157 : i32 to vector<1024x16xi32>
      %eq3A_159 = arith.cmpi eq, %iota3A_37, %eq3A_158 : vector<1024x16xi32>
      %get3A_160 = arith.constant 0 : index
      %get3A_161 = arith.constant 0 : index
      %get3A_162 = vector.load %arg8[%get3A_160, %get3A_161] : memref<1024x16xf32, #tpu.memory_space<vmem>>, vector<1024x16xf32>
      %broadcast_in_dim3A_163 = vector.shape_cast %broadcast_in_dim3A_150 : vector<1024x1xf32> to vector<1024x1xf32>
      %broadcast_in_dim3A_164 = vector.broadcast %broadcast_in_dim3A_163 : vector<1024x1xf32> to vector<1024x16xf32>
      %select_n3A_165 = arith.select %eq3A_159, %broadcast_in_dim3A_164, %get3A_162 : vector<1024x16xi1>, vector<1024x16xf32>
      %swap3A_166 = arith.constant 0 : index
      %swap3A_167 = arith.constant 0 : index
      %swap3A_168 = vector.load %arg8[%swap3A_166, %swap3A_167] : memref<1024x16xf32, #tpu.memory_space<vmem>>, vector<1024x16xf32>
      tpu.vector_store %arg8[%swap3A_166, %swap3A_167], %select_n3A_165 {strides = array<i32>} : memref<1024x16xf32, #tpu.memory_space<vmem>>, vector<1024x16xf32>,
      %eq3A_169 = arith.constant 6 : i32
      %eq3A_170 = vector.broadcast %eq3A_169 : i32 to vector<1024x16xi32>
      %eq3A_171 = arith.cmpi eq, %iota3A_37, %eq3A_170 : vector<1024x16xi32>
      %get3A_172 = arith.constant 0 : index
      %get3A_173 = arith.constant 0 : index
      %get3A_174 = vector.load %arg9[%get3A_172, %get3A_173] : memref<1024x16xi32, #tpu.memory_space<vmem>>, vector<1024x16xi32>
      %broadcast_in_dim3A_175 = vector.shape_cast %broadcast_in_dim3A_156 : vector<1024x1xi32> to vector<1024x1xi32>
      %broadcast_in_dim3A_176 = vector.broadcast %broadcast_in_dim3A_175 : vector<1024x1xi32> to vector<1024x16xi32>
      %select_n3A_177 = arith.select %eq3A_171, %broadcast_in_dim3A_176, %get3A_174 : vector<1024x16xi1>, vector<1024x16xi32>
      %swap3A_178 = arith.constant 0 : index
      %swap3A_179 = arith.constant 0 : index
      %swap3A_180 = vector.load %arg9[%swap3A_178, %swap3A_179] : memref<1024x16xi32, #tpu.memory_space<vmem>>, vector<1024x16xi32>
      tpu.vector_store %arg9[%swap3A_178, %swap3A_179], %select_n3A_177 {strides = array<i32>} : memref<1024x16xi32, #tpu.memory_space<vmem>>, vector<1024x16xi32>,
      %gt3A_181 = arith.constant 7 : i32
      %gt3A_182 = arith.cmpi sgt, %min3A_26, %gt3A_181 : i32
      %convert_element_type3A_183 = arith.extui %gt3A_182 : i1 to i32
      %cond3A_184 = arith.constant 0 : i32
      %cond3A_185 = arith.cmpi ne, %convert_element_type3A_183, %cond3A_184 : i32
      scf.if %cond3A_185 {
        %eq3A_186 = vector.broadcast %broadcast_in_dim3A_156 : vector<1024x1xi32> to vector<1024x1024xi32>
        %eq3A_187 = arith.cmpi eq, %add3A_10, %eq3A_186 : vector<1024x1024xi32>
        %jit3A_188 = arith.constant 0xFF800000 : f32
        %broadcast_in_dim3A_189 = vector.broadcast %jit3A_188 : f32 to vector<1024x1024xf32>
        %select_n3A_190 = arith.select %eq3A_187, %broadcast_in_dim3A_189, %get3A_147 : vector<1024x1024xi1>, vector<1024x1024xf32>
        %swap3A_191 = arith.constant 0 : index
        %swap3A_192 = arith.constant 0 : index
        %swap3A_193 = vector.load %arg5[%swap3A_191, %swap3A_192] : memref<1024x1024xf32, #tpu.memory_space<vmem>>, vector<1024x1024xf32>
        tpu.vector_store %arg5[%swap3A_191, %swap3A_192], %select_n3A_190 {strides = array<i32>} : memref<1024x1024xf32, #tpu.memory_space<vmem>>, vector<1024x1024xf32>,
      } else {
      }
    } else {
    }
    %gt3A_80 = arith.constant 7 : i32
    %gt3A_81 = arith.cmpi sgt, %min3A_26, %gt3A_80 : i32
    %convert_element_type3A_82 = arith.extui %gt3A_81 : i1 to i32
    %cond3A_83 = arith.constant 2147483647 : i32
    %cond3A_84 = arith.constant 0 : i32
    %cond3A_85 = arith.cmpi ne, %convert_element_type3A_82, %cond3A_84 : i32
    scf.if %cond3A_85 {
      %get3A_145 = arith.constant 0 : index
      %get3A_146 = arith.constant 0 : index
      %get3A_147 = vector.load %arg5[%get3A_145, %get3A_146] : memref<1024x1024xf32, #tpu.memory_space<vmem>>, vector<1024x1024xf32>
      %reduce_max3A_148 = arith.constant dense<0xFF800000> : vector<1024xf32>
      %reduce_max3A_149 = vector.multi_reduction <maximumf>, %get3A_147, %reduce_max3A_148 [1] : vector<1024x1024xf32> to vector<1024xf32>
      %broadcast_in_dim3A_150 = vector.shape_cast %reduce_max3A_149 : vector<1024xf32> to vector<1024x1xf32>
      %eq3A_151 = vector.broadcast %broadcast_in_dim3A_150 : vector<1024x1xf32> to vector<1024x1024xf32>
      %eq3A_152 = arith.cmpf oeq, %get3A_147, %eq3A_151 : vector<1024x1024xf32>
      %broadcast_in_dim3A_153 = vector.broadcast %cond3A_83 : i32 to vector<1024x1024xi32>
      %select_n3A_154 = arith.select %eq3A_152, %add3A_10, %broadcast_in_dim3A_153 : vector<1024x1024xi1>, vector<1024x1024xi32>
      %reduce_min3A = arith.constant dense<2147483647> : vector<1024xi32>
      %reduce_min3A_155 = vector.multi_reduction <minsi>, %select_n3A_154, %reduce_min3A [1] : vector<1024x1024xi32> to vector<1024xi32>
      %broadcast_in_dim3A_156 = vector.shape_cast %reduce_min3A_155 : vector<1024xi32> to vector<1024x1xi32>
      %eq3A_157 = arith.constant 7 : i32
      %eq3A_158 = vector.broadcast %eq3A_157 : i32 to vector<1024x16xi32>
      %eq3A_159 = arith.cmpi eq, %iota3A_37, %eq3A_158 : vector<1024x16xi32>
      %get3A_160 = arith.constant 0 : index
      %get3A_161 = arith.constant 0 : index
      %get3A_162 = vector.load %arg8[%get3A_160, %get3A_161] : memref<1024x16xf32, #tpu.memory_space<vmem>>, vector<1024x16xf32>
      %broadcast_in_dim3A_163 = vector.shape_cast %broadcast_in_dim3A_150 : vector<1024x1xf32> to vector<1024x1xf32>
      %broadcast_in_dim3A_164 = vector.broadcast %broadcast_in_dim3A_163 : vector<1024x1xf32> to vector<1024x16xf32>
      %select_n3A_165 = arith.select %eq3A_159, %broadcast_in_dim3A_164, %get3A_162 : vector<1024x16xi1>, vector<1024x16xf32>
      %swap3A_166 = arith.constant 0 : index
      %swap3A_167 = arith.constant 0 : index
      %swap3A_168 = vector.load %arg8[%swap3A_166, %swap3A_167] : memref<1024x16xf32, #tpu.memory_space<vmem>>, vector<1024x16xf32>
      tpu.vector_store %arg8[%swap3A_166, %swap3A_167], %select_n3A_165 {strides = array<i32>} : memref<1024x16xf32, #tpu.memory_space<vmem>>, vector<1024x16xf32>,
      %eq3A_169 = arith.constant 7 : i32
      %eq3A_170 = vector.broadcast %eq3A_169 : i32 to vector<1024x16xi32>
      %eq3A_171 = arith.cmpi eq, %iota3A_37, %eq3A_170 : vector<1024x16xi32>
      %get3A_172 = arith.constant 0 : index
      %get3A_173 = arith.constant 0 : index
      %get3A_174 = vector.load %arg9[%get3A_172, %get3A_173] : memref<1024x16xi32, #tpu.memory_space<vmem>>, vector<1024x16xi32>
      %broadcast_in_dim3A_175 = vector.shape_cast %broadcast_in_dim3A_156 : vector<1024x1xi32> to vector<1024x1xi32>
      %broadcast_in_dim3A_176 = vector.broadcast %broadcast_in_dim3A_175 : vector<1024x1xi32> to vector<1024x16xi32>
      %select_n3A_177 = arith.select %eq3A_171, %broadcast_in_dim3A_176, %get3A_174 : vector<1024x16xi1>, vector<1024x16xi32>
      %swap3A_178 = arith.constant 0 : index
      %swap3A_179 = arith.constant 0 : index
      %swap3A_180 = vector.load %arg9[%swap3A_178, %swap3A_179] : memref<1024x16xi32, #tpu.memory_space<vmem>>, vector<1024x16xi32>
      tpu.vector_store %arg9[%swap3A_178, %swap3A_179], %select_n3A_177 {strides = array<i32>} : memref<1024x16xi32, #tpu.memory_space<vmem>>, vector<1024x16xi32>,
      %gt3A_181 = arith.constant 8 : i32
      %gt3A_182 = arith.cmpi sgt, %min3A_26, %gt3A_181 : i32
      %convert_element_type3A_183 = arith.extui %gt3A_182 : i1 to i32
      %cond3A_184 = arith.constant 0 : i32
      %cond3A_185 = arith.cmpi ne, %convert_element_type3A_183, %cond3A_184 : i32
      scf.if %cond3A_185 {
        %eq3A_186 = vector.broadcast %broadcast_in_dim3A_156 : vector<1024x1xi32> to vector<1024x1024xi32>
        %eq3A_187 = arith.cmpi eq, %add3A_10, %eq3A_186 : vector<1024x1024xi32>
        %jit3A_188 = arith.constant 0xFF800000 : f32
        %broadcast_in_dim3A_189 = vector.broadcast %jit3A_188 : f32 to vector<1024x1024xf32>
        %select_n3A_190 = arith.select %eq3A_187, %broadcast_in_dim3A_189, %get3A_147 : vector<1024x1024xi1>, vector<1024x1024xf32>
        %swap3A_191 = arith.constant 0 : index
        %swap3A_192 = arith.constant 0 : index
        %swap3A_193 = vector.load %arg5[%swap3A_191, %swap3A_192] : memref<1024x1024xf32, #tpu.memory_space<vmem>>, vector<1024x1024xf32>
        tpu.vector_store %arg5[%swap3A_191, %swap3A_192], %select_n3A_190 {strides = array<i32>} : memref<1024x1024xf32, #tpu.memory_space<vmem>>, vector<1024x1024xf32>,
      } else {
      }
    } else {
    }
    %gt3A_86 = arith.constant 8 : i32
    %gt3A_87 = arith.cmpi sgt, %min3A_26, %gt3A_86 : i32
    %convert_element_type3A_88 = arith.extui %gt3A_87 : i1 to i32
    %cond3A_89 = arith.constant 2147483647 : i32
    %cond3A_90 = arith.constant 0 : i32
    %cond3A_91 = arith.cmpi ne, %convert_element_type3A_88, %cond3A_90 : i32
    scf.if %cond3A_91 {
      %get3A_145 = arith.constant 0 : index
      %get3A_146 = arith.constant 0 : index
      %get3A_147 = vector.load %arg5[%get3A_145, %get3A_146] : memref<1024x1024xf32, #tpu.memory_space<vmem>>, vector<1024x1024xf32>
      %reduce_max3A_148 = arith.constant dense<0xFF800000> : vector<1024xf32>
      %reduce_max3A_149 = vector.multi_reduction <maximumf>, %get3A_147, %reduce_max3A_148 [1] : vector<1024x1024xf32> to vector<1024xf32>
      %broadcast_in_dim3A_150 = vector.shape_cast %reduce_max3A_149 : vector<1024xf32> to vector<1024x1xf32>
      %eq3A_151 = vector.broadcast %broadcast_in_dim3A_150 : vector<1024x1xf32> to vector<1024x1024xf32>
      %eq3A_152 = arith.cmpf oeq, %get3A_147, %eq3A_151 : vector<1024x1024xf32>
      %broadcast_in_dim3A_153 = vector.broadcast %cond3A_89 : i32 to vector<1024x1024xi32>
      %select_n3A_154 = arith.select %eq3A_152, %add3A_10, %broadcast_in_dim3A_153 : vector<1024x1024xi1>, vector<1024x1024xi32>
      %reduce_min3A = arith.constant dense<2147483647> : vector<1024xi32>
      %reduce_min3A_155 = vector.multi_reduction <minsi>, %select_n3A_154, %reduce_min3A [1] : vector<1024x1024xi32> to vector<1024xi32>
      %broadcast_in_dim3A_156 = vector.shape_cast %reduce_min3A_155 : vector<1024xi32> to vector<1024x1xi32>
      %eq3A_157 = arith.constant 8 : i32
      %eq3A_158 = vector.broadcast %eq3A_157 : i32 to vector<1024x16xi32>
      %eq3A_159 = arith.cmpi eq, %iota3A_37, %eq3A_158 : vector<1024x16xi32>
      %get3A_160 = arith.constant 0 : index
      %get3A_161 = arith.constant 0 : index
      %get3A_162 = vector.load %arg8[%get3A_160, %get3A_161] : memref<1024x16xf32, #tpu.memory_space<vmem>>, vector<1024x16xf32>
      %broadcast_in_dim3A_163 = vector.shape_cast %broadcast_in_dim3A_150 : vector<1024x1xf32> to vector<1024x1xf32>
      %broadcast_in_dim3A_164 = vector.broadcast %broadcast_in_dim3A_163 : vector<1024x1xf32> to vector<1024x16xf32>
      %select_n3A_165 = arith.select %eq3A_159, %broadcast_in_dim3A_164, %get3A_162 : vector<1024x16xi1>, vector<1024x16xf32>
      %swap3A_166 = arith.constant 0 : index
      %swap3A_167 = arith.constant 0 : index
      %swap3A_168 = vector.load %arg8[%swap3A_166, %swap3A_167] : memref<1024x16xf32, #tpu.memory_space<vmem>>, vector<1024x16xf32>
      tpu.vector_store %arg8[%swap3A_166, %swap3A_167], %select_n3A_165 {strides = array<i32>} : memref<1024x16xf32, #tpu.memory_space<vmem>>, vector<1024x16xf32>,
      %eq3A_169 = arith.constant 8 : i32
      %eq3A_170 = vector.broadcast %eq3A_169 : i32 to vector<1024x16xi32>
      %eq3A_171 = arith.cmpi eq, %iota3A_37, %eq3A_170 : vector<1024x16xi32>
      %get3A_172 = arith.constant 0 : index
      %get3A_173 = arith.constant 0 : index
      %get3A_174 = vector.load %arg9[%get3A_172, %get3A_173] : memref<1024x16xi32, #tpu.memory_space<vmem>>, vector<1024x16xi32>
      %broadcast_in_dim3A_175 = vector.shape_cast %broadcast_in_dim3A_156 : vector<1024x1xi32> to vector<1024x1xi32>
      %broadcast_in_dim3A_176 = vector.broadcast %broadcast_in_dim3A_175 : vector<1024x1xi32> to vector<1024x16xi32>
      %select_n3A_177 = arith.select %eq3A_171, %broadcast_in_dim3A_176, %get3A_174 : vector<1024x16xi1>, vector<1024x16xi32>
      %swap3A_178 = arith.constant 0 : index
      %swap3A_179 = arith.constant 0 : index
      %swap3A_180 = vector.load %arg9[%swap3A_178, %swap3A_179] : memref<1024x16xi32, #tpu.memory_space<vmem>>, vector<1024x16xi32>
      tpu.vector_store %arg9[%swap3A_178, %swap3A_179], %select_n3A_177 {strides = array<i32>} : memref<1024x16xi32, #tpu.memory_space<vmem>>, vector<1024x16xi32>,
      %gt3A_181 = arith.constant 9 : i32
      %gt3A_182 = arith.cmpi sgt, %min3A_26, %gt3A_181 : i32
      %convert_element_type3A_183 = arith.extui %gt3A_182 : i1 to i32
      %cond3A_184 = arith.constant 0 : i32
      %cond3A_185 = arith.cmpi ne, %convert_element_type3A_183, %cond3A_184 : i32
      scf.if %cond3A_185 {
        %eq3A_186 = vector.broadcast %broadcast_in_dim3A_156 : vector<1024x1xi32> to vector<1024x1024xi32>
        %eq3A_187 = arith.cmpi eq, %add3A_10, %eq3A_186 : vector<1024x1024xi32>
        %jit3A_188 = arith.constant 0xFF800000 : f32
        %broadcast_in_dim3A_189 = vector.broadcast %jit3A_188 : f32 to vector<1024x1024xf32>
        %select_n3A_190 = arith.select %eq3A_187, %broadcast_in_dim3A_189, %get3A_147 : vector<1024x1024xi1>, vector<1024x1024xf32>
        %swap3A_191 = arith.constant 0 : index
        %swap3A_192 = arith.constant 0 : index
        %swap3A_193 = vector.load %arg5[%swap3A_191, %swap3A_192] : memref<1024x1024xf32, #tpu.memory_space<vmem>>, vector<1024x1024xf32>
        tpu.vector_store %arg5[%swap3A_191, %swap3A_192], %select_n3A_190 {strides = array<i32>} : memref<1024x1024xf32, #tpu.memory_space<vmem>>, vector<1024x1024xf32>,
      } else {
      }
    } else {
    }
    %gt3A_92 = arith.constant 9 : i32
    %gt3A_93 = arith.cmpi sgt, %min3A_26, %gt3A_92 : i32
    %convert_element_type3A_94 = arith.extui %gt3A_93 : i1 to i32
    %cond3A_95 = arith.constant 2147483647 : i32
    %cond3A_96 = arith.constant 0 : i32
    %cond3A_97 = arith.cmpi ne, %convert_element_type3A_94, %cond3A_96 : i32
    scf.if %cond3A_97 {
      %get3A_145 = arith.constant 0 : index
      %get3A_146 = arith.constant 0 : index
      %get3A_147 = vector.load %arg5[%get3A_145, %get3A_146] : memref<1024x1024xf32, #tpu.memory_space<vmem>>, vector<1024x1024xf32>
      %reduce_max3A_148 = arith.constant dense<0xFF800000> : vector<1024xf32>
      %reduce_max3A_149 = vector.multi_reduction <maximumf>, %get3A_147, %reduce_max3A_148 [1] : vector<1024x1024xf32> to vector<1024xf32>
      %broadcast_in_dim3A_150 = vector.shape_cast %reduce_max3A_149 : vector<1024xf32> to vector<1024x1xf32>
      %eq3A_151 = vector.broadcast %broadcast_in_dim3A_150 : vector<1024x1xf32> to vector<1024x1024xf32>
      %eq3A_152 = arith.cmpf oeq, %get3A_147, %eq3A_151 : vector<1024x1024xf32>
      %broadcast_in_dim3A_153 = vector.broadcast %cond3A_95 : i32 to vector<1024x1024xi32>
      %select_n3A_154 = arith.select %eq3A_152, %add3A_10, %broadcast_in_dim3A_153 : vector<1024x1024xi1>, vector<1024x1024xi32>
      %reduce_min3A = arith.constant dense<2147483647> : vector<1024xi32>
      %reduce_min3A_155 = vector.multi_reduction <minsi>, %select_n3A_154, %reduce_min3A [1] : vector<1024x1024xi32> to vector<1024xi32>
      %broadcast_in_dim3A_156 = vector.shape_cast %reduce_min3A_155 : vector<1024xi32> to vector<1024x1xi32>
      %eq3A_157 = arith.constant 9 : i32
      %eq3A_158 = vector.broadcast %eq3A_157 : i32 to vector<1024x16xi32>
      %eq3A_159 = arith.cmpi eq, %iota3A_37, %eq3A_158 : vector<1024x16xi32>
      %get3A_160 = arith.constant 0 : index
      %get3A_161 = arith.constant 0 : index
      %get3A_162 = vector.load %arg8[%get3A_160, %get3A_161] : memref<1024x16xf32, #tpu.memory_space<vmem>>, vector<1024x16xf32>
      %broadcast_in_dim3A_163 = vector.shape_cast %broadcast_in_dim3A_150 : vector<1024x1xf32> to vector<1024x1xf32>
      %broadcast_in_dim3A_164 = vector.broadcast %broadcast_in_dim3A_163 : vector<1024x1xf32> to vector<1024x16xf32>
      %select_n3A_165 = arith.select %eq3A_159, %broadcast_in_dim3A_164, %get3A_162 : vector<1024x16xi1>, vector<1024x16xf32>
      %swap3A_166 = arith.constant 0 : index
      %swap3A_167 = arith.constant 0 : index
      %swap3A_168 = vector.load %arg8[%swap3A_166, %swap3A_167] : memref<1024x16xf32, #tpu.memory_space<vmem>>, vector<1024x16xf32>
      tpu.vector_store %arg8[%swap3A_166, %swap3A_167], %select_n3A_165 {strides = array<i32>} : memref<1024x16xf32, #tpu.memory_space<vmem>>, vector<1024x16xf32>,
      %eq3A_169 = arith.constant 9 : i32
      %eq3A_170 = vector.broadcast %eq3A_169 : i32 to vector<1024x16xi32>
      %eq3A_171 = arith.cmpi eq, %iota3A_37, %eq3A_170 : vector<1024x16xi32>
      %get3A_172 = arith.constant 0 : index
      %get3A_173 = arith.constant 0 : index
      %get3A_174 = vector.load %arg9[%get3A_172, %get3A_173] : memref<1024x16xi32, #tpu.memory_space<vmem>>, vector<1024x16xi32>
      %broadcast_in_dim3A_175 = vector.shape_cast %broadcast_in_dim3A_156 : vector<1024x1xi32> to vector<1024x1xi32>
      %broadcast_in_dim3A_176 = vector.broadcast %broadcast_in_dim3A_175 : vector<1024x1xi32> to vector<1024x16xi32>
      %select_n3A_177 = arith.select %eq3A_171, %broadcast_in_dim3A_176, %get3A_174 : vector<1024x16xi1>, vector<1024x16xi32>
      %swap3A_178 = arith.constant 0 : index
      %swap3A_179 = arith.constant 0 : index
      %swap3A_180 = vector.load %arg9[%swap3A_178, %swap3A_179] : memref<1024x16xi32, #tpu.memory_space<vmem>>, vector<1024x16xi32>
      tpu.vector_store %arg9[%swap3A_178, %swap3A_179], %select_n3A_177 {strides = array<i32>} : memref<1024x16xi32, #tpu.memory_space<vmem>>, vector<1024x16xi32>,
      %gt3A_181 = arith.constant 10 : i32
      %gt3A_182 = arith.cmpi sgt, %min3A_26, %gt3A_181 : i32
      %convert_element_type3A_183 = arith.extui %gt3A_182 : i1 to i32
      %cond3A_184 = arith.constant 0 : i32
      %cond3A_185 = arith.cmpi ne, %convert_element_type3A_183, %cond3A_184 : i32
      scf.if %cond3A_185 {
        %eq3A_186 = vector.broadcast %broadcast_in_dim3A_156 : vector<1024x1xi32> to vector<1024x1024xi32>
        %eq3A_187 = arith.cmpi eq, %add3A_10, %eq3A_186 : vector<1024x1024xi32>
        %jit3A_188 = arith.constant 0xFF800000 : f32
        %broadcast_in_dim3A_189 = vector.broadcast %jit3A_188 : f32 to vector<1024x1024xf32>
        %select_n3A_190 = arith.select %eq3A_187, %broadcast_in_dim3A_189, %get3A_147 : vector<1024x1024xi1>, vector<1024x1024xf32>
        %swap3A_191 = arith.constant 0 : index
        %swap3A_192 = arith.constant 0 : index
        %swap3A_193 = vector.load %arg5[%swap3A_191, %swap3A_192] : memref<1024x1024xf32, #tpu.memory_space<vmem>>, vector<1024x1024xf32>
        tpu.vector_store %arg5[%swap3A_191, %swap3A_192], %select_n3A_190 {strides = array<i32>} : memref<1024x1024xf32, #tpu.memory_space<vmem>>, vector<1024x1024xf32>,
      } else {
      }
    } else {
    }
    %gt3A_98 = arith.constant 10 : i32
    %gt3A_99 = arith.cmpi sgt, %min3A_26, %gt3A_98 : i32
    %convert_element_type3A_100 = arith.extui %gt3A_99 : i1 to i32
    %cond3A_101 = arith.constant 2147483647 : i32
    %cond3A_102 = arith.constant 0 : i32
    %cond3A_103 = arith.cmpi ne, %convert_element_type3A_100, %cond3A_102 : i32
    scf.if %cond3A_103 {
      %get3A_145 = arith.constant 0 : index
      %get3A_146 = arith.constant 0 : index
      %get3A_147 = vector.load %arg5[%get3A_145, %get3A_146] : memref<1024x1024xf32, #tpu.memory_space<vmem>>, vector<1024x1024xf32>
      %reduce_max3A_148 = arith.constant dense<0xFF800000> : vector<1024xf32>
      %reduce_max3A_149 = vector.multi_reduction <maximumf>, %get3A_147, %reduce_max3A_148 [1] : vector<1024x1024xf32> to vector<1024xf32>
      %broadcast_in_dim3A_150 = vector.shape_cast %reduce_max3A_149 : vector<1024xf32> to vector<1024x1xf32>
      %eq3A_151 = vector.broadcast %broadcast_in_dim3A_150 : vector<1024x1xf32> to vector<1024x1024xf32>
      %eq3A_152 = arith.cmpf oeq, %get3A_147, %eq3A_151 : vector<1024x1024xf32>
      %broadcast_in_dim3A_153 = vector.broadcast %cond3A_101 : i32 to vector<1024x1024xi32>
      %select_n3A_154 = arith.select %eq3A_152, %add3A_10, %broadcast_in_dim3A_153 : vector<1024x1024xi1>, vector<1024x1024xi32>
      %reduce_min3A = arith.constant dense<2147483647> : vector<1024xi32>
      %reduce_min3A_155 = vector.multi_reduction <minsi>, %select_n3A_154, %reduce_min3A [1] : vector<1024x1024xi32> to vector<1024xi32>
      %broadcast_in_dim3A_156 = vector.shape_cast %reduce_min3A_155 : vector<1024xi32> to vector<1024x1xi32>
      %eq3A_157 = arith.constant 10 : i32
      %eq3A_158 = vector.broadcast %eq3A_157 : i32 to vector<1024x16xi32>
      %eq3A_159 = arith.cmpi eq, %iota3A_37, %eq3A_158 : vector<1024x16xi32>
      %get3A_160 = arith.constant 0 : index
      %get3A_161 = arith.constant 0 : index
      %get3A_162 = vector.load %arg8[%get3A_160, %get3A_161] : memref<1024x16xf32, #tpu.memory_space<vmem>>, vector<1024x16xf32>
      %broadcast_in_dim3A_163 = vector.shape_cast %broadcast_in_dim3A_150 : vector<1024x1xf32> to vector<1024x1xf32>
      %broadcast_in_dim3A_164 = vector.broadcast %broadcast_in_dim3A_163 : vector<1024x1xf32> to vector<1024x16xf32>
      %select_n3A_165 = arith.select %eq3A_159, %broadcast_in_dim3A_164, %get3A_162 : vector<1024x16xi1>, vector<1024x16xf32>
      %swap3A_166 = arith.constant 0 : index
      %swap3A_167 = arith.constant 0 : index
      %swap3A_168 = vector.load %arg8[%swap3A_166, %swap3A_167] : memref<1024x16xf32, #tpu.memory_space<vmem>>, vector<1024x16xf32>
      tpu.vector_store %arg8[%swap3A_166, %swap3A_167], %select_n3A_165 {strides = array<i32>} : memref<1024x16xf32, #tpu.memory_space<vmem>>, vector<1024x16xf32>,
      %eq3A_169 = arith.constant 10 : i32
      %eq3A_170 = vector.broadcast %eq3A_169 : i32 to vector<1024x16xi32>
      %eq3A_171 = arith.cmpi eq, %iota3A_37, %eq3A_170 : vector<1024x16xi32>
      %get3A_172 = arith.constant 0 : index
      %get3A_173 = arith.constant 0 : index
      %get3A_174 = vector.load %arg9[%get3A_172, %get3A_173] : memref<1024x16xi32, #tpu.memory_space<vmem>>, vector<1024x16xi32>
      %broadcast_in_dim3A_175 = vector.shape_cast %broadcast_in_dim3A_156 : vector<1024x1xi32> to vector<1024x1xi32>
      %broadcast_in_dim3A_176 = vector.broadcast %broadcast_in_dim3A_175 : vector<1024x1xi32> to vector<1024x16xi32>
      %select_n3A_177 = arith.select %eq3A_171, %broadcast_in_dim3A_176, %get3A_174 : vector<1024x16xi1>, vector<1024x16xi32>
      %swap3A_178 = arith.constant 0 : index
      %swap3A_179 = arith.constant 0 : index
      %swap3A_180 = vector.load %arg9[%swap3A_178, %swap3A_179] : memref<1024x16xi32, #tpu.memory_space<vmem>>, vector<1024x16xi32>
      tpu.vector_store %arg9[%swap3A_178, %swap3A_179], %select_n3A_177 {strides = array<i32>} : memref<1024x16xi32, #tpu.memory_space<vmem>>, vector<1024x16xi32>,
      %gt3A_181 = arith.constant 11 : i32
      %gt3A_182 = arith.cmpi sgt, %min3A_26, %gt3A_181 : i32
      %convert_element_type3A_183 = arith.extui %gt3A_182 : i1 to i32
      %cond3A_184 = arith.constant 0 : i32
      %cond3A_185 = arith.cmpi ne, %convert_element_type3A_183, %cond3A_184 : i32
      scf.if %cond3A_185 {
        %eq3A_186 = vector.broadcast %broadcast_in_dim3A_156 : vector<1024x1xi32> to vector<1024x1024xi32>
        %eq3A_187 = arith.cmpi eq, %add3A_10, %eq3A_186 : vector<1024x1024xi32>
        %jit3A_188 = arith.constant 0xFF800000 : f32
        %broadcast_in_dim3A_189 = vector.broadcast %jit3A_188 : f32 to vector<1024x1024xf32>
        %select_n3A_190 = arith.select %eq3A_187, %broadcast_in_dim3A_189, %get3A_147 : vector<1024x1024xi1>, vector<1024x1024xf32>
        %swap3A_191 = arith.constant 0 : index
        %swap3A_192 = arith.constant 0 : index
        %swap3A_193 = vector.load %arg5[%swap3A_191, %swap3A_192] : memref<1024x1024xf32, #tpu.memory_space<vmem>>, vector<1024x1024xf32>
        tpu.vector_store %arg5[%swap3A_191, %swap3A_192], %select_n3A_190 {strides = array<i32>} : memref<1024x1024xf32, #tpu.memory_space<vmem>>, vector<1024x1024xf32>,
      } else {
      }
    } else {
    }
    %gt3A_104 = arith.constant 11 : i32
    %gt3A_105 = arith.cmpi sgt, %min3A_26, %gt3A_104 : i32
    %convert_element_type3A_106 = arith.extui %gt3A_105 : i1 to i32
    %cond3A_107 = arith.constant 2147483647 : i32
    %cond3A_108 = arith.constant 0 : i32
    %cond3A_109 = arith.cmpi ne, %convert_element_type3A_106, %cond3A_108 : i32
    scf.if %cond3A_109 {
      %get3A_145 = arith.constant 0 : index
      %get3A_146 = arith.constant 0 : index
      %get3A_147 = vector.load %arg5[%get3A_145, %get3A_146] : memref<1024x1024xf32, #tpu.memory_space<vmem>>, vector<1024x1024xf32>
      %reduce_max3A_148 = arith.constant dense<0xFF800000> : vector<1024xf32>
      %reduce_max3A_149 = vector.multi_reduction <maximumf>, %get3A_147, %reduce_max3A_148 [1] : vector<1024x1024xf32> to vector<1024xf32>
      %broadcast_in_dim3A_150 = vector.shape_cast %reduce_max3A_149 : vector<1024xf32> to vector<1024x1xf32>
      %eq3A_151 = vector.broadcast %broadcast_in_dim3A_150 : vector<1024x1xf32> to vector<1024x1024xf32>
      %eq3A_152 = arith.cmpf oeq, %get3A_147, %eq3A_151 : vector<1024x1024xf32>
      %broadcast_in_dim3A_153 = vector.broadcast %cond3A_107 : i32 to vector<1024x1024xi32>
      %select_n3A_154 = arith.select %eq3A_152, %add3A_10, %broadcast_in_dim3A_153 : vector<1024x1024xi1>, vector<1024x1024xi32>
      %reduce_min3A = arith.constant dense<2147483647> : vector<1024xi32>
      %reduce_min3A_155 = vector.multi_reduction <minsi>, %select_n3A_154, %reduce_min3A [1] : vector<1024x1024xi32> to vector<1024xi32>
      %broadcast_in_dim3A_156 = vector.shape_cast %reduce_min3A_155 : vector<1024xi32> to vector<1024x1xi32>
      %eq3A_157 = arith.constant 11 : i32
      %eq3A_158 = vector.broadcast %eq3A_157 : i32 to vector<1024x16xi32>
      %eq3A_159 = arith.cmpi eq, %iota3A_37, %eq3A_158 : vector<1024x16xi32>
      %get3A_160 = arith.constant 0 : index
      %get3A_161 = arith.constant 0 : index
      %get3A_162 = vector.load %arg8[%get3A_160, %get3A_161] : memref<1024x16xf32, #tpu.memory_space<vmem>>, vector<1024x16xf32>
      %broadcast_in_dim3A_163 = vector.shape_cast %broadcast_in_dim3A_150 : vector<1024x1xf32> to vector<1024x1xf32>
      %broadcast_in_dim3A_164 = vector.broadcast %broadcast_in_dim3A_163 : vector<1024x1xf32> to vector<1024x16xf32>
      %select_n3A_165 = arith.select %eq3A_159, %broadcast_in_dim3A_164, %get3A_162 : vector<1024x16xi1>, vector<1024x16xf32>
      %swap3A_166 = arith.constant 0 : index
      %swap3A_167 = arith.constant 0 : index
      %swap3A_168 = vector.load %arg8[%swap3A_166, %swap3A_167] : memref<1024x16xf32, #tpu.memory_space<vmem>>, vector<1024x16xf32>
      tpu.vector_store %arg8[%swap3A_166, %swap3A_167], %select_n3A_165 {strides = array<i32>} : memref<1024x16xf32, #tpu.memory_space<vmem>>, vector<1024x16xf32>,
      %eq3A_169 = arith.constant 11 : i32
      %eq3A_170 = vector.broadcast %eq3A_169 : i32 to vector<1024x16xi32>
      %eq3A_171 = arith.cmpi eq, %iota3A_37, %eq3A_170 : vector<1024x16xi32>
      %get3A_172 = arith.constant 0 : index
      %get3A_173 = arith.constant 0 : index
      %get3A_174 = vector.load %arg9[%get3A_172, %get3A_173] : memref<1024x16xi32, #tpu.memory_space<vmem>>, vector<1024x16xi32>
      %broadcast_in_dim3A_175 = vector.shape_cast %broadcast_in_dim3A_156 : vector<1024x1xi32> to vector<1024x1xi32>
      %broadcast_in_dim3A_176 = vector.broadcast %broadcast_in_dim3A_175 : vector<1024x1xi32> to vector<1024x16xi32>
      %select_n3A_177 = arith.select %eq3A_171, %broadcast_in_dim3A_176, %get3A_174 : vector<1024x16xi1>, vector<1024x16xi32>
      %swap3A_178 = arith.constant 0 : index
      %swap3A_179 = arith.constant 0 : index
      %swap3A_180 = vector.load %arg9[%swap3A_178, %swap3A_179] : memref<1024x16xi32, #tpu.memory_space<vmem>>, vector<1024x16xi32>
      tpu.vector_store %arg9[%swap3A_178, %swap3A_179], %select_n3A_177 {strides = array<i32>} : memref<1024x16xi32, #tpu.memory_space<vmem>>, vector<1024x16xi32>,
      %gt3A_181 = arith.constant 12 : i32
      %gt3A_182 = arith.cmpi sgt, %min3A_26, %gt3A_181 : i32
      %convert_element_type3A_183 = arith.extui %gt3A_182 : i1 to i32
      %cond3A_184 = arith.constant 0 : i32
      %cond3A_185 = arith.cmpi ne, %convert_element_type3A_183, %cond3A_184 : i32
      scf.if %cond3A_185 {
        %eq3A_186 = vector.broadcast %broadcast_in_dim3A_156 : vector<1024x1xi32> to vector<1024x1024xi32>
        %eq3A_187 = arith.cmpi eq, %add3A_10, %eq3A_186 : vector<1024x1024xi32>
        %jit3A_188 = arith.constant 0xFF800000 : f32
        %broadcast_in_dim3A_189 = vector.broadcast %jit3A_188 : f32 to vector<1024x1024xf32>
        %select_n3A_190 = arith.select %eq3A_187, %broadcast_in_dim3A_189, %get3A_147 : vector<1024x1024xi1>, vector<1024x1024xf32>
        %swap3A_191 = arith.constant 0 : index
        %swap3A_192 = arith.constant 0 : index
        %swap3A_193 = vector.load %arg5[%swap3A_191, %swap3A_192] : memref<1024x1024xf32, #tpu.memory_space<vmem>>, vector<1024x1024xf32>
        tpu.vector_store %arg5[%swap3A_191, %swap3A_192], %select_n3A_190 {strides = array<i32>} : memref<1024x1024xf32, #tpu.memory_space<vmem>>, vector<1024x1024xf32>,
      } else {
      }
    } else {
    }
    %gt3A_110 = arith.constant 12 : i32
    %gt3A_111 = arith.cmpi sgt, %min3A_26, %gt3A_110 : i32
    %convert_element_type3A_112 = arith.extui %gt3A_111 : i1 to i32
    %cond3A_113 = arith.constant 2147483647 : i32
    %cond3A_114 = arith.constant 0 : i32
    %cond3A_115 = arith.cmpi ne, %convert_element_type3A_112, %cond3A_114 : i32
    scf.if %cond3A_115 {
      %get3A_145 = arith.constant 0 : index
      %get3A_146 = arith.constant 0 : index
      %get3A_147 = vector.load %arg5[%get3A_145, %get3A_146] : memref<1024x1024xf32, #tpu.memory_space<vmem>>, vector<1024x1024xf32>
      %reduce_max3A_148 = arith.constant dense<0xFF800000> : vector<1024xf32>
      %reduce_max3A_149 = vector.multi_reduction <maximumf>, %get3A_147, %reduce_max3A_148 [1] : vector<1024x1024xf32> to vector<1024xf32>
      %broadcast_in_dim3A_150 = vector.shape_cast %reduce_max3A_149 : vector<1024xf32> to vector<1024x1xf32>
      %eq3A_151 = vector.broadcast %broadcast_in_dim3A_150 : vector<1024x1xf32> to vector<1024x1024xf32>
      %eq3A_152 = arith.cmpf oeq, %get3A_147, %eq3A_151 : vector<1024x1024xf32>
      %broadcast_in_dim3A_153 = vector.broadcast %cond3A_113 : i32 to vector<1024x1024xi32>
      %select_n3A_154 = arith.select %eq3A_152, %add3A_10, %broadcast_in_dim3A_153 : vector<1024x1024xi1>, vector<1024x1024xi32>
      %reduce_min3A = arith.constant dense<2147483647> : vector<1024xi32>
      %reduce_min3A_155 = vector.multi_reduction <minsi>, %select_n3A_154, %reduce_min3A [1] : vector<1024x1024xi32> to vector<1024xi32>
      %broadcast_in_dim3A_156 = vector.shape_cast %reduce_min3A_155 : vector<1024xi32> to vector<1024x1xi32>
      %eq3A_157 = arith.constant 12 : i32
      %eq3A_158 = vector.broadcast %eq3A_157 : i32 to vector<1024x16xi32>
      %eq3A_159 = arith.cmpi eq, %iota3A_37, %eq3A_158 : vector<1024x16xi32>
      %get3A_160 = arith.constant 0 : index
      %get3A_161 = arith.constant 0 : index
      %get3A_162 = vector.load %arg8[%get3A_160, %get3A_161] : memref<1024x16xf32, #tpu.memory_space<vmem>>, vector<1024x16xf32>
      %broadcast_in_dim3A_163 = vector.shape_cast %broadcast_in_dim3A_150 : vector<1024x1xf32> to vector<1024x1xf32>
      %broadcast_in_dim3A_164 = vector.broadcast %broadcast_in_dim3A_163 : vector<1024x1xf32> to vector<1024x16xf32>
      %select_n3A_165 = arith.select %eq3A_159, %broadcast_in_dim3A_164, %get3A_162 : vector<1024x16xi1>, vector<1024x16xf32>
      %swap3A_166 = arith.constant 0 : index
      %swap3A_167 = arith.constant 0 : index
      %swap3A_168 = vector.load %arg8[%swap3A_166, %swap3A_167] : memref<1024x16xf32, #tpu.memory_space<vmem>>, vector<1024x16xf32>
      tpu.vector_store %arg8[%swap3A_166, %swap3A_167], %select_n3A_165 {strides = array<i32>} : memref<1024x16xf32, #tpu.memory_space<vmem>>, vector<1024x16xf32>,
      %eq3A_169 = arith.constant 12 : i32
      %eq3A_170 = vector.broadcast %eq3A_169 : i32 to vector<1024x16xi32>
      %eq3A_171 = arith.cmpi eq, %iota3A_37, %eq3A_170 : vector<1024x16xi32>
      %get3A_172 = arith.constant 0 : index
      %get3A_173 = arith.constant 0 : index
      %get3A_174 = vector.load %arg9[%get3A_172, %get3A_173] : memref<1024x16xi32, #tpu.memory_space<vmem>>, vector<1024x16xi32>
      %broadcast_in_dim3A_175 = vector.shape_cast %broadcast_in_dim3A_156 : vector<1024x1xi32> to vector<1024x1xi32>
      %broadcast_in_dim3A_176 = vector.broadcast %broadcast_in_dim3A_175 : vector<1024x1xi32> to vector<1024x16xi32>
      %select_n3A_177 = arith.select %eq3A_171, %broadcast_in_dim3A_176, %get3A_174 : vector<1024x16xi1>, vector<1024x16xi32>
      %swap3A_178 = arith.constant 0 : index
      %swap3A_179 = arith.constant 0 : index
      %swap3A_180 = vector.load %arg9[%swap3A_178, %swap3A_179] : memref<1024x16xi32, #tpu.memory_space<vmem>>, vector<1024x16xi32>
      tpu.vector_store %arg9[%swap3A_178, %swap3A_179], %select_n3A_177 {strides = array<i32>} : memref<1024x16xi32, #tpu.memory_space<vmem>>, vector<1024x16xi32>,
      %gt3A_181 = arith.constant 13 : i32
      %gt3A_182 = arith.cmpi sgt, %min3A_26, %gt3A_181 : i32
      %convert_element_type3A_183 = arith.extui %gt3A_182 : i1 to i32
      %cond3A_184 = arith.constant 0 : i32
      %cond3A_185 = arith.cmpi ne, %convert_element_type3A_183, %cond3A_184 : i32
      scf.if %cond3A_185 {
        %eq3A_186 = vector.broadcast %broadcast_in_dim3A_156 : vector<1024x1xi32> to vector<1024x1024xi32>
        %eq3A_187 = arith.cmpi eq, %add3A_10, %eq3A_186 : vector<1024x1024xi32>
        %jit3A_188 = arith.constant 0xFF800000 : f32
        %broadcast_in_dim3A_189 = vector.broadcast %jit3A_188 : f32 to vector<1024x1024xf32>
        %select_n3A_190 = arith.select %eq3A_187, %broadcast_in_dim3A_189, %get3A_147 : vector<1024x1024xi1>, vector<1024x1024xf32>
        %swap3A_191 = arith.constant 0 : index
        %swap3A_192 = arith.constant 0 : index
        %swap3A_193 = vector.load %arg5[%swap3A_191, %swap3A_192] : memref<1024x1024xf32, #tpu.memory_space<vmem>>, vector<1024x1024xf32>
        tpu.vector_store %arg5[%swap3A_191, %swap3A_192], %select_n3A_190 {strides = array<i32>} : memref<1024x1024xf32, #tpu.memory_space<vmem>>, vector<1024x1024xf32>,
      } else {
      }
    } else {
    }
    %gt3A_116 = arith.constant 13 : i32
    %gt3A_117 = arith.cmpi sgt, %min3A_26, %gt3A_116 : i32
    %convert_element_type3A_118 = arith.extui %gt3A_117 : i1 to i32
    %cond3A_119 = arith.constant 2147483647 : i32
    %cond3A_120 = arith.constant 0 : i32
    %cond3A_121 = arith.cmpi ne, %convert_element_type3A_118, %cond3A_120 : i32
    scf.if %cond3A_121 {
      %get3A_145 = arith.constant 0 : index
      %get3A_146 = arith.constant 0 : index
      %get3A_147 = vector.load %arg5[%get3A_145, %get3A_146] : memref<1024x1024xf32, #tpu.memory_space<vmem>>, vector<1024x1024xf32>
      %reduce_max3A_148 = arith.constant dense<0xFF800000> : vector<1024xf32>
      %reduce_max3A_149 = vector.multi_reduction <maximumf>, %get3A_147, %reduce_max3A_148 [1] : vector<1024x1024xf32> to vector<1024xf32>
      %broadcast_in_dim3A_150 = vector.shape_cast %reduce_max3A_149 : vector<1024xf32> to vector<1024x1xf32>
      %eq3A_151 = vector.broadcast %broadcast_in_dim3A_150 : vector<1024x1xf32> to vector<1024x1024xf32>
      %eq3A_152 = arith.cmpf oeq, %get3A_147, %eq3A_151 : vector<1024x1024xf32>
      %broadcast_in_dim3A_153 = vector.broadcast %cond3A_119 : i32 to vector<1024x1024xi32>
      %select_n3A_154 = arith.select %eq3A_152, %add3A_10, %broadcast_in_dim3A_153 : vector<1024x1024xi1>, vector<1024x1024xi32>
      %reduce_min3A = arith.constant dense<2147483647> : vector<1024xi32>
      %reduce_min3A_155 = vector.multi_reduction <minsi>, %select_n3A_154, %reduce_min3A [1] : vector<1024x1024xi32> to vector<1024xi32>
      %broadcast_in_dim3A_156 = vector.shape_cast %reduce_min3A_155 : vector<1024xi32> to vector<1024x1xi32>
      %eq3A_157 = arith.constant 13 : i32
      %eq3A_158 = vector.broadcast %eq3A_157 : i32 to vector<1024x16xi32>
      %eq3A_159 = arith.cmpi eq, %iota3A_37, %eq3A_158 : vector<1024x16xi32>
      %get3A_160 = arith.constant 0 : index
      %get3A_161 = arith.constant 0 : index
      %get3A_162 = vector.load %arg8[%get3A_160, %get3A_161] : memref<1024x16xf32, #tpu.memory_space<vmem>>, vector<1024x16xf32>
      %broadcast_in_dim3A_163 = vector.shape_cast %broadcast_in_dim3A_150 : vector<1024x1xf32> to vector<1024x1xf32>
      %broadcast_in_dim3A_164 = vector.broadcast %broadcast_in_dim3A_163 : vector<1024x1xf32> to vector<1024x16xf32>
      %select_n3A_165 = arith.select %eq3A_159, %broadcast_in_dim3A_164, %get3A_162 : vector<1024x16xi1>, vector<1024x16xf32>
      %swap3A_166 = arith.constant 0 : index
      %swap3A_167 = arith.constant 0 : index
      %swap3A_168 = vector.load %arg8[%swap3A_166, %swap3A_167] : memref<1024x16xf32, #tpu.memory_space<vmem>>, vector<1024x16xf32>
      tpu.vector_store %arg8[%swap3A_166, %swap3A_167], %select_n3A_165 {strides = array<i32>} : memref<1024x16xf32, #tpu.memory_space<vmem>>, vector<1024x16xf32>,
      %eq3A_169 = arith.constant 13 : i32
      %eq3A_170 = vector.broadcast %eq3A_169 : i32 to vector<1024x16xi32>
      %eq3A_171 = arith.cmpi eq, %iota3A_37, %eq3A_170 : vector<1024x16xi32>
      %get3A_172 = arith.constant 0 : index
      %get3A_173 = arith.constant 0 : index
      %get3A_174 = vector.load %arg9[%get3A_172, %get3A_173] : memref<1024x16xi32, #tpu.memory_space<vmem>>, vector<1024x16xi32>
      %broadcast_in_dim3A_175 = vector.shape_cast %broadcast_in_dim3A_156 : vector<1024x1xi32> to vector<1024x1xi32>
      %broadcast_in_dim3A_176 = vector.broadcast %broadcast_in_dim3A_175 : vector<1024x1xi32> to vector<1024x16xi32>
      %select_n3A_177 = arith.select %eq3A_171, %broadcast_in_dim3A_176, %get3A_174 : vector<1024x16xi1>, vector<1024x16xi32>
      %swap3A_178 = arith.constant 0 : index
      %swap3A_179 = arith.constant 0 : index
      %swap3A_180 = vector.load %arg9[%swap3A_178, %swap3A_179] : memref<1024x16xi32, #tpu.memory_space<vmem>>, vector<1024x16xi32>
      tpu.vector_store %arg9[%swap3A_178, %swap3A_179], %select_n3A_177 {strides = array<i32>} : memref<1024x16xi32, #tpu.memory_space<vmem>>, vector<1024x16xi32>,
      %gt3A_181 = arith.constant 14 : i32
      %gt3A_182 = arith.cmpi sgt, %min3A_26, %gt3A_181 : i32
      %convert_element_type3A_183 = arith.extui %gt3A_182 : i1 to i32
      %cond3A_184 = arith.constant 0 : i32
      %cond3A_185 = arith.cmpi ne, %convert_element_type3A_183, %cond3A_184 : i32
      scf.if %cond3A_185 {
        %eq3A_186 = vector.broadcast %broadcast_in_dim3A_156 : vector<1024x1xi32> to vector<1024x1024xi32>
        %eq3A_187 = arith.cmpi eq, %add3A_10, %eq3A_186 : vector<1024x1024xi32>
        %jit3A_188 = arith.constant 0xFF800000 : f32
        %broadcast_in_dim3A_189 = vector.broadcast %jit3A_188 : f32 to vector<1024x1024xf32>
        %select_n3A_190 = arith.select %eq3A_187, %broadcast_in_dim3A_189, %get3A_147 : vector<1024x1024xi1>, vector<1024x1024xf32>
        %swap3A_191 = arith.constant 0 : index
        %swap3A_192 = arith.constant 0 : index
        %swap3A_193 = vector.load %arg5[%swap3A_191, %swap3A_192] : memref<1024x1024xf32, #tpu.memory_space<vmem>>, vector<1024x1024xf32>
        tpu.vector_store %arg5[%swap3A_191, %swap3A_192], %select_n3A_190 {strides = array<i32>} : memref<1024x1024xf32, #tpu.memory_space<vmem>>, vector<1024x1024xf32>,
      } else {
      }
    } else {
    }
    %gt3A_122 = arith.constant 14 : i32
    %gt3A_123 = arith.cmpi sgt, %min3A_26, %gt3A_122 : i32
    %convert_element_type3A_124 = arith.extui %gt3A_123 : i1 to i32
    %cond3A_125 = arith.constant 2147483647 : i32
    %cond3A_126 = arith.constant 0 : i32
    %cond3A_127 = arith.cmpi ne, %convert_element_type3A_124, %cond3A_126 : i32
    scf.if %cond3A_127 {
      %get3A_145 = arith.constant 0 : index
      %get3A_146 = arith.constant 0 : index
      %get3A_147 = vector.load %arg5[%get3A_145, %get3A_146] : memref<1024x1024xf32, #tpu.memory_space<vmem>>, vector<1024x1024xf32>
      %reduce_max3A_148 = arith.constant dense<0xFF800000> : vector<1024xf32>
      %reduce_max3A_149 = vector.multi_reduction <maximumf>, %get3A_147, %reduce_max3A_148 [1] : vector<1024x1024xf32> to vector<1024xf32>
      %broadcast_in_dim3A_150 = vector.shape_cast %reduce_max3A_149 : vector<1024xf32> to vector<1024x1xf32>
      %eq3A_151 = vector.broadcast %broadcast_in_dim3A_150 : vector<1024x1xf32> to vector<1024x1024xf32>
      %eq3A_152 = arith.cmpf oeq, %get3A_147, %eq3A_151 : vector<1024x1024xf32>
      %broadcast_in_dim3A_153 = vector.broadcast %cond3A_125 : i32 to vector<1024x1024xi32>
      %select_n3A_154 = arith.select %eq3A_152, %add3A_10, %broadcast_in_dim3A_153 : vector<1024x1024xi1>, vector<1024x1024xi32>
      %reduce_min3A = arith.constant dense<2147483647> : vector<1024xi32>
      %reduce_min3A_155 = vector.multi_reduction <minsi>, %select_n3A_154, %reduce_min3A [1] : vector<1024x1024xi32> to vector<1024xi32>
      %broadcast_in_dim3A_156 = vector.shape_cast %reduce_min3A_155 : vector<1024xi32> to vector<1024x1xi32>
      %eq3A_157 = arith.constant 14 : i32
      %eq3A_158 = vector.broadcast %eq3A_157 : i32 to vector<1024x16xi32>
      %eq3A_159 = arith.cmpi eq, %iota3A_37, %eq3A_158 : vector<1024x16xi32>
      %get3A_160 = arith.constant 0 : index
      %get3A_161 = arith.constant 0 : index
      %get3A_162 = vector.load %arg8[%get3A_160, %get3A_161] : memref<1024x16xf32, #tpu.memory_space<vmem>>, vector<1024x16xf32>
      %broadcast_in_dim3A_163 = vector.shape_cast %broadcast_in_dim3A_150 : vector<1024x1xf32> to vector<1024x1xf32>
      %broadcast_in_dim3A_164 = vector.broadcast %broadcast_in_dim3A_163 : vector<1024x1xf32> to vector<1024x16xf32>
      %select_n3A_165 = arith.select %eq3A_159, %broadcast_in_dim3A_164, %get3A_162 : vector<1024x16xi1>, vector<1024x16xf32>
      %swap3A_166 = arith.constant 0 : index
      %swap3A_167 = arith.constant 0 : index
      %swap3A_168 = vector.load %arg8[%swap3A_166, %swap3A_167] : memref<1024x16xf32, #tpu.memory_space<vmem>>, vector<1024x16xf32>
      tpu.vector_store %arg8[%swap3A_166, %swap3A_167], %select_n3A_165 {strides = array<i32>} : memref<1024x16xf32, #tpu.memory_space<vmem>>, vector<1024x16xf32>,
      %eq3A_169 = arith.constant 14 : i32
      %eq3A_170 = vector.broadcast %eq3A_169 : i32 to vector<1024x16xi32>
      %eq3A_171 = arith.cmpi eq, %iota3A_37, %eq3A_170 : vector<1024x16xi32>
      %get3A_172 = arith.constant 0 : index
      %get3A_173 = arith.constant 0 : index
      %get3A_174 = vector.load %arg9[%get3A_172, %get3A_173] : memref<1024x16xi32, #tpu.memory_space<vmem>>, vector<1024x16xi32>
      %broadcast_in_dim3A_175 = vector.shape_cast %broadcast_in_dim3A_156 : vector<1024x1xi32> to vector<1024x1xi32>
      %broadcast_in_dim3A_176 = vector.broadcast %broadcast_in_dim3A_175 : vector<1024x1xi32> to vector<1024x16xi32>
      %select_n3A_177 = arith.select %eq3A_171, %broadcast_in_dim3A_176, %get3A_174 : vector<1024x16xi1>, vector<1024x16xi32>
      %swap3A_178 = arith.constant 0 : index
      %swap3A_179 = arith.constant 0 : index
      %swap3A_180 = vector.load %arg9[%swap3A_178, %swap3A_179] : memref<1024x16xi32, #tpu.memory_space<vmem>>, vector<1024x16xi32>
      tpu.vector_store %arg9[%swap3A_178, %swap3A_179], %select_n3A_177 {strides = array<i32>} : memref<1024x16xi32, #tpu.memory_space<vmem>>, vector<1024x16xi32>,
      %gt3A_181 = arith.constant 15 : i32
      %gt3A_182 = arith.cmpi sgt, %min3A_26, %gt3A_181 : i32
      %convert_element_type3A_183 = arith.extui %gt3A_182 : i1 to i32
      %cond3A_184 = arith.constant 0 : i32
      %cond3A_185 = arith.cmpi ne, %convert_element_type3A_183, %cond3A_184 : i32
      scf.if %cond3A_185 {
        %eq3A_186 = vector.broadcast %broadcast_in_dim3A_156 : vector<1024x1xi32> to vector<1024x1024xi32>
        %eq3A_187 = arith.cmpi eq, %add3A_10, %eq3A_186 : vector<1024x1024xi32>
        %jit3A_188 = arith.constant 0xFF800000 : f32
        %broadcast_in_dim3A_189 = vector.broadcast %jit3A_188 : f32 to vector<1024x1024xf32>
        %select_n3A_190 = arith.select %eq3A_187, %broadcast_in_dim3A_189, %get3A_147 : vector<1024x1024xi1>, vector<1024x1024xf32>
        %swap3A_191 = arith.constant 0 : index
        %swap3A_192 = arith.constant 0 : index
        %swap3A_193 = vector.load %arg5[%swap3A_191, %swap3A_192] : memref<1024x1024xf32, #tpu.memory_space<vmem>>, vector<1024x1024xf32>
        tpu.vector_store %arg5[%swap3A_191, %swap3A_192], %select_n3A_190 {strides = array<i32>} : memref<1024x1024xf32, #tpu.memory_space<vmem>>, vector<1024x1024xf32>,
      } else {
      }
    } else {
    }
    %gt3A_128 = arith.constant 15 : i32
    %gt3A_129 = arith.cmpi sgt, %min3A_26, %gt3A_128 : i32
    %convert_element_type3A_130 = arith.extui %gt3A_129 : i1 to i32
    %cond3A_131 = arith.constant 2147483647 : i32
    %cond3A_132 = arith.constant 0 : i32
    %cond3A_133 = arith.cmpi ne, %convert_element_type3A_130, %cond3A_132 : i32
    scf.if %cond3A_133 {
      %get3A_145 = arith.constant 0 : index
      %get3A_146 = arith.constant 0 : index
      %get3A_147 = vector.load %arg5[%get3A_145, %get3A_146] : memref<1024x1024xf32, #tpu.memory_space<vmem>>, vector<1024x1024xf32>
      %reduce_max3A_148 = arith.constant dense<0xFF800000> : vector<1024xf32>
      %reduce_max3A_149 = vector.multi_reduction <maximumf>, %get3A_147, %reduce_max3A_148 [1] : vector<1024x1024xf32> to vector<1024xf32>
      %broadcast_in_dim3A_150 = vector.shape_cast %reduce_max3A_149 : vector<1024xf32> to vector<1024x1xf32>
      %eq3A_151 = vector.broadcast %broadcast_in_dim3A_150 : vector<1024x1xf32> to vector<1024x1024xf32>
      %eq3A_152 = arith.cmpf oeq, %get3A_147, %eq3A_151 : vector<1024x1024xf32>
      %broadcast_in_dim3A_153 = vector.broadcast %cond3A_131 : i32 to vector<1024x1024xi32>
      %select_n3A_154 = arith.select %eq3A_152, %add3A_10, %broadcast_in_dim3A_153 : vector<1024x1024xi1>, vector<1024x1024xi32>
      %reduce_min3A = arith.constant dense<2147483647> : vector<1024xi32>
      %reduce_min3A_155 = vector.multi_reduction <minsi>, %select_n3A_154, %reduce_min3A [1] : vector<1024x1024xi32> to vector<1024xi32>
      %broadcast_in_dim3A_156 = vector.shape_cast %reduce_min3A_155 : vector<1024xi32> to vector<1024x1xi32>
      %eq3A_157 = arith.constant 15 : i32
      %eq3A_158 = vector.broadcast %eq3A_157 : i32 to vector<1024x16xi32>
      %eq3A_159 = arith.cmpi eq, %iota3A_37, %eq3A_158 : vector<1024x16xi32>
      %get3A_160 = arith.constant 0 : index
      %get3A_161 = arith.constant 0 : index
      %get3A_162 = vector.load %arg8[%get3A_160, %get3A_161] : memref<1024x16xf32, #tpu.memory_space<vmem>>, vector<1024x16xf32>
      %broadcast_in_dim3A_163 = vector.shape_cast %broadcast_in_dim3A_150 : vector<1024x1xf32> to vector<1024x1xf32>
      %broadcast_in_dim3A_164 = vector.broadcast %broadcast_in_dim3A_163 : vector<1024x1xf32> to vector<1024x16xf32>
      %select_n3A_165 = arith.select %eq3A_159, %broadcast_in_dim3A_164, %get3A_162 : vector<1024x16xi1>, vector<1024x16xf32>
      %swap3A_166 = arith.constant 0 : index
      %swap3A_167 = arith.constant 0 : index
      %swap3A_168 = vector.load %arg8[%swap3A_166, %swap3A_167] : memref<1024x16xf32, #tpu.memory_space<vmem>>, vector<1024x16xf32>
      tpu.vector_store %arg8[%swap3A_166, %swap3A_167], %select_n3A_165 {strides = array<i32>} : memref<1024x16xf32, #tpu.memory_space<vmem>>, vector<1024x16xf32>,
      %eq3A_169 = arith.constant 15 : i32
      %eq3A_170 = vector.broadcast %eq3A_169 : i32 to vector<1024x16xi32>
      %eq3A_171 = arith.cmpi eq, %iota3A_37, %eq3A_170 : vector<1024x16xi32>
      %get3A_172 = arith.constant 0 : index
      %get3A_173 = arith.constant 0 : index
      %get3A_174 = vector.load %arg9[%get3A_172, %get3A_173] : memref<1024x16xi32, #tpu.memory_space<vmem>>, vector<1024x16xi32>
      %broadcast_in_dim3A_175 = vector.shape_cast %broadcast_in_dim3A_156 : vector<1024x1xi32> to vector<1024x1xi32>
      %broadcast_in_dim3A_176 = vector.broadcast %broadcast_in_dim3A_175 : vector<1024x1xi32> to vector<1024x16xi32>
      %select_n3A_177 = arith.select %eq3A_171, %broadcast_in_dim3A_176, %get3A_174 : vector<1024x16xi1>, vector<1024x16xi32>
      %swap3A_178 = arith.constant 0 : index
      %swap3A_179 = arith.constant 0 : index
      %swap3A_180 = vector.load %arg9[%swap3A_178, %swap3A_179] : memref<1024x16xi32, #tpu.memory_space<vmem>>, vector<1024x16xi32>
      tpu.vector_store %arg9[%swap3A_178, %swap3A_179], %select_n3A_177 {strides = array<i32>} : memref<1024x16xi32, #tpu.memory_space<vmem>>, vector<1024x16xi32>,
      %gt3A_181 = arith.constant 16 : i32
      %gt3A_182 = arith.cmpi sgt, %min3A_26, %gt3A_181 : i32
      %convert_element_type3A_183 = arith.extui %gt3A_182 : i1 to i32
      %cond3A_184 = arith.constant 0 : i32
      %cond3A_185 = arith.cmpi ne, %convert_element_type3A_183, %cond3A_184 : i32
      scf.if %cond3A_185 {
        %eq3A_186 = vector.broadcast %broadcast_in_dim3A_156 : vector<1024x1xi32> to vector<1024x1024xi32>
        %eq3A_187 = arith.cmpi eq, %add3A_10, %eq3A_186 : vector<1024x1024xi32>
        %jit3A_188 = arith.constant 0xFF800000 : f32
        %broadcast_in_dim3A_189 = vector.broadcast %jit3A_188 : f32 to vector<1024x1024xf32>
        %select_n3A_190 = arith.select %eq3A_187, %broadcast_in_dim3A_189, %get3A_147 : vector<1024x1024xi1>, vector<1024x1024xf32>
        %swap3A_191 = arith.constant 0 : index
        %swap3A_192 = arith.constant 0 : index
        %swap3A_193 = vector.load %arg5[%swap3A_191, %swap3A_192] : memref<1024x1024xf32, #tpu.memory_space<vmem>>, vector<1024x1024xf32>
        tpu.vector_store %arg5[%swap3A_191, %swap3A_192], %select_n3A_190 {strides = array<i32>} : memref<1024x1024xf32, #tpu.memory_space<vmem>>, vector<1024x1024xf32>,
      } else {
      }
    } else {
    }
    %gt3A_134 = arith.constant 0 : i32
    %gt3A_135 = arith.cmpi sgt, %min3A_26, %gt3A_134 : i32
    %convert_element_type3A_136 = arith.extui %gt3A_135 : i1 to i32
    %cond3A_137 = arith.constant 2147483647 : i32
    %cond3A_138 = arith.constant 0 : i32
    %cond3A_139 = arith.cmpi ne, %convert_element_type3A_136, %cond3A_138 : i32
    scf.if %cond3A_139 {
      %get3A_145 = arith.constant 0 : index
      %get3A_146 = arith.constant 0 : index
      %get3A_147 = vector.load %arg6[%get3A_145, %get3A_146] : memref<1024x16xf32, #tpu.memory_space<vmem>>, vector<1024x16xf32>
      %get3A_148 = arith.constant 0 : index
      %get3A_149 = arith.constant 0 : index
      %get3A_150 = vector.load %arg8[%get3A_148, %get3A_149] : memref<1024x16xf32, #tpu.memory_space<vmem>>, vector<1024x16xf32>
      %concatenate3A = tpu.concatenate %get3A_147, %get3A_150 in 1 : vector<1024x16xf32>, vector<1024x16xf32> -> vector<1024x32xf32>
      %get3A_151 = arith.constant 0 : index
      %get3A_152 = arith.constant 0 : index
      %get3A_153 = vector.load %arg7[%get3A_151, %get3A_152] : memref<1024x16xi32, #tpu.memory_space<vmem>>, vector<1024x16xi32>
      %get3A_154 = arith.constant 0 : index
      %get3A_155 = arith.constant 0 : index
      %get3A_156 = vector.load %arg9[%get3A_154, %get3A_155] : memref<1024x16xi32, #tpu.memory_space<vmem>>, vector<1024x16xi32>
      %concatenate3A_157 = tpu.concatenate %get3A_153, %get3A_156 in 1 : vector<1024x16xi32>, vector<1024x16xi32> -> vector<1024x32xi32>
      %reduce_max3A_158 = arith.constant dense<0xFF800000> : vector<1024xf32>
      %reduce_max3A_159 = vector.multi_reduction <maximumf>, %concatenate3A, %reduce_max3A_158 [1] : vector<1024x32xf32> to vector<1024xf32>
      %broadcast_in_dim3A_160 = vector.shape_cast %reduce_max3A_159 : vector<1024xf32> to vector<1024x1xf32>
      %eq3A_161 = vector.broadcast %broadcast_in_dim3A_160 : vector<1024x1xf32> to vector<1024x32xf32>
      %eq3A_162 = arith.cmpf oeq, %concatenate3A, %eq3A_161 : vector<1024x32xf32>
      %broadcast_in_dim3A_163 = vector.broadcast %cond3A_137 : i32 to vector<1024x32xi32>
      %select_n3A_164 = arith.select %eq3A_162, %concatenate3A_157, %broadcast_in_dim3A_163 : vector<1024x32xi1>, vector<1024x32xi32>
      %reduce_min3A = arith.constant dense<2147483647> : vector<1024xi32>
      %reduce_min3A_165 = vector.multi_reduction <minsi>, %select_n3A_164, %reduce_min3A [1] : vector<1024x32xi32> to vector<1024xi32>
      %broadcast_in_dim3A_166 = vector.shape_cast %reduce_min3A_165 : vector<1024xi32> to vector<1024x1xi32>
      %eq3A_167 = vector.broadcast %broadcast_in_dim3A_166 : vector<1024x1xi32> to vector<1024x32xi32>
      %eq3A_168 = arith.cmpi eq, %concatenate3A_157, %eq3A_167 : vector<1024x32xi32>
      %jit3A_169 = arith.constant 0xFF800000 : f32
      %broadcast_in_dim3A_170 = vector.broadcast %jit3A_169 : f32 to vector<1024x32xf32>
      %select_n3A_171 = arith.select %eq3A_168, %broadcast_in_dim3A_170, %concatenate3A : vector<1024x32xi1>, vector<1024x32xf32>
      %reduce_max3A_172 = arith.constant dense<0xFF800000> : vector<1024xf32>
      %reduce_max3A_173 = vector.multi_reduction <maximumf>, %select_n3A_171, %reduce_max3A_172 [1] : vector<1024x32xf32> to vector<1024xf32>
      %broadcast_in_dim3A_174 = vector.shape_cast %reduce_max3A_173 : vector<1024xf32> to vector<1024x1xf32>
      %eq3A_175 = vector.broadcast %broadcast_in_dim3A_174 : vector<1024x1xf32> to vector<1024x32xf32>
      %eq3A_176 = arith.cmpf oeq, %select_n3A_171, %eq3A_175 : vector<1024x32xf32>
      %broadcast_in_dim3A_177 = vector.broadcast %cond3A_137 : i32 to vector<1024x32xi32>
      %select_n3A_178 = arith.select %eq3A_176, %concatenate3A_157, %broadcast_in_dim3A_177 : vector<1024x32xi1>, vector<1024x32xi32>
      %reduce_min3A_179 = arith.constant dense<2147483647> : vector<1024xi32>
      %reduce_min3A_180 = vector.multi_reduction <minsi>, %select_n3A_178, %reduce_min3A_179 [1] : vector<1024x32xi32> to vector<1024xi32>
      %broadcast_in_dim3A_181 = vector.shape_cast %reduce_min3A_180 : vector<1024xi32> to vector<1024x1xi32>
      %eq3A_182 = vector.broadcast %broadcast_in_dim3A_181 : vector<1024x1xi32> to vector<1024x32xi32>
      %eq3A_183 = arith.cmpi eq, %concatenate3A_157, %eq3A_182 : vector<1024x32xi32>
      %jit3A_184 = arith.constant 0xFF800000 : f32
      %broadcast_in_dim3A_185 = vector.broadcast %jit3A_184 : f32 to vector<1024x32xf32>
      %select_n3A_186 = arith.select %eq3A_183, %broadcast_in_dim3A_185, %select_n3A_171 : vector<1024x32xi1>, vector<1024x32xf32>
      %reduce_max3A_187 = arith.constant dense<0xFF800000> : vector<1024xf32>
      %reduce_max3A_188 = vector.multi_reduction <maximumf>, %select_n3A_186, %reduce_max3A_187 [1] : vector<1024x32xf32> to vector<1024xf32>
      %broadcast_in_dim3A_189 = vector.shape_cast %reduce_max3A_188 : vector<1024xf32> to vector<1024x1xf32>
      %eq3A_190 = vector.broadcast %broadcast_in_dim3A_189 : vector<1024x1xf32> to vector<1024x32xf32>
      %eq3A_191 = arith.cmpf oeq, %select_n3A_186, %eq3A_190 : vector<1024x32xf32>
      %broadcast_in_dim3A_192 = vector.broadcast %cond3A_137 : i32 to vector<1024x32xi32>
      %select_n3A_193 = arith.select %eq3A_191, %concatenate3A_157, %broadcast_in_dim3A_192 : vector<1024x32xi1>, vector<1024x32xi32>
      %reduce_min3A_194 = arith.constant dense<2147483647> : vector<1024xi32>
      %reduce_min3A_195 = vector.multi_reduction <minsi>, %select_n3A_193, %reduce_min3A_194 [1] : vector<1024x32xi32> to vector<1024xi32>
      %broadcast_in_dim3A_196 = vector.shape_cast %reduce_min3A_195 : vector<1024xi32> to vector<1024x1xi32>
      %eq3A_197 = vector.broadcast %broadcast_in_dim3A_196 : vector<1024x1xi32> to vector<1024x32xi32>
      %eq3A_198 = arith.cmpi eq, %concatenate3A_157, %eq3A_197 : vector<1024x32xi32>
      %jit3A_199 = arith.constant 0xFF800000 : f32
      %broadcast_in_dim3A_200 = vector.broadcast %jit3A_199 : f32 to vector<1024x32xf32>
      %select_n3A_201 = arith.select %eq3A_198, %broadcast_in_dim3A_200, %select_n3A_186 : vector<1024x32xi1>, vector<1024x32xf32>
      %reduce_max3A_202 = arith.constant dense<0xFF800000> : vector<1024xf32>
      %reduce_max3A_203 = vector.multi_reduction <maximumf>, %select_n3A_201, %reduce_max3A_202 [1] : vector<1024x32xf32> to vector<1024xf32>
      %broadcast_in_dim3A_204 = vector.shape_cast %reduce_max3A_203 : vector<1024xf32> to vector<1024x1xf32>
      %eq3A_205 = vector.broadcast %broadcast_in_dim3A_204 : vector<1024x1xf32> to vector<1024x32xf32>
      %eq3A_206 = arith.cmpf oeq, %select_n3A_201, %eq3A_205 : vector<1024x32xf32>
      %broadcast_in_dim3A_207 = vector.broadcast %cond3A_137 : i32 to vector<1024x32xi32>
      %select_n3A_208 = arith.select %eq3A_206, %concatenate3A_157, %broadcast_in_dim3A_207 : vector<1024x32xi1>, vector<1024x32xi32>
      %reduce_min3A_209 = arith.constant dense<2147483647> : vector<1024xi32>
      %reduce_min3A_210 = vector.multi_reduction <minsi>, %select_n3A_208, %reduce_min3A_209 [1] : vector<1024x32xi32> to vector<1024xi32>
      %broadcast_in_dim3A_211 = vector.shape_cast %reduce_min3A_210 : vector<1024xi32> to vector<1024x1xi32>
      %eq3A_212 = vector.broadcast %broadcast_in_dim3A_211 : vector<1024x1xi32> to vector<1024x32xi32>
      %eq3A_213 = arith.cmpi eq, %concatenate3A_157, %eq3A_212 : vector<1024x32xi32>
      %jit3A_214 = arith.constant 0xFF800000 : f32
      %broadcast_in_dim3A_215 = vector.broadcast %jit3A_214 : f32 to vector<1024x32xf32>
      %select_n3A_216 = arith.select %eq3A_213, %broadcast_in_dim3A_215, %select_n3A_201 : vector<1024x32xi1>, vector<1024x32xf32>
      %reduce_max3A_217 = arith.constant dense<0xFF800000> : vector<1024xf32>
      %reduce_max3A_218 = vector.multi_reduction <maximumf>, %select_n3A_216, %reduce_max3A_217 [1] : vector<1024x32xf32> to vector<1024xf32>
      %broadcast_in_dim3A_219 = vector.shape_cast %reduce_max3A_218 : vector<1024xf32> to vector<1024x1xf32>
      %eq3A_220 = vector.broadcast %broadcast_in_dim3A_219 : vector<1024x1xf32> to vector<1024x32xf32>
      %eq3A_221 = arith.cmpf oeq, %select_n3A_216, %eq3A_220 : vector<1024x32xf32>
      %broadcast_in_dim3A_222 = vector.broadcast %cond3A_137 : i32 to vector<1024x32xi32>
      %select_n3A_223 = arith.select %eq3A_221, %concatenate3A_157, %broadcast_in_dim3A_222 : vector<1024x32xi1>, vector<1024x32xi32>
      %reduce_min3A_224 = arith.constant dense<2147483647> : vector<1024xi32>
      %reduce_min3A_225 = vector.multi_reduction <minsi>, %select_n3A_223, %reduce_min3A_224 [1] : vector<1024x32xi32> to vector<1024xi32>
      %broadcast_in_dim3A_226 = vector.shape_cast %reduce_min3A_225 : vector<1024xi32> to vector<1024x1xi32>
      %eq3A_227 = vector.broadcast %broadcast_in_dim3A_226 : vector<1024x1xi32> to vector<1024x32xi32>
      %eq3A_228 = arith.cmpi eq, %concatenate3A_157, %eq3A_227 : vector<1024x32xi32>
      %jit3A_229 = arith.constant 0xFF800000 : f32
      %broadcast_in_dim3A_230 = vector.broadcast %jit3A_229 : f32 to vector<1024x32xf32>
      %select_n3A_231 = arith.select %eq3A_228, %broadcast_in_dim3A_230, %select_n3A_216 : vector<1024x32xi1>, vector<1024x32xf32>
      %reduce_max3A_232 = arith.constant dense<0xFF800000> : vector<1024xf32>
      %reduce_max3A_233 = vector.multi_reduction <maximumf>, %select_n3A_231, %reduce_max3A_232 [1] : vector<1024x32xf32> to vector<1024xf32>
      %broadcast_in_dim3A_234 = vector.shape_cast %reduce_max3A_233 : vector<1024xf32> to vector<1024x1xf32>
      %eq3A_235 = vector.broadcast %broadcast_in_dim3A_234 : vector<1024x1xf32> to vector<1024x32xf32>
      %eq3A_236 = arith.cmpf oeq, %select_n3A_231, %eq3A_235 : vector<1024x32xf32>
      %broadcast_in_dim3A_237 = vector.broadcast %cond3A_137 : i32 to vector<1024x32xi32>
      %select_n3A_238 = arith.select %eq3A_236, %concatenate3A_157, %broadcast_in_dim3A_237 : vector<1024x32xi1>, vector<1024x32xi32>
      %reduce_min3A_239 = arith.constant dense<2147483647> : vector<1024xi32>
      %reduce_min3A_240 = vector.multi_reduction <minsi>, %select_n3A_238, %reduce_min3A_239 [1] : vector<1024x32xi32> to vector<1024xi32>
      %broadcast_in_dim3A_241 = vector.shape_cast %reduce_min3A_240 : vector<1024xi32> to vector<1024x1xi32>
      %eq3A_242 = vector.broadcast %broadcast_in_dim3A_241 : vector<1024x1xi32> to vector<1024x32xi32>
      %eq3A_243 = arith.cmpi eq, %concatenate3A_157, %eq3A_242 : vector<1024x32xi32>
      %jit3A_244 = arith.constant 0xFF800000 : f32
      %broadcast_in_dim3A_245 = vector.broadcast %jit3A_244 : f32 to vector<1024x32xf32>
      %select_n3A_246 = arith.select %eq3A_243, %broadcast_in_dim3A_245, %select_n3A_231 : vector<1024x32xi1>, vector<1024x32xf32>
      %reduce_max3A_247 = arith.constant dense<0xFF800000> : vector<1024xf32>
      %reduce_max3A_248 = vector.multi_reduction <maximumf>, %select_n3A_246, %reduce_max3A_247 [1] : vector<1024x32xf32> to vector<1024xf32>
      %broadcast_in_dim3A_249 = vector.shape_cast %reduce_max3A_248 : vector<1024xf32> to vector<1024x1xf32>
      %eq3A_250 = vector.broadcast %broadcast_in_dim3A_249 : vector<1024x1xf32> to vector<1024x32xf32>
      %eq3A_251 = arith.cmpf oeq, %select_n3A_246, %eq3A_250 : vector<1024x32xf32>
      %broadcast_in_dim3A_252 = vector.broadcast %cond3A_137 : i32 to vector<1024x32xi32>
      %select_n3A_253 = arith.select %eq3A_251, %concatenate3A_157, %broadcast_in_dim3A_252 : vector<1024x32xi1>, vector<1024x32xi32>
      %reduce_min3A_254 = arith.constant dense<2147483647> : vector<1024xi32>
      %reduce_min3A_255 = vector.multi_reduction <minsi>, %select_n3A_253, %reduce_min3A_254 [1] : vector<1024x32xi32> to vector<1024xi32>
      %broadcast_in_dim3A_256 = vector.shape_cast %reduce_min3A_255 : vector<1024xi32> to vector<1024x1xi32>
      %eq3A_257 = vector.broadcast %broadcast_in_dim3A_256 : vector<1024x1xi32> to vector<1024x32xi32>
      %eq3A_258 = arith.cmpi eq, %concatenate3A_157, %eq3A_257 : vector<1024x32xi32>
      %jit3A_259 = arith.constant 0xFF800000 : f32
      %broadcast_in_dim3A_260 = vector.broadcast %jit3A_259 : f32 to vector<1024x32xf32>
      %select_n3A_261 = arith.select %eq3A_258, %broadcast_in_dim3A_260, %select_n3A_246 : vector<1024x32xi1>, vector<1024x32xf32>
      %reduce_max3A_262 = arith.constant dense<0xFF800000> : vector<1024xf32>
      %reduce_max3A_263 = vector.multi_reduction <maximumf>, %select_n3A_261, %reduce_max3A_262 [1] : vector<1024x32xf32> to vector<1024xf32>
      %broadcast_in_dim3A_264 = vector.shape_cast %reduce_max3A_263 : vector<1024xf32> to vector<1024x1xf32>
      %eq3A_265 = vector.broadcast %broadcast_in_dim3A_264 : vector<1024x1xf32> to vector<1024x32xf32>
      %eq3A_266 = arith.cmpf oeq, %select_n3A_261, %eq3A_265 : vector<1024x32xf32>
      %broadcast_in_dim3A_267 = vector.broadcast %cond3A_137 : i32 to vector<1024x32xi32>
      %select_n3A_268 = arith.select %eq3A_266, %concatenate3A_157, %broadcast_in_dim3A_267 : vector<1024x32xi1>, vector<1024x32xi32>
      %reduce_min3A_269 = arith.constant dense<2147483647> : vector<1024xi32>
      %reduce_min3A_270 = vector.multi_reduction <minsi>, %select_n3A_268, %reduce_min3A_269 [1] : vector<1024x32xi32> to vector<1024xi32>
      %broadcast_in_dim3A_271 = vector.shape_cast %reduce_min3A_270 : vector<1024xi32> to vector<1024x1xi32>
      %eq3A_272 = vector.broadcast %broadcast_in_dim3A_271 : vector<1024x1xi32> to vector<1024x32xi32>
      %eq3A_273 = arith.cmpi eq, %concatenate3A_157, %eq3A_272 : vector<1024x32xi32>
      %jit3A_274 = arith.constant 0xFF800000 : f32
      %broadcast_in_dim3A_275 = vector.broadcast %jit3A_274 : f32 to vector<1024x32xf32>
      %select_n3A_276 = arith.select %eq3A_273, %broadcast_in_dim3A_275, %select_n3A_261 : vector<1024x32xi1>, vector<1024x32xf32>
      %reduce_max3A_277 = arith.constant dense<0xFF800000> : vector<1024xf32>
      %reduce_max3A_278 = vector.multi_reduction <maximumf>, %select_n3A_276, %reduce_max3A_277 [1] : vector<1024x32xf32> to vector<1024xf32>
      %broadcast_in_dim3A_279 = vector.shape_cast %reduce_max3A_278 : vector<1024xf32> to vector<1024x1xf32>
      %eq3A_280 = vector.broadcast %broadcast_in_dim3A_279 : vector<1024x1xf32> to vector<1024x32xf32>
      %eq3A_281 = arith.cmpf oeq, %select_n3A_276, %eq3A_280 : vector<1024x32xf32>
      %broadcast_in_dim3A_282 = vector.broadcast %cond3A_137 : i32 to vector<1024x32xi32>
      %select_n3A_283 = arith.select %eq3A_281, %concatenate3A_157, %broadcast_in_dim3A_282 : vector<1024x32xi1>, vector<1024x32xi32>
      %reduce_min3A_284 = arith.constant dense<2147483647> : vector<1024xi32>
      %reduce_min3A_285 = vector.multi_reduction <minsi>, %select_n3A_283, %reduce_min3A_284 [1] : vector<1024x32xi32> to vector<1024xi32>
      %broadcast_in_dim3A_286 = vector.shape_cast %reduce_min3A_285 : vector<1024xi32> to vector<1024x1xi32>
      %eq3A_287 = vector.broadcast %broadcast_in_dim3A_286 : vector<1024x1xi32> to vector<1024x32xi32>
      %eq3A_288 = arith.cmpi eq, %concatenate3A_157, %eq3A_287 : vector<1024x32xi32>
      %jit3A_289 = arith.constant 0xFF800000 : f32
      %broadcast_in_dim3A_290 = vector.broadcast %jit3A_289 : f32 to vector<1024x32xf32>
      %select_n3A_291 = arith.select %eq3A_288, %broadcast_in_dim3A_290, %select_n3A_276 : vector<1024x32xi1>, vector<1024x32xf32>
      %reduce_max3A_292 = arith.constant dense<0xFF800000> : vector<1024xf32>
      %reduce_max3A_293 = vector.multi_reduction <maximumf>, %select_n3A_291, %reduce_max3A_292 [1] : vector<1024x32xf32> to vector<1024xf32>
      %broadcast_in_dim3A_294 = vector.shape_cast %reduce_max3A_293 : vector<1024xf32> to vector<1024x1xf32>
      %eq3A_295 = vector.broadcast %broadcast_in_dim3A_294 : vector<1024x1xf32> to vector<1024x32xf32>
      %eq3A_296 = arith.cmpf oeq, %select_n3A_291, %eq3A_295 : vector<1024x32xf32>
      %broadcast_in_dim3A_297 = vector.broadcast %cond3A_137 : i32 to vector<1024x32xi32>
      %select_n3A_298 = arith.select %eq3A_296, %concatenate3A_157, %broadcast_in_dim3A_297 : vector<1024x32xi1>, vector<1024x32xi32>
      %reduce_min3A_299 = arith.constant dense<2147483647> : vector<1024xi32>
      %reduce_min3A_300 = vector.multi_reduction <minsi>, %select_n3A_298, %reduce_min3A_299 [1] : vector<1024x32xi32> to vector<1024xi32>
      %broadcast_in_dim3A_301 = vector.shape_cast %reduce_min3A_300 : vector<1024xi32> to vector<1024x1xi32>
      %eq3A_302 = vector.broadcast %broadcast_in_dim3A_301 : vector<1024x1xi32> to vector<1024x32xi32>
      %eq3A_303 = arith.cmpi eq, %concatenate3A_157, %eq3A_302 : vector<1024x32xi32>
      %jit3A_304 = arith.constant 0xFF800000 : f32
      %broadcast_in_dim3A_305 = vector.broadcast %jit3A_304 : f32 to vector<1024x32xf32>
      %select_n3A_306 = arith.select %eq3A_303, %broadcast_in_dim3A_305, %select_n3A_291 : vector<1024x32xi1>, vector<1024x32xf32>
      %reduce_max3A_307 = arith.constant dense<0xFF800000> : vector<1024xf32>
      %reduce_max3A_308 = vector.multi_reduction <maximumf>, %select_n3A_306, %reduce_max3A_307 [1] : vector<1024x32xf32> to vector<1024xf32>
      %broadcast_in_dim3A_309 = vector.shape_cast %reduce_max3A_308 : vector<1024xf32> to vector<1024x1xf32>
      %eq3A_310 = vector.broadcast %broadcast_in_dim3A_309 : vector<1024x1xf32> to vector<1024x32xf32>
      %eq3A_311 = arith.cmpf oeq, %select_n3A_306, %eq3A_310 : vector<1024x32xf32>
      %broadcast_in_dim3A_312 = vector.broadcast %cond3A_137 : i32 to vector<1024x32xi32>
      %select_n3A_313 = arith.select %eq3A_311, %concatenate3A_157, %broadcast_in_dim3A_312 : vector<1024x32xi1>, vector<1024x32xi32>
      %reduce_min3A_314 = arith.constant dense<2147483647> : vector<1024xi32>
      %reduce_min3A_315 = vector.multi_reduction <minsi>, %select_n3A_313, %reduce_min3A_314 [1] : vector<1024x32xi32> to vector<1024xi32>
      %broadcast_in_dim3A_316 = vector.shape_cast %reduce_min3A_315 : vector<1024xi32> to vector<1024x1xi32>
      %eq3A_317 = vector.broadcast %broadcast_in_dim3A_316 : vector<1024x1xi32> to vector<1024x32xi32>
      %eq3A_318 = arith.cmpi eq, %concatenate3A_157, %eq3A_317 : vector<1024x32xi32>
      %jit3A_319 = arith.constant 0xFF800000 : f32
      %broadcast_in_dim3A_320 = vector.broadcast %jit3A_319 : f32 to vector<1024x32xf32>
      %select_n3A_321 = arith.select %eq3A_318, %broadcast_in_dim3A_320, %select_n3A_306 : vector<1024x32xi1>, vector<1024x32xf32>
      %reduce_max3A_322 = arith.constant dense<0xFF800000> : vector<1024xf32>
      %reduce_max3A_323 = vector.multi_reduction <maximumf>, %select_n3A_321, %reduce_max3A_322 [1] : vector<1024x32xf32> to vector<1024xf32>
      %broadcast_in_dim3A_324 = vector.shape_cast %reduce_max3A_323 : vector<1024xf32> to vector<1024x1xf32>
      %eq3A_325 = vector.broadcast %broadcast_in_dim3A_324 : vector<1024x1xf32> to vector<1024x32xf32>
      %eq3A_326 = arith.cmpf oeq, %select_n3A_321, %eq3A_325 : vector<1024x32xf32>
      %broadcast_in_dim3A_327 = vector.broadcast %cond3A_137 : i32 to vector<1024x32xi32>
      %select_n3A_328 = arith.select %eq3A_326, %concatenate3A_157, %broadcast_in_dim3A_327 : vector<1024x32xi1>, vector<1024x32xi32>
      %reduce_min3A_329 = arith.constant dense<2147483647> : vector<1024xi32>
      %reduce_min3A_330 = vector.multi_reduction <minsi>, %select_n3A_328, %reduce_min3A_329 [1] : vector<1024x32xi32> to vector<1024xi32>
      %broadcast_in_dim3A_331 = vector.shape_cast %reduce_min3A_330 : vector<1024xi32> to vector<1024x1xi32>
      %eq3A_332 = vector.broadcast %broadcast_in_dim3A_331 : vector<1024x1xi32> to vector<1024x32xi32>
      %eq3A_333 = arith.cmpi eq, %concatenate3A_157, %eq3A_332 : vector<1024x32xi32>
      %jit3A_334 = arith.constant 0xFF800000 : f32
      %broadcast_in_dim3A_335 = vector.broadcast %jit3A_334 : f32 to vector<1024x32xf32>
      %select_n3A_336 = arith.select %eq3A_333, %broadcast_in_dim3A_335, %select_n3A_321 : vector<1024x32xi1>, vector<1024x32xf32>
      %reduce_max3A_337 = arith.constant dense<0xFF800000> : vector<1024xf32>
      %reduce_max3A_338 = vector.multi_reduction <maximumf>, %select_n3A_336, %reduce_max3A_337 [1] : vector<1024x32xf32> to vector<1024xf32>
      %broadcast_in_dim3A_339 = vector.shape_cast %reduce_max3A_338 : vector<1024xf32> to vector<1024x1xf32>
      %eq3A_340 = vector.broadcast %broadcast_in_dim3A_339 : vector<1024x1xf32> to vector<1024x32xf32>
      %eq3A_341 = arith.cmpf oeq, %select_n3A_336, %eq3A_340 : vector<1024x32xf32>
      %broadcast_in_dim3A_342 = vector.broadcast %cond3A_137 : i32 to vector<1024x32xi32>
      %select_n3A_343 = arith.select %eq3A_341, %concatenate3A_157, %broadcast_in_dim3A_342 : vector<1024x32xi1>, vector<1024x32xi32>
      %reduce_min3A_344 = arith.constant dense<2147483647> : vector<1024xi32>
      %reduce_min3A_345 = vector.multi_reduction <minsi>, %select_n3A_343, %reduce_min3A_344 [1] : vector<1024x32xi32> to vector<1024xi32>
      %broadcast_in_dim3A_346 = vector.shape_cast %reduce_min3A_345 : vector<1024xi32> to vector<1024x1xi32>
      %eq3A_347 = vector.broadcast %broadcast_in_dim3A_346 : vector<1024x1xi32> to vector<1024x32xi32>
      %eq3A_348 = arith.cmpi eq, %concatenate3A_157, %eq3A_347 : vector<1024x32xi32>
      %jit3A_349 = arith.constant 0xFF800000 : f32
      %broadcast_in_dim3A_350 = vector.broadcast %jit3A_349 : f32 to vector<1024x32xf32>
      %select_n3A_351 = arith.select %eq3A_348, %broadcast_in_dim3A_350, %select_n3A_336 : vector<1024x32xi1>, vector<1024x32xf32>
      %reduce_max3A_352 = arith.constant dense<0xFF800000> : vector<1024xf32>
      %reduce_max3A_353 = vector.multi_reduction <maximumf>, %select_n3A_351, %reduce_max3A_352 [1] : vector<1024x32xf32> to vector<1024xf32>
      %broadcast_in_dim3A_354 = vector.shape_cast %reduce_max3A_353 : vector<1024xf32> to vector<1024x1xf32>
      %eq3A_355 = vector.broadcast %broadcast_in_dim3A_354 : vector<1024x1xf32> to vector<1024x32xf32>
      %eq3A_356 = arith.cmpf oeq, %select_n3A_351, %eq3A_355 : vector<1024x32xf32>
      %broadcast_in_dim3A_357 = vector.broadcast %cond3A_137 : i32 to vector<1024x32xi32>
      %select_n3A_358 = arith.select %eq3A_356, %concatenate3A_157, %broadcast_in_dim3A_357 : vector<1024x32xi1>, vector<1024x32xi32>
      %reduce_min3A_359 = arith.constant dense<2147483647> : vector<1024xi32>
      %reduce_min3A_360 = vector.multi_reduction <minsi>, %select_n3A_358, %reduce_min3A_359 [1] : vector<1024x32xi32> to vector<1024xi32>
      %broadcast_in_dim3A_361 = vector.shape_cast %reduce_min3A_360 : vector<1024xi32> to vector<1024x1xi32>
      %eq3A_362 = vector.broadcast %broadcast_in_dim3A_361 : vector<1024x1xi32> to vector<1024x32xi32>
      %eq3A_363 = arith.cmpi eq, %concatenate3A_157, %eq3A_362 : vector<1024x32xi32>
      %jit3A_364 = arith.constant 0xFF800000 : f32
      %broadcast_in_dim3A_365 = vector.broadcast %jit3A_364 : f32 to vector<1024x32xf32>
      %select_n3A_366 = arith.select %eq3A_363, %broadcast_in_dim3A_365, %select_n3A_351 : vector<1024x32xi1>, vector<1024x32xf32>
      %reduce_max3A_367 = arith.constant dense<0xFF800000> : vector<1024xf32>
      %reduce_max3A_368 = vector.multi_reduction <maximumf>, %select_n3A_366, %reduce_max3A_367 [1] : vector<1024x32xf32> to vector<1024xf32>
      %broadcast_in_dim3A_369 = vector.shape_cast %reduce_max3A_368 : vector<1024xf32> to vector<1024x1xf32>
      %eq3A_370 = vector.broadcast %broadcast_in_dim3A_369 : vector<1024x1xf32> to vector<1024x32xf32>
      %eq3A_371 = arith.cmpf oeq, %select_n3A_366, %eq3A_370 : vector<1024x32xf32>
      %broadcast_in_dim3A_372 = vector.broadcast %cond3A_137 : i32 to vector<1024x32xi32>
      %select_n3A_373 = arith.select %eq3A_371, %concatenate3A_157, %broadcast_in_dim3A_372 : vector<1024x32xi1>, vector<1024x32xi32>
      %reduce_min3A_374 = arith.constant dense<2147483647> : vector<1024xi32>
      %reduce_min3A_375 = vector.multi_reduction <minsi>, %select_n3A_373, %reduce_min3A_374 [1] : vector<1024x32xi32> to vector<1024xi32>
      %broadcast_in_dim3A_376 = vector.shape_cast %reduce_min3A_375 : vector<1024xi32> to vector<1024x1xi32>
      %eq3A_377 = vector.broadcast %broadcast_in_dim3A_376 : vector<1024x1xi32> to vector<1024x32xi32>
      %eq3A_378 = arith.cmpi eq, %concatenate3A_157, %eq3A_377 : vector<1024x32xi32>
      %jit3A_379 = arith.constant 0xFF800000 : f32
      %broadcast_in_dim3A_380 = vector.broadcast %jit3A_379 : f32 to vector<1024x32xf32>
      %select_n3A_381 = arith.select %eq3A_378, %broadcast_in_dim3A_380, %select_n3A_366 : vector<1024x32xi1>, vector<1024x32xf32>
      %reduce_max3A_382 = arith.constant dense<0xFF800000> : vector<1024xf32>
      %reduce_max3A_383 = vector.multi_reduction <maximumf>, %select_n3A_381, %reduce_max3A_382 [1] : vector<1024x32xf32> to vector<1024xf32>
      %broadcast_in_dim3A_384 = vector.shape_cast %reduce_max3A_383 : vector<1024xf32> to vector<1024x1xf32>
      %eq3A_385 = vector.broadcast %broadcast_in_dim3A_384 : vector<1024x1xf32> to vector<1024x32xf32>
      %eq3A_386 = arith.cmpf oeq, %select_n3A_381, %eq3A_385 : vector<1024x32xf32>
      %broadcast_in_dim3A_387 = vector.broadcast %cond3A_137 : i32 to vector<1024x32xi32>
      %select_n3A_388 = arith.select %eq3A_386, %concatenate3A_157, %broadcast_in_dim3A_387 : vector<1024x32xi1>, vector<1024x32xi32>
      %reduce_min3A_389 = arith.constant dense<2147483647> : vector<1024xi32>
      %reduce_min3A_390 = vector.multi_reduction <minsi>, %select_n3A_388, %reduce_min3A_389 [1] : vector<1024x32xi32> to vector<1024xi32>
      %broadcast_in_dim3A_391 = vector.shape_cast %reduce_min3A_390 : vector<1024xi32> to vector<1024x1xi32>
      %concatenate3A_392 = tpu.concatenate %broadcast_in_dim3A_160, %broadcast_in_dim3A_174, %broadcast_in_dim3A_189, %broadcast_in_dim3A_204, %broadcast_in_dim3A_219, %broadcast_in_dim3A_234, %broadcast_in_dim3A_249, %broadcast_in_dim3A_264, %broadcast_in_dim3A_279, %broadcast_in_dim3A_294, %broadcast_in_dim3A_309, %broadcast_in_dim3A_324, %broadcast_in_dim3A_339, %broadcast_in_dim3A_354, %broadcast_in_dim3A_369, %broadcast_in_dim3A_384 in 1 : vector<1024x1xf32>, vector<1024x1xf32>, vector<1024x1xf32>, vector<1024x1xf32>, vector<1024x1xf32>, vector<1024x1xf32>, vector<1024x1xf32>, vector<1024x1xf32>, vector<1024x1xf32>, vector<1024x1xf32>, vector<1024x1xf32>, vector<1024x1xf32>, vector<1024x1xf32>, vector<1024x1xf32>, vector<1024x1xf32>, vector<1024x1xf32> -> vector<1024x16xf32>
      %swap3A_393 = arith.constant 0 : index
      %swap3A_394 = arith.constant 0 : index
      %swap3A_395 = vector.load %arg6[%swap3A_393, %swap3A_394] : memref<1024x16xf32, #tpu.memory_space<vmem>>, vector<1024x16xf32>
      tpu.vector_store %arg6[%swap3A_393, %swap3A_394], %concatenate3A_392 {strides = array<i32>} : memref<1024x16xf32, #tpu.memory_space<vmem>>, vector<1024x16xf32>,
      %concatenate3A_396 = tpu.concatenate %broadcast_in_dim3A_166, %broadcast_in_dim3A_181, %broadcast_in_dim3A_196, %broadcast_in_dim3A_211, %broadcast_in_dim3A_226, %broadcast_in_dim3A_241, %broadcast_in_dim3A_256, %broadcast_in_dim3A_271, %broadcast_in_dim3A_286, %broadcast_in_dim3A_301, %broadcast_in_dim3A_316, %broadcast_in_dim3A_331, %broadcast_in_dim3A_346, %broadcast_in_dim3A_361, %broadcast_in_dim3A_376, %broadcast_in_dim3A_391 in 1 : vector<1024x1xi32>, vector<1024x1xi32>, vector<1024x1xi32>, vector<1024x1xi32>, vector<1024x1xi32>, vector<1024x1xi32>, vector<1024x1xi32>, vector<1024x1xi32>, vector<1024x1xi32>, vector<1024x1xi32>, vector<1024x1xi32>, vector<1024x1xi32>, vector<1024x1xi32>, vector<1024x1xi32>, vector<1024x1xi32>, vector<1024x1xi32> -> vector<1024x16xi32>
      %swap3A_397 = arith.constant 0 : index
      %swap3A_398 = arith.constant 0 : index
      %swap3A_399 = vector.load %arg7[%swap3A_397, %swap3A_398] : memref<1024x16xi32, #tpu.memory_space<vmem>>, vector<1024x16xi32>
      tpu.vector_store %arg7[%swap3A_397, %swap3A_398], %concatenate3A_396 {strides = array<i32>} : memref<1024x16xi32, #tpu.memory_space<vmem>>, vector<1024x16xi32>,
    } else {
    }
    %eq3A_140 = arith.constant 97 : i32
    %eq3A_141 = arith.cmpi eq, %arg0, %eq3A_140 : i32
    %convert_element_type3A_142 = arith.extui %eq3A_141 : i1 to i32
    %cond3A_143 = arith.constant 0 : i32
    %cond3A_144 = arith.cmpi ne, %convert_element_type3A_142, %cond3A_143 : i32
    scf.if %cond3A_144 {
      %get3A_145 = arith.constant 0 : index
      %get3A_146 = arith.constant 0 : index
      %get3A_147 = vector.load %arg6[%get3A_145, %get3A_146] : memref<1024x16xf32, #tpu.memory_space<vmem>>, vector<1024x16xf32>
      %swap3A_148 = arith.constant 0 : index
      %swap3A_149 = arith.constant 0 : index
      %swap3A_150 = vector.load %arg3[%swap3A_148, %swap3A_149] : memref<1024x16xf32, #tpu.memory_space<vmem>>, vector<1024x16xf32>
      tpu.vector_store %arg3[%swap3A_148, %swap3A_149], %get3A_147 {strides = array<i32>} : memref<1024x16xf32, #tpu.memory_space<vmem>>, vector<1024x16xf32>,
      %get3A_151 = arith.constant 0 : index
      %get3A_152 = arith.constant 0 : index
      %get3A_153 = vector.load %arg7[%get3A_151, %get3A_152] : memref<1024x16xi32, #tpu.memory_space<vmem>>, vector<1024x16xi32>
      %swap3A_154 = arith.constant 0 : index
      %swap3A_155 = arith.constant 0 : index
      %swap3A_156 = vector.load %arg4[%swap3A_154, %swap3A_155] : memref<1024x16xi32, #tpu.memory_space<vmem>>, vector<1024x16xi32>
      tpu.vector_store %arg4[%swap3A_154, %swap3A_155], %get3A_153 {strides = array<i32>} : memref<1024x16xi32, #tpu.memory_space<vmem>>, vector<1024x16xi32>,
    } else {
    }
    return
  }
  func.func @transform_0(%arg0: i32) -> (i32, i32) {
    %c0_i32 = arith.constant 0 : i32
    %c0_i32_0 = arith.constant 0 : i32
    %c0_i32_1 = arith.constant 0 : i32
    return %c0_i32, %c0_i32_0 : i32, i32
  }
  func.func @transform_1(%arg0: i32) -> (i32, i32) {
    %c0_i32 = arith.constant 0 : i32
    %c0_i32_0 = arith.constant 0 : i32
    return %arg0, %c0_i32 : i32, i32
  }
  func.func @transform_2(%arg0: i32) -> (i32, i32) {
    %c0_i32 = arith.constant 0 : i32
    %c0_i32_0 = arith.constant 0 : i32
    %c0_i32_1 = arith.constant 0 : i32
    return %c0_i32, %c0_i32_0 : i32, i32
  }
  func.func @transform_3(%arg0: i32) -> (i32, i32) {
    %c0_i32 = arith.constant 0 : i32
    %c0_i32_0 = arith.constant 0 : i32
    %c0_i32_1 = arith.constant 0 : i32
    return %c0_i32, %c0_i32_0 : i32, i32
  }
}

</mosaic_0001>

<sc_bundles>
// kernel: kernel.4.cloned.1.call-start
scs
__scs_entry_jumppad:
0x0: {  	(pc) =	sbr.rel $0x88, $3  }
0x1: {  	(tag) =	ssettag $0x0;
	lr =	simm.s32 $0x1  }
0x2: {  	[smem:$0x3F9F] =	sst lr;
	_ =	strace $0xD0000000  }
0x3: {  	_ = 	snop  }
0x4: {  	_ = 	snop  }
0x5: {  	_ = 	snop  }
0x6: {  	_ = 	snop  }
0x7: {  	_ = 	snop  }
__scs_overlays_trampoline_lowered:
0x8: {  	[smem:$0x3FAE] =	sst s0  }
0x9: {  	[smem:$0x3FAF] =	sst s1  }
0xa: {  	[smem:$0x3FB0] =	sst s2  }
0xb: {  	[smem:$0x3FB1] =	sst s3  }
0xc: {  	[smem:$0x3FB2] =	sst s4  }
0xd: {  	[smem:$0x3FB3] =	sst s5  }
0xe: {  	[smem:$0x3FB4] =	sst s6  }
0xf: {  	[smem:$0x3FB5] =	sst s7  }
0x10: {  	[smem:$0x3FB6] =	sst s8  }
0x11: {  	[smem:$0x3FB7] =	sst s9;
	s0 =	simm.s32 @!p0 $0x0  }
0x12: {  	s1 =	sld [smem:$0x3F9D];
	s0 =	simm.s32 @p0 $0x1  }
0x13: {  	[smem:$0x3FB8] =	sst s0;
	s0 =	simm.s32 @!p1 $0x0  }
0x14: {  	s2 =	sld [smem:$0x3F9C];
	s0 =	simm.s32 @p1 $0x1  }
0x15: {  	[smem:$0x3FB9] =	sst s0;
	s0 =	simm.s32 @!p2 $0x0  }
0x16: {  	s3 =	sld [smem:$0x3FDB];
	s0 =	simm.s32 @p2 $0x1  }
0x17: {  	s4 =	simm.s32 $0x1BF5;
	[smem:$0x3FBB] =	sst s0  }
0x18: {  	s0 =	sld [smem:$0x3F9E];
	_ =	swait.ge [sflag:s4], $0x0  }
0x19: {  	s7 =	sld [smem:$0x3F9F]  }
0x1a: {  	s8 =	sadd.s32 $0xFFFFE003, lr  }
0x1b: {  	s9 =	sadd.s32 $0xFFFFFEF7, lr;
	s5 =	simm.s32 $0xFFFFFFFF;
	p2 =	slt.u32 s8, $0xFFFFF086  }
0x1c: {  	p1 =	slt.u32 s9, $0xF7A;
	s5 =	simm.s32 @!p2 $0x0  }
0x1d: {  	s5 =	simm.s32 @p1 $0x1;
	p0 =	seq.s32 s7, s2  }
0x1e: {  	s7 =	smul.u32 @!p0 $0xF7A, s2;
	p2 =	seq.s32 @!p0 s5, $0x0  }
0x1f: {  	s9 =	smul.u32 $0xF7A, s1;
	s8 =	simm.s32 @!p0 $0x1BF5;
	p2 =	por !p2, p0  }
0x20: {  	[sflag:s8] =	ssyncset.s32 @!p0 $0xFFFFF086;
	s6 =	sadd.s32 @!p0 s3, s7;
	s7 =	simm.s32 @!p0 $0x108  }
0x21: {  	s3 =	sadd.s32 s3, s9;
	s6 =	sadd.s32 @!p0 $0x88, s6;
	s7 =	simm.s32 @p2 $0x1082  }
0x22: {  	[simem:s7], [sflag:s8] =	dma.local @!p0 [hbm:s6], $0xF7A  }
0x23: {  	s9 =	sor.u32 $0xD0000000, s2;
	s6 =	simm.s32 $0x108;
	_ =	swait.ge @!p0 [sflag:s8], $0x0  }
0x24: {  	s3 =	sadd.s32 $0x88, s3;
	s6 =	simm.s32 @!p1 $0x1082;
	[sflag:s4] =	ssyncset.s32 $0xFFFFF086  }
0x25: {  	[simem:s6], [sflag:s4] =	dma.local [hbm:s3], $0xF7A  }
0x26: {  	[smem:$0x3F9F] =	sst s1;
	(tag) =	ssettag s2;
	_ =	strace s9  }
0x27: {  	s1 =	sld [smem:$0x3FAF]  }
0x28: {  	s2 =	sld [smem:$0x3FB0]  }
0x29: {  	s4 =	sld [smem:$0x3FB2]  }
0x2a: {  	p0 =	seq.s32 s5, $0x0;
	s5 =	sld [smem:$0x3FB3]  }
0x2b: {  	s6 =	sld [smem:$0x3FB4]  }
0x2c: {  	s7 =	sld [smem:$0x3FB5]  }
0x2d: {  	s3 =	simm.s32 $0x108;
	s8 =	sld [smem:$0x3FB6]  }
0x2e: {  	s3 =	simm.s32 @!p0 $0x1082;
	s9 =	sld [smem:$0x3FB7]  }
0x2f: {  	lr =	sadd.s32 s0, s3;
	s0 =	sld [smem:$0x3FAE]  }
0x30: {  	s3 =	sld [smem:$0x3FB1]  }
0x31: {  	[smem:$0x3FBA] =	sst s10  }
0x32: {  	s10 =	sld [smem:$0x3FB8];
	_ =	sdelay $0x3  }
0x33: {  	p0 =	seq.s32 s10, $0x1;
	s10 =	sld [smem:$0x3FBA];
	_ =	sdelay $0x3  }
0x34: {  	[smem:$0x3FBA] =	sst s10  }
0x35: {  	s10 =	sld [smem:$0x3FB9];
	_ =	sdelay $0x3  }
0x36: {  	p1 =	seq.s32 s10, $0x1;
	s10 =	sld [smem:$0x3FBA];
	_ =	sdelay $0x3  }
0x37: {  	[smem:$0x3FBA] =	sst s10  }
0x38: {  	s10 =	sld [smem:$0x3FBB]  }
0x39: {  	_ = 	snop;
	(pc) =	sbr.ind lr, $3  }
0x3a: {  	_ = 	snop  }
0x3b: {  	_ = 	snop  }
0x3c: {  	p2 =	seq.s32 s10, $0x1;
	s10 =	sld [smem:$0x3FBA]  }
0x3d: {  	_ =	shalt  }
0x3e: {  	_ =	shalt  }
0x3f: {  	_ =	shalt  }
0x40: {  	_ =	shalt  }
0x41: {  	_ =	shalt  }
0x42: {  	_ =	shalt  }
0x43: {  	_ =	shalt  }
0x44: {  	_ =	shalt  }
0x45: {  	_ =	shalt  }
0x46: {  	_ =	shalt  }
0x47: {  	_ =	shalt  }
0x48: {  	_ =	shalt  }
0x49: {  	_ =	shalt  }
0x4a: {  	_ =	shalt  }
0x4b: {  	_ =	shalt  }
0x4c: {  	_ =	shalt  }
0x4d: {  	_ =	shalt  }
0x4e: {  	_ =	shalt  }
0x4f: {  	_ =	shalt  }
0x50: {  	_ =	shalt  }
0x51: {  	_ =	shalt  }
0x52: {  	_ =	shalt  }
0x53: {  	_ =	shalt  }
0x54: {  	_ =	shalt  }
0x55: {  	_ =	shalt  }
0x56: {  	_ =	shalt  }
0x57: {  	_ =	shalt  }
0x58: {  	_ =	shalt  }
0x59: {  	_ =	shalt  }
0x5a: {  	_ =	shalt  }
0x5b: {  	_ =	shalt  }
0x5c: {  	_ =	shalt  }
0x5d: {  	_ =	shalt  }
0x5e: {  	_ =	shalt  }
0x5f: {  	_ =	shalt  }
0x60: {  	_ =	shalt  }
0x61: {  	_ =	shalt  }
0x62: {  	_ =	shalt  }
0x63: {  	_ =	shalt  }
0x64: {  	_ =	shalt  }
0x65: {  	_ =	shalt  }
0x66: {  	_ =	shalt  }
0x67: {  	_ =	shalt  }
0x68: {  	_ =	shalt  }
0x69: {  	_ =	shalt  }
0x6a: {  	_ =	shalt  }
0x6b: {  	_ =	shalt  }
0x6c: {  	_ =	shalt  }
0x6d: {  	_ =	shalt  }
0x6e: {  	_ =	shalt  }
0x6f: {  	_ =	shalt  }
0x70: {  	_ =	shalt  }
0x71: {  	_ =	shalt  }
0x72: {  	_ =	shalt  }
0x73: {  	_ =	shalt  }
0x74: {  	_ =	shalt  }
0x75: {  	_ =	shalt  }
0x76: {  	_ =	shalt  }
0x77: {  	_ =	shalt  }
0x78: {  	_ =	shalt  }
0x79: {  	_ =	shalt  }
0x7a: {  	_ =	shalt  }
0x7b: {  	_ =	shalt  }
0x7c: {  	_ =	shalt  }
0x7d: {  	_ =	shalt  }
0x7e: {  	_ =	shalt  }
0x7f: {  	_ =	shalt  }
0x80: {  	_ =	shalt  }
0x81: {  	_ =	shalt  }
0x82: {  	_ =	shalt  }
0x83: {  	_ =	shalt  }
0x84: {  	_ =	shalt  }
0x85: {  	_ =	shalt  }
0x86: {  	_ =	shalt  }
0x87: {  	_ =	shalt  }
.Lfunc_end0:
.L_simem_size_0:
called_computation_lowered:
.L_overlay_start_0:
0x88: {  	s2 =	sld [smem:$0x3FD9]  }
0x89: {  	s3 =	sld [smem:$0x3FFE];
	_ =	sdelay $0x1  }
0x8a: {  	s1 =	srdreg.scid  }
0x8b: {  	s0 =	sand.u32 $0x1, s1  }
0x8c: {  	s14 =	sshll.u32 s0, $0xA;
	s2 =	sadd.s32 s3, s2  }
0x8d: {  	s2 =	sadd.s32 s2, s14  }
0x8e: {  	[smem:$0x3FC6] =	sst s2  }
0x8f: {  	_ = 	snop  }
0x90: {  	s2 =	sld [smem:$0x3FD0];
	_ =	sdelay $0x2  }
0x91: {  	s4 =	simm.s32 $0xA;
	s5 =	simm.s32 $0x10;
	s15 =	sld [smem:$0x3FC8]  }
0x92: {  	[smem:s5], [sflag:s4] =	dma.local [hbm:s2], $0x1  }
0x93: {  	_ =	swait.eq [sflag:s4], $0x1  }
0x94: {  	[sflag:s4] =	ssyncset.done $0x0  }
0x95: {  	[sflag:s4] =	ssyncadd.s32 $0xFFFFFFFF  }
0x96: {  	s16 =	sld [smem:$0x12];
	(tm) =	ssettm $0x1  }
0x97: {  	s17 =	sld [smem:$0x3FFB];
	_ =	sdelay $0x3  }
0x98: {  	_ =	strace s17  }
0x99: {  	s4 =	sld [smem:$0x3FFC];
	_ =	sdelay $0x3  }
0x9a: {  	_ =	strace s4  }
0x9b: {  	s4 =	sld [smem:$0x3FFD];
	_ =	sdelay $0x3  }
0x9c: {  	_ =	strace s4  }
0x9d: {  	_ =	strace $0x8FFFFFFF  }
0x9e: {  	s18 =	sld [smem:$0x3FDB];
	_ =	sdelay $0x1  }
0x9f: {  	s19 =	simm.s32 $_scs_section_size  }
0xa0: {  	s6 =	simm.s32 $_size__tile_overlayer_lowered;
	s7 =	simm.s32 $_tile_overlayer_lowered  }
0xa1: {  	s22 =	simm.s32 $0x1BFF;
	s21 =	sshll.u32 s7, $0x1;
	s4 =	sadd.s32 s19, s18  }
0xa2: {  	s8 =	simm.s32 $0x0;
	s20 =	sshll.u32 s6, $0x1;
	s6 =	sadd.s32 s21, s4  }
0xa3: {  	[timem:s8], [sflag:s22] =	dma.local [hbm:s6], s20  }
0xa4: {  	_ =	swait.ge [sflag:s22], s20  }
0xa5: {  	s5 =	ssub.s32 $0x0, s20;
	[sflag:s22] =	ssyncset.done $0x0  }
0xa6: {  	[sflag:s22] =	ssyncadd.s32 s5;
	_ =	sdelay $0x1  }
0xa7: {  	s23 =	simm.s32 $0x1B8B  }
0xa8: {  	_ =	swait.ge [sflag:s23], $0x1  }
0xa9: {  	[sflag:s23] =	ssyncset.done $0x0  }
0xaa: {  	s25 =	simm.s32 $0x1B8E;
	s24 =	sld [smem:$0x3FFE];
	[sflag:s23] =	ssyncadd.s32 $0xFFFFFFFF  }
0xab: {  	s26 =	simm.s32 $execute0_lowered;
	[smem:$0x3FD2] =	sst s25  }
0xac: {  	s6 =	sshll.u32 s26, $0x1;
	_ =	strace $0x80000046;
	[dreg:$0x1] =	wrdreg $0xFFFFFFFF  }
0xad: {  	s28 =	simm.s32 $_size_execute0_lowered;
	s4 =	sadd.s32 s4, s6;
	[dreg:$0x0] =	wrdreg $0x0  }
0xae: {  	s6 =	sshll.u32 s28, $0x1;
	[dreg:$0x2] =	wrdreg s4  }
0xaf: {  	[dreg:$0x3] =	wrdreg s6  }
0xb0: {  	[dreg:$0x4] =	wrdreg $0xC0  }
0xb1: {  	_ =	task [dreg:s8], $0x5FFFF  }
0xb2: {  	[dreg:$0x1] =	wrdreg $0xFFFFFFFF  }
0xb3: {  	[dreg:$0x0] =	wrdreg $0x60  }
0xb4: {  	[dreg:$0x2] =	wrdreg s15  }
0xb5: {  	[dreg:$0x3] =	wrdreg s24  }
0xb6: {  	[dreg:$0x4] =	wrdreg s16  }
0xb7: {  	[dreg:$0x5] =	wrdreg $0x9  }
0xb8: {  	_ =	task.clear_ibuf [dreg:s8], $0x6FFFF;
	_ =	strace $0x90000046  }
0xb9: {  	s29 =	simm.s32 $0x9;
	_ =	strace $0x80000048  }
0xba: {  	_ =	swait.ge [sflag:s29], $0x1  }
0xbb: {  	[sflag:s29] =	ssyncadd.s32 $0xFFFFFFFF  }
0xbc: {  	_ =	strace $0x90000048  }
0xbd: {  	_ =	sfence  }
0xbe: {  	s30 =	sld [smem:$0x0];
	_ =	sdelay $0x2  }
0xbf: {  	s31 =	sshll.u32 s1, $0xD;
	s1 =	sshrl.u32 s1, $0x2  }
0xc0: {  	s3 =	sand.u32 $0x4000, s31;
	s1 =	sadd.s32 s1, s30  }
0xc1: {  	s0 =	sor.u32 s3, s0;
	s1 =	sshll.u32 s1, $0x11  }
0xc2: {  	s0 =	sor.u32 s1, s0  }
0xc3: {  	s0 =	sadd.s32 $0x8F2B, s0  }
0xc4: {  	[sflag:s0] =	ssyncadd.remote.s32 $0x1  }
0xc5: {  	_ =	sfence.sel $0xFFFF  }
0xc6: {  	[dreg:$0x0] =	wrdreg $0xFFFFFFFF;
	(pc) =	sbr.abs _section_cstart, $3  }
0xc7: {  	[dreg:$0x1] =	wrdreg $0xFFFFFFFF  }
0xc8: {  	_ =	task.clear_ibuf [dreg:s8], $0x2FFFF;
	_ =	strace $0x9FFFFFFF  }
0xc9: {  	(tm) =	ssettm $0x7FFFFFFF  }
tec
execute0_lowered:
.L_overlay_start_1:
0x0: {  	(tag) =	ssettag $0x1  }
0x1: {  	s1 =	rddreg [dreg:$0x0]  }
0x2: {  	s4 =	rddreg [dreg:$0x1]  }
0x3: {  	s6 =	rddreg [dreg:$0x2]  }
0x4: {  	s0 =	rddreg [dreg:$0x3]  }
0x5: {  	s5 =	srdreg.scid;
	s2 =	stileid.u32  }
0x6: {  	s3 =	simm.s32 $0x0;
	s10 =	simm.s32 $0xA00;
	s11 =	simm.s32 $0x1200  }
0x7: {  	s12 =	simm.s32 $0x1A00;
	s13 =	simm.s32 $0x1;
	s14 =	simm.s32 $0x2200  }
0x8: {  	s15 =	simm.s32 $0x0;
	s5 =	sand.u32 $0x1, s5;
	s7 =	sshll.u32 s2, $0x1  }
0x9: {  	[smem:$0x7FF] =	sst s3;
	s7 =	sor.u32 s5, s7;
	s5 =	ssub.s32 $0x2, s5  }
0xa: {  	_ =	strace $0x80000047;
	s8 =	sshll.u32 s7, $0x6;
	s9 =	sshrl.u32 s5, $0x1  }
0xb: {  	v2 =	vlaneseq.u32;
	s7 =	sshll.u32 s7, $0xB;
	s4 =	sadd.s32 s8, s4;
	s31 =	ssub.s32 s5, s9  }
0xc: {  	vm0 =	vmmov $0xffff;
	v1 =	vshrl.u32 v2, $0x3;
	s5 =	sadd.s32 $0x100, s1;
	s6 =	sadd.s32 s6, s7;
	s8 =	simm.s32 $0x2  }
0xd: {  	v0 =	vand.u32 $0x7, v2;
	v2 =	vor.u32 $0x8, v2;
	v1 =	vmul.u32 $0x8, v1;
	s9 =	simm.s32 $0x200;
	s4 =	sadd.s32 $0x8200, s4;
	s7 =	smax.u32 s31, $0x1  }
.LBB2_1:
0xe: {  	[tilespmem:s3], [sflag:$0x2] =	stream.linear.gather [hbm4b:s4+s3], $0x200, $0x38;
	[tilespmem:$0x6200] =	vst v63  }
0xf: {  	_ =	swait.ge [sflag:s8], $0x200  }
0x10: {  	s16 =	simm.s32 $0x0;
	[sflag:s8] =	ssyncset.done $0x0  }
0x11: {  	s17 =	simm.s32 $0x0;
	s18 =	simm.s32 $0x0;
	[sflag:s8] =	ssyncadd.s32 $0xFFFFFE00  }
.LBB2_2:
0x12: {  	v3 =	vld [tilespmem:s16+$0x0];
	_ =	sdelay $0x4  }
0x13: {  	v4 =	vshll.u32 v3, $0x2  }
0x14: {  	v3 =	vand.u32 $0x7, v3;
	v4 =	vand.u32 $0xFFFFFFE0, v4  }
0x15: {  	v3 =	vor.u32 v3, v4  }
0x16: {  	v4 =	vperm.xlane v3, v0;
	_ =	sdelay $0x1  }
0x17: {  	v4 =	vadd.s32 v1, v4;
	_ =	sdelay $0x1  }
0x18: {  	v3 =	vperm.xlane v3, v2;
	_ =	sdelay $0x1  }
0x19: {  	v3 =	vadd.s32 v1, v3  }
0x1a: {  	[tilespmem:s9], [sflag:$0x1] =	stream.indirect_vreg.gather [hbm4b:s1+s3], $0x80, v4, vm0, $0xb8;
	[tilespmem:$0x6200] =	vst v63  }
0x1b: {  	_ = 	snop  }
0x1c: {  	[tilespmem:s10], [sflag:$0x1] =	stream.indirect_vreg.gather [hbm4b:s5+s3], $0x80, v4, vm0, $0xb8;
	[tilespmem:$0x6200] =	vst v63  }
0x1d: {  	_ = 	snop  }
0x1e: {  	[tilespmem:s11], [sflag:$0x1] =	stream.indirect_vreg.gather [hbm4b:s1+s3], $0x80, v3, vm0, $0xb8;
	[tilespmem:$0x6200] =	vst v63  }
0x1f: {  	_ = 	snop  }
0x20: {  	[tilespmem:s12], [sflag:$0x1] =	stream.indirect_vreg.gather [hbm4b:s5+s3], $0x80, v3, vm0, $0xb8;
	[tilespmem:$0x6200] =	vst v63  }
0x21: {  	_ =	swait.ge [sflag:s13], $0x2000  }
0x22: {  	[sflag:s13] =	ssyncset.done $0x0  }
0x23: {  	[sflag:s13] =	ssyncadd.s32 $0xFFFFE000  }
0x24: {  	v3 =	vld [tilespmem:$0x200]  }
0x25: {  	v26 =	vld [tilespmem:$0x280];
	_ =	sdelay $0x1  }
0x26: {  	v5 =	vld [tilespmem:$0x300];
	_ =	sdelay $0x1  }
0x27: {  	v6 =	vld [tilespmem:$0x380]  }
0x28: {  	v3 =	vadd.f32 v26, v3  }
0x29: {  	v27 =	vld [tilespmem:$0x400]  }
0x2a: {  	v3 =	vadd.f32 v5, v3  }
0x2b: {  	v28 =	vld [tilespmem:$0x480]  }
0x2c: {  	v3 =	vadd.f32 v6, v3  }
0x2d: {  	v29 =	vld [tilespmem:$0x500]  }
0x2e: {  	v3 =	vadd.f32 v27, v3  }
0x2f: {  	v30 =	vld [tilespmem:$0x580]  }
0x30: {  	v3 =	vadd.f32 v28, v3  }
0x31: {  	v31 =	vld [tilespmem:$0x1200]  }
0x32: {  	v3 =	vadd.f32 v29, v3  }
0x33: {  	v32 =	vld [tilespmem:$0x1280]  }
0x34: {  	v3 =	vadd.f32 v30, v3  }
0x35: {  	v33 =	vld [tilespmem:$0x1300]  }
0x36: {  	v3 =	vadd.f32 v31, v3  }
0x37: {  	v34 =	vld [tilespmem:$0x1380]  }
0x38: {  	v3 =	vadd.f32 v32, v3  }
0x39: {  	v35 =	vld [tilespmem:$0x1400]  }
0x3a: {  	v3 =	vadd.f32 v33, v3  }
0x3b: {  	v36 =	vld [tilespmem:$0x1480]  }
0x3c: {  	v3 =	vadd.f32 v34, v3  }
0x3d: {  	v37 =	vld [tilespmem:$0x1500]  }
0x3e: {  	v3 =	vadd.f32 v35, v3  }
0x3f: {  	v38 =	vld [tilespmem:$0x1580]  }
0x40: {  	v3 =	vadd.f32 v36, v3;
	_ =	sdelay $0x1  }
0x41: {  	v3 =	vadd.f32 v37, v3;
	_ =	sdelay $0x1  }
0x42: {  	v3 =	vadd.f32 v38, v3;
	_ =	sdelay $0x1  }
0x43: {  	s19 =	sand.u32 $0x3000, s18;
	s20 =	sand.u32 $0x380, s17;
	v3 =	vmul.f32 $6.250000000e-02, v3  }
0x44: {  	s19 =	sor.u32 s20, s19  }
0x45: {  	[tilespmem:s19+$0x2200] =	vst v3  }
0x46: {  	v3 =	vld [tilespmem:$0x210]  }
0x47: {  	v39 =	vld [tilespmem:$0x290];
	_ =	sdelay $0x1  }
0x48: {  	v40 =	vld [tilespmem:$0x310];
	_ =	sdelay $0x1  }
0x49: {  	v41 =	vld [tilespmem:$0x390]  }
0x4a: {  	v3 =	vadd.f32 v39, v3  }
0x4b: {  	v42 =	vld [tilespmem:$0x410]  }
0x4c: {  	v3 =	vadd.f32 v40, v3  }
0x4d: {  	v43 =	vld [tilespmem:$0x490]  }
0x4e: {  	v3 =	vadd.f32 v41, v3  }
0x4f: {  	v44 =	vld [tilespmem:$0x510]  }
0x50: {  	v3 =	vadd.f32 v42, v3  }
0x51: {  	v45 =	vld [tilespmem:$0x590]  }
0x52: {  	v3 =	vadd.f32 v43, v3  }
0x53: {  	v46 =	vld [tilespmem:$0x1210]  }
0x54: {  	v3 =	vadd.f32 v44, v3  }
0x55: {  	v47 =	vld [tilespmem:$0x1290]  }
0x56: {  	v3 =	vadd.f32 v45, v3  }
0x57: {  	v48 =	vld [tilespmem:$0x1310]  }
0x58: {  	v3 =	vadd.f32 v46, v3  }
0x59: {  	v49 =	vld [tilespmem:$0x1390]  }
0x5a: {  	v3 =	vadd.f32 v47, v3  }
0x5b: {  	v50 =	vld [tilespmem:$0x1410]  }
0x5c: {  	v3 =	vadd.f32 v48, v3  }
0x5d: {  	v51 =	vld [tilespmem:$0x1490]  }
0x5e: {  	v3 =	vadd.f32 v49, v3  }
0x5f: {  	v52 =	vld [tilespmem:$0x1510]  }
0x60: {  	v3 =	vadd.f32 v50, v3  }
0x61: {  	v53 =	vld [tilespmem:$0x1590]  }
0x62: {  	v3 =	vadd.f32 v51, v3;
	_ =	sdelay $0x1  }
0x63: {  	v3 =	vadd.f32 v52, v3;
	_ =	sdelay $0x1  }
0x64: {  	v3 =	vadd.f32 v53, v3;
	_ =	sdelay $0x1  }
0x65: {  	v3 =	vmul.f32 $6.250000000e-02, v3;
	_ =	sdelay $0x1  }
0x66: {  	[tilespmem:s19+$0x2210] =	vst v3  }
0x67: {  	v3 =	vld [tilespmem:$0x220]  }
0x68: {  	v54 =	vld [tilespmem:$0x2A0];
	_ =	sdelay $0x1  }
0x69: {  	v55 =	vld [tilespmem:$0x320];
	_ =	sdelay $0x1  }
0x6a: {  	v56 =	vld [tilespmem:$0x3A0]  }
0x6b: {  	v3 =	vadd.f32 v54, v3  }
0x6c: {  	v57 =	vld [tilespmem:$0x420]  }
0x6d: {  	v3 =	vadd.f32 v55, v3  }
0x6e: {  	v58 =	vld [tilespmem:$0x4A0]  }
0x6f: {  	v3 =	vadd.f32 v56, v3  }
0x70: {  	v59 =	vld [tilespmem:$0x520]  }
0x71: {  	v3 =	vadd.f32 v57, v3  }
0x72: {  	v60 =	vld [tilespmem:$0x5A0]  }
0x73: {  	v3 =	vadd.f32 v58, v3  }
0x74: {  	v61 =	vld [tilespmem:$0x1220]  }
0x75: {  	v3 =	vadd.f32 v59, v3  }
0x76: {  	v62 =	vld [tilespmem:$0x12A0]  }
0x77: {  	v3 =	vadd.f32 v60, v3  }
0x78: {  	v63 =	vld [tilespmem:$0x1320]  }
0x79: {  	v3 =	vadd.f32 v61, v3  }
0x7a: {  	v9 =	vld [tilespmem:$0x13A0]  }
0x7b: {  	v3 =	vadd.f32 v62, v3  }
0x7c: {  	v10 =	vld [tilespmem:$0x1420]  }
0x7d: {  	v3 =	vadd.f32 v63, v3  }
0x7e: {  	v11 =	vld [tilespmem:$0x14A0]  }
0x7f: {  	v3 =	vadd.f32 v9, v3  }
0x80: {  	v12 =	vld [tilespmem:$0x1520]  }
0x81: {  	v3 =	vadd.f32 v10, v3  }
0x82: {  	v13 =	vld [tilespmem:$0x15A0]  }
0x83: {  	v3 =	vadd.f32 v11, v3;
	_ =	sdelay $0x1  }
0x84: {  	v3 =	vadd.f32 v12, v3;
	_ =	sdelay $0x1  }
0x85: {  	v3 =	vadd.f32 v13, v3;
	_ =	sdelay $0x1  }
0x86: {  	v3 =	vmul.f32 $6.250000000e-02, v3;
	_ =	sdelay $0x1  }
0x87: {  	[tilespmem:s19+$0x2220] =	vst v3  }
0x88: {  	v3 =	vld [tilespmem:$0x230]  }
0x89: {  	v14 =	vld [tilespmem:$0x2B0];
	_ =	sdelay $0x1  }
0x8a: {  	v15 =	vld [tilespmem:$0x330];
	_ =	sdelay $0x1  }
0x8b: {  	v16 =	vld [tilespmem:$0x3B0]  }
0x8c: {  	v3 =	vadd.f32 v14, v3  }
0x8d: {  	v17 =	vld [tilespmem:$0x430]  }
0x8e: {  	v3 =	vadd.f32 v15, v3  }
0x8f: {  	v18 =	vld [tilespmem:$0x4B0]  }
0x90: {  	v3 =	vadd.f32 v16, v3  }
0x91: {  	v19 =	vld [tilespmem:$0x530]  }
0x92: {  	v3 =	vadd.f32 v17, v3  }
0x93: {  	v20 =	vld [tilespmem:$0x5B0]  }
0x94: {  	v3 =	vadd.f32 v18, v3  }
0x95: {  	v21 =	vld [tilespmem:$0x1230]  }
0x96: {  	v3 =	vadd.f32 v19, v3  }
0x97: {  	v22 =	vld [tilespmem:$0x12B0]  }
0x98: {  	v3 =	vadd.f32 v20, v3  }
0x99: {  	v23 =	vld [tilespmem:$0x1330]  }
0x9a: {  	v3 =	vadd.f32 v21, v3  }
0x9b: {  	v24 =	vld [tilespmem:$0x13B0]  }
0x9c: {  	v3 =	vadd.f32 v22, v3  }
0x9d: {  	v25 =	vld [tilespmem:$0x1430]  }
0x9e: {  	v3 =	vadd.f32 v23, v3  }
0x9f: {  	v26 =	vld [tilespmem:$0x14B0]  }
0xa0: {  	v3 =	vadd.f32 v24, v3  }
0xa1: {  	v27 =	vld [tilespmem:$0x1530]  }
0xa2: {  	v3 =	vadd.f32 v25, v3  }
0xa3: {  	v28 =	vld [tilespmem:$0x15B0]  }
0xa4: {  	v3 =	vadd.f32 v26, v3;
	_ =	sdelay $0x1  }
0xa5: {  	v3 =	vadd.f32 v27, v3;
	_ =	sdelay $0x1  }
0xa6: {  	v3 =	vadd.f32 v28, v3;
	_ =	sdelay $0x1  }
0xa7: {  	v3 =	vmul.f32 $6.250000000e-02, v3;
	_ =	sdelay $0x1  }
0xa8: {  	[tilespmem:s19+$0x2230] =	vst v3  }
0xa9: {  	v3 =	vld [tilespmem:$0x240]  }
0xaa: {  	v29 =	vld [tilespmem:$0x2C0];
	_ =	sdelay $0x1  }
0xab: {  	v30 =	vld [tilespmem:$0x340];
	_ =	sdelay $0x1  }
0xac: {  	v31 =	vld [tilespmem:$0x3C0]  }
0xad: {  	v3 =	vadd.f32 v29, v3  }
0xae: {  	v32 =	vld [tilespmem:$0x440]  }
0xaf: {  	v3 =	vadd.f32 v30, v3  }
0xb0: {  	v33 =	vld [tilespmem:$0x4C0]  }
0xb1: {  	v3 =	vadd.f32 v31, v3  }
0xb2: {  	v34 =	vld [tilespmem:$0x540]  }
0xb3: {  	v3 =	vadd.f32 v32, v3  }
0xb4: {  	v35 =	vld [tilespmem:$0x5C0]  }
0xb5: {  	v3 =	vadd.f32 v33, v3  }
0xb6: {  	v36 =	vld [tilespmem:$0x1240]  }
0xb7: {  	v3 =	vadd.f32 v34, v3  }
0xb8: {  	v37 =	vld [tilespmem:$0x12C0]  }
0xb9: {  	v3 =	vadd.f32 v35, v3  }
0xba: {  	v38 =	vld [tilespmem:$0x1340]  }
0xbb: {  	v3 =	vadd.f32 v36, v3  }
0xbc: {  	v39 =	vld [tilespmem:$0x13C0]  }
0xbd: {  	v3 =	vadd.f32 v37, v3  }
0xbe: {  	v40 =	vld [tilespmem:$0x1440]  }
0xbf: {  	v3 =	vadd.f32 v38, v3  }
0xc0: {  	v41 =	vld [tilespmem:$0x14C0]  }
0xc1: {  	v3 =	vadd.f32 v39, v3  }
0xc2: {  	v42 =	vld [tilespmem:$0x1540]  }
0xc3: {  	v3 =	vadd.f32 v40, v3  }
0xc4: {  	v43 =	vld [tilespmem:$0x15C0]  }
0xc5: {  	v3 =	vadd.f32 v41, v3;
	_ =	sdelay $0x1  }
0xc6: {  	v3 =	vadd.f32 v42, v3;
	_ =	sdelay $0x1  }
0xc7: {  	v3 =	vadd.f32 v43, v3;
	_ =	sdelay $0x1  }
0xc8: {  	v3 =	vmul.f32 $6.250000000e-02, v3;
	_ =	sdelay $0x1  }
0xc9: {  	[tilespmem:s19+$0x2240] =	vst v3  }
0xca: {  	v3 =	vld [tilespmem:$0x250]  }
0xcb: {  	v44 =	vld [tilespmem:$0x2D0];
	_ =	sdelay $0x1  }
0xcc: {  	v45 =	vld [tilespmem:$0x350];
	_ =	sdelay $0x1  }
0xcd: {  	v46 =	vld [tilespmem:$0x3D0]  }
0xce: {  	v3 =	vadd.f32 v44, v3  }
0xcf: {  	v47 =	vld [tilespmem:$0x450]  }
0xd0: {  	v3 =	vadd.f32 v45, v3  }
0xd1: {  	v48 =	vld [tilespmem:$0x4D0]  }
0xd2: {  	v3 =	vadd.f32 v46, v3  }
0xd3: {  	v49 =	vld [tilespmem:$0x550]  }
0xd4: {  	v3 =	vadd.f32 v47, v3  }
0xd5: {  	v50 =	vld [tilespmem:$0x5D0]  }
0xd6: {  	v3 =	vadd.f32 v48, v3  }
0xd7: {  	v51 =	vld [tilespmem:$0x1250]  }
0xd8: {  	v3 =	vadd.f32 v49, v3  }
0xd9: {  	v52 =	vld [tilespmem:$0x12D0]  }
0xda: {  	v3 =	vadd.f32 v50, v3  }
0xdb: {  	v53 =	vld [tilespmem:$0x1350]  }
0xdc: {  	v3 =	vadd.f32 v51, v3  }
0xdd: {  	v54 =	vld [tilespmem:$0x13D0]  }
0xde: {  	v3 =	vadd.f32 v52, v3  }
0xdf: {  	v55 =	vld [tilespmem:$0x1450]  }
0xe0: {  	v3 =	vadd.f32 v53, v3  }
0xe1: {  	v56 =	vld [tilespmem:$0x14D0]  }
0xe2: {  	v3 =	vadd.f32 v54, v3  }
0xe3: {  	v57 =	vld [tilespmem:$0x1550]  }
0xe4: {  	v3 =	vadd.f32 v55, v3  }
0xe5: {  	v58 =	vld [tilespmem:$0x15D0]  }
0xe6: {  	v3 =	vadd.f32 v56, v3;
	_ =	sdelay $0x1  }
0xe7: {  	v3 =	vadd.f32 v57, v3;
	_ =	sdelay $0x1  }
0xe8: {  	v3 =	vadd.f32 v58, v3;
	_ =	sdelay $0x1  }
0xe9: {  	v3 =	vmul.f32 $6.250000000e-02, v3;
	_ =	sdelay $0x1  }
0xea: {  	[tilespmem:s19+$0x2250] =	vst v3  }
0xeb: {  	v3 =	vld [tilespmem:$0x260]  }
0xec: {  	v59 =	vld [tilespmem:$0x2E0];
	_ =	sdelay $0x1  }
0xed: {  	v60 =	vld [tilespmem:$0x360];
	_ =	sdelay $0x1  }
0xee: {  	v61 =	vld [tilespmem:$0x3E0]  }
0xef: {  	v3 =	vadd.f32 v59, v3  }
0xf0: {  	v62 =	vld [tilespmem:$0x460]  }
0xf1: {  	v3 =	vadd.f32 v60, v3  }
0xf2: {  	v63 =	vld [tilespmem:$0x4E0]  }
0xf3: {  	v3 =	vadd.f32 v61, v3  }
0xf4: {  	v9 =	vld [tilespmem:$0x560]  }
0xf5: {  	v3 =	vadd.f32 v62, v3  }
0xf6: {  	v10 =	vld [tilespmem:$0x5E0]  }
0xf7: {  	v3 =	vadd.f32 v63, v3  }
0xf8: {  	v11 =	vld [tilespmem:$0x1260]  }
0xf9: {  	v3 =	vadd.f32 v9, v3  }
0xfa: {  	v12 =	vld [tilespmem:$0x12E0]  }
0xfb: {  	v3 =	vadd.f32 v10, v3  }
0xfc: {  	v13 =	vld [tilespmem:$0x1360]  }
0xfd: {  	v3 =	vadd.f32 v11, v3  }
0xfe: {  	v14 =	vld [tilespmem:$0x13E0]  }
0xff: {  	v3 =	vadd.f32 v12, v3  }
0x100: {  	v15 =	vld [tilespmem:$0x1460]  }
0x101: {  	v3 =	vadd.f32 v13, v3  }
0x102: {  	v16 =	vld [tilespmem:$0x14E0]  }
0x103: {  	v3 =	vadd.f32 v14, v3  }
0x104: {  	v17 =	vld [tilespmem:$0x1560]  }
0x105: {  	v3 =	vadd.f32 v15, v3  }
0x106: {  	v18 =	vld [tilespmem:$0x15E0]  }
0x107: {  	v3 =	vadd.f32 v16, v3;
	_ =	sdelay $0x1  }
0x108: {  	v3 =	vadd.f32 v17, v3;
	_ =	sdelay $0x1  }
0x109: {  	v3 =	vadd.f32 v18, v3;
	_ =	sdelay $0x1  }
0x10a: {  	v3 =	vmul.f32 $6.250000000e-02, v3;
	_ =	sdelay $0x1  }
0x10b: {  	[tilespmem:s19+$0x2260] =	vst v3  }
0x10c: {  	v3 =	vld [tilespmem:$0x270]  }
0x10d: {  	v19 =	vld [tilespmem:$0x2F0];
	_ =	sdelay $0x1  }
0x10e: {  	v20 =	vld [tilespmem:$0x370];
	_ =	sdelay $0x1  }
0x10f: {  	v21 =	vld [tilespmem:$0x3F0]  }
0x110: {  	v3 =	vadd.f32 v19, v3  }
0x111: {  	v22 =	vld [tilespmem:$0x470]  }
0x112: {  	v3 =	vadd.f32 v20, v3  }
0x113: {  	v23 =	vld [tilespmem:$0x4F0]  }
0x114: {  	v3 =	vadd.f32 v21, v3  }
0x115: {  	v24 =	vld [tilespmem:$0x570]  }
0x116: {  	v3 =	vadd.f32 v22, v3  }
0x117: {  	v25 =	vld [tilespmem:$0x5F0]  }
0x118: {  	v3 =	vadd.f32 v23, v3  }
0x119: {  	v26 =	vld [tilespmem:$0x1270]  }
0x11a: {  	v3 =	vadd.f32 v24, v3  }
0x11b: {  	v27 =	vld [tilespmem:$0x12F0]  }
0x11c: {  	v3 =	vadd.f32 v25, v3  }
0x11d: {  	v28 =	vld [tilespmem:$0x1370]  }
0x11e: {  	v3 =	vadd.f32 v26, v3  }
0x11f: {  	v29 =	vld [tilespmem:$0x13F0]  }
0x120: {  	v3 =	vadd.f32 v27, v3  }
0x121: {  	v30 =	vld [tilespmem:$0x1470]  }
0x122: {  	v3 =	vadd.f32 v28, v3  }
0x123: {  	v31 =	vld [tilespmem:$0x14F0]  }
0x124: {  	v3 =	vadd.f32 v29, v3  }
0x125: {  	v32 =	vld [tilespmem:$0x1570]  }
0x126: {  	v3 =	vadd.f32 v30, v3  }
0x127: {  	v33 =	vld [tilespmem:$0x15F0]  }
0x128: {  	v3 =	vadd.f32 v31, v3;
	_ =	sdelay $0x1  }
0x129: {  	v3 =	vadd.f32 v32, v3;
	_ =	sdelay $0x1  }
0x12a: {  	v3 =	vadd.f32 v33, v3;
	_ =	sdelay $0x1  }
0x12b: {  	v3 =	vmul.f32 $6.250000000e-02, v3;
	_ =	sdelay $0x1  }
0x12c: {  	[tilespmem:s19+$0x2270] =	vst v3  }
0x12d: {  	v3 =	vld [tilespmem:$0x600]  }
0x12e: {  	v34 =	vld [tilespmem:$0x680];
	_ =	sdelay $0x1  }
0x12f: {  	v35 =	vld [tilespmem:$0x700];
	_ =	sdelay $0x1  }
0x130: {  	v36 =	vld [tilespmem:$0x780]  }
0x131: {  	v3 =	vadd.f32 v34, v3  }
0x132: {  	v37 =	vld [tilespmem:$0x800]  }
0x133: {  	v3 =	vadd.f32 v35, v3  }
0x134: {  	v38 =	vld [tilespmem:$0x880]  }
0x135: {  	v3 =	vadd.f32 v36, v3  }
0x136: {  	v39 =	vld [tilespmem:$0x900]  }
0x137: {  	v3 =	vadd.f32 v37, v3  }
0x138: {  	v40 =	vld [tilespmem:$0x980]  }
0x139: {  	v3 =	vadd.f32 v38, v3  }
0x13a: {  	v41 =	vld [tilespmem:$0x1600]  }
0x13b: {  	v3 =	vadd.f32 v39, v3  }
0x13c: {  	v42 =	vld [tilespmem:$0x1680]  }
0x13d: {  	v3 =	vadd.f32 v40, v3  }
0x13e: {  	v43 =	vld [tilespmem:$0x1700]  }
0x13f: {  	v3 =	vadd.f32 v41, v3  }
0x140: {  	v44 =	vld [tilespmem:$0x1780]  }
0x141: {  	v3 =	vadd.f32 v42, v3  }
0x142: {  	v45 =	vld [tilespmem:$0x1800]  }
0x143: {  	v3 =	vadd.f32 v43, v3  }
0x144: {  	v46 =	vld [tilespmem:$0x1880]  }
0x145: {  	v3 =	vadd.f32 v44, v3  }
0x146: {  	v47 =	vld [tilespmem:$0x1900]  }
0x147: {  	v3 =	vadd.f32 v45, v3  }
0x148: {  	v48 =	vld [tilespmem:$0x1980]  }
0x149: {  	v3 =	vadd.f32 v46, v3;
	_ =	sdelay $0x1  }
0x14a: {  	v3 =	vadd.f32 v47, v3;
	_ =	sdelay $0x1  }
0x14b: {  	v3 =	vadd.f32 v48, v3;
	_ =	sdelay $0x1  }
0x14c: {  	v3 =	vmul.f32 $6.250000000e-02, v3;
	_ =	sdelay $0x1  }
0x14d: {  	[tilespmem:s19+$0x2600] =	vst v3  }
0x14e: {  	v3 =	vld [tilespmem:$0x610]  }
0x14f: {  	v49 =	vld [tilespmem:$0x690];
	_ =	sdelay $0x1  }
0x150: {  	v50 =	vld [tilespmem:$0x710];
	_ =	sdelay $0x1  }
0x151: {  	v51 =	vld [tilespmem:$0x790]  }
0x152: {  	v3 =	vadd.f32 v49, v3  }
0x153: {  	v52 =	vld [tilespmem:$0x810]  }
0x154: {  	v3 =	vadd.f32 v50, v3  }
0x155: {  	v53 =	vld [tilespmem:$0x890]  }
0x156: {  	v3 =	vadd.f32 v51, v3  }
0x157: {  	v54 =	vld [tilespmem:$0x910]  }
0x158: {  	v3 =	vadd.f32 v52, v3  }
0x159: {  	v55 =	vld [tilespmem:$0x990]  }
0x15a: {  	v3 =	vadd.f32 v53, v3  }
0x15b: {  	v56 =	vld [tilespmem:$0x1610]  }
0x15c: {  	v3 =	vadd.f32 v54, v3  }
0x15d: {  	v57 =	vld [tilespmem:$0x1690]  }
0x15e: {  	v3 =	vadd.f32 v55, v3  }
0x15f: {  	v58 =	vld [tilespmem:$0x1710]  }
0x160: {  	v3 =	vadd.f32 v56, v3  }
0x161: {  	v59 =	vld [tilespmem:$0x1790]  }
0x162: {  	v3 =	vadd.f32 v57, v3  }
0x163: {  	v60 =	vld [tilespmem:$0x1810]  }
0x164: {  	v3 =	vadd.f32 v58, v3  }
0x165: {  	v61 =	vld [tilespmem:$0x1890]  }
0x166: {  	v3 =	vadd.f32 v59, v3  }
0x167: {  	v62 =	vld [tilespmem:$0x1910]  }
0x168: {  	v3 =	vadd.f32 v60, v3  }
0x169: {  	v63 =	vld [tilespmem:$0x1990]  }
0x16a: {  	v3 =	vadd.f32 v61, v3;
	_ =	sdelay $0x1  }
0x16b: {  	v3 =	vadd.f32 v62, v3;
	_ =	sdelay $0x1  }
0x16c: {  	v3 =	vadd.f32 v63, v3;
	_ =	sdelay $0x1  }
0x16d: {  	v3 =	vmul.f32 $6.250000000e-02, v3;
	_ =	sdelay $0x1  }
0x16e: {  	[tilespmem:s19+$0x2610] =	vst v3  }
0x16f: {  	v3 =	vld [tilespmem:$0x620]  }
0x170: {  	v9 =	vld [tilespmem:$0x6A0];
	_ =	sdelay $0x1  }
0x171: {  	v10 =	vld [tilespmem:$0x720];
	_ =	sdelay $0x1  }
0x172: {  	v11 =	vld [tilespmem:$0x7A0]  }
0x173: {  	v3 =	vadd.f32 v9, v3  }
0x174: {  	v12 =	vld [tilespmem:$0x820]  }
0x175: {  	v3 =	vadd.f32 v10, v3  }
0x176: {  	v13 =	vld [tilespmem:$0x8A0]  }
0x177: {  	v3 =	vadd.f32 v11, v3  }
0x178: {  	v14 =	vld [tilespmem:$0x920]  }
0x179: {  	v3 =	vadd.f32 v12, v3  }
0x17a: {  	v15 =	vld [tilespmem:$0x9A0]  }
0x17b: {  	v3 =	vadd.f32 v13, v3  }
0x17c: {  	v16 =	vld [tilespmem:$0x1620]  }
0x17d: {  	v3 =	vadd.f32 v14, v3  }
0x17e: {  	v17 =	vld [tilespmem:$0x16A0]  }
0x17f: {  	v3 =	vadd.f32 v15, v3  }
0x180: {  	v18 =	vld [tilespmem:$0x1720]  }
0x181: {  	v3 =	vadd.f32 v16, v3  }
0x182: {  	v19 =	vld [tilespmem:$0x17A0]  }
0x183: {  	v3 =	vadd.f32 v17, v3  }
0x184: {  	v20 =	vld [tilespmem:$0x1820]  }
0x185: {  	v3 =	vadd.f32 v18, v3  }
0x186: {  	v21 =	vld [tilespmem:$0x18A0]  }
0x187: {  	v3 =	vadd.f32 v19, v3  }
0x188: {  	v22 =	vld [tilespmem:$0x1920]  }
0x189: {  	v3 =	vadd.f32 v20, v3  }
0x18a: {  	v23 =	vld [tilespmem:$0x19A0]  }
0x18b: {  	v3 =	vadd.f32 v21, v3;
	_ =	sdelay $0x1  }
0x18c: {  	v3 =	vadd.f32 v22, v3;
	_ =	sdelay $0x1  }
0x18d: {  	v3 =	vadd.f32 v23, v3;
	_ =	sdelay $0x1  }
0x18e: {  	v3 =	vmul.f32 $6.250000000e-02, v3;
	_ =	sdelay $0x1  }
0x18f: {  	[tilespmem:s19+$0x2620] =	vst v3  }
0x190: {  	v3 =	vld [tilespmem:$0x630]  }
0x191: {  	v24 =	vld [tilespmem:$0x6B0];
	_ =	sdelay $0x1  }
0x192: {  	v25 =	vld [tilespmem:$0x730];
	_ =	sdelay $0x1  }
0x193: {  	v26 =	vld [tilespmem:$0x7B0]  }
0x194: {  	v3 =	vadd.f32 v24, v3  }
0x195: {  	v27 =	vld [tilespmem:$0x830]  }
0x196: {  	v3 =	vadd.f32 v25, v3  }
0x197: {  	v28 =	vld [tilespmem:$0x8B0]  }
0x198: {  	v3 =	vadd.f32 v26, v3  }
0x199: {  	v29 =	vld [tilespmem:$0x930]  }
0x19a: {  	v3 =	vadd.f32 v27, v3  }
0x19b: {  	v30 =	vld [tilespmem:$0x9B0]  }
0x19c: {  	v3 =	vadd.f32 v28, v3  }
0x19d: {  	v31 =	vld [tilespmem:$0x1630]  }
0x19e: {  	v3 =	vadd.f32 v29, v3  }
0x19f: {  	v32 =	vld [tilespmem:$0x16B0]  }
0x1a0: {  	v3 =	vadd.f32 v30, v3  }
0x1a1: {  	v33 =	vld [tilespmem:$0x1730]  }
0x1a2: {  	v3 =	vadd.f32 v31, v3  }
0x1a3: {  	v34 =	vld [tilespmem:$0x17B0]  }
0x1a4: {  	v3 =	vadd.f32 v32, v3  }
0x1a5: {  	v35 =	vld [tilespmem:$0x1830]  }
0x1a6: {  	v3 =	vadd.f32 v33, v3  }
0x1a7: {  	v36 =	vld [tilespmem:$0x18B0]  }
0x1a8: {  	v3 =	vadd.f32 v34, v3  }
0x1a9: {  	v37 =	vld [tilespmem:$0x1930]  }
0x1aa: {  	v3 =	vadd.f32 v35, v3  }
0x1ab: {  	v38 =	vld [tilespmem:$0x19B0]  }
0x1ac: {  	v3 =	vadd.f32 v36, v3;
	_ =	sdelay $0x1  }
0x1ad: {  	v3 =	vadd.f32 v37, v3;
	_ =	sdelay $0x1  }
0x1ae: {  	v3 =	vadd.f32 v38, v3;
	_ =	sdelay $0x1  }
0x1af: {  	v3 =	vmul.f32 $6.250000000e-02, v3;
	_ =	sdelay $0x1  }
0x1b0: {  	[tilespmem:s19+$0x2630] =	vst v3  }
0x1b1: {  	v3 =	vld [tilespmem:$0x640]  }
0x1b2: {  	v39 =	vld [tilespmem:$0x6C0];
	_ =	sdelay $0x1  }
0x1b3: {  	v40 =	vld [tilespmem:$0x740];
	_ =	sdelay $0x1  }
0x1b4: {  	v41 =	vld [tilespmem:$0x7C0]  }
0x1b5: {  	v3 =	vadd.f32 v39, v3  }
0x1b6: {  	v42 =	vld [tilespmem:$0x840]  }
0x1b7: {  	v3 =	vadd.f32 v40, v3  }
0x1b8: {  	v43 =	vld [tilespmem:$0x8C0]  }
0x1b9: {  	v3 =	vadd.f32 v41, v3  }
0x1ba: {  	v44 =	vld [tilespmem:$0x940]  }
0x1bb: {  	v3 =	vadd.f32 v42, v3  }
0x1bc: {  	v45 =	vld [tilespmem:$0x9C0]  }
0x1bd: {  	v3 =	vadd.f32 v43, v3  }
0x1be: {  	v46 =	vld [tilespmem:$0x1640]  }
0x1bf: {  	v3 =	vadd.f32 v44, v3  }
0x1c0: {  	v47 =	vld [tilespmem:$0x16C0]  }
0x1c1: {  	v3 =	vadd.f32 v45, v3  }
0x1c2: {  	v48 =	vld [tilespmem:$0x1740]  }
0x1c3: {  	v3 =	vadd.f32 v46, v3  }
0x1c4: {  	v49 =	vld [tilespmem:$0x17C0]  }
0x1c5: {  	v3 =	vadd.f32 v47, v3  }
0x1c6: {  	v50 =	vld [tilespmem:$0x1840]  }
0x1c7: {  	v3 =	vadd.f32 v48, v3  }
0x1c8: {  	v51 =	vld [tilespmem:$0x18C0]  }
0x1c9: {  	v3 =	vadd.f32 v49, v3  }
0x1ca: {  	v52 =	vld [tilespmem:$0x1940]  }
0x1cb: {  	v3 =	vadd.f32 v50, v3  }
0x1cc: {  	v53 =	vld [tilespmem:$0x19C0]  }
0x1cd: {  	v3 =	vadd.f32 v51, v3;
	_ =	sdelay $0x1  }
0x1ce: {  	v3 =	vadd.f32 v52, v3;
	_ =	sdelay $0x1  }
0x1cf: {  	v3 =	vadd.f32 v53, v3;
	_ =	sdelay $0x1  }
0x1d0: {  	v3 =	vmul.f32 $6.250000000e-02, v3;
	_ =	sdelay $0x1  }
0x1d1: {  	[tilespmem:s19+$0x2640] =	vst v3  }
0x1d2: {  	v3 =	vld [tilespmem:$0x650]  }
0x1d3: {  	v54 =	vld [tilespmem:$0x6D0];
	_ =	sdelay $0x1  }
0x1d4: {  	v55 =	vld [tilespmem:$0x750];
	_ =	sdelay $0x1  }
0x1d5: {  	v56 =	vld [tilespmem:$0x7D0]  }
0x1d6: {  	v3 =	vadd.f32 v54, v3  }
0x1d7: {  	v57 =	vld [tilespmem:$0x850]  }
0x1d8: {  	v3 =	vadd.f32 v55, v3  }
0x1d9: {  	v58 =	vld [tilespmem:$0x8D0]  }
0x1da: {  	v3 =	vadd.f32 v56, v3  }
0x1db: {  	v59 =	vld [tilespmem:$0x950]  }
0x1dc: {  	v3 =	vadd.f32 v57, v3  }
0x1dd: {  	v60 =	vld [tilespmem:$0x9D0]  }
0x1de: {  	v3 =	vadd.f32 v58, v3  }
0x1df: {  	v61 =	vld [tilespmem:$0x1650]  }
0x1e0: {  	v3 =	vadd.f32 v59, v3  }
0x1e1: {  	v62 =	vld [tilespmem:$0x16D0]  }
0x1e2: {  	v3 =	vadd.f32 v60, v3  }
0x1e3: {  	v63 =	vld [tilespmem:$0x1750]  }
0x1e4: {  	v3 =	vadd.f32 v61, v3  }
0x1e5: {  	v9 =	vld [tilespmem:$0x17D0]  }
0x1e6: {  	v3 =	vadd.f32 v62, v3  }
0x1e7: {  	v10 =	vld [tilespmem:$0x1850]  }
0x1e8: {  	v3 =	vadd.f32 v63, v3  }
0x1e9: {  	v11 =	vld [tilespmem:$0x18D0]  }
0x1ea: {  	v3 =	vadd.f32 v9, v3  }
0x1eb: {  	v12 =	vld [tilespmem:$0x1950]  }
0x1ec: {  	v3 =	vadd.f32 v10, v3  }
0x1ed: {  	v13 =	vld [tilespmem:$0x19D0]  }
0x1ee: {  	v3 =	vadd.f32 v11, v3;
	_ =	sdelay $0x1  }
0x1ef: {  	v3 =	vadd.f32 v12, v3;
	_ =	sdelay $0x1  }
0x1f0: {  	v3 =	vadd.f32 v13, v3;
	_ =	sdelay $0x1  }
0x1f1: {  	v3 =	vmul.f32 $6.250000000e-02, v3;
	_ =	sdelay $0x1  }
0x1f2: {  	[tilespmem:s19+$0x2650] =	vst v3  }
0x1f3: {  	v3 =	vld [tilespmem:$0x660]  }
0x1f4: {  	v14 =	vld [tilespmem:$0x6E0];
	_ =	sdelay $0x1  }
0x1f5: {  	v15 =	vld [tilespmem:$0x760];
	_ =	sdelay $0x1  }
0x1f6: {  	v16 =	vld [tilespmem:$0x7E0]  }
0x1f7: {  	v3 =	vadd.f32 v14, v3  }
0x1f8: {  	v17 =	vld [tilespmem:$0x860]  }
0x1f9: {  	v3 =	vadd.f32 v15, v3  }
0x1fa: {  	v18 =	vld [tilespmem:$0x8E0]  }
0x1fb: {  	v3 =	vadd.f32 v16, v3  }
0x1fc: {  	v19 =	vld [tilespmem:$0x960]  }
0x1fd: {  	v3 =	vadd.f32 v17, v3  }
0x1fe: {  	v20 =	vld [tilespmem:$0x9E0]  }
0x1ff: {  	v3 =	vadd.f32 v18, v3  }
0x200: {  	v21 =	vld [tilespmem:$0x1660]  }
0x201: {  	v3 =	vadd.f32 v19, v3  }
0x202: {  	v22 =	vld [tilespmem:$0x16E0]  }
0x203: {  	v3 =	vadd.f32 v20, v3  }
0x204: {  	v23 =	vld [tilespmem:$0x1760]  }
0x205: {  	v3 =	vadd.f32 v21, v3  }
0x206: {  	v24 =	vld [tilespmem:$0x17E0]  }
0x207: {  	v3 =	vadd.f32 v22, v3  }
0x208: {  	v25 =	vld [tilespmem:$0x1860]  }
0x209: {  	v3 =	vadd.f32 v23, v3  }
0x20a: {  	v26 =	vld [tilespmem:$0x18E0]  }
0x20b: {  	v3 =	vadd.f32 v24, v3  }
0x20c: {  	v27 =	vld [tilespmem:$0x1960]  }
0x20d: {  	v3 =	vadd.f32 v25, v3  }
0x20e: {  	v28 =	vld [tilespmem:$0x19E0]  }
0x20f: {  	v3 =	vadd.f32 v26, v3;
	_ =	sdelay $0x1  }
0x210: {  	v3 =	vadd.f32 v27, v3;
	_ =	sdelay $0x1  }
0x211: {  	v3 =	vadd.f32 v28, v3;
	_ =	sdelay $0x1  }
0x212: {  	v3 =	vmul.f32 $6.250000000e-02, v3;
	_ =	sdelay $0x1  }
0x213: {  	[tilespmem:s19+$0x2660] =	vst v3  }
0x214: {  	v3 =	vld [tilespmem:$0x670]  }
0x215: {  	v29 =	vld [tilespmem:$0x6F0];
	_ =	sdelay $0x1  }
0x216: {  	v30 =	vld [tilespmem:$0x770];
	_ =	sdelay $0x1  }
0x217: {  	v31 =	vld [tilespmem:$0x7F0]  }
0x218: {  	v3 =	vadd.f32 v29, v3  }
0x219: {  	v32 =	vld [tilespmem:$0x870]  }
0x21a: {  	v3 =	vadd.f32 v30, v3  }
0x21b: {  	v33 =	vld [tilespmem:$0x8F0]  }
0x21c: {  	v3 =	vadd.f32 v31, v3  }
0x21d: {  	v34 =	vld [tilespmem:$0x970]  }
0x21e: {  	v3 =	vadd.f32 v32, v3  }
0x21f: {  	v35 =	vld [tilespmem:$0x9F0]  }
0x220: {  	v3 =	vadd.f32 v33, v3  }
0x221: {  	v36 =	vld [tilespmem:$0x1670]  }
0x222: {  	v3 =	vadd.f32 v34, v3  }
0x223: {  	v37 =	vld [tilespmem:$0x16F0]  }
0x224: {  	v3 =	vadd.f32 v35, v3  }
0x225: {  	v38 =	vld [tilespmem:$0x1770]  }
0x226: {  	v3 =	vadd.f32 v36, v3  }
0x227: {  	v39 =	vld [tilespmem:$0x17F0]  }
0x228: {  	v3 =	vadd.f32 v37, v3  }
0x229: {  	v40 =	vld [tilespmem:$0x1870]  }
0x22a: {  	v3 =	vadd.f32 v38, v3  }
0x22b: {  	v41 =	vld [tilespmem:$0x18F0]  }
0x22c: {  	v3 =	vadd.f32 v39, v3  }
0x22d: {  	v42 =	vld [tilespmem:$0x1970]  }
0x22e: {  	v3 =	vadd.f32 v40, v3  }
0x22f: {  	v43 =	vld [tilespmem:$0x19F0]  }
0x230: {  	v3 =	vadd.f32 v41, v3;
	_ =	sdelay $0x1  }
0x231: {  	v3 =	vadd.f32 v42, v3;
	_ =	sdelay $0x1  }
0x232: {  	v3 =	vadd.f32 v43, v3;
	_ =	sdelay $0x1  }
0x233: {  	v3 =	vmul.f32 $6.250000000e-02, v3;
	_ =	sdelay $0x1  }
0x234: {  	[tilespmem:s19+$0x2670] =	vst v3  }
0x235: {  	v3 =	vld [tilespmem:$0xA00]  }
0x236: {  	v44 =	vld [tilespmem:$0xA80];
	_ =	sdelay $0x1  }
0x237: {  	v45 =	vld [tilespmem:$0xB00];
	_ =	sdelay $0x1  }
0x238: {  	v46 =	vld [tilespmem:$0xB80]  }
0x239: {  	v3 =	vadd.f32 v44, v3  }
0x23a: {  	v47 =	vld [tilespmem:$0xC00]  }
0x23b: {  	v3 =	vadd.f32 v45, v3  }
0x23c: {  	v48 =	vld [tilespmem:$0xC80]  }
0x23d: {  	v3 =	vadd.f32 v46, v3  }
0x23e: {  	v49 =	vld [tilespmem:$0xD00]  }
0x23f: {  	v3 =	vadd.f32 v47, v3  }
0x240: {  	v50 =	vld [tilespmem:$0xD80]  }
0x241: {  	v3 =	vadd.f32 v48, v3  }
0x242: {  	v51 =	vld [tilespmem:$0x1A00]  }
0x243: {  	v3 =	vadd.f32 v49, v3  }
0x244: {  	v52 =	vld [tilespmem:$0x1A80]  }
0x245: {  	v3 =	vadd.f32 v50, v3  }
0x246: {  	v53 =	vld [tilespmem:$0x1B00]  }
0x247: {  	v3 =	vadd.f32 v51, v3  }
0x248: {  	v54 =	vld [tilespmem:$0x1B80]  }
0x249: {  	v3 =	vadd.f32 v52, v3  }
0x24a: {  	v55 =	vld [tilespmem:$0x1C00]  }
0x24b: {  	v3 =	vadd.f32 v53, v3  }
0x24c: {  	v56 =	vld [tilespmem:$0x1C80]  }
0x24d: {  	v3 =	vadd.f32 v54, v3  }
0x24e: {  	v57 =	vld [tilespmem:$0x1D00]  }
0x24f: {  	v3 =	vadd.f32 v55, v3  }
0x250: {  	v58 =	vld [tilespmem:$0x1D80]  }
0x251: {  	v3 =	vadd.f32 v56, v3;
	_ =	sdelay $0x1  }
0x252: {  	v3 =	vadd.f32 v57, v3;
	_ =	sdelay $0x1  }
0x253: {  	v3 =	vadd.f32 v58, v3;
	_ =	sdelay $0x1  }
0x254: {  	v3 =	vmul.f32 $6.250000000e-02, v3;
	_ =	sdelay $0x1  }
0x255: {  	[tilespmem:s19+$0x2A00] =	vst v3  }
0x256: {  	v3 =	vld [tilespmem:$0xA10]  }
0x257: {  	v59 =	vld [tilespmem:$0xA90];
	_ =	sdelay $0x1  }
0x258: {  	v60 =	vld [tilespmem:$0xB10];
	_ =	sdelay $0x1  }
0x259: {  	v61 =	vld [tilespmem:$0xB90]  }
0x25a: {  	v3 =	vadd.f32 v59, v3  }
0x25b: {  	v62 =	vld [tilespmem:$0xC10]  }
0x25c: {  	v3 =	vadd.f32 v60, v3  }
0x25d: {  	v63 =	vld [tilespmem:$0xC90]  }
0x25e: {  	v3 =	vadd.f32 v61, v3  }
0x25f: {  	v9 =	vld [tilespmem:$0xD10]  }
0x260: {  	v3 =	vadd.f32 v62, v3  }
0x261: {  	v10 =	vld [tilespmem:$0xD90]  }
0x262: {  	v3 =	vadd.f32 v63, v3  }
0x263: {  	v11 =	vld [tilespmem:$0x1A10]  }
0x264: {  	v3 =	vadd.f32 v9, v3  }
0x265: {  	v12 =	vld [tilespmem:$0x1A90]  }
0x266: {  	v3 =	vadd.f32 v10, v3  }
0x267: {  	v13 =	vld [tilespmem:$0x1B10]  }
0x268: {  	v3 =	vadd.f32 v11, v3  }
0x269: {  	v14 =	vld [tilespmem:$0x1B90]  }
0x26a: {  	v3 =	vadd.f32 v12, v3  }
0x26b: {  	v15 =	vld [tilespmem:$0x1C10]  }
0x26c: {  	v3 =	vadd.f32 v13, v3  }
0x26d: {  	v16 =	vld [tilespmem:$0x1C90]  }
0x26e: {  	v3 =	vadd.f32 v14, v3  }
0x26f: {  	v17 =	vld [tilespmem:$0x1D10]  }
0x270: {  	v3 =	vadd.f32 v15, v3  }
0x271: {  	v18 =	vld [tilespmem:$0x1D90]  }
0x272: {  	v3 =	vadd.f32 v16, v3;
	_ =	sdelay $0x1  }
0x273: {  	v3 =	vadd.f32 v17, v3;
	_ =	sdelay $0x1  }
0x274: {  	v3 =	vadd.f32 v18, v3;
	_ =	sdelay $0x1  }
0x275: {  	v3 =	vmul.f32 $6.250000000e-02, v3;
	_ =	sdelay $0x1  }
0x276: {  	[tilespmem:s19+$0x2A10] =	vst v3  }
0x277: {  	v3 =	vld [tilespmem:$0xA20]  }
0x278: {  	v19 =	vld [tilespmem:$0xAA0];
	_ =	sdelay $0x1  }
0x279: {  	v20 =	vld [tilespmem:$0xB20];
	_ =	sdelay $0x1  }
0x27a: {  	v21 =	vld [tilespmem:$0xBA0]  }
0x27b: {  	v3 =	vadd.f32 v19, v3  }
0x27c: {  	v22 =	vld [tilespmem:$0xC20]  }
0x27d: {  	v3 =	vadd.f32 v20, v3  }
0x27e: {  	v23 =	vld [tilespmem:$0xCA0]  }
0x27f: {  	v3 =	vadd.f32 v21, v3  }
0x280: {  	v24 =	vld [tilespmem:$0xD20]  }
0x281: {  	v3 =	vadd.f32 v22, v3  }
0x282: {  	v25 =	vld [tilespmem:$0xDA0]  }
0x283: {  	v3 =	vadd.f32 v23, v3  }
0x284: {  	v26 =	vld [tilespmem:$0x1A20]  }
0x285: {  	v3 =	vadd.f32 v24, v3  }
0x286: {  	v27 =	vld [tilespmem:$0x1AA0]  }
0x287: {  	v3 =	vadd.f32 v25, v3  }
0x288: {  	v28 =	vld [tilespmem:$0x1B20]  }
0x289: {  	v3 =	vadd.f32 v26, v3  }
0x28a: {  	v29 =	vld [tilespmem:$0x1BA0]  }
0x28b: {  	v3 =	vadd.f32 v27, v3  }
0x28c: {  	v30 =	vld [tilespmem:$0x1C20]  }
0x28d: {  	v3 =	vadd.f32 v28, v3  }
0x28e: {  	v31 =	vld [tilespmem:$0x1CA0]  }
0x28f: {  	v3 =	vadd.f32 v29, v3  }
0x290: {  	v32 =	vld [tilespmem:$0x1D20]  }
0x291: {  	v3 =	vadd.f32 v30, v3  }
0x292: {  	v33 =	vld [tilespmem:$0x1DA0]  }
0x293: {  	v3 =	vadd.f32 v31, v3;
	_ =	sdelay $0x1  }
0x294: {  	v3 =	vadd.f32 v32, v3;
	_ =	sdelay $0x1  }
0x295: {  	v3 =	vadd.f32 v33, v3;
	_ =	sdelay $0x1  }
0x296: {  	v3 =	vmul.f32 $6.250000000e-02, v3;
	_ =	sdelay $0x1  }
0x297: {  	[tilespmem:s19+$0x2A20] =	vst v3  }
0x298: {  	v3 =	vld [tilespmem:$0xA30]  }
0x299: {  	v34 =	vld [tilespmem:$0xAB0];
	_ =	sdelay $0x1  }
0x29a: {  	v35 =	vld [tilespmem:$0xB30];
	_ =	sdelay $0x1  }
0x29b: {  	v36 =	vld [tilespmem:$0xBB0]  }
0x29c: {  	v3 =	vadd.f32 v34, v3  }
0x29d: {  	v37 =	vld [tilespmem:$0xC30]  }
0x29e: {  	v3 =	vadd.f32 v35, v3  }
0x29f: {  	v38 =	vld [tilespmem:$0xCB0]  }
0x2a0: {  	v3 =	vadd.f32 v36, v3  }
0x2a1: {  	v39 =	vld [tilespmem:$0xD30]  }
0x2a2: {  	v3 =	vadd.f32 v37, v3  }
0x2a3: {  	v40 =	vld [tilespmem:$0xDB0]  }
0x2a4: {  	v3 =	vadd.f32 v38, v3  }
0x2a5: {  	v41 =	vld [tilespmem:$0x1A30]  }
0x2a6: {  	v3 =	vadd.f32 v39, v3  }
0x2a7: {  	v42 =	vld [tilespmem:$0x1AB0]  }
0x2a8: {  	v3 =	vadd.f32 v40, v3  }
0x2a9: {  	v43 =	vld [tilespmem:$0x1B30]  }
0x2aa: {  	v3 =	vadd.f32 v41, v3  }
0x2ab: {  	v44 =	vld [tilespmem:$0x1BB0]  }
0x2ac: {  	v3 =	vadd.f32 v42, v3  }
0x2ad: {  	v45 =	vld [tilespmem:$0x1C30]  }
0x2ae: {  	v3 =	vadd.f32 v43, v3  }
0x2af: {  	v46 =	vld [tilespmem:$0x1CB0]  }
0x2b0: {  	v3 =	vadd.f32 v44, v3  }
0x2b1: {  	v47 =	vld [tilespmem:$0x1D30]  }
0x2b2: {  	v3 =	vadd.f32 v45, v3  }
0x2b3: {  	v48 =	vld [tilespmem:$0x1DB0]  }
0x2b4: {  	v3 =	vadd.f32 v46, v3;
	_ =	sdelay $0x1  }
0x2b5: {  	v3 =	vadd.f32 v47, v3;
	_ =	sdelay $0x1  }
0x2b6: {  	v3 =	vadd.f32 v48, v3;
	_ =	sdelay $0x1  }
0x2b7: {  	v3 =	vmul.f32 $6.250000000e-02, v3;
	_ =	sdelay $0x1  }
0x2b8: {  	[tilespmem:s19+$0x2A30] =	vst v3  }
0x2b9: {  	v3 =	vld [tilespmem:$0xA40]  }
0x2ba: {  	v49 =	vld [tilespmem:$0xAC0];
	_ =	sdelay $0x1  }
0x2bb: {  	v50 =	vld [tilespmem:$0xB40];
	_ =	sdelay $0x1  }
0x2bc: {  	v51 =	vld [tilespmem:$0xBC0]  }
0x2bd: {  	v3 =	vadd.f32 v49, v3  }
0x2be: {  	v52 =	vld [tilespmem:$0xC40]  }
0x2bf: {  	v3 =	vadd.f32 v50, v3  }
0x2c0: {  	v53 =	vld [tilespmem:$0xCC0]  }
0x2c1: {  	v3 =	vadd.f32 v51, v3  }
0x2c2: {  	v54 =	vld [tilespmem:$0xD40]  }
0x2c3: {  	v3 =	vadd.f32 v52, v3  }
0x2c4: {  	v55 =	vld [tilespmem:$0xDC0]  }
0x2c5: {  	v3 =	vadd.f32 v53, v3  }
0x2c6: {  	v56 =	vld [tilespmem:$0x1A40]  }
0x2c7: {  	v3 =	vadd.f32 v54, v3  }
0x2c8: {  	v57 =	vld [tilespmem:$0x1AC0]  }
0x2c9: {  	v3 =	vadd.f32 v55, v3  }
0x2ca: {  	v58 =	vld [tilespmem:$0x1B40]  }
0x2cb: {  	v3 =	vadd.f32 v56, v3  }
0x2cc: {  	v59 =	vld [tilespmem:$0x1BC0]  }
0x2cd: {  	v3 =	vadd.f32 v57, v3  }
0x2ce: {  	v60 =	vld [tilespmem:$0x1C40]  }
0x2cf: {  	v3 =	vadd.f32 v58, v3  }
0x2d0: {  	v61 =	vld [tilespmem:$0x1CC0]  }
0x2d1: {  	v3 =	vadd.f32 v59, v3  }
0x2d2: {  	v62 =	vld [tilespmem:$0x1D40]  }
0x2d3: {  	v3 =	vadd.f32 v60, v3  }
0x2d4: {  	v63 =	vld [tilespmem:$0x1DC0]  }
0x2d5: {  	v3 =	vadd.f32 v61, v3;
	_ =	sdelay $0x1  }
0x2d6: {  	v3 =	vadd.f32 v62, v3;
	_ =	sdelay $0x1  }
0x2d7: {  	v3 =	vadd.f32 v63, v3;
	_ =	sdelay $0x1  }
0x2d8: {  	v3 =	vmul.f32 $6.250000000e-02, v3;
	_ =	sdelay $0x1  }
0x2d9: {  	[tilespmem:s19+$0x2A40] =	vst v3  }
0x2da: {  	v3 =	vld [tilespmem:$0xA50]  }
0x2db: {  	v9 =	vld [tilespmem:$0xAD0];
	_ =	sdelay $0x1  }
0x2dc: {  	v10 =	vld [tilespmem:$0xB50];
	_ =	sdelay $0x1  }
0x2dd: {  	v11 =	vld [tilespmem:$0xBD0]  }
0x2de: {  	v3 =	vadd.f32 v9, v3  }
0x2df: {  	v12 =	vld [tilespmem:$0xC50]  }
0x2e0: {  	v3 =	vadd.f32 v10, v3  }
0x2e1: {  	v13 =	vld [tilespmem:$0xCD0]  }
0x2e2: {  	v3 =	vadd.f32 v11, v3  }
0x2e3: {  	v14 =	vld [tilespmem:$0xD50]  }
0x2e4: {  	v3 =	vadd.f32 v12, v3  }
0x2e5: {  	v15 =	vld [tilespmem:$0xDD0]  }
0x2e6: {  	v3 =	vadd.f32 v13, v3  }
0x2e7: {  	v16 =	vld [tilespmem:$0x1A50]  }
0x2e8: {  	v3 =	vadd.f32 v14, v3  }
0x2e9: {  	v17 =	vld [tilespmem:$0x1AD0]  }
0x2ea: {  	v3 =	vadd.f32 v15, v3  }
0x2eb: {  	v18 =	vld [tilespmem:$0x1B50]  }
0x2ec: {  	v3 =	vadd.f32 v16, v3  }
0x2ed: {  	v19 =	vld [tilespmem:$0x1BD0]  }
0x2ee: {  	v3 =	vadd.f32 v17, v3  }
0x2ef: {  	v20 =	vld [tilespmem:$0x1C50]  }
0x2f0: {  	v3 =	vadd.f32 v18, v3  }
0x2f1: {  	v21 =	vld [tilespmem:$0x1CD0]  }
0x2f2: {  	v3 =	vadd.f32 v19, v3  }
0x2f3: {  	v22 =	vld [tilespmem:$0x1D50]  }
0x2f4: {  	v3 =	vadd.f32 v20, v3  }
0x2f5: {  	v23 =	vld [tilespmem:$0x1DD0]  }
0x2f6: {  	v3 =	vadd.f32 v21, v3;
	_ =	sdelay $0x1  }
0x2f7: {  	v3 =	vadd.f32 v22, v3;
	_ =	sdelay $0x1  }
0x2f8: {  	v3 =	vadd.f32 v23, v3;
	_ =	sdelay $0x1  }
0x2f9: {  	v3 =	vmul.f32 $6.250000000e-02, v3;
	_ =	sdelay $0x1  }
0x2fa: {  	[tilespmem:s19+$0x2A50] =	vst v3  }
0x2fb: {  	v3 =	vld [tilespmem:$0xA60]  }
0x2fc: {  	v24 =	vld [tilespmem:$0xAE0];
	_ =	sdelay $0x1  }
0x2fd: {  	v25 =	vld [tilespmem:$0xB60];
	_ =	sdelay $0x1  }
0x2fe: {  	v26 =	vld [tilespmem:$0xBE0]  }
0x2ff: {  	v3 =	vadd.f32 v24, v3  }
0x300: {  	v27 =	vld [tilespmem:$0xC60]  }
0x301: {  	v3 =	vadd.f32 v25, v3  }
0x302: {  	v28 =	vld [tilespmem:$0xCE0]  }
0x303: {  	v3 =	vadd.f32 v26, v3  }
0x304: {  	v29 =	vld [tilespmem:$0xD60]  }
0x305: {  	v3 =	vadd.f32 v27, v3  }
0x306: {  	v30 =	vld [tilespmem:$0xDE0]  }
0x307: {  	v3 =	vadd.f32 v28, v3  }
0x308: {  	v31 =	vld [tilespmem:$0x1A60]  }
0x309: {  	v3 =	vadd.f32 v29, v3  }
0x30a: {  	v32 =	vld [tilespmem:$0x1AE0]  }
0x30b: {  	v3 =	vadd.f32 v30, v3  }
0x30c: {  	v33 =	vld [tilespmem:$0x1B60]  }
0x30d: {  	v3 =	vadd.f32 v31, v3  }
0x30e: {  	v34 =	vld [tilespmem:$0x1BE0]  }
0x30f: {  	v3 =	vadd.f32 v32, v3  }
0x310: {  	v35 =	vld [tilespmem:$0x1C60]  }
0x311: {  	v3 =	vadd.f32 v33, v3  }
0x312: {  	v36 =	vld [tilespmem:$0x1CE0]  }
0x313: {  	v3 =	vadd.f32 v34, v3  }
0x314: {  	v37 =	vld [tilespmem:$0x1D60]  }
0x315: {  	v3 =	vadd.f32 v35, v3  }
0x316: {  	v38 =	vld [tilespmem:$0x1DE0]  }
0x317: {  	v3 =	vadd.f32 v36, v3;
	_ =	sdelay $0x1  }
0x318: {  	v3 =	vadd.f32 v37, v3;
	_ =	sdelay $0x1  }
0x319: {  	v3 =	vadd.f32 v38, v3;
	_ =	sdelay $0x1  }
0x31a: {  	v3 =	vmul.f32 $6.250000000e-02, v3;
	_ =	sdelay $0x1  }
0x31b: {  	[tilespmem:s19+$0x2A60] =	vst v3  }
0x31c: {  	v3 =	vld [tilespmem:$0xA70]  }
0x31d: {  	v39 =	vld [tilespmem:$0xAF0];
	_ =	sdelay $0x1  }
0x31e: {  	v40 =	vld [tilespmem:$0xB70];
	_ =	sdelay $0x1  }
0x31f: {  	v41 =	vld [tilespmem:$0xBF0]  }
0x320: {  	v3 =	vadd.f32 v39, v3  }
0x321: {  	v42 =	vld [tilespmem:$0xC70]  }
0x322: {  	v3 =	vadd.f32 v40, v3  }
0x323: {  	v43 =	vld [tilespmem:$0xCF0]  }
0x324: {  	v3 =	vadd.f32 v41, v3  }
0x325: {  	v44 =	vld [tilespmem:$0xD70]  }
0x326: {  	v3 =	vadd.f32 v42, v3  }
0x327: {  	v45 =	vld [tilespmem:$0xDF0]  }
0x328: {  	v3 =	vadd.f32 v43, v3  }
0x329: {  	v46 =	vld [tilespmem:$0x1A70]  }
0x32a: {  	v3 =	vadd.f32 v44, v3  }
0x32b: {  	v47 =	vld [tilespmem:$0x1AF0]  }
0x32c: {  	v3 =	vadd.f32 v45, v3  }
0x32d: {  	v48 =	vld [tilespmem:$0x1B70]  }
0x32e: {  	v3 =	vadd.f32 v46, v3  }
0x32f: {  	v49 =	vld [tilespmem:$0x1BF0]  }
0x330: {  	v3 =	vadd.f32 v47, v3  }
0x331: {  	v50 =	vld [tilespmem:$0x1C70]  }
0x332: {  	v3 =	vadd.f32 v48, v3  }
0x333: {  	v51 =	vld [tilespmem:$0x1CF0]  }
0x334: {  	v3 =	vadd.f32 v49, v3  }
0x335: {  	v52 =	vld [tilespmem:$0x1D70]  }
0x336: {  	v3 =	vadd.f32 v50, v3  }
0x337: {  	v53 =	vld [tilespmem:$0x1DF0]  }
0x338: {  	v3 =	vadd.f32 v51, v3;
	_ =	sdelay $0x1  }
0x339: {  	v3 =	vadd.f32 v52, v3;
	_ =	sdelay $0x1  }
0x33a: {  	v3 =	vadd.f32 v53, v3;
	_ =	sdelay $0x1  }
0x33b: {  	v3 =	vmul.f32 $6.250000000e-02, v3;
	_ =	sdelay $0x1  }
0x33c: {  	[tilespmem:s19+$0x2A70] =	vst v3  }
0x33d: {  	v3 =	vld [tilespmem:$0xE00]  }
0x33e: {  	v54 =	vld [tilespmem:$0xE80];
	_ =	sdelay $0x1  }
0x33f: {  	v55 =	vld [tilespmem:$0xF00];
	_ =	sdelay $0x1  }
0x340: {  	v56 =	vld [tilespmem:$0xF80]  }
0x341: {  	v3 =	vadd.f32 v54, v3  }
0x342: {  	v57 =	vld [tilespmem:$0x1000]  }
0x343: {  	v3 =	vadd.f32 v55, v3  }
0x344: {  	v58 =	vld [tilespmem:$0x1080]  }
0x345: {  	v3 =	vadd.f32 v56, v3  }
0x346: {  	v59 =	vld [tilespmem:$0x1100]  }
0x347: {  	v3 =	vadd.f32 v57, v3  }
0x348: {  	v60 =	vld [tilespmem:$0x1180]  }
0x349: {  	v3 =	vadd.f32 v58, v3  }
0x34a: {  	v61 =	vld [tilespmem:$0x1E00]  }
0x34b: {  	v3 =	vadd.f32 v59, v3  }
0x34c: {  	v62 =	vld [tilespmem:$0x1E80]  }
0x34d: {  	v3 =	vadd.f32 v60, v3  }
0x34e: {  	v63 =	vld [tilespmem:$0x1F00]  }
0x34f: {  	v3 =	vadd.f32 v61, v3  }
0x350: {  	v9 =	vld [tilespmem:$0x1F80]  }
0x351: {  	v3 =	vadd.f32 v62, v3  }
0x352: {  	v10 =	vld [tilespmem:$0x2000]  }
0x353: {  	v3 =	vadd.f32 v63, v3  }
0x354: {  	v11 =	vld [tilespmem:$0x2080]  }
0x355: {  	v3 =	vadd.f32 v9, v3  }
0x356: {  	v12 =	vld [tilespmem:$0x2100]  }
0x357: {  	v3 =	vadd.f32 v10, v3  }
0x358: {  	v13 =	vld [tilespmem:$0x2180]  }
0x359: {  	v3 =	vadd.f32 v11, v3;
	_ =	sdelay $0x1  }
0x35a: {  	v3 =	vadd.f32 v12, v3;
	_ =	sdelay $0x1  }
0x35b: {  	v3 =	vadd.f32 v13, v3;
	_ =	sdelay $0x1  }
0x35c: {  	v3 =	vmul.f32 $6.250000000e-02, v3;
	_ =	sdelay $0x1  }
0x35d: {  	[tilespmem:s19+$0x2E00] =	vst v3  }
0x35e: {  	v3 =	vld [tilespmem:$0xE10]  }
0x35f: {  	v14 =	vld [tilespmem:$0xE90];
	_ =	sdelay $0x1  }
0x360: {  	v15 =	vld [tilespmem:$0xF10];
	_ =	sdelay $0x1  }
0x361: {  	v16 =	vld [tilespmem:$0xF90]  }
0x362: {  	v3 =	vadd.f32 v14, v3  }
0x363: {  	v17 =	vld [tilespmem:$0x1010]  }
0x364: {  	v3 =	vadd.f32 v15, v3  }
0x365: {  	v18 =	vld [tilespmem:$0x1090]  }
0x366: {  	v3 =	vadd.f32 v16, v3  }
0x367: {  	v19 =	vld [tilespmem:$0x1110]  }
0x368: {  	v3 =	vadd.f32 v17, v3  }
0x369: {  	v20 =	vld [tilespmem:$0x1190]  }
0x36a: {  	v3 =	vadd.f32 v18, v3  }
0x36b: {  	v21 =	vld [tilespmem:$0x1E10]  }
0x36c: {  	v3 =	vadd.f32 v19, v3  }
0x36d: {  	v22 =	vld [tilespmem:$0x1E90]  }
0x36e: {  	v3 =	vadd.f32 v20, v3  }
0x36f: {  	v23 =	vld [tilespmem:$0x1F10]  }
0x370: {  	v3 =	vadd.f32 v21, v3  }
0x371: {  	v24 =	vld [tilespmem:$0x1F90]  }
0x372: {  	v3 =	vadd.f32 v22, v3  }
0x373: {  	v25 =	vld [tilespmem:$0x2010]  }
0x374: {  	v3 =	vadd.f32 v23, v3  }
0x375: {  	v26 =	vld [tilespmem:$0x2090]  }
0x376: {  	v3 =	vadd.f32 v24, v3  }
0x377: {  	v27 =	vld [tilespmem:$0x2110]  }
0x378: {  	v3 =	vadd.f32 v25, v3  }
0x379: {  	v28 =	vld [tilespmem:$0x2190]  }
0x37a: {  	v3 =	vadd.f32 v26, v3;
	_ =	sdelay $0x1  }
0x37b: {  	v3 =	vadd.f32 v27, v3;
	_ =	sdelay $0x1  }
0x37c: {  	v3 =	vadd.f32 v28, v3;
	_ =	sdelay $0x1  }
0x37d: {  	v3 =	vmul.f32 $6.250000000e-02, v3;
	_ =	sdelay $0x1  }
0x37e: {  	[tilespmem:s19+$0x2E10] =	vst v3  }
0x37f: {  	v3 =	vld [tilespmem:$0xE20]  }
0x380: {  	v29 =	vld [tilespmem:$0xEA0];
	_ =	sdelay $0x1  }
0x381: {  	v30 =	vld [tilespmem:$0xF20];
	_ =	sdelay $0x1  }
0x382: {  	v31 =	vld [tilespmem:$0xFA0]  }
0x383: {  	v3 =	vadd.f32 v29, v3  }
0x384: {  	v32 =	vld [tilespmem:$0x1020]  }
0x385: {  	v3 =	vadd.f32 v30, v3  }
0x386: {  	v33 =	vld [tilespmem:$0x10A0]  }
0x387: {  	v3 =	vadd.f32 v31, v3  }
0x388: {  	v34 =	vld [tilespmem:$0x1120]  }
0x389: {  	v3 =	vadd.f32 v32, v3  }
0x38a: {  	v35 =	vld [tilespmem:$0x11A0]  }
0x38b: {  	v3 =	vadd.f32 v33, v3  }
0x38c: {  	v36 =	vld [tilespmem:$0x1E20]  }
0x38d: {  	v3 =	vadd.f32 v34, v3  }
0x38e: {  	v37 =	vld [tilespmem:$0x1EA0]  }
0x38f: {  	v3 =	vadd.f32 v35, v3  }
0x390: {  	v38 =	vld [tilespmem:$0x1F20]  }
0x391: {  	v3 =	vadd.f32 v36, v3  }
0x392: {  	v39 =	vld [tilespmem:$0x1FA0]  }
0x393: {  	v3 =	vadd.f32 v37, v3  }
0x394: {  	v40 =	vld [tilespmem:$0x2020]  }
0x395: {  	v3 =	vadd.f32 v38, v3  }
0x396: {  	v41 =	vld [tilespmem:$0x20A0]  }
0x397: {  	v3 =	vadd.f32 v39, v3  }
0x398: {  	v42 =	vld [tilespmem:$0x2120]  }
0x399: {  	v3 =	vadd.f32 v40, v3  }
0x39a: {  	v43 =	vld [tilespmem:$0x21A0]  }
0x39b: {  	v3 =	vadd.f32 v41, v3;
	_ =	sdelay $0x1  }
0x39c: {  	v3 =	vadd.f32 v42, v3;
	_ =	sdelay $0x1  }
0x39d: {  	v3 =	vadd.f32 v43, v3;
	_ =	sdelay $0x1  }
0x39e: {  	v3 =	vmul.f32 $6.250000000e-02, v3;
	_ =	sdelay $0x1  }
0x39f: {  	[tilespmem:s19+$0x2E20] =	vst v3  }
0x3a0: {  	v3 =	vld [tilespmem:$0xE30]  }
0x3a1: {  	v44 =	vld [tilespmem:$0xEB0];
	_ =	sdelay $0x1  }
0x3a2: {  	v45 =	vld [tilespmem:$0xF30];
	_ =	sdelay $0x1  }
0x3a3: {  	v46 =	vld [tilespmem:$0xFB0]  }
0x3a4: {  	v3 =	vadd.f32 v44, v3  }
0x3a5: {  	v47 =	vld [tilespmem:$0x1030]  }
0x3a6: {  	v3 =	vadd.f32 v45, v3  }
0x3a7: {  	v48 =	vld [tilespmem:$0x10B0]  }
0x3a8: {  	v3 =	vadd.f32 v46, v3  }
0x3a9: {  	v49 =	vld [tilespmem:$0x1130]  }
0x3aa: {  	v3 =	vadd.f32 v47, v3  }
0x3ab: {  	v50 =	vld [tilespmem:$0x11B0]  }
0x3ac: {  	v3 =	vadd.f32 v48, v3  }
0x3ad: {  	v51 =	vld [tilespmem:$0x1E30]  }
0x3ae: {  	v3 =	vadd.f32 v49, v3  }
0x3af: {  	v52 =	vld [tilespmem:$0x1EB0]  }
0x3b0: {  	v3 =	vadd.f32 v50, v3  }
0x3b1: {  	v53 =	vld [tilespmem:$0x1F30]  }
0x3b2: {  	v3 =	vadd.f32 v51, v3  }
0x3b3: {  	v54 =	vld [tilespmem:$0x1FB0]  }
0x3b4: {  	v3 =	vadd.f32 v52, v3  }
0x3b5: {  	v55 =	vld [tilespmem:$0x2030]  }
0x3b6: {  	v3 =	vadd.f32 v53, v3  }
0x3b7: {  	v56 =	vld [tilespmem:$0x20B0]  }
0x3b8: {  	v3 =	vadd.f32 v54, v3  }
0x3b9: {  	v57 =	vld [tilespmem:$0x2130]  }
0x3ba: {  	v3 =	vadd.f32 v55, v3  }
0x3bb: {  	v58 =	vld [tilespmem:$0x21B0]  }
0x3bc: {  	v3 =	vadd.f32 v56, v3;
	_ =	sdelay $0x1  }
0x3bd: {  	v3 =	vadd.f32 v57, v3;
	_ =	sdelay $0x1  }
0x3be: {  	v3 =	vadd.f32 v58, v3;
	_ =	sdelay $0x1  }
0x3bf: {  	v3 =	vmul.f32 $6.250000000e-02, v3;
	_ =	sdelay $0x1  }
0x3c0: {  	[tilespmem:s19+$0x2E30] =	vst v3  }
0x3c1: {  	v3 =	vld [tilespmem:$0xE40]  }
0x3c2: {  	v59 =	vld [tilespmem:$0xEC0];
	_ =	sdelay $0x1  }
0x3c3: {  	v60 =	vld [tilespmem:$0xF40];
	_ =	sdelay $0x1  }
0x3c4: {  	v61 =	vld [tilespmem:$0xFC0]  }
0x3c5: {  	v3 =	vadd.f32 v59, v3  }
0x3c6: {  	v62 =	vld [tilespmem:$0x1040]  }
0x3c7: {  	v3 =	vadd.f32 v60, v3  }
0x3c8: {  	v63 =	vld [tilespmem:$0x10C0]  }
0x3c9: {  	v3 =	vadd.f32 v61, v3  }
0x3ca: {  	v9 =	vld [tilespmem:$0x1140]  }
0x3cb: {  	v3 =	vadd.f32 v62, v3  }
0x3cc: {  	v10 =	vld [tilespmem:$0x11C0]  }
0x3cd: {  	v3 =	vadd.f32 v63, v3  }
0x3ce: {  	v11 =	vld [tilespmem:$0x1E40]  }
0x3cf: {  	v3 =	vadd.f32 v9, v3  }
0x3d0: {  	v12 =	vld [tilespmem:$0x1EC0]  }
0x3d1: {  	v3 =	vadd.f32 v10, v3  }
0x3d2: {  	v13 =	vld [tilespmem:$0x1F40]  }
0x3d3: {  	v3 =	vadd.f32 v11, v3  }
0x3d4: {  	v14 =	vld [tilespmem:$0x1FC0]  }
0x3d5: {  	v3 =	vadd.f32 v12, v3  }
0x3d6: {  	v15 =	vld [tilespmem:$0x2040]  }
0x3d7: {  	v3 =	vadd.f32 v13, v3  }
0x3d8: {  	v16 =	vld [tilespmem:$0x20C0]  }
0x3d9: {  	v3 =	vadd.f32 v14, v3  }
0x3da: {  	v17 =	vld [tilespmem:$0x2140]  }
0x3db: {  	v3 =	vadd.f32 v15, v3  }
0x3dc: {  	v18 =	vld [tilespmem:$0x21C0]  }
0x3dd: {  	v3 =	vadd.f32 v16, v3;
	_ =	sdelay $0x1  }
0x3de: {  	v3 =	vadd.f32 v17, v3;
	_ =	sdelay $0x1  }
0x3df: {  	v3 =	vadd.f32 v18, v3;
	_ =	sdelay $0x1  }
0x3e0: {  	v3 =	vmul.f32 $6.250000000e-02, v3;
	_ =	sdelay $0x1  }
0x3e1: {  	[tilespmem:s19+$0x2E40] =	vst v3  }
0x3e2: {  	v3 =	vld [tilespmem:$0xE50]  }
0x3e3: {  	v19 =	vld [tilespmem:$0xED0];
	_ =	sdelay $0x1  }
0x3e4: {  	v20 =	vld [tilespmem:$0xF50];
	_ =	sdelay $0x1  }
0x3e5: {  	v21 =	vld [tilespmem:$0xFD0]  }
0x3e6: {  	v3 =	vadd.f32 v19, v3  }
0x3e7: {  	v22 =	vld [tilespmem:$0x1050]  }
0x3e8: {  	v3 =	vadd.f32 v20, v3  }
0x3e9: {  	v23 =	vld [tilespmem:$0x10D0]  }
0x3ea: {  	v3 =	vadd.f32 v21, v3  }
0x3eb: {  	v24 =	vld [tilespmem:$0x1150]  }
0x3ec: {  	v3 =	vadd.f32 v22, v3  }
0x3ed: {  	v25 =	vld [tilespmem:$0x11D0]  }
0x3ee: {  	v3 =	vadd.f32 v23, v3  }
0x3ef: {  	v26 =	vld [tilespmem:$0x1E50]  }
0x3f0: {  	v3 =	vadd.f32 v24, v3  }
0x3f1: {  	v27 =	vld [tilespmem:$0x1ED0]  }
0x3f2: {  	v3 =	vadd.f32 v25, v3  }
0x3f3: {  	v28 =	vld [tilespmem:$0x1F50]  }
0x3f4: {  	v3 =	vadd.f32 v26, v3  }
0x3f5: {  	v29 =	vld [tilespmem:$0x1FD0]  }
0x3f6: {  	v3 =	vadd.f32 v27, v3  }
0x3f7: {  	v30 =	vld [tilespmem:$0x2050]  }
0x3f8: {  	v3 =	vadd.f32 v28, v3  }
0x3f9: {  	v31 =	vld [tilespmem:$0x20D0]  }
0x3fa: {  	v3 =	vadd.f32 v29, v3  }
0x3fb: {  	v32 =	vld [tilespmem:$0x2150]  }
0x3fc: {  	v3 =	vadd.f32 v30, v3  }
0x3fd: {  	v33 =	vld [tilespmem:$0x21D0]  }
0x3fe: {  	v3 =	vadd.f32 v31, v3;
	_ =	sdelay $0x1  }
0x3ff: {  	v3 =	vadd.f32 v32, v3;
	_ =	sdelay $0x1  }
0x400: {  	v3 =	vadd.f32 v33, v3;
	_ =	sdelay $0x1  }
0x401: {  	v3 =	vmul.f32 $6.250000000e-02, v3;
	_ =	sdelay $0x1  }
0x402: {  	[tilespmem:s19+$0x2E50] =	vst v3  }
0x403: {  	v3 =	vld [tilespmem:$0xE60]  }
0x404: {  	v34 =	vld [tilespmem:$0xEE0];
	_ =	sdelay $0x1  }
0x405: {  	v35 =	vld [tilespmem:$0xF60];
	_ =	sdelay $0x1  }
0x406: {  	v36 =	vld [tilespmem:$0xFE0]  }
0x407: {  	v3 =	vadd.f32 v34, v3  }
0x408: {  	v37 =	vld [tilespmem:$0x1060]  }
0x409: {  	v3 =	vadd.f32 v35, v3  }
0x40a: {  	v38 =	vld [tilespmem:$0x10E0]  }
0x40b: {  	v3 =	vadd.f32 v36, v3  }
0x40c: {  	v39 =	vld [tilespmem:$0x1160]  }
0x40d: {  	v3 =	vadd.f32 v37, v3  }
0x40e: {  	v40 =	vld [tilespmem:$0x11E0]  }
0x40f: {  	v3 =	vadd.f32 v38, v3  }
0x410: {  	v41 =	vld [tilespmem:$0x1E60]  }
0x411: {  	v3 =	vadd.f32 v39, v3  }
0x412: {  	v42 =	vld [tilespmem:$0x1EE0]  }
0x413: {  	v3 =	vadd.f32 v40, v3  }
0x414: {  	v43 =	vld [tilespmem:$0x1F60]  }
0x415: {  	v3 =	vadd.f32 v41, v3  }
0x416: {  	v44 =	vld [tilespmem:$0x1FE0]  }
0x417: {  	v3 =	vadd.f32 v42, v3  }
0x418: {  	v45 =	vld [tilespmem:$0x2060]  }
0x419: {  	v3 =	vadd.f32 v43, v3  }
0x41a: {  	v46 =	vld [tilespmem:$0x20E0]  }
0x41b: {  	v3 =	vadd.f32 v44, v3  }
0x41c: {  	v47 =	vld [tilespmem:$0x2160]  }
0x41d: {  	v3 =	vadd.f32 v45, v3  }
0x41e: {  	v48 =	vld [tilespmem:$0x21E0]  }
0x41f: {  	v3 =	vadd.f32 v46, v3;
	_ =	sdelay $0x1  }
0x420: {  	v3 =	vadd.f32 v47, v3;
	_ =	sdelay $0x1  }
0x421: {  	v3 =	vadd.f32 v48, v3;
	_ =	sdelay $0x1  }
0x422: {  	v3 =	vmul.f32 $6.250000000e-02, v3;
	_ =	sdelay $0x1  }
0x423: {  	[tilespmem:s19+$0x2E60] =	vst v3  }
0x424: {  	v3 =	vld [tilespmem:$0xE70]  }
0x425: {  	v49 =	vld [tilespmem:$0xEF0];
	_ =	sdelay $0x1  }
0x426: {  	v50 =	vld [tilespmem:$0xF70];
	_ =	sdelay $0x1  }
0x427: {  	v51 =	vld [tilespmem:$0xFF0]  }
0x428: {  	v3 =	vadd.f32 v49, v3  }
0x429: {  	v52 =	vld [tilespmem:$0x1070]  }
0x42a: {  	v3 =	vadd.f32 v50, v3  }
0x42b: {  	v53 =	vld [tilespmem:$0x10F0]  }
0x42c: {  	v3 =	vadd.f32 v51, v3  }
0x42d: {  	v54 =	vld [tilespmem:$0x1170]  }
0x42e: {  	v3 =	vadd.f32 v52, v3  }
0x42f: {  	v55 =	vld [tilespmem:$0x11F0]  }
0x430: {  	v3 =	vadd.f32 v53, v3  }
0x431: {  	v56 =	vld [tilespmem:$0x1E70]  }
0x432: {  	v3 =	vadd.f32 v54, v3  }
0x433: {  	v57 =	vld [tilespmem:$0x1EF0]  }
0x434: {  	v3 =	vadd.f32 v55, v3  }
0x435: {  	v58 =	vld [tilespmem:$0x1F70]  }
0x436: {  	v3 =	vadd.f32 v56, v3  }
0x437: {  	v59 =	vld [tilespmem:$0x1FF0]  }
0x438: {  	v3 =	vadd.f32 v57, v3  }
0x439: {  	v60 =	vld [tilespmem:$0x2070]  }
0x43a: {  	v3 =	vadd.f32 v58, v3  }
0x43b: {  	v61 =	vld [tilespmem:$0x20F0]  }
0x43c: {  	v3 =	vadd.f32 v59, v3  }
0x43d: {  	v62 =	vld [tilespmem:$0x2170]  }
0x43e: {  	v3 =	vadd.f32 v60, v3  }
0x43f: {  	v63 =	vld [tilespmem:$0x21F0]  }
0x440: {  	v3 =	vadd.f32 v61, v3;
	_ =	sdelay $0x1  }
0x441: {  	v3 =	vadd.f32 v62, v3  }
0x442: {  	p0 =	sne.s32 s18, $0x3E00  }
.Ltmp0:
0x443: {  	v3 =	vadd.f32 v63, v3;
	(pc) =	sbr.rel @p0 .LBB2_2-.Ltmp0, $3  }
0x444: {  	_ = 	snop  }
0x445: {  	v3 =	vmul.f32 $6.250000000e-02, v3;
	_ =	sdelay $0x1  }
0x446: {  	s17 =	sadd.s32 $0x80, s17;
	s16 =	sadd.s32 $0x10, s16;
	s18 =	sadd.s32 $0x200, s18;
	[tilespmem:s19+$0x2E70] =	vst v3  }
0x447: {  	s15 =	sadd.s32 $0x1, s15  }
0x448: {  	p0 =	sne.s32 s15, s7  }
.Ltmp1:
0x449: {  	_ = 	snop;
	(pc) =	sbr.rel @p0 .LBB2_1-.Ltmp1, $4  }
0x44a: {  	[hbm4b:s6+s3] =	stream.linear.scatter [tilespmem:s14], [sflag:$0x2], $0x4000, $0x38;
	[tilespmem:$0x6200] =	vst v63  }
0x44b: {  	_ =	swait.ge [sflag:s8], $0x4000  }
0x44c: {  	[sflag:s8] =	ssyncset.done $0x0  }
0x44d: {  	[sflag:s8] =	ssyncadd.s32 $0xFFFFC000  }
0x44e: {  	_ =	sfence.sel $0x180000  }
0x44f: {  	[bflag:$0x0] =	sbarrier.arrive $0xFFFF  }
0x450: {  	p0 =	sne.s32 s2, $0x0;
	_ =	strace $0x90000047  }
0x451: {  	s0 =	sadd.s32 @!p0 $0x100000, s0;
	[bflag:$0x2] =	sbarrier.arrive $0xFFFF  }
0x452: {  	[sflag:s0] =	ssyncadd.tile.s32 @!p0 $0x1;
	_ =	shalt  }
.Lfunc_end2:
_tile_overlayer_lowered:
.L_overlay_start_2:
0x453: {  	(tag) =	ssettag $0x2  }
0x454: {  	s0 =	rddreg [dreg:$0x0];
	s2 =	stileid.u32  }
0x455: {  	s1 =	rddreg [dreg:$0x1];
	p0 =	sne.s32 s2, $0x0  }
0x456: {  	s3 =	rddreg [dreg:$0x2];
	[bflag:$0x3] =	sbarrier.arrive $0xFFFF;
	s2 =	simm.s32 @!p0 $0x1C02  }
0x457: {  	[timem:s3], [sflag:s2] =	dma.local @!p0 [hbm:s0], s1  }
0x458: {  	s0 =	simm.s32 @!p0 $0x2  }
0x459: {  	_ =	swait.ge @!p0 [sflag:s0], s1  }
0x45a: {  	s1 =	ssub.s32 @!p0 $0x0, s1;
	[sflag:s0] =	ssyncset.done @!p0 $0x0  }
0x45b: {  	[sflag:s0] =	ssyncadd.s32 @!p0 s1  }
0x45c: {  	[bflag:$0x3] =	sbarrier.arrive $0xFFFF  }
0x45d: {  	_ =	shalt  }

</sc_bundles>
